<compile_context>
chip_gen: v7x
topology: tpu7x:2x2x1
jax: 0.10.2.dev20260603
libtpu: 0.0.44.dev20260713+nightly
codegen_flags: <defaults>
</compile_context>

<pallas_src>
import functools

import jax
import jax.numpy as jnp
from jax import lax
from jax.experimental import pallas as pl
from jax.experimental.pallas import tpu as pltpu
from jax.experimental.pallas import tpu_sc as plsc

N = 10000
E = 320000
D = 128
N_PAD = 10240
NC = 2
NS = 16
NW = NC * NS
EPW = E // NW
CH = 80
NCH = EPW // CH
ZROWS = N_PAD // NS
L = 16
STR = N_PAD // NS

_mesh = plsc.VectorSubcoreMesh(
    core_axis_name="c", subcore_axis_name="s", num_cores=NC, num_subcores=NS)
_sc_params = pltpu.CompilerParams(needs_layout_passes=False)


def _zero_1d(ref, n):
    zeros = jnp.zeros((L,), jnp.float32)

    def body(j, _):
        ref[pl.ds(j * L, L)] = zeros
        return 0
    lax.fori_loop(0, n // L, body, 0)


def _reduce_tiles(local, stage, acc_buf, row_buf, out_row, sid):
    pltpu.sync_copy(local, stage.at[sid])
    plsc.subcore_barrier()
    pltpu.sync_copy(stage.at[0, pl.ds(sid * STR, STR)], acc_buf)
    for r in range(1, NS):
        pltpu.sync_copy(stage.at[r, pl.ds(sid * STR, STR)], row_buf)

        def body(j, _):
            acc_buf[pl.ds(j * L, L)] = (acc_buf[pl.ds(j * L, L)]
                                        + row_buf[pl.ds(j * L, L)])
            return 0
        lax.fori_loop(0, STR // L, body, 0)
    pltpu.sync_copy(acc_buf, out_row.at[pl.ds(sid * STR, STR)])


@functools.partial(
    pl.kernel,
    out_type=jax.ShapeDtypeStruct((NC, N_PAD), jnp.float32),
    mesh=_mesh,
    scratch_types=[
        pltpu.VMEM((N_PAD,), jnp.float32),
        pltpu.VMEM((CH,), jnp.int32),
        pltpu.VMEM((STR,), jnp.float32),
        pltpu.VMEM((STR,), jnp.float32),
        pltpu.VMEM_SHARED((NS, N_PAD), jnp.float32),
    ],
    compiler_params=_sc_params,
)
def _deg_kernel(dst_hbm, deg_out, deg_local, dst_buf, acc_buf, row_buf, stage):
    cid = lax.axis_index("c")
    sid = lax.axis_index("s")
    wid = sid * NC + cid
    ones = jnp.ones((L,), jnp.float32)

    _zero_1d(deg_local, N_PAD)

    def chunk_body(ci, _):
        base = wid * EPW + ci * CH
        pltpu.sync_copy(dst_hbm.at[pl.ds(base, CH)], dst_buf)

        def vec_body(j, _):
            idx = dst_buf[pl.ds(j * L, L)]
            plsc.addupdate_scatter(deg_local, [idx], ones)
            return 0
        lax.fori_loop(0, CH // L, vec_body, 0)
        return 0
    lax.fori_loop(0, NCH, chunk_body, 0)

    _reduce_tiles(deg_local, stage, acc_buf, row_buf, deg_out.at[cid], sid)


@functools.partial(
    pl.kernel,
    out_type=(
        jax.ShapeDtypeStruct((NC, N_PAD, D), jnp.float32),
        jax.ShapeDtypeStruct((NC, N_PAD), jnp.float32),
    ),
    mesh=_mesh,
    scratch_types=[
        pltpu.VMEM((N,), jnp.float32),
        pltpu.VMEM((N_PAD,), jnp.float32),
        pltpu.VMEM((CH,), jnp.int32),
        pltpu.VMEM((CH,), jnp.int32),
        pltpu.VMEM((CH, D), jnp.float32),
        pltpu.VMEM((STR,), jnp.float32),
        pltpu.VMEM((STR,), jnp.float32),
        pltpu.VMEM_SHARED((N_PAD, D), jnp.float32),
        pltpu.VMEM_SHARED((NS, N_PAD), jnp.float32),
        pltpu.SemaphoreType.DMA,
        pltpu.SemaphoreType.DMA,
    ],
    compiler_params=_sc_params,
)
def _edge_kernel(src_hbm, dst_hbm, dinv_hbm, g_hbm, z_out, s_out,
                 dinv_local, s_local, src_buf, dst_buf, rows,
                 acc_buf, row_buf, z_shared, stage, sem_g, sem_z):
    cid = lax.axis_index("c")
    sid = lax.axis_index("s")
    wid = sid * NC + cid
    zeros = jnp.zeros((L,), jnp.float32)

    pltpu.sync_copy(dinv_hbm, dinv_local)
    _zero_1d(s_local, N_PAD)

    def zero_rows(r, _):
        for k in range(D // L):
            rows[r, pl.ds(k * L, L)] = zeros
        return 0
    lax.fori_loop(0, CH, zero_rows, 0)

    for t in range(ZROWS // CH):
        pltpu.sync_copy(rows.at[pl.ds(0, CH)],
                        z_shared.at[pl.ds(sid * ZROWS + t * CH, CH)])
    plsc.subcore_barrier()

    def _run():
        def chunk_body(ci, _):
            base = wid * EPW + ci * CH
            pltpu.sync_copy(src_hbm.at[pl.ds(base, CH)], src_buf)
            pltpu.sync_copy(dst_hbm.at[pl.ds(base, CH)], dst_buf)
            pltpu.async_copy(g_hbm.at[src_buf], rows, sem_g).wait()

            def vec_body(j, _):
                sidx = src_buf[pl.ds(j * L, L)]
                didx = dst_buf[pl.ds(j * L, L)]
                dd = plsc.load_gather(dinv_local, [didx])
                plsc.addupdate_scatter(s_local, [sidx], dd)
                for r in range(L):
                    w = dd[r]
                    row = j * L + r
                    for k in range(D // L):
                        rows[row, pl.ds(k * L, L)] = (
                            rows[row, pl.ds(k * L, L)] * w)
                return 0
            lax.fori_loop(0, CH // L, vec_body, 0)

            pltpu.async_copy(rows, z_shared.at[dst_buf], sem_z,
                             add=True).wait()
            return 0
        lax.fori_loop(0, NCH, chunk_body, 0)

    _run()
    plsc.subcore_barrier()

    pltpu.sync_copy(z_shared.at[pl.ds(sid * ZROWS, ZROWS)],
                    z_out.at[cid, pl.ds(sid * ZROWS, ZROWS)])
    _reduce_tiles(s_local, stage, acc_buf, row_buf, s_out.at[cid], sid)


def _tc_a_body(x_blk, w1, d0, d1, g_out, dinv_out):
    deg = d0[...] + d1[...] + 1.0
    dinv = lax.rsqrt(deg)
    h0 = jnp.dot(x_blk[...], w1[...], preferred_element_type=jnp.float32)
    g_out[...] = dinv * h0
    dinv_out[...] = dinv


def _tc_a(x, W1, d0, d1):
    blk = 2000
    grid = N // blk
    return pl.pallas_call(
        _tc_a_body,
        grid=(grid,),
        in_specs=[
            pl.BlockSpec((blk, D), lambda i: (i, 0)),
            pl.BlockSpec((D, D), lambda i: (0, 0)),
            pl.BlockSpec((blk, 1), lambda i: (i, 0)),
            pl.BlockSpec((blk, 1), lambda i: (i, 0)),
        ],
        out_specs=[
            pl.BlockSpec((blk, D), lambda i: (i, 0)),
            pl.BlockSpec((blk, 1), lambda i: (i, 0)),
        ],
        out_shape=[
            jax.ShapeDtypeStruct((N, D), jnp.float32),
            jax.ShapeDtypeStruct((N, 1), jnp.float32),
        ],
    )(x, W1, d0, d1)


def _tc_b_body(z0, z1, g, dinv, s0, s1, b1, w2, b2, linw, linb, out, acc):
    i = pl.program_id(0)

    @pl.when(i == 0)
    def _():
        acc[...] = jnp.zeros_like(acc)

    dv = dinv[...]
    h1 = jnp.maximum(z0[...] + z1[...] + dv * g[...] + b1[...], 0.0)
    c = dv * (dv + s0[...] + s1[...])
    acc[...] += jnp.sum(c * h1, axis=0, keepdims=True)

    @pl.when(i == pl.num_programs(0) - 1)
    def _():
        pooled = jnp.dot(acc[...] * (1.0 / N), w2[...],
                         preferred_element_type=jnp.float32) + b2[...]
        out[...] = jnp.dot(pooled, linw[...],
                           preferred_element_type=jnp.float32) + linb[...]


def _tc_b(z0, z1, g, dinv, s0, s1, b1, W2, b2, linw_pad, linb_pad):
    blk = 2000
    grid = N // blk
    full = lambda i: (0, 0)
    row = lambda i: (i, 0)
    return pl.pallas_call(
        _tc_b_body,
        grid=(grid,),
        in_specs=[
            pl.BlockSpec((blk, D), row),
            pl.BlockSpec((blk, D), row),
            pl.BlockSpec((blk, D), row),
            pl.BlockSpec((blk, 1), row),
            pl.BlockSpec((blk, 1), row),
            pl.BlockSpec((blk, 1), row),
            pl.BlockSpec((1, D), full),
            pl.BlockSpec((D, D), full),
            pl.BlockSpec((1, D), full),
            pl.BlockSpec((D, D), full),
            pl.BlockSpec((1, D), full),
        ],
        out_specs=pl.BlockSpec((1, D), full),
        out_shape=jax.ShapeDtypeStruct((1, D), jnp.float32),
        scratch_shapes=[pltpu.VMEM((1, D), jnp.float32)],
    )(z0, z1, g, dinv, s0, s1, b1, W2, b2, linw_pad, linb_pad)


def kernel(x, edge_index, W1, b1, W2, b2, lin_W, lin_b):
    src = edge_index[0]
    dst = edge_index[1]

    deg_p = _deg_kernel(dst)
    d0 = deg_p[0, :N].reshape(N, 1)
    d1 = deg_p[1, :N].reshape(N, 1)

    g, dinv2d = _tc_a(x, W1, d0, d1)
    dinv = dinv2d.reshape(N)

    z_p, s_p = _edge_kernel(src, dst, dinv, g)
    s0 = s_p[0, :N].reshape(N, 1)
    s1 = s_p[1, :N].reshape(N, 1)

    linw_pad = jnp.zeros((D, D), jnp.float32).at[:, :2].set(lin_W)
    linb_pad = jnp.zeros((1, D), jnp.float32).at[0, :2].set(lin_b)

    out = _tc_b(z_p[0, :N], z_p[1, :N], g, dinv2d, s0, s1, b1.reshape(1, D),
                W2, b2.reshape(1, D), linw_pad, linb_pad)
    return out[:, :2]

# --- scband reference (transcript-rebuilt; emitter-appended) ---
"""Pipeline reference for scband-gnn-79706003079605 (READ-ONLY COPY).

The authoritative reference and input builder live on the scoring server;
editing this copy changes nothing except your own understanding.
"""

import jax, jax.numpy as jnp
import numpy as np

N = 10000
E = 320000
D_IN = 128
H = 128
N_CLASSES = 2


def setup_inputs(seed: int = 0) -> dict:
    key = jax.random.key(seed)
    k1, k2, k3, k4, k5 = jax.random.split(key, 5)
    x = jax.random.normal(k1, (N, D_IN), dtype=jnp.float32)
    edge_index = jax.random.randint(k2, (2, E), 0, N, dtype=jnp.int32)
    W1 = jax.random.normal(k3, (D_IN, H), dtype=jnp.float32) * (1.0 / np.sqrt(D_IN))
    b1 = jnp.zeros((H,), dtype=jnp.float32)
    W2 = jax.random.normal(k4, (H, H), dtype=jnp.float32) * (1.0 / np.sqrt(H))
    b2 = jnp.zeros((H,), dtype=jnp.float32)
    lin_W = jax.random.normal(k5, (H, N_CLASSES), dtype=jnp.float32) * (1.0 / np.sqrt(H))
    lin_b = jnp.zeros((N_CLASSES,), dtype=jnp.float32)
    return {"x": x, "edge_index": edge_index, "W1": W1, "b1": b1, "W2": W2, "b2": b2, "lin_W": lin_W, "lin_b": lin_b}


def gcn_conv(x, edge_index, W, b):
    # GCNConv: x' = D^{-1/2} (A + I) D^{-1/2} (x W) + b
    h = x @ W
    n = h.shape[0]
    src = edge_index[0]
    dst = edge_index[1]
    loop = jnp.arange(n, dtype=src.dtype)
    src2 = jnp.concatenate([src, loop])
    dst2 = jnp.concatenate([dst, loop])
    deg = jnp.zeros((n,), dtype=h.dtype).at[dst2].add(1.0)
    dinv = jax.lax.rsqrt(deg)  # deg >= 1 because of self-loops
    norm = dinv[src2] * dinv[dst2]
    msg = h[src2] * norm[:, None]
    out = jnp.zeros_like(h).at[dst2].add(msg)
    return out + b


def reference(x, edge_index, W1, b1, W2, b2, lin_W, lin_b):
    h = jax.nn.relu(gcn_conv(x, edge_index, W1, b1))
    h = gcn_conv(h, edge_index, W2, b2)
    # batch defaults to all-zeros -> global_mean_pool over one graph
    batch = jnp.zeros((h.shape[0],), dtype=jnp.int32)
    summed = jax.ops.segment_sum(h, batch, num_segments=1)
    cnt = jax.ops.segment_sum(jnp.ones((h.shape[0],), dtype=h.dtype), batch, num_segments=1)
    pooled = summed / cnt[:, None]
    # dropout p=0.5 is identity in eval mode (training=False)
    return pooled @ lin_W + lin_b

if __name__ == "__main__":
    import jax
    _d = setup_inputs()
    print(jax.jit(kernel)(*tuple(_d.values())))

</pallas_src>

<mosaic_0001>
#map = affine_map<(d0, d1) -> (0)>
#map1 = affine_map<(d0, d1) -> (0, 0)>
module attributes {stable_mosaic.version = 14 : i64} {
  func.func @_deg_kernel(%arg0: i32, %arg1: i32, %arg2: memref<320000xi32, #tpu.memory_space<hbm>>, %arg3: memref<2x10240xf32, #tpu.memory_space<hbm>>, %arg4: memref<10240xf32, #tpu.memory_space<vmem>>, %arg5: memref<80xi32, #tpu.memory_space<vmem>>, %arg6: memref<640xf32, #tpu.memory_space<vmem>>, %arg7: memref<640xf32, #tpu.memory_space<vmem>>, %arg8: memref<16x10240xf32, #tpu.memory_space<vmem_shared>>) attributes {dimension_semantics = [#tpu.dimension_semantics<core_parallel>, #tpu.dimension_semantics<subcore_parallel>], iteration_bounds = array<i64: 2, 16>, scalar_prefetch = 0 : i64, scratch_operands = 5 : i64, tpu.core_type = #tpu.core_type<sc_vector_subcore>, window_params = [{transform_indices = #map}, {transform_indices = #map1}]} {
    %mul3A = arith.constant 2 : i32
    %mul3A_0 = arith.muli %arg1, %mul3A : i32
    %add3A = arith.addi %mul3A_0, %arg0 : i32
    %broadcast_in_dim3A = arith.constant 1.000000e+00 : f32
    %broadcast_in_dim3A_1 = vector.broadcast %broadcast_in_dim3A : f32 to vector<16xf32>
    %broadcast_in_dim3A_2 = arith.constant 0.000000e+00 : f32
    %broadcast_in_dim3A_3 = vector.broadcast %broadcast_in_dim3A_2 : f32 to vector<16xf32>
    %scan3A = arith.constant 0 : i32
    %scan3A_4 = arith.constant 0 : i32
    %scan3A_5 = arith.constant 640 : i32
    %scan3A_6 = arith.addi %scan3A_4, %scan3A_5 : i32
    %scan3A_7 = arith.constant 1 : i32
    %scan3A_8 = scf.for %scan3A_171 = %scan3A_4 to %scan3A_6 step %scan3A_7 iter_args(%scan3A_172 = %scan3A) -> (i32)  : i32 {
      %mul3A_173 = arith.constant 16 : i32
      %mul3A_174 = arith.muli %scan3A_171, %mul3A_173 : i32
      %swap3A = arith.index_cast %mul3A_174 : i32 to index
      %swap3A_175 = tpu.vector_load %arg4[%swap3A] {strides = array<i32>} : memref<10240xf32, #tpu.memory_space<vmem>>, vector<16xf32>,
      tpu.vector_store %arg4[%swap3A], %broadcast_in_dim3A_3 {strides = array<i32>} : memref<10240xf32, #tpu.memory_space<vmem>>, vector<16xf32>,
      %scan3A_176 = arith.constant 0 : i32
      scf.yield %scan3A_176 : i32
    }
    %scan3A_9 = arith.constant 640 : i32
    %scan3A_10 = arith.constant 0 : i32
    %scan3A_11 = arith.constant 0 : i32
    %scan3A_12 = arith.constant 125 : i32
    %scan3A_13 = arith.addi %scan3A_11, %scan3A_12 : i32
    %scan3A_14 = arith.constant 1 : i32
    %scan3A_15 = scf.for %scan3A_171 = %scan3A_11 to %scan3A_13 step %scan3A_14 iter_args(%scan3A_172 = %scan3A_10) -> (i32)  : i32 {
      %mul3A_173 = arith.constant 10000 : i32
      %mul3A_174 = arith.muli %add3A, %mul3A_173 : i32
      %mul3A_175 = arith.constant 80 : i32
      %mul3A_176 = arith.muli %scan3A_171, %mul3A_175 : i32
      %add3A_177 = arith.addi %mul3A_174, %mul3A_176 : i32
      "tpu.region"() ({
        %run_scoped3A_186 = tpu.sem_alloc : memref<!tpu.dma_semaphore, #tpu.memory_space<semaphore_mem>>
        %dma_start3A = tpu.memref_slice %arg2[%add3A_177] : memref<320000xi32, #tpu.memory_space<hbm>> -> memref<80xi32, #tpu.memory_space<hbm>>
        %dma_start3A_187 = tpu.memref_slice %arg2[%add3A_177] : memref<320000xi32, #tpu.memory_space<hbm>> -> memref<80xi32, #tpu.memory_space<hbm>>
        tpu.enqueue_dma source(%dma_start3A_187 : memref<80xi32, #tpu.memory_space<hbm>>) target(%arg5 : memref<80xi32, #tpu.memory_space<vmem>>) target_semaphore(%run_scoped3A_186 : memref<!tpu.dma_semaphore, #tpu.memory_space<semaphore_mem>>)
        %dma_wait3A = tpu.memref_slice %arg2[%add3A_177] : memref<320000xi32, #tpu.memory_space<hbm>> -> memref<80xi32, #tpu.memory_space<hbm>>
        %dma_wait3A_188 = tpu.memref_slice %arg2[%add3A_177] : memref<320000xi32, #tpu.memory_space<hbm>> -> memref<80xi32, #tpu.memory_space<hbm>>
        tpu.wait_dma2 semaphore(%run_scoped3A_186 : memref<!tpu.dma_semaphore, #tpu.memory_space<semaphore_mem>>) src(%dma_wait3A_188 : memref<80xi32, #tpu.memory_space<hbm>>) dst(%arg5 : memref<80xi32, #tpu.memory_space<vmem>>)
        tpu.yield
      }) : () -> ()
      %scan3A_178 = arith.constant 0 : i32
      %scan3A_179 = arith.constant 0 : i32
      %scan3A_180 = arith.constant 5 : i32
      %scan3A_181 = arith.addi %scan3A_179, %scan3A_180 : i32
      %scan3A_182 = arith.constant 1 : i32
      %scan3A_183 = scf.for %scan3A_186 = %scan3A_179 to %scan3A_181 step %scan3A_182 iter_args(%scan3A_187 = %scan3A_178) -> (i32)  : i32 {
        %mul3A_188 = arith.constant 16 : i32
        %mul3A_189 = arith.muli %scan3A_186, %mul3A_188 : i32
        %get3A = arith.index_cast %mul3A_189 : i32 to index
        %get3A_190 = tpu.vector_load %arg5[%get3A] {strides = array<i32>} : memref<80xi32, #tpu.memory_space<vmem>>, vector<16xi32>,
        tpu.vector_store_idx %arg4[%get3A_190], %broadcast_in_dim3A_1 {add = true} : memref<10240xf32, #tpu.memory_space<vmem>>[vector<16xi32>], vector<16xf32>,
        %scan3A_191 = arith.constant 0 : i32
        scf.yield %scan3A_191 : i32
      }
      %scan3A_184 = arith.constant 5 : i32
      %scan3A_185 = arith.constant 0 : i32
      scf.yield %scan3A_185 : i32
    }
    %scan3A_16 = arith.constant 125 : i32
    "tpu.region"() ({
      %run_scoped3A_171 = tpu.sem_alloc : memref<!tpu.dma_semaphore, #tpu.memory_space<semaphore_mem>>
      %dma_start3A = arith.constant 0 : i32
      %dma_start3A_172 = tpu.memref_slice %arg8[%arg1, %dma_start3A] : memref<16x10240xf32, #tpu.memory_space<vmem_shared>> -> memref<1x10240xf32, #tpu.memory_space<vmem_shared>>
      %dma_start3A_173 = tpu.memref_squeeze %dma_start3A_172 : memref<1x10240xf32, #tpu.memory_space<vmem_shared>> -> memref<10240xf32, #tpu.memory_space<vmem_shared>>
      %dma_start3A_174 = arith.constant 0 : i32
      %dma_start3A_175 = tpu.memref_slice %arg8[%arg1, %dma_start3A_174] : memref<16x10240xf32, #tpu.memory_space<vmem_shared>> -> memref<1x10240xf32, #tpu.memory_space<vmem_shared>>
      %dma_start3A_176 = tpu.memref_squeeze %dma_start3A_175 : memref<1x10240xf32, #tpu.memory_space<vmem_shared>> -> memref<10240xf32, #tpu.memory_space<vmem_shared>>
      tpu.enqueue_dma source(%arg4 : memref<10240xf32, #tpu.memory_space<vmem>>) target(%dma_start3A_176 : memref<10240xf32, #tpu.memory_space<vmem_shared>>) target_semaphore(%run_scoped3A_171 : memref<!tpu.dma_semaphore, #tpu.memory_space<semaphore_mem>>)
      %dma_wait3A = arith.constant 0 : i32
      %dma_wait3A_177 = tpu.memref_slice %arg8[%arg1, %dma_wait3A] : memref<16x10240xf32, #tpu.memory_space<vmem_shared>> -> memref<1x10240xf32, #tpu.memory_space<vmem_shared>>
      %dma_wait3A_178 = tpu.memref_squeeze %dma_wait3A_177 : memref<1x10240xf32, #tpu.memory_space<vmem_shared>> -> memref<10240xf32, #tpu.memory_space<vmem_shared>>
      %dma_wait3A_179 = arith.constant 0 : i32
      %dma_wait3A_180 = tpu.memref_slice %arg8[%arg1, %dma_wait3A_179] : memref<16x10240xf32, #tpu.memory_space<vmem_shared>> -> memref<1x10240xf32, #tpu.memory_space<vmem_shared>>
      %dma_wait3A_181 = tpu.memref_squeeze %dma_wait3A_180 : memref<1x10240xf32, #tpu.memory_space<vmem_shared>> -> memref<10240xf32, #tpu.memory_space<vmem_shared>>
      tpu.wait_dma2 semaphore(%run_scoped3A_171 : memref<!tpu.dma_semaphore, #tpu.memory_space<semaphore_mem>>) src(%arg4 : memref<10240xf32, #tpu.memory_space<vmem>>) dst(%dma_wait3A_181 : memref<10240xf32, #tpu.memory_space<vmem_shared>>)
      tpu.yield
    }) : () -> ()
    %barrier3A = arith.constant 0 : index
    tpu.barrier barrier_id(%barrier3A)
    %mul3A_17 = arith.constant 640 : i32
    %mul3A_18 = arith.muli %arg1, %mul3A_17 : i32
    %run_scoped3A = arith.constant 0 : i32
    "tpu.region"() ({
      %run_scoped3A_171 = tpu.sem_alloc : memref<!tpu.dma_semaphore, #tpu.memory_space<semaphore_mem>>
      %dma_start3A = tpu.memref_slice %arg8[%run_scoped3A, %mul3A_18] : memref<16x10240xf32, #tpu.memory_space<vmem_shared>> -> memref<1x640xf32, #tpu.memory_space<vmem_shared>>
      %dma_start3A_172 = tpu.memref_squeeze %dma_start3A : memref<1x640xf32, #tpu.memory_space<vmem_shared>> -> memref<640xf32, #tpu.memory_space<vmem_shared>>
      %dma_start3A_173 = tpu.memref_slice %arg8[%run_scoped3A, %mul3A_18] : memref<16x10240xf32, #tpu.memory_space<vmem_shared>> -> memref<1x640xf32, #tpu.memory_space<vmem_shared>>
      %dma_start3A_174 = tpu.memref_squeeze %dma_start3A_173 : memref<1x640xf32, #tpu.memory_space<vmem_shared>> -> memref<640xf32, #tpu.memory_space<vmem_shared>>
      tpu.enqueue_dma source(%dma_start3A_174 : memref<640xf32, #tpu.memory_space<vmem_shared>>) target(%arg6 : memref<640xf32, #tpu.memory_space<vmem>>) target_semaphore(%run_scoped3A_171 : memref<!tpu.dma_semaphore, #tpu.memory_space<semaphore_mem>>)
      %dma_wait3A = tpu.memref_slice %arg8[%run_scoped3A, %mul3A_18] : memref<16x10240xf32, #tpu.memory_space<vmem_shared>> -> memref<1x640xf32, #tpu.memory_space<vmem_shared>>
      %dma_wait3A_175 = tpu.memref_squeeze %dma_wait3A : memref<1x640xf32, #tpu.memory_space<vmem_shared>> -> memref<640xf32, #tpu.memory_space<vmem_shared>>
      %dma_wait3A_176 = tpu.memref_slice %arg8[%run_scoped3A, %mul3A_18] : memref<16x10240xf32, #tpu.memory_space<vmem_shared>> -> memref<1x640xf32, #tpu.memory_space<vmem_shared>>
      %dma_wait3A_177 = tpu.memref_squeeze %dma_wait3A_176 : memref<1x640xf32, #tpu.memory_space<vmem_shared>> -> memref<640xf32, #tpu.memory_space<vmem_shared>>
      tpu.wait_dma2 semaphore(%run_scoped3A_171 : memref<!tpu.dma_semaphore, #tpu.memory_space<semaphore_mem>>) src(%dma_wait3A_177 : memref<640xf32, #tpu.memory_space<vmem_shared>>) dst(%arg6 : memref<640xf32, #tpu.memory_space<vmem>>)
      tpu.yield
    }) : () -> ()
    %mul3A_19 = arith.constant 640 : i32
    %mul3A_20 = arith.muli %arg1, %mul3A_19 : i32
    %run_scoped3A_21 = arith.constant 1 : i32
    "tpu.region"() ({
      %run_scoped3A_171 = tpu.sem_alloc : memref<!tpu.dma_semaphore, #tpu.memory_space<semaphore_mem>>
      %dma_start3A = tpu.memref_slice %arg8[%run_scoped3A_21, %mul3A_20] : memref<16x10240xf32, #tpu.memory_space<vmem_shared>> -> memref<1x640xf32, #tpu.memory_space<vmem_shared>>
      %dma_start3A_172 = tpu.memref_squeeze %dma_start3A : memref<1x640xf32, #tpu.memory_space<vmem_shared>> -> memref<640xf32, #tpu.memory_space<vmem_shared>>
      %dma_start3A_173 = tpu.memref_slice %arg8[%run_scoped3A_21, %mul3A_20] : memref<16x10240xf32, #tpu.memory_space<vmem_shared>> -> memref<1x640xf32, #tpu.memory_space<vmem_shared>>
      %dma_start3A_174 = tpu.memref_squeeze %dma_start3A_173 : memref<1x640xf32, #tpu.memory_space<vmem_shared>> -> memref<640xf32, #tpu.memory_space<vmem_shared>>
      tpu.enqueue_dma source(%dma_start3A_174 : memref<640xf32, #tpu.memory_space<vmem_shared>>) target(%arg7 : memref<640xf32, #tpu.memory_space<vmem>>) target_semaphore(%run_scoped3A_171 : memref<!tpu.dma_semaphore, #tpu.memory_space<semaphore_mem>>)
      %dma_wait3A = tpu.memref_slice %arg8[%run_scoped3A_21, %mul3A_20] : memref<16x10240xf32, #tpu.memory_space<vmem_shared>> -> memref<1x640xf32, #tpu.memory_space<vmem_shared>>
      %dma_wait3A_175 = tpu.memref_squeeze %dma_wait3A : memref<1x640xf32, #tpu.memory_space<vmem_shared>> -> memref<640xf32, #tpu.memory_space<vmem_shared>>
      %dma_wait3A_176 = tpu.memref_slice %arg8[%run_scoped3A_21, %mul3A_20] : memref<16x10240xf32, #tpu.memory_space<vmem_shared>> -> memref<1x640xf32, #tpu.memory_space<vmem_shared>>
      %dma_wait3A_177 = tpu.memref_squeeze %dma_wait3A_176 : memref<1x640xf32, #tpu.memory_space<vmem_shared>> -> memref<640xf32, #tpu.memory_space<vmem_shared>>
      tpu.wait_dma2 semaphore(%run_scoped3A_171 : memref<!tpu.dma_semaphore, #tpu.memory_space<semaphore_mem>>) src(%dma_wait3A_177 : memref<640xf32, #tpu.memory_space<vmem_shared>>) dst(%arg7 : memref<640xf32, #tpu.memory_space<vmem>>)
      tpu.yield
    }) : () -> ()
    %scan3A_22 = arith.constant 0 : i32
    %scan3A_23 = arith.constant 0 : i32
    %scan3A_24 = arith.constant 40 : i32
    %scan3A_25 = arith.addi %scan3A_23, %scan3A_24 : i32
    %scan3A_26 = arith.constant 1 : i32
    %scan3A_27 = scf.for %scan3A_171 = %scan3A_23 to %scan3A_25 step %scan3A_26 iter_args(%scan3A_172 = %scan3A_22) -> (i32)  : i32 {
      %mul3A_173 = arith.constant 16 : i32
      %mul3A_174 = arith.muli %scan3A_171, %mul3A_173 : i32
      %get3A = arith.index_cast %mul3A_174 : i32 to index
      %get3A_175 = tpu.vector_load %arg6[%get3A] {strides = array<i32>} : memref<640xf32, #tpu.memory_space<vmem>>, vector<16xf32>,
      %mul3A_176 = arith.constant 16 : i32
      %mul3A_177 = arith.muli %scan3A_171, %mul3A_176 : i32
      %get3A_178 = arith.index_cast %mul3A_177 : i32 to index
      %get3A_179 = tpu.vector_load %arg7[%get3A_178] {strides = array<i32>} : memref<640xf32, #tpu.memory_space<vmem>>, vector<16xf32>,
      %add3A_180 = arith.addf %get3A_175, %get3A_179 : vector<16xf32>
      %mul3A_181 = arith.constant 16 : i32
      %mul3A_182 = arith.muli %scan3A_171, %mul3A_181 : i32
      %swap3A = arith.index_cast %mul3A_182 : i32 to index
      %swap3A_183 = tpu.vector_load %arg6[%swap3A] {strides = array<i32>} : memref<640xf32, #tpu.memory_space<vmem>>, vector<16xf32>,
      tpu.vector_store %arg6[%swap3A], %add3A_180 {strides = array<i32>} : memref<640xf32, #tpu.memory_space<vmem>>, vector<16xf32>,
      %scan3A_184 = arith.constant 0 : i32
      scf.yield %scan3A_184 : i32
    }
    %scan3A_28 = arith.constant 40 : i32
    %mul3A_29 = arith.constant 640 : i32
    %mul3A_30 = arith.muli %arg1, %mul3A_29 : i32
    %run_scoped3A_31 = arith.constant 2 : i32
    "tpu.region"() ({
      %run_scoped3A_171 = tpu.sem_alloc : memref<!tpu.dma_semaphore, #tpu.memory_space<semaphore_mem>>
      %dma_start3A = tpu.memref_slice %arg8[%run_scoped3A_31, %mul3A_30] : memref<16x10240xf32, #tpu.memory_space<vmem_shared>> -> memref<1x640xf32, #tpu.memory_space<vmem_shared>>
      %dma_start3A_172 = tpu.memref_squeeze %dma_start3A : memref<1x640xf32, #tpu.memory_space<vmem_shared>> -> memref<640xf32, #tpu.memory_space<vmem_shared>>
      %dma_start3A_173 = tpu.memref_slice %arg8[%run_scoped3A_31, %mul3A_30] : memref<16x10240xf32, #tpu.memory_space<vmem_shared>> -> memref<1x640xf32, #tpu.memory_space<vmem_shared>>
      %dma_start3A_174 = tpu.memref_squeeze %dma_start3A_173 : memref<1x640xf32, #tpu.memory_space<vmem_shared>> -> memref<640xf32, #tpu.memory_space<vmem_shared>>
      tpu.enqueue_dma source(%dma_start3A_174 : memref<640xf32, #tpu.memory_space<vmem_shared>>) target(%arg7 : memref<640xf32, #tpu.memory_space<vmem>>) target_semaphore(%run_scoped3A_171 : memref<!tpu.dma_semaphore, #tpu.memory_space<semaphore_mem>>)
      %dma_wait3A = tpu.memref_slice %arg8[%run_scoped3A_31, %mul3A_30] : memref<16x10240xf32, #tpu.memory_space<vmem_shared>> -> memref<1x640xf32, #tpu.memory_space<vmem_shared>>
      %dma_wait3A_175 = tpu.memref_squeeze %dma_wait3A : memref<1x640xf32, #tpu.memory_space<vmem_shared>> -> memref<640xf32, #tpu.memory_space<vmem_shared>>
      %dma_wait3A_176 = tpu.memref_slice %arg8[%run_scoped3A_31, %mul3A_30] : memref<16x10240xf32, #tpu.memory_space<vmem_shared>> -> memref<1x640xf32, #tpu.memory_space<vmem_shared>>
      %dma_wait3A_177 = tpu.memref_squeeze %dma_wait3A_176 : memref<1x640xf32, #tpu.memory_space<vmem_shared>> -> memref<640xf32, #tpu.memory_space<vmem_shared>>
      tpu.wait_dma2 semaphore(%run_scoped3A_171 : memref<!tpu.dma_semaphore, #tpu.memory_space<semaphore_mem>>) src(%dma_wait3A_177 : memref<640xf32, #tpu.memory_space<vmem_shared>>) dst(%arg7 : memref<640xf32, #tpu.memory_space<vmem>>)
      tpu.yield
    }) : () -> ()
    %scan3A_32 = arith.constant 0 : i32
    %scan3A_33 = arith.constant 0 : i32
    %scan3A_34 = arith.constant 40 : i32
    %scan3A_35 = arith.addi %scan3A_33, %scan3A_34 : i32
    %scan3A_36 = arith.constant 1 : i32
    %scan3A_37 = scf.for %scan3A_171 = %scan3A_33 to %scan3A_35 step %scan3A_36 iter_args(%scan3A_172 = %scan3A_32) -> (i32)  : i32 {
      %mul3A_173 = arith.constant 16 : i32
      %mul3A_174 = arith.muli %scan3A_171, %mul3A_173 : i32
      %get3A = arith.index_cast %mul3A_174 : i32 to index
      %get3A_175 = tpu.vector_load %arg6[%get3A] {strides = array<i32>} : memref<640xf32, #tpu.memory_space<vmem>>, vector<16xf32>,
      %mul3A_176 = arith.constant 16 : i32
      %mul3A_177 = arith.muli %scan3A_171, %mul3A_176 : i32
      %get3A_178 = arith.index_cast %mul3A_177 : i32 to index
      %get3A_179 = tpu.vector_load %arg7[%get3A_178] {strides = array<i32>} : memref<640xf32, #tpu.memory_space<vmem>>, vector<16xf32>,
      %add3A_180 = arith.addf %get3A_175, %get3A_179 : vector<16xf32>
      %mul3A_181 = arith.constant 16 : i32
      %mul3A_182 = arith.muli %scan3A_171, %mul3A_181 : i32
      %swap3A = arith.index_cast %mul3A_182 : i32 to index
      %swap3A_183 = tpu.vector_load %arg6[%swap3A] {strides = array<i32>} : memref<640xf32, #tpu.memory_space<vmem>>, vector<16xf32>,
      tpu.vector_store %arg6[%swap3A], %add3A_180 {strides = array<i32>} : memref<640xf32, #tpu.memory_space<vmem>>, vector<16xf32>,
      %scan3A_184 = arith.constant 0 : i32
      scf.yield %scan3A_184 : i32
    }
    %scan3A_38 = arith.constant 40 : i32
    %mul3A_39 = arith.constant 640 : i32
    %mul3A_40 = arith.muli %arg1, %mul3A_39 : i32
    %run_scoped3A_41 = arith.constant 3 : i32
    "tpu.region"() ({
      %run_scoped3A_171 = tpu.sem_alloc : memref<!tpu.dma_semaphore, #tpu.memory_space<semaphore_mem>>
      %dma_start3A = tpu.memref_slice %arg8[%run_scoped3A_41, %mul3A_40] : memref<16x10240xf32, #tpu.memory_space<vmem_shared>> -> memref<1x640xf32, #tpu.memory_space<vmem_shared>>
      %dma_start3A_172 = tpu.memref_squeeze %dma_start3A : memref<1x640xf32, #tpu.memory_space<vmem_shared>> -> memref<640xf32, #tpu.memory_space<vmem_shared>>
      %dma_start3A_173 = tpu.memref_slice %arg8[%run_scoped3A_41, %mul3A_40] : memref<16x10240xf32, #tpu.memory_space<vmem_shared>> -> memref<1x640xf32, #tpu.memory_space<vmem_shared>>
      %dma_start3A_174 = tpu.memref_squeeze %dma_start3A_173 : memref<1x640xf32, #tpu.memory_space<vmem_shared>> -> memref<640xf32, #tpu.memory_space<vmem_shared>>
      tpu.enqueue_dma source(%dma_start3A_174 : memref<640xf32, #tpu.memory_space<vmem_shared>>) target(%arg7 : memref<640xf32, #tpu.memory_space<vmem>>) target_semaphore(%run_scoped3A_171 : memref<!tpu.dma_semaphore, #tpu.memory_space<semaphore_mem>>)
      %dma_wait3A = tpu.memref_slice %arg8[%run_scoped3A_41, %mul3A_40] : memref<16x10240xf32, #tpu.memory_space<vmem_shared>> -> memref<1x640xf32, #tpu.memory_space<vmem_shared>>
      %dma_wait3A_175 = tpu.memref_squeeze %dma_wait3A : memref<1x640xf32, #tpu.memory_space<vmem_shared>> -> memref<640xf32, #tpu.memory_space<vmem_shared>>
      %dma_wait3A_176 = tpu.memref_slice %arg8[%run_scoped3A_41, %mul3A_40] : memref<16x10240xf32, #tpu.memory_space<vmem_shared>> -> memref<1x640xf32, #tpu.memory_space<vmem_shared>>
      %dma_wait3A_177 = tpu.memref_squeeze %dma_wait3A_176 : memref<1x640xf32, #tpu.memory_space<vmem_shared>> -> memref<640xf32, #tpu.memory_space<vmem_shared>>
      tpu.wait_dma2 semaphore(%run_scoped3A_171 : memref<!tpu.dma_semaphore, #tpu.memory_space<semaphore_mem>>) src(%dma_wait3A_177 : memref<640xf32, #tpu.memory_space<vmem_shared>>) dst(%arg7 : memref<640xf32, #tpu.memory_space<vmem>>)
      tpu.yield
    }) : () -> ()
    %scan3A_42 = arith.constant 0 : i32
    %scan3A_43 = arith.constant 0 : i32
    %scan3A_44 = arith.constant 40 : i32
    %scan3A_45 = arith.addi %scan3A_43, %scan3A_44 : i32
    %scan3A_46 = arith.constant 1 : i32
    %scan3A_47 = scf.for %scan3A_171 = %scan3A_43 to %scan3A_45 step %scan3A_46 iter_args(%scan3A_172 = %scan3A_42) -> (i32)  : i32 {
      %mul3A_173 = arith.constant 16 : i32
      %mul3A_174 = arith.muli %scan3A_171, %mul3A_173 : i32
      %get3A = arith.index_cast %mul3A_174 : i32 to index
      %get3A_175 = tpu.vector_load %arg6[%get3A] {strides = array<i32>} : memref<640xf32, #tpu.memory_space<vmem>>, vector<16xf32>,
      %mul3A_176 = arith.constant 16 : i32
      %mul3A_177 = arith.muli %scan3A_171, %mul3A_176 : i32
      %get3A_178 = arith.index_cast %mul3A_177 : i32 to index
      %get3A_179 = tpu.vector_load %arg7[%get3A_178] {strides = array<i32>} : memref<640xf32, #tpu.memory_space<vmem>>, vector<16xf32>,
      %add3A_180 = arith.addf %get3A_175, %get3A_179 : vector<16xf32>
      %mul3A_181 = arith.constant 16 : i32
      %mul3A_182 = arith.muli %scan3A_171, %mul3A_181 : i32
      %swap3A = arith.index_cast %mul3A_182 : i32 to index
      %swap3A_183 = tpu.vector_load %arg6[%swap3A] {strides = array<i32>} : memref<640xf32, #tpu.memory_space<vmem>>, vector<16xf32>,
      tpu.vector_store %arg6[%swap3A], %add3A_180 {strides = array<i32>} : memref<640xf32, #tpu.memory_space<vmem>>, vector<16xf32>,
      %scan3A_184 = arith.constant 0 : i32
      scf.yield %scan3A_184 : i32
    }
    %scan3A_48 = arith.constant 40 : i32
    %mul3A_49 = arith.constant 640 : i32
    %mul3A_50 = arith.muli %arg1, %mul3A_49 : i32
    %run_scoped3A_51 = arith.constant 4 : i32
    "tpu.region"() ({
      %run_scoped3A_171 = tpu.sem_alloc : memref<!tpu.dma_semaphore, #tpu.memory_space<semaphore_mem>>
      %dma_start3A = tpu.memref_slice %arg8[%run_scoped3A_51, %mul3A_50] : memref<16x10240xf32, #tpu.memory_space<vmem_shared>> -> memref<1x640xf32, #tpu.memory_space<vmem_shared>>
      %dma_start3A_172 = tpu.memref_squeeze %dma_start3A : memref<1x640xf32, #tpu.memory_space<vmem_shared>> -> memref<640xf32, #tpu.memory_space<vmem_shared>>
      %dma_start3A_173 = tpu.memref_slice %arg8[%run_scoped3A_51, %mul3A_50] : memref<16x10240xf32, #tpu.memory_space<vmem_shared>> -> memref<1x640xf32, #tpu.memory_space<vmem_shared>>
      %dma_start3A_174 = tpu.memref_squeeze %dma_start3A_173 : memref<1x640xf32, #tpu.memory_space<vmem_shared>> -> memref<640xf32, #tpu.memory_space<vmem_shared>>
      tpu.enqueue_dma source(%dma_start3A_174 : memref<640xf32, #tpu.memory_space<vmem_shared>>) target(%arg7 : memref<640xf32, #tpu.memory_space<vmem>>) target_semaphore(%run_scoped3A_171 : memref<!tpu.dma_semaphore, #tpu.memory_space<semaphore_mem>>)
      %dma_wait3A = tpu.memref_slice %arg8[%run_scoped3A_51, %mul3A_50] : memref<16x10240xf32, #tpu.memory_space<vmem_shared>> -> memref<1x640xf32, #tpu.memory_space<vmem_shared>>
      %dma_wait3A_175 = tpu.memref_squeeze %dma_wait3A : memref<1x640xf32, #tpu.memory_space<vmem_shared>> -> memref<640xf32, #tpu.memory_space<vmem_shared>>
      %dma_wait3A_176 = tpu.memref_slice %arg8[%run_scoped3A_51, %mul3A_50] : memref<16x10240xf32, #tpu.memory_space<vmem_shared>> -> memref<1x640xf32, #tpu.memory_space<vmem_shared>>
      %dma_wait3A_177 = tpu.memref_squeeze %dma_wait3A_176 : memref<1x640xf32, #tpu.memory_space<vmem_shared>> -> memref<640xf32, #tpu.memory_space<vmem_shared>>
      tpu.wait_dma2 semaphore(%run_scoped3A_171 : memref<!tpu.dma_semaphore, #tpu.memory_space<semaphore_mem>>) src(%dma_wait3A_177 : memref<640xf32, #tpu.memory_space<vmem_shared>>) dst(%arg7 : memref<640xf32, #tpu.memory_space<vmem>>)
      tpu.yield
    }) : () -> ()
    %scan3A_52 = arith.constant 0 : i32
    %scan3A_53 = arith.constant 0 : i32
    %scan3A_54 = arith.constant 40 : i32
    %scan3A_55 = arith.addi %scan3A_53, %scan3A_54 : i32
    %scan3A_56 = arith.constant 1 : i32
    %scan3A_57 = scf.for %scan3A_171 = %scan3A_53 to %scan3A_55 step %scan3A_56 iter_args(%scan3A_172 = %scan3A_52) -> (i32)  : i32 {
      %mul3A_173 = arith.constant 16 : i32
      %mul3A_174 = arith.muli %scan3A_171, %mul3A_173 : i32
      %get3A = arith.index_cast %mul3A_174 : i32 to index
      %get3A_175 = tpu.vector_load %arg6[%get3A] {strides = array<i32>} : memref<640xf32, #tpu.memory_space<vmem>>, vector<16xf32>,
      %mul3A_176 = arith.constant 16 : i32
      %mul3A_177 = arith.muli %scan3A_171, %mul3A_176 : i32
      %get3A_178 = arith.index_cast %mul3A_177 : i32 to index
      %get3A_179 = tpu.vector_load %arg7[%get3A_178] {strides = array<i32>} : memref<640xf32, #tpu.memory_space<vmem>>, vector<16xf32>,
      %add3A_180 = arith.addf %get3A_175, %get3A_179 : vector<16xf32>
      %mul3A_181 = arith.constant 16 : i32
      %mul3A_182 = arith.muli %scan3A_171, %mul3A_181 : i32
      %swap3A = arith.index_cast %mul3A_182 : i32 to index
      %swap3A_183 = tpu.vector_load %arg6[%swap3A] {strides = array<i32>} : memref<640xf32, #tpu.memory_space<vmem>>, vector<16xf32>,
      tpu.vector_store %arg6[%swap3A], %add3A_180 {strides = array<i32>} : memref<640xf32, #tpu.memory_space<vmem>>, vector<16xf32>,
      %scan3A_184 = arith.constant 0 : i32
      scf.yield %scan3A_184 : i32
    }
    %scan3A_58 = arith.constant 40 : i32
    %mul3A_59 = arith.constant 640 : i32
    %mul3A_60 = arith.muli %arg1, %mul3A_59 : i32
    %run_scoped3A_61 = arith.constant 5 : i32
    "tpu.region"() ({
      %run_scoped3A_171 = tpu.sem_alloc : memref<!tpu.dma_semaphore, #tpu.memory_space<semaphore_mem>>
      %dma_start3A = tpu.memref_slice %arg8[%run_scoped3A_61, %mul3A_60] : memref<16x10240xf32, #tpu.memory_space<vmem_shared>> -> memref<1x640xf32, #tpu.memory_space<vmem_shared>>
      %dma_start3A_172 = tpu.memref_squeeze %dma_start3A : memref<1x640xf32, #tpu.memory_space<vmem_shared>> -> memref<640xf32, #tpu.memory_space<vmem_shared>>
      %dma_start3A_173 = tpu.memref_slice %arg8[%run_scoped3A_61, %mul3A_60] : memref<16x10240xf32, #tpu.memory_space<vmem_shared>> -> memref<1x640xf32, #tpu.memory_space<vmem_shared>>
      %dma_start3A_174 = tpu.memref_squeeze %dma_start3A_173 : memref<1x640xf32, #tpu.memory_space<vmem_shared>> -> memref<640xf32, #tpu.memory_space<vmem_shared>>
      tpu.enqueue_dma source(%dma_start3A_174 : memref<640xf32, #tpu.memory_space<vmem_shared>>) target(%arg7 : memref<640xf32, #tpu.memory_space<vmem>>) target_semaphore(%run_scoped3A_171 : memref<!tpu.dma_semaphore, #tpu.memory_space<semaphore_mem>>)
      %dma_wait3A = tpu.memref_slice %arg8[%run_scoped3A_61, %mul3A_60] : memref<16x10240xf32, #tpu.memory_space<vmem_shared>> -> memref<1x640xf32, #tpu.memory_space<vmem_shared>>
      %dma_wait3A_175 = tpu.memref_squeeze %dma_wait3A : memref<1x640xf32, #tpu.memory_space<vmem_shared>> -> memref<640xf32, #tpu.memory_space<vmem_shared>>
      %dma_wait3A_176 = tpu.memref_slice %arg8[%run_scoped3A_61, %mul3A_60] : memref<16x10240xf32, #tpu.memory_space<vmem_shared>> -> memref<1x640xf32, #tpu.memory_space<vmem_shared>>
      %dma_wait3A_177 = tpu.memref_squeeze %dma_wait3A_176 : memref<1x640xf32, #tpu.memory_space<vmem_shared>> -> memref<640xf32, #tpu.memory_space<vmem_shared>>
      tpu.wait_dma2 semaphore(%run_scoped3A_171 : memref<!tpu.dma_semaphore, #tpu.memory_space<semaphore_mem>>) src(%dma_wait3A_177 : memref<640xf32, #tpu.memory_space<vmem_shared>>) dst(%arg7 : memref<640xf32, #tpu.memory_space<vmem>>)
      tpu.yield
    }) : () -> ()
    %scan3A_62 = arith.constant 0 : i32
    %scan3A_63 = arith.constant 0 : i32
    %scan3A_64 = arith.constant 40 : i32
    %scan3A_65 = arith.addi %scan3A_63, %scan3A_64 : i32
    %scan3A_66 = arith.constant 1 : i32
    %scan3A_67 = scf.for %scan3A_171 = %scan3A_63 to %scan3A_65 step %scan3A_66 iter_args(%scan3A_172 = %scan3A_62) -> (i32)  : i32 {
      %mul3A_173 = arith.constant 16 : i32
      %mul3A_174 = arith.muli %scan3A_171, %mul3A_173 : i32
      %get3A = arith.index_cast %mul3A_174 : i32 to index
      %get3A_175 = tpu.vector_load %arg6[%get3A] {strides = array<i32>} : memref<640xf32, #tpu.memory_space<vmem>>, vector<16xf32>,
      %mul3A_176 = arith.constant 16 : i32
      %mul3A_177 = arith.muli %scan3A_171, %mul3A_176 : i32
      %get3A_178 = arith.index_cast %mul3A_177 : i32 to index
      %get3A_179 = tpu.vector_load %arg7[%get3A_178] {strides = array<i32>} : memref<640xf32, #tpu.memory_space<vmem>>, vector<16xf32>,
      %add3A_180 = arith.addf %get3A_175, %get3A_179 : vector<16xf32>
      %mul3A_181 = arith.constant 16 : i32
      %mul3A_182 = arith.muli %scan3A_171, %mul3A_181 : i32
      %swap3A = arith.index_cast %mul3A_182 : i32 to index
      %swap3A_183 = tpu.vector_load %arg6[%swap3A] {strides = array<i32>} : memref<640xf32, #tpu.memory_space<vmem>>, vector<16xf32>,
      tpu.vector_store %arg6[%swap3A], %add3A_180 {strides = array<i32>} : memref<640xf32, #tpu.memory_space<vmem>>, vector<16xf32>,
      %scan3A_184 = arith.constant 0 : i32
      scf.yield %scan3A_184 : i32
    }
    %scan3A_68 = arith.constant 40 : i32
    %mul3A_69 = arith.constant 640 : i32
    %mul3A_70 = arith.muli %arg1, %mul3A_69 : i32
    %run_scoped3A_71 = arith.constant 6 : i32
    "tpu.region"() ({
      %run_scoped3A_171 = tpu.sem_alloc : memref<!tpu.dma_semaphore, #tpu.memory_space<semaphore_mem>>
      %dma_start3A = tpu.memref_slice %arg8[%run_scoped3A_71, %mul3A_70] : memref<16x10240xf32, #tpu.memory_space<vmem_shared>> -> memref<1x640xf32, #tpu.memory_space<vmem_shared>>
      %dma_start3A_172 = tpu.memref_squeeze %dma_start3A : memref<1x640xf32, #tpu.memory_space<vmem_shared>> -> memref<640xf32, #tpu.memory_space<vmem_shared>>
      %dma_start3A_173 = tpu.memref_slice %arg8[%run_scoped3A_71, %mul3A_70] : memref<16x10240xf32, #tpu.memory_space<vmem_shared>> -> memref<1x640xf32, #tpu.memory_space<vmem_shared>>
      %dma_start3A_174 = tpu.memref_squeeze %dma_start3A_173 : memref<1x640xf32, #tpu.memory_space<vmem_shared>> -> memref<640xf32, #tpu.memory_space<vmem_shared>>
      tpu.enqueue_dma source(%dma_start3A_174 : memref<640xf32, #tpu.memory_space<vmem_shared>>) target(%arg7 : memref<640xf32, #tpu.memory_space<vmem>>) target_semaphore(%run_scoped3A_171 : memref<!tpu.dma_semaphore, #tpu.memory_space<semaphore_mem>>)
      %dma_wait3A = tpu.memref_slice %arg8[%run_scoped3A_71, %mul3A_70] : memref<16x10240xf32, #tpu.memory_space<vmem_shared>> -> memref<1x640xf32, #tpu.memory_space<vmem_shared>>
      %dma_wait3A_175 = tpu.memref_squeeze %dma_wait3A : memref<1x640xf32, #tpu.memory_space<vmem_shared>> -> memref<640xf32, #tpu.memory_space<vmem_shared>>
      %dma_wait3A_176 = tpu.memref_slice %arg8[%run_scoped3A_71, %mul3A_70] : memref<16x10240xf32, #tpu.memory_space<vmem_shared>> -> memref<1x640xf32, #tpu.memory_space<vmem_shared>>
      %dma_wait3A_177 = tpu.memref_squeeze %dma_wait3A_176 : memref<1x640xf32, #tpu.memory_space<vmem_shared>> -> memref<640xf32, #tpu.memory_space<vmem_shared>>
      tpu.wait_dma2 semaphore(%run_scoped3A_171 : memref<!tpu.dma_semaphore, #tpu.memory_space<semaphore_mem>>) src(%dma_wait3A_177 : memref<640xf32, #tpu.memory_space<vmem_shared>>) dst(%arg7 : memref<640xf32, #tpu.memory_space<vmem>>)
      tpu.yield
    }) : () -> ()
    %scan3A_72 = arith.constant 0 : i32
    %scan3A_73 = arith.constant 0 : i32
    %scan3A_74 = arith.constant 40 : i32
    %scan3A_75 = arith.addi %scan3A_73, %scan3A_74 : i32
    %scan3A_76 = arith.constant 1 : i32
    %scan3A_77 = scf.for %scan3A_171 = %scan3A_73 to %scan3A_75 step %scan3A_76 iter_args(%scan3A_172 = %scan3A_72) -> (i32)  : i32 {
      %mul3A_173 = arith.constant 16 : i32
      %mul3A_174 = arith.muli %scan3A_171, %mul3A_173 : i32
      %get3A = arith.index_cast %mul3A_174 : i32 to index
      %get3A_175 = tpu.vector_load %arg6[%get3A] {strides = array<i32>} : memref<640xf32, #tpu.memory_space<vmem>>, vector<16xf32>,
      %mul3A_176 = arith.constant 16 : i32
      %mul3A_177 = arith.muli %scan3A_171, %mul3A_176 : i32
      %get3A_178 = arith.index_cast %mul3A_177 : i32 to index
      %get3A_179 = tpu.vector_load %arg7[%get3A_178] {strides = array<i32>} : memref<640xf32, #tpu.memory_space<vmem>>, vector<16xf32>,
      %add3A_180 = arith.addf %get3A_175, %get3A_179 : vector<16xf32>
      %mul3A_181 = arith.constant 16 : i32
      %mul3A_182 = arith.muli %scan3A_171, %mul3A_181 : i32
      %swap3A = arith.index_cast %mul3A_182 : i32 to index
      %swap3A_183 = tpu.vector_load %arg6[%swap3A] {strides = array<i32>} : memref<640xf32, #tpu.memory_space<vmem>>, vector<16xf32>,
      tpu.vector_store %arg6[%swap3A], %add3A_180 {strides = array<i32>} : memref<640xf32, #tpu.memory_space<vmem>>, vector<16xf32>,
      %scan3A_184 = arith.constant 0 : i32
      scf.yield %scan3A_184 : i32
    }
    %scan3A_78 = arith.constant 40 : i32
    %mul3A_79 = arith.constant 640 : i32
    %mul3A_80 = arith.muli %arg1, %mul3A_79 : i32
    %run_scoped3A_81 = arith.constant 7 : i32
    "tpu.region"() ({
      %run_scoped3A_171 = tpu.sem_alloc : memref<!tpu.dma_semaphore, #tpu.memory_space<semaphore_mem>>
      %dma_start3A = tpu.memref_slice %arg8[%run_scoped3A_81, %mul3A_80] : memref<16x10240xf32, #tpu.memory_space<vmem_shared>> -> memref<1x640xf32, #tpu.memory_space<vmem_shared>>
      %dma_start3A_172 = tpu.memref_squeeze %dma_start3A : memref<1x640xf32, #tpu.memory_space<vmem_shared>> -> memref<640xf32, #tpu.memory_space<vmem_shared>>
      %dma_start3A_173 = tpu.memref_slice %arg8[%run_scoped3A_81, %mul3A_80] : memref<16x10240xf32, #tpu.memory_space<vmem_shared>> -> memref<1x640xf32, #tpu.memory_space<vmem_shared>>
      %dma_start3A_174 = tpu.memref_squeeze %dma_start3A_173 : memref<1x640xf32, #tpu.memory_space<vmem_shared>> -> memref<640xf32, #tpu.memory_space<vmem_shared>>
      tpu.enqueue_dma source(%dma_start3A_174 : memref<640xf32, #tpu.memory_space<vmem_shared>>) target(%arg7 : memref<640xf32, #tpu.memory_space<vmem>>) target_semaphore(%run_scoped3A_171 : memref<!tpu.dma_semaphore, #tpu.memory_space<semaphore_mem>>)
      %dma_wait3A = tpu.memref_slice %arg8[%run_scoped3A_81, %mul3A_80] : memref<16x10240xf32, #tpu.memory_space<vmem_shared>> -> memref<1x640xf32, #tpu.memory_space<vmem_shared>>
      %dma_wait3A_175 = tpu.memref_squeeze %dma_wait3A : memref<1x640xf32, #tpu.memory_space<vmem_shared>> -> memref<640xf32, #tpu.memory_space<vmem_shared>>
      %dma_wait3A_176 = tpu.memref_slice %arg8[%run_scoped3A_81, %mul3A_80] : memref<16x10240xf32, #tpu.memory_space<vmem_shared>> -> memref<1x640xf32, #tpu.memory_space<vmem_shared>>
      %dma_wait3A_177 = tpu.memref_squeeze %dma_wait3A_176 : memref<1x640xf32, #tpu.memory_space<vmem_shared>> -> memref<640xf32, #tpu.memory_space<vmem_shared>>
      tpu.wait_dma2 semaphore(%run_scoped3A_171 : memref<!tpu.dma_semaphore, #tpu.memory_space<semaphore_mem>>) src(%dma_wait3A_177 : memref<640xf32, #tpu.memory_space<vmem_shared>>) dst(%arg7 : memref<640xf32, #tpu.memory_space<vmem>>)
      tpu.yield
    }) : () -> ()
    %scan3A_82 = arith.constant 0 : i32
    %scan3A_83 = arith.constant 0 : i32
    %scan3A_84 = arith.constant 40 : i32
    %scan3A_85 = arith.addi %scan3A_83, %scan3A_84 : i32
    %scan3A_86 = arith.constant 1 : i32
    %scan3A_87 = scf.for %scan3A_171 = %scan3A_83 to %scan3A_85 step %scan3A_86 iter_args(%scan3A_172 = %scan3A_82) -> (i32)  : i32 {
      %mul3A_173 = arith.constant 16 : i32
      %mul3A_174 = arith.muli %scan3A_171, %mul3A_173 : i32
      %get3A = arith.index_cast %mul3A_174 : i32 to index
      %get3A_175 = tpu.vector_load %arg6[%get3A] {strides = array<i32>} : memref<640xf32, #tpu.memory_space<vmem>>, vector<16xf32>,
      %mul3A_176 = arith.constant 16 : i32
      %mul3A_177 = arith.muli %scan3A_171, %mul3A_176 : i32
      %get3A_178 = arith.index_cast %mul3A_177 : i32 to index
      %get3A_179 = tpu.vector_load %arg7[%get3A_178] {strides = array<i32>} : memref<640xf32, #tpu.memory_space<vmem>>, vector<16xf32>,
      %add3A_180 = arith.addf %get3A_175, %get3A_179 : vector<16xf32>
      %mul3A_181 = arith.constant 16 : i32
      %mul3A_182 = arith.muli %scan3A_171, %mul3A_181 : i32
      %swap3A = arith.index_cast %mul3A_182 : i32 to index
      %swap3A_183 = tpu.vector_load %arg6[%swap3A] {strides = array<i32>} : memref<640xf32, #tpu.memory_space<vmem>>, vector<16xf32>,
      tpu.vector_store %arg6[%swap3A], %add3A_180 {strides = array<i32>} : memref<640xf32, #tpu.memory_space<vmem>>, vector<16xf32>,
      %scan3A_184 = arith.constant 0 : i32
      scf.yield %scan3A_184 : i32
    }
    %scan3A_88 = arith.constant 40 : i32
    %mul3A_89 = arith.constant 640 : i32
    %mul3A_90 = arith.muli %arg1, %mul3A_89 : i32
    %run_scoped3A_91 = arith.constant 8 : i32
    "tpu.region"() ({
      %run_scoped3A_171 = tpu.sem_alloc : memref<!tpu.dma_semaphore, #tpu.memory_space<semaphore_mem>>
      %dma_start3A = tpu.memref_slice %arg8[%run_scoped3A_91, %mul3A_90] : memref<16x10240xf32, #tpu.memory_space<vmem_shared>> -> memref<1x640xf32, #tpu.memory_space<vmem_shared>>
      %dma_start3A_172 = tpu.memref_squeeze %dma_start3A : memref<1x640xf32, #tpu.memory_space<vmem_shared>> -> memref<640xf32, #tpu.memory_space<vmem_shared>>
      %dma_start3A_173 = tpu.memref_slice %arg8[%run_scoped3A_91, %mul3A_90] : memref<16x10240xf32, #tpu.memory_space<vmem_shared>> -> memref<1x640xf32, #tpu.memory_space<vmem_shared>>
      %dma_start3A_174 = tpu.memref_squeeze %dma_start3A_173 : memref<1x640xf32, #tpu.memory_space<vmem_shared>> -> memref<640xf32, #tpu.memory_space<vmem_shared>>
      tpu.enqueue_dma source(%dma_start3A_174 : memref<640xf32, #tpu.memory_space<vmem_shared>>) target(%arg7 : memref<640xf32, #tpu.memory_space<vmem>>) target_semaphore(%run_scoped3A_171 : memref<!tpu.dma_semaphore, #tpu.memory_space<semaphore_mem>>)
      %dma_wait3A = tpu.memref_slice %arg8[%run_scoped3A_91, %mul3A_90] : memref<16x10240xf32, #tpu.memory_space<vmem_shared>> -> memref<1x640xf32, #tpu.memory_space<vmem_shared>>
      %dma_wait3A_175 = tpu.memref_squeeze %dma_wait3A : memref<1x640xf32, #tpu.memory_space<vmem_shared>> -> memref<640xf32, #tpu.memory_space<vmem_shared>>
      %dma_wait3A_176 = tpu.memref_slice %arg8[%run_scoped3A_91, %mul3A_90] : memref<16x10240xf32, #tpu.memory_space<vmem_shared>> -> memref<1x640xf32, #tpu.memory_space<vmem_shared>>
      %dma_wait3A_177 = tpu.memref_squeeze %dma_wait3A_176 : memref<1x640xf32, #tpu.memory_space<vmem_shared>> -> memref<640xf32, #tpu.memory_space<vmem_shared>>
      tpu.wait_dma2 semaphore(%run_scoped3A_171 : memref<!tpu.dma_semaphore, #tpu.memory_space<semaphore_mem>>) src(%dma_wait3A_177 : memref<640xf32, #tpu.memory_space<vmem_shared>>) dst(%arg7 : memref<640xf32, #tpu.memory_space<vmem>>)
      tpu.yield
    }) : () -> ()
    %scan3A_92 = arith.constant 0 : i32
    %scan3A_93 = arith.constant 0 : i32
    %scan3A_94 = arith.constant 40 : i32
    %scan3A_95 = arith.addi %scan3A_93, %scan3A_94 : i32
    %scan3A_96 = arith.constant 1 : i32
    %scan3A_97 = scf.for %scan3A_171 = %scan3A_93 to %scan3A_95 step %scan3A_96 iter_args(%scan3A_172 = %scan3A_92) -> (i32)  : i32 {
      %mul3A_173 = arith.constant 16 : i32
      %mul3A_174 = arith.muli %scan3A_171, %mul3A_173 : i32
      %get3A = arith.index_cast %mul3A_174 : i32 to index
      %get3A_175 = tpu.vector_load %arg6[%get3A] {strides = array<i32>} : memref<640xf32, #tpu.memory_space<vmem>>, vector<16xf32>,
      %mul3A_176 = arith.constant 16 : i32
      %mul3A_177 = arith.muli %scan3A_171, %mul3A_176 : i32
      %get3A_178 = arith.index_cast %mul3A_177 : i32 to index
      %get3A_179 = tpu.vector_load %arg7[%get3A_178] {strides = array<i32>} : memref<640xf32, #tpu.memory_space<vmem>>, vector<16xf32>,
      %add3A_180 = arith.addf %get3A_175, %get3A_179 : vector<16xf32>
      %mul3A_181 = arith.constant 16 : i32
      %mul3A_182 = arith.muli %scan3A_171, %mul3A_181 : i32
      %swap3A = arith.index_cast %mul3A_182 : i32 to index
      %swap3A_183 = tpu.vector_load %arg6[%swap3A] {strides = array<i32>} : memref<640xf32, #tpu.memory_space<vmem>>, vector<16xf32>,
      tpu.vector_store %arg6[%swap3A], %add3A_180 {strides = array<i32>} : memref<640xf32, #tpu.memory_space<vmem>>, vector<16xf32>,
      %scan3A_184 = arith.constant 0 : i32
      scf.yield %scan3A_184 : i32
    }
    %scan3A_98 = arith.constant 40 : i32
    %mul3A_99 = arith.constant 640 : i32
    %mul3A_100 = arith.muli %arg1, %mul3A_99 : i32
    %run_scoped3A_101 = arith.constant 9 : i32
    "tpu.region"() ({
      %run_scoped3A_171 = tpu.sem_alloc : memref<!tpu.dma_semaphore, #tpu.memory_space<semaphore_mem>>
      %dma_start3A = tpu.memref_slice %arg8[%run_scoped3A_101, %mul3A_100] : memref<16x10240xf32, #tpu.memory_space<vmem_shared>> -> memref<1x640xf32, #tpu.memory_space<vmem_shared>>
      %dma_start3A_172 = tpu.memref_squeeze %dma_start3A : memref<1x640xf32, #tpu.memory_space<vmem_shared>> -> memref<640xf32, #tpu.memory_space<vmem_shared>>
      %dma_start3A_173 = tpu.memref_slice %arg8[%run_scoped3A_101, %mul3A_100] : memref<16x10240xf32, #tpu.memory_space<vmem_shared>> -> memref<1x640xf32, #tpu.memory_space<vmem_shared>>
      %dma_start3A_174 = tpu.memref_squeeze %dma_start3A_173 : memref<1x640xf32, #tpu.memory_space<vmem_shared>> -> memref<640xf32, #tpu.memory_space<vmem_shared>>
      tpu.enqueue_dma source(%dma_start3A_174 : memref<640xf32, #tpu.memory_space<vmem_shared>>) target(%arg7 : memref<640xf32, #tpu.memory_space<vmem>>) target_semaphore(%run_scoped3A_171 : memref<!tpu.dma_semaphore, #tpu.memory_space<semaphore_mem>>)
      %dma_wait3A = tpu.memref_slice %arg8[%run_scoped3A_101, %mul3A_100] : memref<16x10240xf32, #tpu.memory_space<vmem_shared>> -> memref<1x640xf32, #tpu.memory_space<vmem_shared>>
      %dma_wait3A_175 = tpu.memref_squeeze %dma_wait3A : memref<1x640xf32, #tpu.memory_space<vmem_shared>> -> memref<640xf32, #tpu.memory_space<vmem_shared>>
      %dma_wait3A_176 = tpu.memref_slice %arg8[%run_scoped3A_101, %mul3A_100] : memref<16x10240xf32, #tpu.memory_space<vmem_shared>> -> memref<1x640xf32, #tpu.memory_space<vmem_shared>>
      %dma_wait3A_177 = tpu.memref_squeeze %dma_wait3A_176 : memref<1x640xf32, #tpu.memory_space<vmem_shared>> -> memref<640xf32, #tpu.memory_space<vmem_shared>>
      tpu.wait_dma2 semaphore(%run_scoped3A_171 : memref<!tpu.dma_semaphore, #tpu.memory_space<semaphore_mem>>) src(%dma_wait3A_177 : memref<640xf32, #tpu.memory_space<vmem_shared>>) dst(%arg7 : memref<640xf32, #tpu.memory_space<vmem>>)
      tpu.yield
    }) : () -> ()
    %scan3A_102 = arith.constant 0 : i32
    %scan3A_103 = arith.constant 0 : i32
    %scan3A_104 = arith.constant 40 : i32
    %scan3A_105 = arith.addi %scan3A_103, %scan3A_104 : i32
    %scan3A_106 = arith.constant 1 : i32
    %scan3A_107 = scf.for %scan3A_171 = %scan3A_103 to %scan3A_105 step %scan3A_106 iter_args(%scan3A_172 = %scan3A_102) -> (i32)  : i32 {
      %mul3A_173 = arith.constant 16 : i32
      %mul3A_174 = arith.muli %scan3A_171, %mul3A_173 : i32
      %get3A = arith.index_cast %mul3A_174 : i32 to index
      %get3A_175 = tpu.vector_load %arg6[%get3A] {strides = array<i32>} : memref<640xf32, #tpu.memory_space<vmem>>, vector<16xf32>,
      %mul3A_176 = arith.constant 16 : i32
      %mul3A_177 = arith.muli %scan3A_171, %mul3A_176 : i32
      %get3A_178 = arith.index_cast %mul3A_177 : i32 to index
      %get3A_179 = tpu.vector_load %arg7[%get3A_178] {strides = array<i32>} : memref<640xf32, #tpu.memory_space<vmem>>, vector<16xf32>,
      %add3A_180 = arith.addf %get3A_175, %get3A_179 : vector<16xf32>
      %mul3A_181 = arith.constant 16 : i32
      %mul3A_182 = arith.muli %scan3A_171, %mul3A_181 : i32
      %swap3A = arith.index_cast %mul3A_182 : i32 to index
      %swap3A_183 = tpu.vector_load %arg6[%swap3A] {strides = array<i32>} : memref<640xf32, #tpu.memory_space<vmem>>, vector<16xf32>,
      tpu.vector_store %arg6[%swap3A], %add3A_180 {strides = array<i32>} : memref<640xf32, #tpu.memory_space<vmem>>, vector<16xf32>,
      %scan3A_184 = arith.constant 0 : i32
      scf.yield %scan3A_184 : i32
    }
    %scan3A_108 = arith.constant 40 : i32
    %mul3A_109 = arith.constant 640 : i32
    %mul3A_110 = arith.muli %arg1, %mul3A_109 : i32
    %run_scoped3A_111 = arith.constant 10 : i32
    "tpu.region"() ({
      %run_scoped3A_171 = tpu.sem_alloc : memref<!tpu.dma_semaphore, #tpu.memory_space<semaphore_mem>>
      %dma_start3A = tpu.memref_slice %arg8[%run_scoped3A_111, %mul3A_110] : memref<16x10240xf32, #tpu.memory_space<vmem_shared>> -> memref<1x640xf32, #tpu.memory_space<vmem_shared>>
      %dma_start3A_172 = tpu.memref_squeeze %dma_start3A : memref<1x640xf32, #tpu.memory_space<vmem_shared>> -> memref<640xf32, #tpu.memory_space<vmem_shared>>
      %dma_start3A_173 = tpu.memref_slice %arg8[%run_scoped3A_111, %mul3A_110] : memref<16x10240xf32, #tpu.memory_space<vmem_shared>> -> memref<1x640xf32, #tpu.memory_space<vmem_shared>>
      %dma_start3A_174 = tpu.memref_squeeze %dma_start3A_173 : memref<1x640xf32, #tpu.memory_space<vmem_shared>> -> memref<640xf32, #tpu.memory_space<vmem_shared>>
      tpu.enqueue_dma source(%dma_start3A_174 : memref<640xf32, #tpu.memory_space<vmem_shared>>) target(%arg7 : memref<640xf32, #tpu.memory_space<vmem>>) target_semaphore(%run_scoped3A_171 : memref<!tpu.dma_semaphore, #tpu.memory_space<semaphore_mem>>)
      %dma_wait3A = tpu.memref_slice %arg8[%run_scoped3A_111, %mul3A_110] : memref<16x10240xf32, #tpu.memory_space<vmem_shared>> -> memref<1x640xf32, #tpu.memory_space<vmem_shared>>
      %dma_wait3A_175 = tpu.memref_squeeze %dma_wait3A : memref<1x640xf32, #tpu.memory_space<vmem_shared>> -> memref<640xf32, #tpu.memory_space<vmem_shared>>
      %dma_wait3A_176 = tpu.memref_slice %arg8[%run_scoped3A_111, %mul3A_110] : memref<16x10240xf32, #tpu.memory_space<vmem_shared>> -> memref<1x640xf32, #tpu.memory_space<vmem_shared>>
      %dma_wait3A_177 = tpu.memref_squeeze %dma_wait3A_176 : memref<1x640xf32, #tpu.memory_space<vmem_shared>> -> memref<640xf32, #tpu.memory_space<vmem_shared>>
      tpu.wait_dma2 semaphore(%run_scoped3A_171 : memref<!tpu.dma_semaphore, #tpu.memory_space<semaphore_mem>>) src(%dma_wait3A_177 : memref<640xf32, #tpu.memory_space<vmem_shared>>) dst(%arg7 : memref<640xf32, #tpu.memory_space<vmem>>)
      tpu.yield
    }) : () -> ()
    %scan3A_112 = arith.constant 0 : i32
    %scan3A_113 = arith.constant 0 : i32
    %scan3A_114 = arith.constant 40 : i32
    %scan3A_115 = arith.addi %scan3A_113, %scan3A_114 : i32
    %scan3A_116 = arith.constant 1 : i32
    %scan3A_117 = scf.for %scan3A_171 = %scan3A_113 to %scan3A_115 step %scan3A_116 iter_args(%scan3A_172 = %scan3A_112) -> (i32)  : i32 {
      %mul3A_173 = arith.constant 16 : i32
      %mul3A_174 = arith.muli %scan3A_171, %mul3A_173 : i32
      %get3A = arith.index_cast %mul3A_174 : i32 to index
      %get3A_175 = tpu.vector_load %arg6[%get3A] {strides = array<i32>} : memref<640xf32, #tpu.memory_space<vmem>>, vector<16xf32>,
      %mul3A_176 = arith.constant 16 : i32
      %mul3A_177 = arith.muli %scan3A_171, %mul3A_176 : i32
      %get3A_178 = arith.index_cast %mul3A_177 : i32 to index
      %get3A_179 = tpu.vector_load %arg7[%get3A_178] {strides = array<i32>} : memref<640xf32, #tpu.memory_space<vmem>>, vector<16xf32>,
      %add3A_180 = arith.addf %get3A_175, %get3A_179 : vector<16xf32>
      %mul3A_181 = arith.constant 16 : i32
      %mul3A_182 = arith.muli %scan3A_171, %mul3A_181 : i32
      %swap3A = arith.index_cast %mul3A_182 : i32 to index
      %swap3A_183 = tpu.vector_load %arg6[%swap3A] {strides = array<i32>} : memref<640xf32, #tpu.memory_space<vmem>>, vector<16xf32>,
      tpu.vector_store %arg6[%swap3A], %add3A_180 {strides = array<i32>} : memref<640xf32, #tpu.memory_space<vmem>>, vector<16xf32>,
      %scan3A_184 = arith.constant 0 : i32
      scf.yield %scan3A_184 : i32
    }
    %scan3A_118 = arith.constant 40 : i32
    %mul3A_119 = arith.constant 640 : i32
    %mul3A_120 = arith.muli %arg1, %mul3A_119 : i32
    %run_scoped3A_121 = arith.constant 11 : i32
    "tpu.region"() ({
      %run_scoped3A_171 = tpu.sem_alloc : memref<!tpu.dma_semaphore, #tpu.memory_space<semaphore_mem>>
      %dma_start3A = tpu.memref_slice %arg8[%run_scoped3A_121, %mul3A_120] : memref<16x10240xf32, #tpu.memory_space<vmem_shared>> -> memref<1x640xf32, #tpu.memory_space<vmem_shared>>
      %dma_start3A_172 = tpu.memref_squeeze %dma_start3A : memref<1x640xf32, #tpu.memory_space<vmem_shared>> -> memref<640xf32, #tpu.memory_space<vmem_shared>>
      %dma_start3A_173 = tpu.memref_slice %arg8[%run_scoped3A_121, %mul3A_120] : memref<16x10240xf32, #tpu.memory_space<vmem_shared>> -> memref<1x640xf32, #tpu.memory_space<vmem_shared>>
      %dma_start3A_174 = tpu.memref_squeeze %dma_start3A_173 : memref<1x640xf32, #tpu.memory_space<vmem_shared>> -> memref<640xf32, #tpu.memory_space<vmem_shared>>
      tpu.enqueue_dma source(%dma_start3A_174 : memref<640xf32, #tpu.memory_space<vmem_shared>>) target(%arg7 : memref<640xf32, #tpu.memory_space<vmem>>) target_semaphore(%run_scoped3A_171 : memref<!tpu.dma_semaphore, #tpu.memory_space<semaphore_mem>>)
      %dma_wait3A = tpu.memref_slice %arg8[%run_scoped3A_121, %mul3A_120] : memref<16x10240xf32, #tpu.memory_space<vmem_shared>> -> memref<1x640xf32, #tpu.memory_space<vmem_shared>>
      %dma_wait3A_175 = tpu.memref_squeeze %dma_wait3A : memref<1x640xf32, #tpu.memory_space<vmem_shared>> -> memref<640xf32, #tpu.memory_space<vmem_shared>>
      %dma_wait3A_176 = tpu.memref_slice %arg8[%run_scoped3A_121, %mul3A_120] : memref<16x10240xf32, #tpu.memory_space<vmem_shared>> -> memref<1x640xf32, #tpu.memory_space<vmem_shared>>
      %dma_wait3A_177 = tpu.memref_squeeze %dma_wait3A_176 : memref<1x640xf32, #tpu.memory_space<vmem_shared>> -> memref<640xf32, #tpu.memory_space<vmem_shared>>
      tpu.wait_dma2 semaphore(%run_scoped3A_171 : memref<!tpu.dma_semaphore, #tpu.memory_space<semaphore_mem>>) src(%dma_wait3A_177 : memref<640xf32, #tpu.memory_space<vmem_shared>>) dst(%arg7 : memref<640xf32, #tpu.memory_space<vmem>>)
      tpu.yield
    }) : () -> ()
    %scan3A_122 = arith.constant 0 : i32
    %scan3A_123 = arith.constant 0 : i32
    %scan3A_124 = arith.constant 40 : i32
    %scan3A_125 = arith.addi %scan3A_123, %scan3A_124 : i32
    %scan3A_126 = arith.constant 1 : i32
    %scan3A_127 = scf.for %scan3A_171 = %scan3A_123 to %scan3A_125 step %scan3A_126 iter_args(%scan3A_172 = %scan3A_122) -> (i32)  : i32 {
      %mul3A_173 = arith.constant 16 : i32
      %mul3A_174 = arith.muli %scan3A_171, %mul3A_173 : i32
      %get3A = arith.index_cast %mul3A_174 : i32 to index
      %get3A_175 = tpu.vector_load %arg6[%get3A] {strides = array<i32>} : memref<640xf32, #tpu.memory_space<vmem>>, vector<16xf32>,
      %mul3A_176 = arith.constant 16 : i32
      %mul3A_177 = arith.muli %scan3A_171, %mul3A_176 : i32
      %get3A_178 = arith.index_cast %mul3A_177 : i32 to index
      %get3A_179 = tpu.vector_load %arg7[%get3A_178] {strides = array<i32>} : memref<640xf32, #tpu.memory_space<vmem>>, vector<16xf32>,
      %add3A_180 = arith.addf %get3A_175, %get3A_179 : vector<16xf32>
      %mul3A_181 = arith.constant 16 : i32
      %mul3A_182 = arith.muli %scan3A_171, %mul3A_181 : i32
      %swap3A = arith.index_cast %mul3A_182 : i32 to index
      %swap3A_183 = tpu.vector_load %arg6[%swap3A] {strides = array<i32>} : memref<640xf32, #tpu.memory_space<vmem>>, vector<16xf32>,
      tpu.vector_store %arg6[%swap3A], %add3A_180 {strides = array<i32>} : memref<640xf32, #tpu.memory_space<vmem>>, vector<16xf32>,
      %scan3A_184 = arith.constant 0 : i32
      scf.yield %scan3A_184 : i32
    }
    %scan3A_128 = arith.constant 40 : i32
    %mul3A_129 = arith.constant 640 : i32
    %mul3A_130 = arith.muli %arg1, %mul3A_129 : i32
    %run_scoped3A_131 = arith.constant 12 : i32
    "tpu.region"() ({
      %run_scoped3A_171 = tpu.sem_alloc : memref<!tpu.dma_semaphore, #tpu.memory_space<semaphore_mem>>
      %dma_start3A = tpu.memref_slice %arg8[%run_scoped3A_131, %mul3A_130] : memref<16x10240xf32, #tpu.memory_space<vmem_shared>> -> memref<1x640xf32, #tpu.memory_space<vmem_shared>>
      %dma_start3A_172 = tpu.memref_squeeze %dma_start3A : memref<1x640xf32, #tpu.memory_space<vmem_shared>> -> memref<640xf32, #tpu.memory_space<vmem_shared>>
      %dma_start3A_173 = tpu.memref_slice %arg8[%run_scoped3A_131, %mul3A_130] : memref<16x10240xf32, #tpu.memory_space<vmem_shared>> -> memref<1x640xf32, #tpu.memory_space<vmem_shared>>
      %dma_start3A_174 = tpu.memref_squeeze %dma_start3A_173 : memref<1x640xf32, #tpu.memory_space<vmem_shared>> -> memref<640xf32, #tpu.memory_space<vmem_shared>>
      tpu.enqueue_dma source(%dma_start3A_174 : memref<640xf32, #tpu.memory_space<vmem_shared>>) target(%arg7 : memref<640xf32, #tpu.memory_space<vmem>>) target_semaphore(%run_scoped3A_171 : memref<!tpu.dma_semaphore, #tpu.memory_space<semaphore_mem>>)
      %dma_wait3A = tpu.memref_slice %arg8[%run_scoped3A_131, %mul3A_130] : memref<16x10240xf32, #tpu.memory_space<vmem_shared>> -> memref<1x640xf32, #tpu.memory_space<vmem_shared>>
      %dma_wait3A_175 = tpu.memref_squeeze %dma_wait3A : memref<1x640xf32, #tpu.memory_space<vmem_shared>> -> memref<640xf32, #tpu.memory_space<vmem_shared>>
      %dma_wait3A_176 = tpu.memref_slice %arg8[%run_scoped3A_131, %mul3A_130] : memref<16x10240xf32, #tpu.memory_space<vmem_shared>> -> memref<1x640xf32, #tpu.memory_space<vmem_shared>>
      %dma_wait3A_177 = tpu.memref_squeeze %dma_wait3A_176 : memref<1x640xf32, #tpu.memory_space<vmem_shared>> -> memref<640xf32, #tpu.memory_space<vmem_shared>>
      tpu.wait_dma2 semaphore(%run_scoped3A_171 : memref<!tpu.dma_semaphore, #tpu.memory_space<semaphore_mem>>) src(%dma_wait3A_177 : memref<640xf32, #tpu.memory_space<vmem_shared>>) dst(%arg7 : memref<640xf32, #tpu.memory_space<vmem>>)
      tpu.yield
    }) : () -> ()
    %scan3A_132 = arith.constant 0 : i32
    %scan3A_133 = arith.constant 0 : i32
    %scan3A_134 = arith.constant 40 : i32
    %scan3A_135 = arith.addi %scan3A_133, %scan3A_134 : i32
    %scan3A_136 = arith.constant 1 : i32
    %scan3A_137 = scf.for %scan3A_171 = %scan3A_133 to %scan3A_135 step %scan3A_136 iter_args(%scan3A_172 = %scan3A_132) -> (i32)  : i32 {
      %mul3A_173 = arith.constant 16 : i32
      %mul3A_174 = arith.muli %scan3A_171, %mul3A_173 : i32
      %get3A = arith.index_cast %mul3A_174 : i32 to index
      %get3A_175 = tpu.vector_load %arg6[%get3A] {strides = array<i32>} : memref<640xf32, #tpu.memory_space<vmem>>, vector<16xf32>,
      %mul3A_176 = arith.constant 16 : i32
      %mul3A_177 = arith.muli %scan3A_171, %mul3A_176 : i32
      %get3A_178 = arith.index_cast %mul3A_177 : i32 to index
      %get3A_179 = tpu.vector_load %arg7[%get3A_178] {strides = array<i32>} : memref<640xf32, #tpu.memory_space<vmem>>, vector<16xf32>,
      %add3A_180 = arith.addf %get3A_175, %get3A_179 : vector<16xf32>
      %mul3A_181 = arith.constant 16 : i32
      %mul3A_182 = arith.muli %scan3A_171, %mul3A_181 : i32
      %swap3A = arith.index_cast %mul3A_182 : i32 to index
      %swap3A_183 = tpu.vector_load %arg6[%swap3A] {strides = array<i32>} : memref<640xf32, #tpu.memory_space<vmem>>, vector<16xf32>,
      tpu.vector_store %arg6[%swap3A], %add3A_180 {strides = array<i32>} : memref<640xf32, #tpu.memory_space<vmem>>, vector<16xf32>,
      %scan3A_184 = arith.constant 0 : i32
      scf.yield %scan3A_184 : i32
    }
    %scan3A_138 = arith.constant 40 : i32
    %mul3A_139 = arith.constant 640 : i32
    %mul3A_140 = arith.muli %arg1, %mul3A_139 : i32
    %run_scoped3A_141 = arith.constant 13 : i32
    "tpu.region"() ({
      %run_scoped3A_171 = tpu.sem_alloc : memref<!tpu.dma_semaphore, #tpu.memory_space<semaphore_mem>>
      %dma_start3A = tpu.memref_slice %arg8[%run_scoped3A_141, %mul3A_140] : memref<16x10240xf32, #tpu.memory_space<vmem_shared>> -> memref<1x640xf32, #tpu.memory_space<vmem_shared>>
      %dma_start3A_172 = tpu.memref_squeeze %dma_start3A : memref<1x640xf32, #tpu.memory_space<vmem_shared>> -> memref<640xf32, #tpu.memory_space<vmem_shared>>
      %dma_start3A_173 = tpu.memref_slice %arg8[%run_scoped3A_141, %mul3A_140] : memref<16x10240xf32, #tpu.memory_space<vmem_shared>> -> memref<1x640xf32, #tpu.memory_space<vmem_shared>>
      %dma_start3A_174 = tpu.memref_squeeze %dma_start3A_173 : memref<1x640xf32, #tpu.memory_space<vmem_shared>> -> memref<640xf32, #tpu.memory_space<vmem_shared>>
      tpu.enqueue_dma source(%dma_start3A_174 : memref<640xf32, #tpu.memory_space<vmem_shared>>) target(%arg7 : memref<640xf32, #tpu.memory_space<vmem>>) target_semaphore(%run_scoped3A_171 : memref<!tpu.dma_semaphore, #tpu.memory_space<semaphore_mem>>)
      %dma_wait3A = tpu.memref_slice %arg8[%run_scoped3A_141, %mul3A_140] : memref<16x10240xf32, #tpu.memory_space<vmem_shared>> -> memref<1x640xf32, #tpu.memory_space<vmem_shared>>
      %dma_wait3A_175 = tpu.memref_squeeze %dma_wait3A : memref<1x640xf32, #tpu.memory_space<vmem_shared>> -> memref<640xf32, #tpu.memory_space<vmem_shared>>
      %dma_wait3A_176 = tpu.memref_slice %arg8[%run_scoped3A_141, %mul3A_140] : memref<16x10240xf32, #tpu.memory_space<vmem_shared>> -> memref<1x640xf32, #tpu.memory_space<vmem_shared>>
      %dma_wait3A_177 = tpu.memref_squeeze %dma_wait3A_176 : memref<1x640xf32, #tpu.memory_space<vmem_shared>> -> memref<640xf32, #tpu.memory_space<vmem_shared>>
      tpu.wait_dma2 semaphore(%run_scoped3A_171 : memref<!tpu.dma_semaphore, #tpu.memory_space<semaphore_mem>>) src(%dma_wait3A_177 : memref<640xf32, #tpu.memory_space<vmem_shared>>) dst(%arg7 : memref<640xf32, #tpu.memory_space<vmem>>)
      tpu.yield
    }) : () -> ()
    %scan3A_142 = arith.constant 0 : i32
    %scan3A_143 = arith.constant 0 : i32
    %scan3A_144 = arith.constant 40 : i32
    %scan3A_145 = arith.addi %scan3A_143, %scan3A_144 : i32
    %scan3A_146 = arith.constant 1 : i32
    %scan3A_147 = scf.for %scan3A_171 = %scan3A_143 to %scan3A_145 step %scan3A_146 iter_args(%scan3A_172 = %scan3A_142) -> (i32)  : i32 {
      %mul3A_173 = arith.constant 16 : i32
      %mul3A_174 = arith.muli %scan3A_171, %mul3A_173 : i32
      %get3A = arith.index_cast %mul3A_174 : i32 to index
      %get3A_175 = tpu.vector_load %arg6[%get3A] {strides = array<i32>} : memref<640xf32, #tpu.memory_space<vmem>>, vector<16xf32>,
      %mul3A_176 = arith.constant 16 : i32
      %mul3A_177 = arith.muli %scan3A_171, %mul3A_176 : i32
      %get3A_178 = arith.index_cast %mul3A_177 : i32 to index
      %get3A_179 = tpu.vector_load %arg7[%get3A_178] {strides = array<i32>} : memref<640xf32, #tpu.memory_space<vmem>>, vector<16xf32>,
      %add3A_180 = arith.addf %get3A_175, %get3A_179 : vector<16xf32>
      %mul3A_181 = arith.constant 16 : i32
      %mul3A_182 = arith.muli %scan3A_171, %mul3A_181 : i32
      %swap3A = arith.index_cast %mul3A_182 : i32 to index
      %swap3A_183 = tpu.vector_load %arg6[%swap3A] {strides = array<i32>} : memref<640xf32, #tpu.memory_space<vmem>>, vector<16xf32>,
      tpu.vector_store %arg6[%swap3A], %add3A_180 {strides = array<i32>} : memref<640xf32, #tpu.memory_space<vmem>>, vector<16xf32>,
      %scan3A_184 = arith.constant 0 : i32
      scf.yield %scan3A_184 : i32
    }
    %scan3A_148 = arith.constant 40 : i32
    %mul3A_149 = arith.constant 640 : i32
    %mul3A_150 = arith.muli %arg1, %mul3A_149 : i32
    %run_scoped3A_151 = arith.constant 14 : i32
    "tpu.region"() ({
      %run_scoped3A_171 = tpu.sem_alloc : memref<!tpu.dma_semaphore, #tpu.memory_space<semaphore_mem>>
      %dma_start3A = tpu.memref_slice %arg8[%run_scoped3A_151, %mul3A_150] : memref<16x10240xf32, #tpu.memory_space<vmem_shared>> -> memref<1x640xf32, #tpu.memory_space<vmem_shared>>
      %dma_start3A_172 = tpu.memref_squeeze %dma_start3A : memref<1x640xf32, #tpu.memory_space<vmem_shared>> -> memref<640xf32, #tpu.memory_space<vmem_shared>>
      %dma_start3A_173 = tpu.memref_slice %arg8[%run_scoped3A_151, %mul3A_150] : memref<16x10240xf32, #tpu.memory_space<vmem_shared>> -> memref<1x640xf32, #tpu.memory_space<vmem_shared>>
      %dma_start3A_174 = tpu.memref_squeeze %dma_start3A_173 : memref<1x640xf32, #tpu.memory_space<vmem_shared>> -> memref<640xf32, #tpu.memory_space<vmem_shared>>
      tpu.enqueue_dma source(%dma_start3A_174 : memref<640xf32, #tpu.memory_space<vmem_shared>>) target(%arg7 : memref<640xf32, #tpu.memory_space<vmem>>) target_semaphore(%run_scoped3A_171 : memref<!tpu.dma_semaphore, #tpu.memory_space<semaphore_mem>>)
      %dma_wait3A = tpu.memref_slice %arg8[%run_scoped3A_151, %mul3A_150] : memref<16x10240xf32, #tpu.memory_space<vmem_shared>> -> memref<1x640xf32, #tpu.memory_space<vmem_shared>>
      %dma_wait3A_175 = tpu.memref_squeeze %dma_wait3A : memref<1x640xf32, #tpu.memory_space<vmem_shared>> -> memref<640xf32, #tpu.memory_space<vmem_shared>>
      %dma_wait3A_176 = tpu.memref_slice %arg8[%run_scoped3A_151, %mul3A_150] : memref<16x10240xf32, #tpu.memory_space<vmem_shared>> -> memref<1x640xf32, #tpu.memory_space<vmem_shared>>
      %dma_wait3A_177 = tpu.memref_squeeze %dma_wait3A_176 : memref<1x640xf32, #tpu.memory_space<vmem_shared>> -> memref<640xf32, #tpu.memory_space<vmem_shared>>
      tpu.wait_dma2 semaphore(%run_scoped3A_171 : memref<!tpu.dma_semaphore, #tpu.memory_space<semaphore_mem>>) src(%dma_wait3A_177 : memref<640xf32, #tpu.memory_space<vmem_shared>>) dst(%arg7 : memref<640xf32, #tpu.memory_space<vmem>>)
      tpu.yield
    }) : () -> ()
    %scan3A_152 = arith.constant 0 : i32
    %scan3A_153 = arith.constant 0 : i32
    %scan3A_154 = arith.constant 40 : i32
    %scan3A_155 = arith.addi %scan3A_153, %scan3A_154 : i32
    %scan3A_156 = arith.constant 1 : i32
    %scan3A_157 = scf.for %scan3A_171 = %scan3A_153 to %scan3A_155 step %scan3A_156 iter_args(%scan3A_172 = %scan3A_152) -> (i32)  : i32 {
      %mul3A_173 = arith.constant 16 : i32
      %mul3A_174 = arith.muli %scan3A_171, %mul3A_173 : i32
      %get3A = arith.index_cast %mul3A_174 : i32 to index
      %get3A_175 = tpu.vector_load %arg6[%get3A] {strides = array<i32>} : memref<640xf32, #tpu.memory_space<vmem>>, vector<16xf32>,
      %mul3A_176 = arith.constant 16 : i32
      %mul3A_177 = arith.muli %scan3A_171, %mul3A_176 : i32
      %get3A_178 = arith.index_cast %mul3A_177 : i32 to index
      %get3A_179 = tpu.vector_load %arg7[%get3A_178] {strides = array<i32>} : memref<640xf32, #tpu.memory_space<vmem>>, vector<16xf32>,
      %add3A_180 = arith.addf %get3A_175, %get3A_179 : vector<16xf32>
      %mul3A_181 = arith.constant 16 : i32
      %mul3A_182 = arith.muli %scan3A_171, %mul3A_181 : i32
      %swap3A = arith.index_cast %mul3A_182 : i32 to index
      %swap3A_183 = tpu.vector_load %arg6[%swap3A] {strides = array<i32>} : memref<640xf32, #tpu.memory_space<vmem>>, vector<16xf32>,
      tpu.vector_store %arg6[%swap3A], %add3A_180 {strides = array<i32>} : memref<640xf32, #tpu.memory_space<vmem>>, vector<16xf32>,
      %scan3A_184 = arith.constant 0 : i32
      scf.yield %scan3A_184 : i32
    }
    %scan3A_158 = arith.constant 40 : i32
    %mul3A_159 = arith.constant 640 : i32
    %mul3A_160 = arith.muli %arg1, %mul3A_159 : i32
    %run_scoped3A_161 = arith.constant 15 : i32
    "tpu.region"() ({
      %run_scoped3A_171 = tpu.sem_alloc : memref<!tpu.dma_semaphore, #tpu.memory_space<semaphore_mem>>
      %dma_start3A = tpu.memref_slice %arg8[%run_scoped3A_161, %mul3A_160] : memref<16x10240xf32, #tpu.memory_space<vmem_shared>> -> memref<1x640xf32, #tpu.memory_space<vmem_shared>>
      %dma_start3A_172 = tpu.memref_squeeze %dma_start3A : memref<1x640xf32, #tpu.memory_space<vmem_shared>> -> memref<640xf32, #tpu.memory_space<vmem_shared>>
      %dma_start3A_173 = tpu.memref_slice %arg8[%run_scoped3A_161, %mul3A_160] : memref<16x10240xf32, #tpu.memory_space<vmem_shared>> -> memref<1x640xf32, #tpu.memory_space<vmem_shared>>
      %dma_start3A_174 = tpu.memref_squeeze %dma_start3A_173 : memref<1x640xf32, #tpu.memory_space<vmem_shared>> -> memref<640xf32, #tpu.memory_space<vmem_shared>>
      tpu.enqueue_dma source(%dma_start3A_174 : memref<640xf32, #tpu.memory_space<vmem_shared>>) target(%arg7 : memref<640xf32, #tpu.memory_space<vmem>>) target_semaphore(%run_scoped3A_171 : memref<!tpu.dma_semaphore, #tpu.memory_space<semaphore_mem>>)
      %dma_wait3A = tpu.memref_slice %arg8[%run_scoped3A_161, %mul3A_160] : memref<16x10240xf32, #tpu.memory_space<vmem_shared>> -> memref<1x640xf32, #tpu.memory_space<vmem_shared>>
      %dma_wait3A_175 = tpu.memref_squeeze %dma_wait3A : memref<1x640xf32, #tpu.memory_space<vmem_shared>> -> memref<640xf32, #tpu.memory_space<vmem_shared>>
      %dma_wait3A_176 = tpu.memref_slice %arg8[%run_scoped3A_161, %mul3A_160] : memref<16x10240xf32, #tpu.memory_space<vmem_shared>> -> memref<1x640xf32, #tpu.memory_space<vmem_shared>>
      %dma_wait3A_177 = tpu.memref_squeeze %dma_wait3A_176 : memref<1x640xf32, #tpu.memory_space<vmem_shared>> -> memref<640xf32, #tpu.memory_space<vmem_shared>>
      tpu.wait_dma2 semaphore(%run_scoped3A_171 : memref<!tpu.dma_semaphore, #tpu.memory_space<semaphore_mem>>) src(%dma_wait3A_177 : memref<640xf32, #tpu.memory_space<vmem_shared>>) dst(%arg7 : memref<640xf32, #tpu.memory_space<vmem>>)
      tpu.yield
    }) : () -> ()
    %scan3A_162 = arith.constant 0 : i32
    %scan3A_163 = arith.constant 0 : i32
    %scan3A_164 = arith.constant 40 : i32
    %scan3A_165 = arith.addi %scan3A_163, %scan3A_164 : i32
    %scan3A_166 = arith.constant 1 : i32
    %scan3A_167 = scf.for %scan3A_171 = %scan3A_163 to %scan3A_165 step %scan3A_166 iter_args(%scan3A_172 = %scan3A_162) -> (i32)  : i32 {
      %mul3A_173 = arith.constant 16 : i32
      %mul3A_174 = arith.muli %scan3A_171, %mul3A_173 : i32
      %get3A = arith.index_cast %mul3A_174 : i32 to index
      %get3A_175 = tpu.vector_load %arg6[%get3A] {strides = array<i32>} : memref<640xf32, #tpu.memory_space<vmem>>, vector<16xf32>,
      %mul3A_176 = arith.constant 16 : i32
      %mul3A_177 = arith.muli %scan3A_171, %mul3A_176 : i32
      %get3A_178 = arith.index_cast %mul3A_177 : i32 to index
      %get3A_179 = tpu.vector_load %arg7[%get3A_178] {strides = array<i32>} : memref<640xf32, #tpu.memory_space<vmem>>, vector<16xf32>,
      %add3A_180 = arith.addf %get3A_175, %get3A_179 : vector<16xf32>
      %mul3A_181 = arith.constant 16 : i32
      %mul3A_182 = arith.muli %scan3A_171, %mul3A_181 : i32
      %swap3A = arith.index_cast %mul3A_182 : i32 to index
      %swap3A_183 = tpu.vector_load %arg6[%swap3A] {strides = array<i32>} : memref<640xf32, #tpu.memory_space<vmem>>, vector<16xf32>,
      tpu.vector_store %arg6[%swap3A], %add3A_180 {strides = array<i32>} : memref<640xf32, #tpu.memory_space<vmem>>, vector<16xf32>,
      %scan3A_184 = arith.constant 0 : i32
      scf.yield %scan3A_184 : i32
    }
    %scan3A_168 = arith.constant 40 : i32
    %mul3A_169 = arith.constant 640 : i32
    %mul3A_170 = arith.muli %arg1, %mul3A_169 : i32
    "tpu.region"() ({
      %run_scoped3A_171 = tpu.sem_alloc : memref<!tpu.dma_semaphore, #tpu.memory_space<semaphore_mem>>
      %dma_start3A = arith.constant 0 : i32
      %dma_start3A_172 = tpu.memref_slice %arg3[%arg0, %dma_start3A] : memref<2x10240xf32, #tpu.memory_space<hbm>> -> memref<1x10240xf32, #tpu.memory_space<hbm>>
      %dma_start3A_173 = tpu.memref_squeeze %dma_start3A_172 : memref<1x10240xf32, #tpu.memory_space<hbm>> -> memref<10240xf32, #tpu.memory_space<hbm>>
      %dma_start3A_174 = tpu.memref_slice %dma_start3A_173[%mul3A_170] : memref<10240xf32, #tpu.memory_space<hbm>> -> memref<640xf32, #tpu.memory_space<hbm>>
      %dma_start3A_175 = arith.constant 0 : i32
      %dma_start3A_176 = tpu.memref_slice %arg3[%arg0, %dma_start3A_175] : memref<2x10240xf32, #tpu.memory_space<hbm>> -> memref<1x10240xf32, #tpu.memory_space<hbm>>
      %dma_start3A_177 = tpu.memref_squeeze %dma_start3A_176 : memref<1x10240xf32, #tpu.memory_space<hbm>> -> memref<10240xf32, #tpu.memory_space<hbm>>
      %dma_start3A_178 = tpu.memref_slice %dma_start3A_177[%mul3A_170] : memref<10240xf32, #tpu.memory_space<hbm>> -> memref<640xf32, #tpu.memory_space<hbm>>
      tpu.enqueue_dma source(%arg6 : memref<640xf32, #tpu.memory_space<vmem>>) target(%dma_start3A_178 : memref<640xf32, #tpu.memory_space<hbm>>) target_semaphore(%run_scoped3A_171 : memref<!tpu.dma_semaphore, #tpu.memory_space<semaphore_mem>>)
      %dma_wait3A = arith.constant 0 : i32
      %dma_wait3A_179 = tpu.memref_slice %arg3[%arg0, %dma_wait3A] : memref<2x10240xf32, #tpu.memory_space<hbm>> -> memref<1x10240xf32, #tpu.memory_space<hbm>>
      %dma_wait3A_180 = tpu.memref_squeeze %dma_wait3A_179 : memref<1x10240xf32, #tpu.memory_space<hbm>> -> memref<10240xf32, #tpu.memory_space<hbm>>
      %dma_wait3A_181 = tpu.memref_slice %dma_wait3A_180[%mul3A_170] : memref<10240xf32, #tpu.memory_space<hbm>> -> memref<640xf32, #tpu.memory_space<hbm>>
      %dma_wait3A_182 = arith.constant 0 : i32
      %dma_wait3A_183 = tpu.memref_slice %arg3[%arg0, %dma_wait3A_182] : memref<2x10240xf32, #tpu.memory_space<hbm>> -> memref<1x10240xf32, #tpu.memory_space<hbm>>
      %dma_wait3A_184 = tpu.memref_squeeze %dma_wait3A_183 : memref<1x10240xf32, #tpu.memory_space<hbm>> -> memref<10240xf32, #tpu.memory_space<hbm>>
      %dma_wait3A_185 = tpu.memref_slice %dma_wait3A_184[%mul3A_170] : memref<10240xf32, #tpu.memory_space<hbm>> -> memref<640xf32, #tpu.memory_space<hbm>>
      tpu.wait_dma2 semaphore(%run_scoped3A_171 : memref<!tpu.dma_semaphore, #tpu.memory_space<semaphore_mem>>) src(%arg6 : memref<640xf32, #tpu.memory_space<vmem>>) dst(%dma_wait3A_185 : memref<640xf32, #tpu.memory_space<hbm>>)
      tpu.yield
    }) : () -> ()
    return
  }
}

#map = affine_map<(d0, d1) -> (0)>
#map1 = affine_map<(d0, d1) -> (0, 0)>
#map2 = affine_map<(d0, d1) -> (0, 0, 0)>
module attributes {stable_mosaic.version = 14 : i64} {
  func.func @_edge_kernel(%arg0: i32, %arg1: i32, %arg2: memref<320000xi32, #tpu.memory_space<hbm>>, %arg3: memref<320000xi32, #tpu.memory_space<hbm>>, %arg4: memref<10000xf32, #tpu.memory_space<hbm>>, %arg5: memref<10000x128xf32, #tpu.memory_space<hbm>>, %arg6: memref<2x10240x128xf32, #tpu.memory_space<hbm>>, %arg7: memref<2x10240xf32, #tpu.memory_space<hbm>>, %arg8: memref<10000xf32, #tpu.memory_space<vmem>>, %arg9: memref<10240xf32, #tpu.memory_space<vmem>>, %arg10: memref<80xi32, #tpu.memory_space<vmem>>, %arg11: memref<80xi32, #tpu.memory_space<vmem>>, %arg12: memref<80x128xf32, #tpu.memory_space<vmem>>, %arg13: memref<640xf32, #tpu.memory_space<vmem>>, %arg14: memref<640xf32, #tpu.memory_space<vmem>>, %arg15: memref<10240x128xf32, #tpu.memory_space<vmem_shared>>, %arg16: memref<16x10240xf32, #tpu.memory_space<vmem_shared>>, %arg17: memref<!tpu.dma_semaphore, #tpu.memory_space<semaphore_mem>>, %arg18: memref<!tpu.dma_semaphore, #tpu.memory_space<semaphore_mem>>) attributes {dimension_semantics = [#tpu.dimension_semantics<core_parallel>, #tpu.dimension_semantics<subcore_parallel>], iteration_bounds = array<i64: 2, 16>, scalar_prefetch = 0 : i64, scratch_operands = 11 : i64, tpu.core_type = #tpu.core_type<sc_vector_subcore>, window_params = [{transform_indices = #map}, {transform_indices = #map}, {transform_indices = #map}, {transform_indices = #map1}, {transform_indices = #map2}, {transform_indices = #map1}]} {
    %mul3A = arith.constant 2 : i32
    %mul3A_0 = arith.muli %arg1, %mul3A : i32
    %add3A = arith.addi %mul3A_0, %arg0 : i32
    %broadcast_in_dim3A = arith.constant 0.000000e+00 : f32
    %broadcast_in_dim3A_1 = vector.broadcast %broadcast_in_dim3A : f32 to vector<16xf32>
    "tpu.region"() ({
      %run_scoped3A_216 = tpu.sem_alloc : memref<!tpu.dma_semaphore, #tpu.memory_space<semaphore_mem>>
      tpu.enqueue_dma source(%arg4 : memref<10000xf32, #tpu.memory_space<hbm>>) target(%arg8 : memref<10000xf32, #tpu.memory_space<vmem>>) target_semaphore(%run_scoped3A_216 : memref<!tpu.dma_semaphore, #tpu.memory_space<semaphore_mem>>)
      tpu.wait_dma2 semaphore(%run_scoped3A_216 : memref<!tpu.dma_semaphore, #tpu.memory_space<semaphore_mem>>) src(%arg4 : memref<10000xf32, #tpu.memory_space<hbm>>) dst(%arg8 : memref<10000xf32, #tpu.memory_space<vmem>>)
      tpu.yield
    }) : () -> ()
    %broadcast_in_dim3A_2 = arith.constant 0.000000e+00 : f32
    %broadcast_in_dim3A_3 = vector.broadcast %broadcast_in_dim3A_2 : f32 to vector<16xf32>
    %scan3A = arith.constant 0 : i32
    %scan3A_4 = arith.constant 0 : i32
    %scan3A_5 = arith.constant 640 : i32
    %scan3A_6 = arith.addi %scan3A_4, %scan3A_5 : i32
    %scan3A_7 = arith.constant 1 : i32
    %scan3A_8 = scf.for %scan3A_216 = %scan3A_4 to %scan3A_6 step %scan3A_7 iter_args(%scan3A_217 = %scan3A) -> (i32)  : i32 {
      %mul3A_218 = arith.constant 16 : i32
      %mul3A_219 = arith.muli %scan3A_216, %mul3A_218 : i32
      %swap3A = arith.index_cast %mul3A_219 : i32 to index
      %swap3A_220 = tpu.vector_load %arg9[%swap3A] {strides = array<i32>} : memref<10240xf32, #tpu.memory_space<vmem>>, vector<16xf32>,
      tpu.vector_store %arg9[%swap3A], %broadcast_in_dim3A_3 {strides = array<i32>} : memref<10240xf32, #tpu.memory_space<vmem>>, vector<16xf32>,
      %scan3A_221 = arith.constant 0 : i32
      scf.yield %scan3A_221 : i32
    }
    %scan3A_9 = arith.constant 640 : i32
    %scan3A_10 = arith.constant 0 : i32
    %scan3A_11 = arith.constant 0 : i32
    %scan3A_12 = arith.constant 80 : i32
    %scan3A_13 = arith.addi %scan3A_11, %scan3A_12 : i32
    %scan3A_14 = arith.constant 1 : i32
    %scan3A_15 = scf.for %scan3A_216 = %scan3A_11 to %scan3A_13 step %scan3A_14 iter_args(%scan3A_217 = %scan3A_10) -> (i32)  : i32 {
      %swap3A = arith.index_cast %scan3A_216 : i32 to index
      %swap3A_218 = arith.constant 0 : index
      %swap3A_219 = tpu.vector_load %arg12[%swap3A, %swap3A_218] {strides = array<i32>} : memref<80x128xf32, #tpu.memory_space<vmem>>, vector<16xf32>,
      tpu.vector_store %arg12[%swap3A, %swap3A_218], %broadcast_in_dim3A_1 {strides = array<i32>} : memref<80x128xf32, #tpu.memory_space<vmem>>, vector<16xf32>,
      %swap3A_220 = arith.index_cast %scan3A_216 : i32 to index
      %swap3A_221 = arith.constant 16 : index
      %swap3A_222 = tpu.vector_load %arg12[%swap3A_220, %swap3A_221] {strides = array<i32>} : memref<80x128xf32, #tpu.memory_space<vmem>>, vector<16xf32>,
      tpu.vector_store %arg12[%swap3A_220, %swap3A_221], %broadcast_in_dim3A_1 {strides = array<i32>} : memref<80x128xf32, #tpu.memory_space<vmem>>, vector<16xf32>,
      %swap3A_223 = arith.index_cast %scan3A_216 : i32 to index
      %swap3A_224 = arith.constant 32 : index
      %swap3A_225 = tpu.vector_load %arg12[%swap3A_223, %swap3A_224] {strides = array<i32>} : memref<80x128xf32, #tpu.memory_space<vmem>>, vector<16xf32>,
      tpu.vector_store %arg12[%swap3A_223, %swap3A_224], %broadcast_in_dim3A_1 {strides = array<i32>} : memref<80x128xf32, #tpu.memory_space<vmem>>, vector<16xf32>,
      %swap3A_226 = arith.index_cast %scan3A_216 : i32 to index
      %swap3A_227 = arith.constant 48 : index
      %swap3A_228 = tpu.vector_load %arg12[%swap3A_226, %swap3A_227] {strides = array<i32>} : memref<80x128xf32, #tpu.memory_space<vmem>>, vector<16xf32>,
      tpu.vector_store %arg12[%swap3A_226, %swap3A_227], %broadcast_in_dim3A_1 {strides = array<i32>} : memref<80x128xf32, #tpu.memory_space<vmem>>, vector<16xf32>,
      %swap3A_229 = arith.index_cast %scan3A_216 : i32 to index
      %swap3A_230 = arith.constant 64 : index
      %swap3A_231 = tpu.vector_load %arg12[%swap3A_229, %swap3A_230] {strides = array<i32>} : memref<80x128xf32, #tpu.memory_space<vmem>>, vector<16xf32>,
      tpu.vector_store %arg12[%swap3A_229, %swap3A_230], %broadcast_in_dim3A_1 {strides = array<i32>} : memref<80x128xf32, #tpu.memory_space<vmem>>, vector<16xf32>,
      %swap3A_232 = arith.index_cast %scan3A_216 : i32 to index
      %swap3A_233 = arith.constant 80 : index
      %swap3A_234 = tpu.vector_load %arg12[%swap3A_232, %swap3A_233] {strides = array<i32>} : memref<80x128xf32, #tpu.memory_space<vmem>>, vector<16xf32>,
      tpu.vector_store %arg12[%swap3A_232, %swap3A_233], %broadcast_in_dim3A_1 {strides = array<i32>} : memref<80x128xf32, #tpu.memory_space<vmem>>, vector<16xf32>,
      %swap3A_235 = arith.index_cast %scan3A_216 : i32 to index
      %swap3A_236 = arith.constant 96 : index
      %swap3A_237 = tpu.vector_load %arg12[%swap3A_235, %swap3A_236] {strides = array<i32>} : memref<80x128xf32, #tpu.memory_space<vmem>>, vector<16xf32>,
      tpu.vector_store %arg12[%swap3A_235, %swap3A_236], %broadcast_in_dim3A_1 {strides = array<i32>} : memref<80x128xf32, #tpu.memory_space<vmem>>, vector<16xf32>,
      %swap3A_238 = arith.index_cast %scan3A_216 : i32 to index
      %swap3A_239 = arith.constant 112 : index
      %swap3A_240 = tpu.vector_load %arg12[%swap3A_238, %swap3A_239] {strides = array<i32>} : memref<80x128xf32, #tpu.memory_space<vmem>>, vector<16xf32>,
      tpu.vector_store %arg12[%swap3A_238, %swap3A_239], %broadcast_in_dim3A_1 {strides = array<i32>} : memref<80x128xf32, #tpu.memory_space<vmem>>, vector<16xf32>,
      %scan3A_241 = arith.constant 0 : i32
      scf.yield %scan3A_241 : i32
    }
    %scan3A_16 = arith.constant 80 : i32
    %mul3A_17 = arith.constant 640 : i32
    %mul3A_18 = arith.muli %arg1, %mul3A_17 : i32
    %add3A_19 = arith.constant 0 : i32
    %add3A_20 = arith.addi %mul3A_18, %add3A_19 : i32
    "tpu.region"() ({
      %run_scoped3A_216 = tpu.sem_alloc : memref<!tpu.dma_semaphore, #tpu.memory_space<semaphore_mem>>
      %dma_start3A = arith.constant 0 : i32
      %dma_start3A_217 = arith.constant 0 : i32
      %dma_start3A_218 = tpu.memref_slice %arg12[%dma_start3A, %dma_start3A_217] : memref<80x128xf32, #tpu.memory_space<vmem>> -> memref<80x128xf32, #tpu.memory_space<vmem>>
      %dma_start3A_219 = arith.constant 0 : i32
      %dma_start3A_220 = tpu.memref_slice %arg15[%add3A_20, %dma_start3A_219] : memref<10240x128xf32, #tpu.memory_space<vmem_shared>> -> memref<80x128xf32, #tpu.memory_space<vmem_shared>>
      %dma_start3A_221 = arith.constant 0 : i32
      %dma_start3A_222 = tpu.memref_slice %arg15[%add3A_20, %dma_start3A_221] : memref<10240x128xf32, #tpu.memory_space<vmem_shared>> -> memref<80x128xf32, #tpu.memory_space<vmem_shared>>
      %dma_start3A_223 = arith.constant 0 : i32
      %dma_start3A_224 = arith.constant 0 : i32
      %dma_start3A_225 = tpu.memref_slice %arg12[%dma_start3A_223, %dma_start3A_224] : memref<80x128xf32, #tpu.memory_space<vmem>> -> memref<80x128xf32, #tpu.memory_space<vmem>>
      tpu.enqueue_dma source(%dma_start3A_225 : memref<80x128xf32, #tpu.memory_space<vmem>>) target(%dma_start3A_222 : memref<80x128xf32, #tpu.memory_space<vmem_shared>>) target_semaphore(%run_scoped3A_216 : memref<!tpu.dma_semaphore, #tpu.memory_space<semaphore_mem>>)
      %dma_wait3A = arith.constant 0 : i32
      %dma_wait3A_226 = arith.constant 0 : i32
      %dma_wait3A_227 = tpu.memref_slice %arg12[%dma_wait3A, %dma_wait3A_226] : memref<80x128xf32, #tpu.memory_space<vmem>> -> memref<80x128xf32, #tpu.memory_space<vmem>>
      %dma_wait3A_228 = arith.constant 0 : i32
      %dma_wait3A_229 = tpu.memref_slice %arg15[%add3A_20, %dma_wait3A_228] : memref<10240x128xf32, #tpu.memory_space<vmem_shared>> -> memref<80x128xf32, #tpu.memory_space<vmem_shared>>
      %dma_wait3A_230 = arith.constant 0 : i32
      %dma_wait3A_231 = tpu.memref_slice %arg15[%add3A_20, %dma_wait3A_230] : memref<10240x128xf32, #tpu.memory_space<vmem_shared>> -> memref<80x128xf32, #tpu.memory_space<vmem_shared>>
      %dma_wait3A_232 = arith.constant 0 : i32
      %dma_wait3A_233 = arith.constant 0 : i32
      %dma_wait3A_234 = tpu.memref_slice %arg12[%dma_wait3A_232, %dma_wait3A_233] : memref<80x128xf32, #tpu.memory_space<vmem>> -> memref<80x128xf32, #tpu.memory_space<vmem>>
      tpu.wait_dma2 semaphore(%run_scoped3A_216 : memref<!tpu.dma_semaphore, #tpu.memory_space<semaphore_mem>>) src(%dma_wait3A_234 : memref<80x128xf32, #tpu.memory_space<vmem>>) dst(%dma_wait3A_231 : memref<80x128xf32, #tpu.memory_space<vmem_shared>>)
      tpu.yield
    }) : () -> ()
    %mul3A_21 = arith.constant 640 : i32
    %mul3A_22 = arith.muli %arg1, %mul3A_21 : i32
    %add3A_23 = arith.constant 80 : i32
    %add3A_24 = arith.addi %mul3A_22, %add3A_23 : i32
    "tpu.region"() ({
      %run_scoped3A_216 = tpu.sem_alloc : memref<!tpu.dma_semaphore, #tpu.memory_space<semaphore_mem>>
      %dma_start3A = arith.constant 0 : i32
      %dma_start3A_217 = arith.constant 0 : i32
      %dma_start3A_218 = tpu.memref_slice %arg12[%dma_start3A, %dma_start3A_217] : memref<80x128xf32, #tpu.memory_space<vmem>> -> memref<80x128xf32, #tpu.memory_space<vmem>>
      %dma_start3A_219 = arith.constant 0 : i32
      %dma_start3A_220 = tpu.memref_slice %arg15[%add3A_24, %dma_start3A_219] : memref<10240x128xf32, #tpu.memory_space<vmem_shared>> -> memref<80x128xf32, #tpu.memory_space<vmem_shared>>
      %dma_start3A_221 = arith.constant 0 : i32
      %dma_start3A_222 = tpu.memref_slice %arg15[%add3A_24, %dma_start3A_221] : memref<10240x128xf32, #tpu.memory_space<vmem_shared>> -> memref<80x128xf32, #tpu.memory_space<vmem_shared>>
      %dma_start3A_223 = arith.constant 0 : i32
      %dma_start3A_224 = arith.constant 0 : i32
      %dma_start3A_225 = tpu.memref_slice %arg12[%dma_start3A_223, %dma_start3A_224] : memref<80x128xf32, #tpu.memory_space<vmem>> -> memref<80x128xf32, #tpu.memory_space<vmem>>
      tpu.enqueue_dma source(%dma_start3A_225 : memref<80x128xf32, #tpu.memory_space<vmem>>) target(%dma_start3A_222 : memref<80x128xf32, #tpu.memory_space<vmem_shared>>) target_semaphore(%run_scoped3A_216 : memref<!tpu.dma_semaphore, #tpu.memory_space<semaphore_mem>>)
      %dma_wait3A = arith.constant 0 : i32
      %dma_wait3A_226 = arith.constant 0 : i32
      %dma_wait3A_227 = tpu.memref_slice %arg12[%dma_wait3A, %dma_wait3A_226] : memref<80x128xf32, #tpu.memory_space<vmem>> -> memref<80x128xf32, #tpu.memory_space<vmem>>
      %dma_wait3A_228 = arith.constant 0 : i32
      %dma_wait3A_229 = tpu.memref_slice %arg15[%add3A_24, %dma_wait3A_228] : memref<10240x128xf32, #tpu.memory_space<vmem_shared>> -> memref<80x128xf32, #tpu.memory_space<vmem_shared>>
      %dma_wait3A_230 = arith.constant 0 : i32
      %dma_wait3A_231 = tpu.memref_slice %arg15[%add3A_24, %dma_wait3A_230] : memref<10240x128xf32, #tpu.memory_space<vmem_shared>> -> memref<80x128xf32, #tpu.memory_space<vmem_shared>>
      %dma_wait3A_232 = arith.constant 0 : i32
      %dma_wait3A_233 = arith.constant 0 : i32
      %dma_wait3A_234 = tpu.memref_slice %arg12[%dma_wait3A_232, %dma_wait3A_233] : memref<80x128xf32, #tpu.memory_space<vmem>> -> memref<80x128xf32, #tpu.memory_space<vmem>>
      tpu.wait_dma2 semaphore(%run_scoped3A_216 : memref<!tpu.dma_semaphore, #tpu.memory_space<semaphore_mem>>) src(%dma_wait3A_234 : memref<80x128xf32, #tpu.memory_space<vmem>>) dst(%dma_wait3A_231 : memref<80x128xf32, #tpu.memory_space<vmem_shared>>)
      tpu.yield
    }) : () -> ()
    %mul3A_25 = arith.constant 640 : i32
    %mul3A_26 = arith.muli %arg1, %mul3A_25 : i32
    %add3A_27 = arith.constant 160 : i32
    %add3A_28 = arith.addi %mul3A_26, %add3A_27 : i32
    "tpu.region"() ({
      %run_scoped3A_216 = tpu.sem_alloc : memref<!tpu.dma_semaphore, #tpu.memory_space<semaphore_mem>>
      %dma_start3A = arith.constant 0 : i32
      %dma_start3A_217 = arith.constant 0 : i32
      %dma_start3A_218 = tpu.memref_slice %arg12[%dma_start3A, %dma_start3A_217] : memref<80x128xf32, #tpu.memory_space<vmem>> -> memref<80x128xf32, #tpu.memory_space<vmem>>
      %dma_start3A_219 = arith.constant 0 : i32
      %dma_start3A_220 = tpu.memref_slice %arg15[%add3A_28, %dma_start3A_219] : memref<10240x128xf32, #tpu.memory_space<vmem_shared>> -> memref<80x128xf32, #tpu.memory_space<vmem_shared>>
      %dma_start3A_221 = arith.constant 0 : i32
      %dma_start3A_222 = tpu.memref_slice %arg15[%add3A_28, %dma_start3A_221] : memref<10240x128xf32, #tpu.memory_space<vmem_shared>> -> memref<80x128xf32, #tpu.memory_space<vmem_shared>>
      %dma_start3A_223 = arith.constant 0 : i32
      %dma_start3A_224 = arith.constant 0 : i32
      %dma_start3A_225 = tpu.memref_slice %arg12[%dma_start3A_223, %dma_start3A_224] : memref<80x128xf32, #tpu.memory_space<vmem>> -> memref<80x128xf32, #tpu.memory_space<vmem>>
      tpu.enqueue_dma source(%dma_start3A_225 : memref<80x128xf32, #tpu.memory_space<vmem>>) target(%dma_start3A_222 : memref<80x128xf32, #tpu.memory_space<vmem_shared>>) target_semaphore(%run_scoped3A_216 : memref<!tpu.dma_semaphore, #tpu.memory_space<semaphore_mem>>)
      %dma_wait3A = arith.constant 0 : i32
      %dma_wait3A_226 = arith.constant 0 : i32
      %dma_wait3A_227 = tpu.memref_slice %arg12[%dma_wait3A, %dma_wait3A_226] : memref<80x128xf32, #tpu.memory_space<vmem>> -> memref<80x128xf32, #tpu.memory_space<vmem>>
      %dma_wait3A_228 = arith.constant 0 : i32
      %dma_wait3A_229 = tpu.memref_slice %arg15[%add3A_28, %dma_wait3A_228] : memref<10240x128xf32, #tpu.memory_space<vmem_shared>> -> memref<80x128xf32, #tpu.memory_space<vmem_shared>>
      %dma_wait3A_230 = arith.constant 0 : i32
      %dma_wait3A_231 = tpu.memref_slice %arg15[%add3A_28, %dma_wait3A_230] : memref<10240x128xf32, #tpu.memory_space<vmem_shared>> -> memref<80x128xf32, #tpu.memory_space<vmem_shared>>
      %dma_wait3A_232 = arith.constant 0 : i32
      %dma_wait3A_233 = arith.constant 0 : i32
      %dma_wait3A_234 = tpu.memref_slice %arg12[%dma_wait3A_232, %dma_wait3A_233] : memref<80x128xf32, #tpu.memory_space<vmem>> -> memref<80x128xf32, #tpu.memory_space<vmem>>
      tpu.wait_dma2 semaphore(%run_scoped3A_216 : memref<!tpu.dma_semaphore, #tpu.memory_space<semaphore_mem>>) src(%dma_wait3A_234 : memref<80x128xf32, #tpu.memory_space<vmem>>) dst(%dma_wait3A_231 : memref<80x128xf32, #tpu.memory_space<vmem_shared>>)
      tpu.yield
    }) : () -> ()
    %mul3A_29 = arith.constant 640 : i32
    %mul3A_30 = arith.muli %arg1, %mul3A_29 : i32
    %add3A_31 = arith.constant 240 : i32
    %add3A_32 = arith.addi %mul3A_30, %add3A_31 : i32
    "tpu.region"() ({
      %run_scoped3A_216 = tpu.sem_alloc : memref<!tpu.dma_semaphore, #tpu.memory_space<semaphore_mem>>
      %dma_start3A = arith.constant 0 : i32
      %dma_start3A_217 = arith.constant 0 : i32
      %dma_start3A_218 = tpu.memref_slice %arg12[%dma_start3A, %dma_start3A_217] : memref<80x128xf32, #tpu.memory_space<vmem>> -> memref<80x128xf32, #tpu.memory_space<vmem>>
      %dma_start3A_219 = arith.constant 0 : i32
      %dma_start3A_220 = tpu.memref_slice %arg15[%add3A_32, %dma_start3A_219] : memref<10240x128xf32, #tpu.memory_space<vmem_shared>> -> memref<80x128xf32, #tpu.memory_space<vmem_shared>>
      %dma_start3A_221 = arith.constant 0 : i32
      %dma_start3A_222 = tpu.memref_slice %arg15[%add3A_32, %dma_start3A_221] : memref<10240x128xf32, #tpu.memory_space<vmem_shared>> -> memref<80x128xf32, #tpu.memory_space<vmem_shared>>
      %dma_start3A_223 = arith.constant 0 : i32
      %dma_start3A_224 = arith.constant 0 : i32
      %dma_start3A_225 = tpu.memref_slice %arg12[%dma_start3A_223, %dma_start3A_224] : memref<80x128xf32, #tpu.memory_space<vmem>> -> memref<80x128xf32, #tpu.memory_space<vmem>>
      tpu.enqueue_dma source(%dma_start3A_225 : memref<80x128xf32, #tpu.memory_space<vmem>>) target(%dma_start3A_222 : memref<80x128xf32, #tpu.memory_space<vmem_shared>>) target_semaphore(%run_scoped3A_216 : memref<!tpu.dma_semaphore, #tpu.memory_space<semaphore_mem>>)
      %dma_wait3A = arith.constant 0 : i32
      %dma_wait3A_226 = arith.constant 0 : i32
      %dma_wait3A_227 = tpu.memref_slice %arg12[%dma_wait3A, %dma_wait3A_226] : memref<80x128xf32, #tpu.memory_space<vmem>> -> memref<80x128xf32, #tpu.memory_space<vmem>>
      %dma_wait3A_228 = arith.constant 0 : i32
      %dma_wait3A_229 = tpu.memref_slice %arg15[%add3A_32, %dma_wait3A_228] : memref<10240x128xf32, #tpu.memory_space<vmem_shared>> -> memref<80x128xf32, #tpu.memory_space<vmem_shared>>
      %dma_wait3A_230 = arith.constant 0 : i32
      %dma_wait3A_231 = tpu.memref_slice %arg15[%add3A_32, %dma_wait3A_230] : memref<10240x128xf32, #tpu.memory_space<vmem_shared>> -> memref<80x128xf32, #tpu.memory_space<vmem_shared>>
      %dma_wait3A_232 = arith.constant 0 : i32
      %dma_wait3A_233 = arith.constant 0 : i32
      %dma_wait3A_234 = tpu.memref_slice %arg12[%dma_wait3A_232, %dma_wait3A_233] : memref<80x128xf32, #tpu.memory_space<vmem>> -> memref<80x128xf32, #tpu.memory_space<vmem>>
      tpu.wait_dma2 semaphore(%run_scoped3A_216 : memref<!tpu.dma_semaphore, #tpu.memory_space<semaphore_mem>>) src(%dma_wait3A_234 : memref<80x128xf32, #tpu.memory_space<vmem>>) dst(%dma_wait3A_231 : memref<80x128xf32, #tpu.memory_space<vmem_shared>>)
      tpu.yield
    }) : () -> ()
    %mul3A_33 = arith.constant 640 : i32
    %mul3A_34 = arith.muli %arg1, %mul3A_33 : i32
    %add3A_35 = arith.constant 320 : i32
    %add3A_36 = arith.addi %mul3A_34, %add3A_35 : i32
    "tpu.region"() ({
      %run_scoped3A_216 = tpu.sem_alloc : memref<!tpu.dma_semaphore, #tpu.memory_space<semaphore_mem>>
      %dma_start3A = arith.constant 0 : i32
      %dma_start3A_217 = arith.constant 0 : i32
      %dma_start3A_218 = tpu.memref_slice %arg12[%dma_start3A, %dma_start3A_217] : memref<80x128xf32, #tpu.memory_space<vmem>> -> memref<80x128xf32, #tpu.memory_space<vmem>>
      %dma_start3A_219 = arith.constant 0 : i32
      %dma_start3A_220 = tpu.memref_slice %arg15[%add3A_36, %dma_start3A_219] : memref<10240x128xf32, #tpu.memory_space<vmem_shared>> -> memref<80x128xf32, #tpu.memory_space<vmem_shared>>
      %dma_start3A_221 = arith.constant 0 : i32
      %dma_start3A_222 = tpu.memref_slice %arg15[%add3A_36, %dma_start3A_221] : memref<10240x128xf32, #tpu.memory_space<vmem_shared>> -> memref<80x128xf32, #tpu.memory_space<vmem_shared>>
      %dma_start3A_223 = arith.constant 0 : i32
      %dma_start3A_224 = arith.constant 0 : i32
      %dma_start3A_225 = tpu.memref_slice %arg12[%dma_start3A_223, %dma_start3A_224] : memref<80x128xf32, #tpu.memory_space<vmem>> -> memref<80x128xf32, #tpu.memory_space<vmem>>
      tpu.enqueue_dma source(%dma_start3A_225 : memref<80x128xf32, #tpu.memory_space<vmem>>) target(%dma_start3A_222 : memref<80x128xf32, #tpu.memory_space<vmem_shared>>) target_semaphore(%run_scoped3A_216 : memref<!tpu.dma_semaphore, #tpu.memory_space<semaphore_mem>>)
      %dma_wait3A = arith.constant 0 : i32
      %dma_wait3A_226 = arith.constant 0 : i32
      %dma_wait3A_227 = tpu.memref_slice %arg12[%dma_wait3A, %dma_wait3A_226] : memref<80x128xf32, #tpu.memory_space<vmem>> -> memref<80x128xf32, #tpu.memory_space<vmem>>
      %dma_wait3A_228 = arith.constant 0 : i32
      %dma_wait3A_229 = tpu.memref_slice %arg15[%add3A_36, %dma_wait3A_228] : memref<10240x128xf32, #tpu.memory_space<vmem_shared>> -> memref<80x128xf32, #tpu.memory_space<vmem_shared>>
      %dma_wait3A_230 = arith.constant 0 : i32
      %dma_wait3A_231 = tpu.memref_slice %arg15[%add3A_36, %dma_wait3A_230] : memref<10240x128xf32, #tpu.memory_space<vmem_shared>> -> memref<80x128xf32, #tpu.memory_space<vmem_shared>>
      %dma_wait3A_232 = arith.constant 0 : i32
      %dma_wait3A_233 = arith.constant 0 : i32
      %dma_wait3A_234 = tpu.memref_slice %arg12[%dma_wait3A_232, %dma_wait3A_233] : memref<80x128xf32, #tpu.memory_space<vmem>> -> memref<80x128xf32, #tpu.memory_space<vmem>>
      tpu.wait_dma2 semaphore(%run_scoped3A_216 : memref<!tpu.dma_semaphore, #tpu.memory_space<semaphore_mem>>) src(%dma_wait3A_234 : memref<80x128xf32, #tpu.memory_space<vmem>>) dst(%dma_wait3A_231 : memref<80x128xf32, #tpu.memory_space<vmem_shared>>)
      tpu.yield
    }) : () -> ()
    %mul3A_37 = arith.constant 640 : i32
    %mul3A_38 = arith.muli %arg1, %mul3A_37 : i32
    %add3A_39 = arith.constant 400 : i32
    %add3A_40 = arith.addi %mul3A_38, %add3A_39 : i32
    "tpu.region"() ({
      %run_scoped3A_216 = tpu.sem_alloc : memref<!tpu.dma_semaphore, #tpu.memory_space<semaphore_mem>>
      %dma_start3A = arith.constant 0 : i32
      %dma_start3A_217 = arith.constant 0 : i32
      %dma_start3A_218 = tpu.memref_slice %arg12[%dma_start3A, %dma_start3A_217] : memref<80x128xf32, #tpu.memory_space<vmem>> -> memref<80x128xf32, #tpu.memory_space<vmem>>
      %dma_start3A_219 = arith.constant 0 : i32
      %dma_start3A_220 = tpu.memref_slice %arg15[%add3A_40, %dma_start3A_219] : memref<10240x128xf32, #tpu.memory_space<vmem_shared>> -> memref<80x128xf32, #tpu.memory_space<vmem_shared>>
      %dma_start3A_221 = arith.constant 0 : i32
      %dma_start3A_222 = tpu.memref_slice %arg15[%add3A_40, %dma_start3A_221] : memref<10240x128xf32, #tpu.memory_space<vmem_shared>> -> memref<80x128xf32, #tpu.memory_space<vmem_shared>>
      %dma_start3A_223 = arith.constant 0 : i32
      %dma_start3A_224 = arith.constant 0 : i32
      %dma_start3A_225 = tpu.memref_slice %arg12[%dma_start3A_223, %dma_start3A_224] : memref<80x128xf32, #tpu.memory_space<vmem>> -> memref<80x128xf32, #tpu.memory_space<vmem>>
      tpu.enqueue_dma source(%dma_start3A_225 : memref<80x128xf32, #tpu.memory_space<vmem>>) target(%dma_start3A_222 : memref<80x128xf32, #tpu.memory_space<vmem_shared>>) target_semaphore(%run_scoped3A_216 : memref<!tpu.dma_semaphore, #tpu.memory_space<semaphore_mem>>)
      %dma_wait3A = arith.constant 0 : i32
      %dma_wait3A_226 = arith.constant 0 : i32
      %dma_wait3A_227 = tpu.memref_slice %arg12[%dma_wait3A, %dma_wait3A_226] : memref<80x128xf32, #tpu.memory_space<vmem>> -> memref<80x128xf32, #tpu.memory_space<vmem>>
      %dma_wait3A_228 = arith.constant 0 : i32
      %dma_wait3A_229 = tpu.memref_slice %arg15[%add3A_40, %dma_wait3A_228] : memref<10240x128xf32, #tpu.memory_space<vmem_shared>> -> memref<80x128xf32, #tpu.memory_space<vmem_shared>>
      %dma_wait3A_230 = arith.constant 0 : i32
      %dma_wait3A_231 = tpu.memref_slice %arg15[%add3A_40, %dma_wait3A_230] : memref<10240x128xf32, #tpu.memory_space<vmem_shared>> -> memref<80x128xf32, #tpu.memory_space<vmem_shared>>
      %dma_wait3A_232 = arith.constant 0 : i32
      %dma_wait3A_233 = arith.constant 0 : i32
      %dma_wait3A_234 = tpu.memref_slice %arg12[%dma_wait3A_232, %dma_wait3A_233] : memref<80x128xf32, #tpu.memory_space<vmem>> -> memref<80x128xf32, #tpu.memory_space<vmem>>
      tpu.wait_dma2 semaphore(%run_scoped3A_216 : memref<!tpu.dma_semaphore, #tpu.memory_space<semaphore_mem>>) src(%dma_wait3A_234 : memref<80x128xf32, #tpu.memory_space<vmem>>) dst(%dma_wait3A_231 : memref<80x128xf32, #tpu.memory_space<vmem_shared>>)
      tpu.yield
    }) : () -> ()
    %mul3A_41 = arith.constant 640 : i32
    %mul3A_42 = arith.muli %arg1, %mul3A_41 : i32
    %add3A_43 = arith.constant 480 : i32
    %add3A_44 = arith.addi %mul3A_42, %add3A_43 : i32
    "tpu.region"() ({
      %run_scoped3A_216 = tpu.sem_alloc : memref<!tpu.dma_semaphore, #tpu.memory_space<semaphore_mem>>
      %dma_start3A = arith.constant 0 : i32
      %dma_start3A_217 = arith.constant 0 : i32
      %dma_start3A_218 = tpu.memref_slice %arg12[%dma_start3A, %dma_start3A_217] : memref<80x128xf32, #tpu.memory_space<vmem>> -> memref<80x128xf32, #tpu.memory_space<vmem>>
      %dma_start3A_219 = arith.constant 0 : i32
      %dma_start3A_220 = tpu.memref_slice %arg15[%add3A_44, %dma_start3A_219] : memref<10240x128xf32, #tpu.memory_space<vmem_shared>> -> memref<80x128xf32, #tpu.memory_space<vmem_shared>>
      %dma_start3A_221 = arith.constant 0 : i32
      %dma_start3A_222 = tpu.memref_slice %arg15[%add3A_44, %dma_start3A_221] : memref<10240x128xf32, #tpu.memory_space<vmem_shared>> -> memref<80x128xf32, #tpu.memory_space<vmem_shared>>
      %dma_start3A_223 = arith.constant 0 : i32
      %dma_start3A_224 = arith.constant 0 : i32
      %dma_start3A_225 = tpu.memref_slice %arg12[%dma_start3A_223, %dma_start3A_224] : memref<80x128xf32, #tpu.memory_space<vmem>> -> memref<80x128xf32, #tpu.memory_space<vmem>>
      tpu.enqueue_dma source(%dma_start3A_225 : memref<80x128xf32, #tpu.memory_space<vmem>>) target(%dma_start3A_222 : memref<80x128xf32, #tpu.memory_space<vmem_shared>>) target_semaphore(%run_scoped3A_216 : memref<!tpu.dma_semaphore, #tpu.memory_space<semaphore_mem>>)
      %dma_wait3A = arith.constant 0 : i32
      %dma_wait3A_226 = arith.constant 0 : i32
      %dma_wait3A_227 = tpu.memref_slice %arg12[%dma_wait3A, %dma_wait3A_226] : memref<80x128xf32, #tpu.memory_space<vmem>> -> memref<80x128xf32, #tpu.memory_space<vmem>>
      %dma_wait3A_228 = arith.constant 0 : i32
      %dma_wait3A_229 = tpu.memref_slice %arg15[%add3A_44, %dma_wait3A_228] : memref<10240x128xf32, #tpu.memory_space<vmem_shared>> -> memref<80x128xf32, #tpu.memory_space<vmem_shared>>
      %dma_wait3A_230 = arith.constant 0 : i32
      %dma_wait3A_231 = tpu.memref_slice %arg15[%add3A_44, %dma_wait3A_230] : memref<10240x128xf32, #tpu.memory_space<vmem_shared>> -> memref<80x128xf32, #tpu.memory_space<vmem_shared>>
      %dma_wait3A_232 = arith.constant 0 : i32
      %dma_wait3A_233 = arith.constant 0 : i32
      %dma_wait3A_234 = tpu.memref_slice %arg12[%dma_wait3A_232, %dma_wait3A_233] : memref<80x128xf32, #tpu.memory_space<vmem>> -> memref<80x128xf32, #tpu.memory_space<vmem>>
      tpu.wait_dma2 semaphore(%run_scoped3A_216 : memref<!tpu.dma_semaphore, #tpu.memory_space<semaphore_mem>>) src(%dma_wait3A_234 : memref<80x128xf32, #tpu.memory_space<vmem>>) dst(%dma_wait3A_231 : memref<80x128xf32, #tpu.memory_space<vmem_shared>>)
      tpu.yield
    }) : () -> ()
    %mul3A_45 = arith.constant 640 : i32
    %mul3A_46 = arith.muli %arg1, %mul3A_45 : i32
    %add3A_47 = arith.constant 560 : i32
    %add3A_48 = arith.addi %mul3A_46, %add3A_47 : i32
    "tpu.region"() ({
      %run_scoped3A_216 = tpu.sem_alloc : memref<!tpu.dma_semaphore, #tpu.memory_space<semaphore_mem>>
      %dma_start3A = arith.constant 0 : i32
      %dma_start3A_217 = arith.constant 0 : i32
      %dma_start3A_218 = tpu.memref_slice %arg12[%dma_start3A, %dma_start3A_217] : memref<80x128xf32, #tpu.memory_space<vmem>> -> memref<80x128xf32, #tpu.memory_space<vmem>>
      %dma_start3A_219 = arith.constant 0 : i32
      %dma_start3A_220 = tpu.memref_slice %arg15[%add3A_48, %dma_start3A_219] : memref<10240x128xf32, #tpu.memory_space<vmem_shared>> -> memref<80x128xf32, #tpu.memory_space<vmem_shared>>
      %dma_start3A_221 = arith.constant 0 : i32
      %dma_start3A_222 = tpu.memref_slice %arg15[%add3A_48, %dma_start3A_221] : memref<10240x128xf32, #tpu.memory_space<vmem_shared>> -> memref<80x128xf32, #tpu.memory_space<vmem_shared>>
      %dma_start3A_223 = arith.constant 0 : i32
      %dma_start3A_224 = arith.constant 0 : i32
      %dma_start3A_225 = tpu.memref_slice %arg12[%dma_start3A_223, %dma_start3A_224] : memref<80x128xf32, #tpu.memory_space<vmem>> -> memref<80x128xf32, #tpu.memory_space<vmem>>
      tpu.enqueue_dma source(%dma_start3A_225 : memref<80x128xf32, #tpu.memory_space<vmem>>) target(%dma_start3A_222 : memref<80x128xf32, #tpu.memory_space<vmem_shared>>) target_semaphore(%run_scoped3A_216 : memref<!tpu.dma_semaphore, #tpu.memory_space<semaphore_mem>>)
      %dma_wait3A = arith.constant 0 : i32
      %dma_wait3A_226 = arith.constant 0 : i32
      %dma_wait3A_227 = tpu.memref_slice %arg12[%dma_wait3A, %dma_wait3A_226] : memref<80x128xf32, #tpu.memory_space<vmem>> -> memref<80x128xf32, #tpu.memory_space<vmem>>
      %dma_wait3A_228 = arith.constant 0 : i32
      %dma_wait3A_229 = tpu.memref_slice %arg15[%add3A_48, %dma_wait3A_228] : memref<10240x128xf32, #tpu.memory_space<vmem_shared>> -> memref<80x128xf32, #tpu.memory_space<vmem_shared>>
      %dma_wait3A_230 = arith.constant 0 : i32
      %dma_wait3A_231 = tpu.memref_slice %arg15[%add3A_48, %dma_wait3A_230] : memref<10240x128xf32, #tpu.memory_space<vmem_shared>> -> memref<80x128xf32, #tpu.memory_space<vmem_shared>>
      %dma_wait3A_232 = arith.constant 0 : i32
      %dma_wait3A_233 = arith.constant 0 : i32
      %dma_wait3A_234 = tpu.memref_slice %arg12[%dma_wait3A_232, %dma_wait3A_233] : memref<80x128xf32, #tpu.memory_space<vmem>> -> memref<80x128xf32, #tpu.memory_space<vmem>>
      tpu.wait_dma2 semaphore(%run_scoped3A_216 : memref<!tpu.dma_semaphore, #tpu.memory_space<semaphore_mem>>) src(%dma_wait3A_234 : memref<80x128xf32, #tpu.memory_space<vmem>>) dst(%dma_wait3A_231 : memref<80x128xf32, #tpu.memory_space<vmem_shared>>)
      tpu.yield
    }) : () -> ()
    %barrier3A = arith.constant 0 : index
    tpu.barrier barrier_id(%barrier3A)
    %scan3A_49 = arith.constant 0 : i32
    %scan3A_50 = arith.constant 0 : i32
    %scan3A_51 = arith.constant 125 : i32
    %scan3A_52 = arith.addi %scan3A_50, %scan3A_51 : i32
    %scan3A_53 = arith.constant 1 : i32
    %scan3A_54 = scf.for %scan3A_216 = %scan3A_50 to %scan3A_52 step %scan3A_53 iter_args(%scan3A_217 = %scan3A_49) -> (i32)  : i32 {
      %mul3A_218 = arith.constant 10000 : i32
      %mul3A_219 = arith.muli %add3A, %mul3A_218 : i32
      %mul3A_220 = arith.constant 80 : i32
      %mul3A_221 = arith.muli %scan3A_216, %mul3A_220 : i32
      %add3A_222 = arith.addi %mul3A_219, %mul3A_221 : i32
      "tpu.region"() ({
        %run_scoped3A_241 = tpu.sem_alloc : memref<!tpu.dma_semaphore, #tpu.memory_space<semaphore_mem>>
        %dma_start3A_242 = tpu.memref_slice %arg2[%add3A_222] : memref<320000xi32, #tpu.memory_space<hbm>> -> memref<80xi32, #tpu.memory_space<hbm>>
        %dma_start3A_243 = tpu.memref_slice %arg2[%add3A_222] : memref<320000xi32, #tpu.memory_space<hbm>> -> memref<80xi32, #tpu.memory_space<hbm>>
        tpu.enqueue_dma source(%dma_start3A_243 : memref<80xi32, #tpu.memory_space<hbm>>) target(%arg10 : memref<80xi32, #tpu.memory_space<vmem>>) target_semaphore(%run_scoped3A_241 : memref<!tpu.dma_semaphore, #tpu.memory_space<semaphore_mem>>)
        %dma_wait3A_244 = tpu.memref_slice %arg2[%add3A_222] : memref<320000xi32, #tpu.memory_space<hbm>> -> memref<80xi32, #tpu.memory_space<hbm>>
        %dma_wait3A_245 = tpu.memref_slice %arg2[%add3A_222] : memref<320000xi32, #tpu.memory_space<hbm>> -> memref<80xi32, #tpu.memory_space<hbm>>
        tpu.wait_dma2 semaphore(%run_scoped3A_241 : memref<!tpu.dma_semaphore, #tpu.memory_space<semaphore_mem>>) src(%dma_wait3A_245 : memref<80xi32, #tpu.memory_space<hbm>>) dst(%arg10 : memref<80xi32, #tpu.memory_space<vmem>>)
        tpu.yield
      }) : () -> ()
      "tpu.region"() ({
        %run_scoped3A_241 = tpu.sem_alloc : memref<!tpu.dma_semaphore, #tpu.memory_space<semaphore_mem>>
        %dma_start3A_242 = tpu.memref_slice %arg3[%add3A_222] : memref<320000xi32, #tpu.memory_space<hbm>> -> memref<80xi32, #tpu.memory_space<hbm>>
        %dma_start3A_243 = tpu.memref_slice %arg3[%add3A_222] : memref<320000xi32, #tpu.memory_space<hbm>> -> memref<80xi32, #tpu.memory_space<hbm>>
        tpu.enqueue_dma source(%dma_start3A_243 : memref<80xi32, #tpu.memory_space<hbm>>) target(%arg11 : memref<80xi32, #tpu.memory_space<vmem>>) target_semaphore(%run_scoped3A_241 : memref<!tpu.dma_semaphore, #tpu.memory_space<semaphore_mem>>)
        %dma_wait3A_244 = tpu.memref_slice %arg3[%add3A_222] : memref<320000xi32, #tpu.memory_space<hbm>> -> memref<80xi32, #tpu.memory_space<hbm>>
        %dma_wait3A_245 = tpu.memref_slice %arg3[%add3A_222] : memref<320000xi32, #tpu.memory_space<hbm>> -> memref<80xi32, #tpu.memory_space<hbm>>
        tpu.wait_dma2 semaphore(%run_scoped3A_241 : memref<!tpu.dma_semaphore, #tpu.memory_space<semaphore_mem>>) src(%dma_wait3A_245 : memref<80xi32, #tpu.memory_space<hbm>>) dst(%arg11 : memref<80xi32, #tpu.memory_space<vmem>>)
        tpu.yield
      }) : () -> ()
      %dma_start3A = arith.constant 0 : i32
      %dma_start3A_223 = arith.constant 0 : i32
      %dma_start3A_224 = tpu.memref_slice %arg5[%dma_start3A, %dma_start3A_223] : memref<10000x128xf32, #tpu.memory_space<hbm>> -> memref<10000x128xf32, #tpu.memory_space<hbm>>
      tpu.enqueue_indirect_dma source(%dma_start3A_224 : memref<10000x128xf32, #tpu.memory_space<hbm>>) target(%arg12 : memref<80x128xf32, #tpu.memory_space<vmem>>) offsets(%arg10 : memref<80xi32, #tpu.memory_space<vmem>>) semaphore(%arg17 : memref<!tpu.dma_semaphore, #tpu.memory_space<semaphore_mem>>)
      %dma_wait3A = arith.constant 0 : i32
      %dma_wait3A_225 = arith.constant 0 : i32
      %dma_wait3A_226 = tpu.memref_slice %arg5[%dma_wait3A, %dma_wait3A_225] : memref<10000x128xf32, #tpu.memory_space<hbm>> -> memref<10000x128xf32, #tpu.memory_space<hbm>>
      tpu.wait_indirect_dma semaphore(%arg17 : memref<!tpu.dma_semaphore, #tpu.memory_space<semaphore_mem>>) src(%dma_wait3A_226 : memref<10000x128xf32, #tpu.memory_space<hbm>>) dst(%arg12 : memref<80x128xf32, #tpu.memory_space<vmem>>)
      %scan3A_227 = arith.constant 0 : i32
      %scan3A_228 = arith.constant 0 : i32
      %scan3A_229 = arith.constant 5 : i32
      %scan3A_230 = arith.addi %scan3A_228, %scan3A_229 : i32
      %scan3A_231 = arith.constant 1 : i32
      %scan3A_232 = scf.for %scan3A_241 = %scan3A_228 to %scan3A_230 step %scan3A_231 iter_args(%scan3A_242 = %scan3A_227) -> (i32)  : i32 {
        %mul3A_243 = arith.constant 16 : i32
        %mul3A_244 = arith.muli %scan3A_241, %mul3A_243 : i32
        %get3A = arith.index_cast %mul3A_244 : i32 to index
        %get3A_245 = tpu.vector_load %arg10[%get3A] {strides = array<i32>} : memref<80xi32, #tpu.memory_space<vmem>>, vector<16xi32>,
        %mul3A_246 = arith.constant 16 : i32
        %mul3A_247 = arith.muli %scan3A_241, %mul3A_246 : i32
        %get3A_248 = arith.index_cast %mul3A_247 : i32 to index
        %get3A_249 = tpu.vector_load %arg11[%get3A_248] {strides = array<i32>} : memref<80xi32, #tpu.memory_space<vmem>>, vector<16xi32>,
        %gather3A = tpu.vector_load_idx %arg8[%get3A_249] : memref<10000xf32, #tpu.memory_space<vmem>>[vector<16xi32>], vector<16xf32>,
        tpu.vector_store_idx %arg9[%get3A_245], %gather3A {add = true} : memref<10240xf32, #tpu.memory_space<vmem>>[vector<16xi32>], vector<16xf32>,
        %slice3A = vector.extract_strided_slice %gather3A {offsets = [0], sizes = [1], strides = [1]} : vector<16xf32> to vector<1xf32>
        %squeeze3A = vector.extract %slice3A[0] : f32 from vector<1xf32>
        %mul3A_250 = arith.constant 16 : i32
        %mul3A_251 = arith.muli %scan3A_241, %mul3A_250 : i32
        %add3A_252 = arith.constant 0 : i32
        %add3A_253 = arith.addi %mul3A_251, %add3A_252 : i32
        %get3A_254 = arith.index_cast %add3A_253 : i32 to index
        %get3A_255 = arith.constant 0 : index
        %get3A_256 = tpu.vector_load %arg12[%get3A_254, %get3A_255] {strides = array<i32>} : memref<80x128xf32, #tpu.memory_space<vmem>>, vector<16xf32>,
        %mul3A_257 = vector.broadcast %squeeze3A : f32 to vector<16xf32>
        %mul3A_258 = arith.mulf %get3A_256, %mul3A_257 : vector<16xf32>
        %swap3A = arith.index_cast %add3A_253 : i32 to index
        %swap3A_259 = arith.constant 0 : index
        %swap3A_260 = tpu.vector_load %arg12[%swap3A, %swap3A_259] {strides = array<i32>} : memref<80x128xf32, #tpu.memory_space<vmem>>, vector<16xf32>,
        tpu.vector_store %arg12[%swap3A, %swap3A_259], %mul3A_258 {strides = array<i32>} : memref<80x128xf32, #tpu.memory_space<vmem>>, vector<16xf32>,
        %get3A_261 = arith.index_cast %add3A_253 : i32 to index
        %get3A_262 = arith.constant 16 : index
        %get3A_263 = tpu.vector_load %arg12[%get3A_261, %get3A_262] {strides = array<i32>} : memref<80x128xf32, #tpu.memory_space<vmem>>, vector<16xf32>,
        %mul3A_264 = vector.broadcast %squeeze3A : f32 to vector<16xf32>
        %mul3A_265 = arith.mulf %get3A_263, %mul3A_264 : vector<16xf32>
        %swap3A_266 = arith.index_cast %add3A_253 : i32 to index
        %swap3A_267 = arith.constant 16 : index
        %swap3A_268 = tpu.vector_load %arg12[%swap3A_266, %swap3A_267] {strides = array<i32>} : memref<80x128xf32, #tpu.memory_space<vmem>>, vector<16xf32>,
        tpu.vector_store %arg12[%swap3A_266, %swap3A_267], %mul3A_265 {strides = array<i32>} : memref<80x128xf32, #tpu.memory_space<vmem>>, vector<16xf32>,
        %get3A_269 = arith.index_cast %add3A_253 : i32 to index
        %get3A_270 = arith.constant 32 : index
        %get3A_271 = tpu.vector_load %arg12[%get3A_269, %get3A_270] {strides = array<i32>} : memref<80x128xf32, #tpu.memory_space<vmem>>, vector<16xf32>,
        %mul3A_272 = vector.broadcast %squeeze3A : f32 to vector<16xf32>
        %mul3A_273 = arith.mulf %get3A_271, %mul3A_272 : vector<16xf32>
        %swap3A_274 = arith.index_cast %add3A_253 : i32 to index
        %swap3A_275 = arith.constant 32 : index
        %swap3A_276 = tpu.vector_load %arg12[%swap3A_274, %swap3A_275] {strides = array<i32>} : memref<80x128xf32, #tpu.memory_space<vmem>>, vector<16xf32>,
        tpu.vector_store %arg12[%swap3A_274, %swap3A_275], %mul3A_273 {strides = array<i32>} : memref<80x128xf32, #tpu.memory_space<vmem>>, vector<16xf32>,
        %get3A_277 = arith.index_cast %add3A_253 : i32 to index
        %get3A_278 = arith.constant 48 : index
        %get3A_279 = tpu.vector_load %arg12[%get3A_277, %get3A_278] {strides = array<i32>} : memref<80x128xf32, #tpu.memory_space<vmem>>, vector<16xf32>,
        %mul3A_280 = vector.broadcast %squeeze3A : f32 to vector<16xf32>
        %mul3A_281 = arith.mulf %get3A_279, %mul3A_280 : vector<16xf32>
        %swap3A_282 = arith.index_cast %add3A_253 : i32 to index
        %swap3A_283 = arith.constant 48 : index
        %swap3A_284 = tpu.vector_load %arg12[%swap3A_282, %swap3A_283] {strides = array<i32>} : memref<80x128xf32, #tpu.memory_space<vmem>>, vector<16xf32>,
        tpu.vector_store %arg12[%swap3A_282, %swap3A_283], %mul3A_281 {strides = array<i32>} : memref<80x128xf32, #tpu.memory_space<vmem>>, vector<16xf32>,
        %get3A_285 = arith.index_cast %add3A_253 : i32 to index
        %get3A_286 = arith.constant 64 : index
        %get3A_287 = tpu.vector_load %arg12[%get3A_285, %get3A_286] {strides = array<i32>} : memref<80x128xf32, #tpu.memory_space<vmem>>, vector<16xf32>,
        %mul3A_288 = vector.broadcast %squeeze3A : f32 to vector<16xf32>
        %mul3A_289 = arith.mulf %get3A_287, %mul3A_288 : vector<16xf32>
        %swap3A_290 = arith.index_cast %add3A_253 : i32 to index
        %swap3A_291 = arith.constant 64 : index
        %swap3A_292 = tpu.vector_load %arg12[%swap3A_290, %swap3A_291] {strides = array<i32>} : memref<80x128xf32, #tpu.memory_space<vmem>>, vector<16xf32>,
        tpu.vector_store %arg12[%swap3A_290, %swap3A_291], %mul3A_289 {strides = array<i32>} : memref<80x128xf32, #tpu.memory_space<vmem>>, vector<16xf32>,
        %get3A_293 = arith.index_cast %add3A_253 : i32 to index
        %get3A_294 = arith.constant 80 : index
        %get3A_295 = tpu.vector_load %arg12[%get3A_293, %get3A_294] {strides = array<i32>} : memref<80x128xf32, #tpu.memory_space<vmem>>, vector<16xf32>,
        %mul3A_296 = vector.broadcast %squeeze3A : f32 to vector<16xf32>
        %mul3A_297 = arith.mulf %get3A_295, %mul3A_296 : vector<16xf32>
        %swap3A_298 = arith.index_cast %add3A_253 : i32 to index
        %swap3A_299 = arith.constant 80 : index
        %swap3A_300 = tpu.vector_load %arg12[%swap3A_298, %swap3A_299] {strides = array<i32>} : memref<80x128xf32, #tpu.memory_space<vmem>>, vector<16xf32>,
        tpu.vector_store %arg12[%swap3A_298, %swap3A_299], %mul3A_297 {strides = array<i32>} : memref<80x128xf32, #tpu.memory_space<vmem>>, vector<16xf32>,
        %get3A_301 = arith.index_cast %add3A_253 : i32 to index
        %get3A_302 = arith.constant 96 : index
        %get3A_303 = tpu.vector_load %arg12[%get3A_301, %get3A_302] {strides = array<i32>} : memref<80x128xf32, #tpu.memory_space<vmem>>, vector<16xf32>,
        %mul3A_304 = vector.broadcast %squeeze3A : f32 to vector<16xf32>
        %mul3A_305 = arith.mulf %get3A_303, %mul3A_304 : vector<16xf32>
        %swap3A_306 = arith.index_cast %add3A_253 : i32 to index
        %swap3A_307 = arith.constant 96 : index
        %swap3A_308 = tpu.vector_load %arg12[%swap3A_306, %swap3A_307] {strides = array<i32>} : memref<80x128xf32, #tpu.memory_space<vmem>>, vector<16xf32>,
        tpu.vector_store %arg12[%swap3A_306, %swap3A_307], %mul3A_305 {strides = array<i32>} : memref<80x128xf32, #tpu.memory_space<vmem>>, vector<16xf32>,
        %get3A_309 = arith.index_cast %add3A_253 : i32 to index
        %get3A_310 = arith.constant 112 : index
        %get3A_311 = tpu.vector_load %arg12[%get3A_309, %get3A_310] {strides = array<i32>} : memref<80x128xf32, #tpu.memory_space<vmem>>, vector<16xf32>,
        %mul3A_312 = vector.broadcast %squeeze3A : f32 to vector<16xf32>
        %mul3A_313 = arith.mulf %get3A_311, %mul3A_312 : vector<16xf32>
        %swap3A_314 = arith.index_cast %add3A_253 : i32 to index
        %swap3A_315 = arith.constant 112 : index
        %swap3A_316 = tpu.vector_load %arg12[%swap3A_314, %swap3A_315] {strides = array<i32>} : memref<80x128xf32, #tpu.memory_space<vmem>>, vector<16xf32>,
        tpu.vector_store %arg12[%swap3A_314, %swap3A_315], %mul3A_313 {strides = array<i32>} : memref<80x128xf32, #tpu.memory_space<vmem>>, vector<16xf32>,
        %slice3A_317 = vector.extract_strided_slice %gather3A {offsets = [1], sizes = [1], strides = [1]} : vector<16xf32> to vector<1xf32>
        %squeeze3A_318 = vector.extract %slice3A_317[0] : f32 from vector<1xf32>
        %mul3A_319 = arith.constant 16 : i32
        %mul3A_320 = arith.muli %scan3A_241, %mul3A_319 : i32
        %add3A_321 = arith.constant 1 : i32
        %add3A_322 = arith.addi %mul3A_320, %add3A_321 : i32
        %get3A_323 = arith.index_cast %add3A_322 : i32 to index
        %get3A_324 = arith.constant 0 : index
        %get3A_325 = tpu.vector_load %arg12[%get3A_323, %get3A_324] {strides = array<i32>} : memref<80x128xf32, #tpu.memory_space<vmem>>, vector<16xf32>,
        %mul3A_326 = vector.broadcast %squeeze3A_318 : f32 to vector<16xf32>
        %mul3A_327 = arith.mulf %get3A_325, %mul3A_326 : vector<16xf32>
        %swap3A_328 = arith.index_cast %add3A_322 : i32 to index
        %swap3A_329 = arith.constant 0 : index
        %swap3A_330 = tpu.vector_load %arg12[%swap3A_328, %swap3A_329] {strides = array<i32>} : memref<80x128xf32, #tpu.memory_space<vmem>>, vector<16xf32>,
        tpu.vector_store %arg12[%swap3A_328, %swap3A_329], %mul3A_327 {strides = array<i32>} : memref<80x128xf32, #tpu.memory_space<vmem>>, vector<16xf32>,
        %get3A_331 = arith.index_cast %add3A_322 : i32 to index
        %get3A_332 = arith.constant 16 : index
        %get3A_333 = tpu.vector_load %arg12[%get3A_331, %get3A_332] {strides = array<i32>} : memref<80x128xf32, #tpu.memory_space<vmem>>, vector<16xf32>,
        %mul3A_334 = vector.broadcast %squeeze3A_318 : f32 to vector<16xf32>
        %mul3A_335 = arith.mulf %get3A_333, %mul3A_334 : vector<16xf32>
        %swap3A_336 = arith.index_cast %add3A_322 : i32 to index
        %swap3A_337 = arith.constant 16 : index
        %swap3A_338 = tpu.vector_load %arg12[%swap3A_336, %swap3A_337] {strides = array<i32>} : memref<80x128xf32, #tpu.memory_space<vmem>>, vector<16xf32>,
        tpu.vector_store %arg12[%swap3A_336, %swap3A_337], %mul3A_335 {strides = array<i32>} : memref<80x128xf32, #tpu.memory_space<vmem>>, vector<16xf32>,
        %get3A_339 = arith.index_cast %add3A_322 : i32 to index
        %get3A_340 = arith.constant 32 : index
        %get3A_341 = tpu.vector_load %arg12[%get3A_339, %get3A_340] {strides = array<i32>} : memref<80x128xf32, #tpu.memory_space<vmem>>, vector<16xf32>,
        %mul3A_342 = vector.broadcast %squeeze3A_318 : f32 to vector<16xf32>
        %mul3A_343 = arith.mulf %get3A_341, %mul3A_342 : vector<16xf32>
        %swap3A_344 = arith.index_cast %add3A_322 : i32 to index
        %swap3A_345 = arith.constant 32 : index
        %swap3A_346 = tpu.vector_load %arg12[%swap3A_344, %swap3A_345] {strides = array<i32>} : memref<80x128xf32, #tpu.memory_space<vmem>>, vector<16xf32>,
        tpu.vector_store %arg12[%swap3A_344, %swap3A_345], %mul3A_343 {strides = array<i32>} : memref<80x128xf32, #tpu.memory_space<vmem>>, vector<16xf32>,
        %get3A_347 = arith.index_cast %add3A_322 : i32 to index
        %get3A_348 = arith.constant 48 : index
        %get3A_349 = tpu.vector_load %arg12[%get3A_347, %get3A_348] {strides = array<i32>} : memref<80x128xf32, #tpu.memory_space<vmem>>, vector<16xf32>,
        %mul3A_350 = vector.broadcast %squeeze3A_318 : f32 to vector<16xf32>
        %mul3A_351 = arith.mulf %get3A_349, %mul3A_350 : vector<16xf32>
        %swap3A_352 = arith.index_cast %add3A_322 : i32 to index
        %swap3A_353 = arith.constant 48 : index
        %swap3A_354 = tpu.vector_load %arg12[%swap3A_352, %swap3A_353] {strides = array<i32>} : memref<80x128xf32, #tpu.memory_space<vmem>>, vector<16xf32>,
        tpu.vector_store %arg12[%swap3A_352, %swap3A_353], %mul3A_351 {strides = array<i32>} : memref<80x128xf32, #tpu.memory_space<vmem>>, vector<16xf32>,
        %get3A_355 = arith.index_cast %add3A_322 : i32 to index
        %get3A_356 = arith.constant 64 : index
        %get3A_357 = tpu.vector_load %arg12[%get3A_355, %get3A_356] {strides = array<i32>} : memref<80x128xf32, #tpu.memory_space<vmem>>, vector<16xf32>,
        %mul3A_358 = vector.broadcast %squeeze3A_318 : f32 to vector<16xf32>
        %mul3A_359 = arith.mulf %get3A_357, %mul3A_358 : vector<16xf32>
        %swap3A_360 = arith.index_cast %add3A_322 : i32 to index
        %swap3A_361 = arith.constant 64 : index
        %swap3A_362 = tpu.vector_load %arg12[%swap3A_360, %swap3A_361] {strides = array<i32>} : memref<80x128xf32, #tpu.memory_space<vmem>>, vector<16xf32>,
        tpu.vector_store %arg12[%swap3A_360, %swap3A_361], %mul3A_359 {strides = array<i32>} : memref<80x128xf32, #tpu.memory_space<vmem>>, vector<16xf32>,
        %get3A_363 = arith.index_cast %add3A_322 : i32 to index
        %get3A_364 = arith.constant 80 : index
        %get3A_365 = tpu.vector_load %arg12[%get3A_363, %get3A_364] {strides = array<i32>} : memref<80x128xf32, #tpu.memory_space<vmem>>, vector<16xf32>,
        %mul3A_366 = vector.broadcast %squeeze3A_318 : f32 to vector<16xf32>
        %mul3A_367 = arith.mulf %get3A_365, %mul3A_366 : vector<16xf32>
        %swap3A_368 = arith.index_cast %add3A_322 : i32 to index
        %swap3A_369 = arith.constant 80 : index
        %swap3A_370 = tpu.vector_load %arg12[%swap3A_368, %swap3A_369] {strides = array<i32>} : memref<80x128xf32, #tpu.memory_space<vmem>>, vector<16xf32>,
        tpu.vector_store %arg12[%swap3A_368, %swap3A_369], %mul3A_367 {strides = array<i32>} : memref<80x128xf32, #tpu.memory_space<vmem>>, vector<16xf32>,
        %get3A_371 = arith.index_cast %add3A_322 : i32 to index
        %get3A_372 = arith.constant 96 : index
        %get3A_373 = tpu.vector_load %arg12[%get3A_371, %get3A_372] {strides = array<i32>} : memref<80x128xf32, #tpu.memory_space<vmem>>, vector<16xf32>,
        %mul3A_374 = vector.broadcast %squeeze3A_318 : f32 to vector<16xf32>
        %mul3A_375 = arith.mulf %get3A_373, %mul3A_374 : vector<16xf32>
        %swap3A_376 = arith.index_cast %add3A_322 : i32 to index
        %swap3A_377 = arith.constant 96 : index
        %swap3A_378 = tpu.vector_load %arg12[%swap3A_376, %swap3A_377] {strides = array<i32>} : memref<80x128xf32, #tpu.memory_space<vmem>>, vector<16xf32>,
        tpu.vector_store %arg12[%swap3A_376, %swap3A_377], %mul3A_375 {strides = array<i32>} : memref<80x128xf32, #tpu.memory_space<vmem>>, vector<16xf32>,
        %get3A_379 = arith.index_cast %add3A_322 : i32 to index
        %get3A_380 = arith.constant 112 : index
        %get3A_381 = tpu.vector_load %arg12[%get3A_379, %get3A_380] {strides = array<i32>} : memref<80x128xf32, #tpu.memory_space<vmem>>, vector<16xf32>,
        %mul3A_382 = vector.broadcast %squeeze3A_318 : f32 to vector<16xf32>
        %mul3A_383 = arith.mulf %get3A_381, %mul3A_382 : vector<16xf32>
        %swap3A_384 = arith.index_cast %add3A_322 : i32 to index
        %swap3A_385 = arith.constant 112 : index
        %swap3A_386 = tpu.vector_load %arg12[%swap3A_384, %swap3A_385] {strides = array<i32>} : memref<80x128xf32, #tpu.memory_space<vmem>>, vector<16xf32>,
        tpu.vector_store %arg12[%swap3A_384, %swap3A_385], %mul3A_383 {strides = array<i32>} : memref<80x128xf32, #tpu.memory_space<vmem>>, vector<16xf32>,
        %slice3A_387 = vector.extract_strided_slice %gather3A {offsets = [2], sizes = [1], strides = [1]} : vector<16xf32> to vector<1xf32>
        %squeeze3A_388 = vector.extract %slice3A_387[0] : f32 from vector<1xf32>
        %mul3A_389 = arith.constant 16 : i32
        %mul3A_390 = arith.muli %scan3A_241, %mul3A_389 : i32
        %add3A_391 = arith.constant 2 : i32
        %add3A_392 = arith.addi %mul3A_390, %add3A_391 : i32
        %get3A_393 = arith.index_cast %add3A_392 : i32 to index
        %get3A_394 = arith.constant 0 : index
        %get3A_395 = tpu.vector_load %arg12[%get3A_393, %get3A_394] {strides = array<i32>} : memref<80x128xf32, #tpu.memory_space<vmem>>, vector<16xf32>,
        %mul3A_396 = vector.broadcast %squeeze3A_388 : f32 to vector<16xf32>
        %mul3A_397 = arith.mulf %get3A_395, %mul3A_396 : vector<16xf32>
        %swap3A_398 = arith.index_cast %add3A_392 : i32 to index
        %swap3A_399 = arith.constant 0 : index
        %swap3A_400 = tpu.vector_load %arg12[%swap3A_398, %swap3A_399] {strides = array<i32>} : memref<80x128xf32, #tpu.memory_space<vmem>>, vector<16xf32>,
        tpu.vector_store %arg12[%swap3A_398, %swap3A_399], %mul3A_397 {strides = array<i32>} : memref<80x128xf32, #tpu.memory_space<vmem>>, vector<16xf32>,
        %get3A_401 = arith.index_cast %add3A_392 : i32 to index
        %get3A_402 = arith.constant 16 : index
        %get3A_403 = tpu.vector_load %arg12[%get3A_401, %get3A_402] {strides = array<i32>} : memref<80x128xf32, #tpu.memory_space<vmem>>, vector<16xf32>,
        %mul3A_404 = vector.broadcast %squeeze3A_388 : f32 to vector<16xf32>
        %mul3A_405 = arith.mulf %get3A_403, %mul3A_404 : vector<16xf32>
        %swap3A_406 = arith.index_cast %add3A_392 : i32 to index
        %swap3A_407 = arith.constant 16 : index
        %swap3A_408 = tpu.vector_load %arg12[%swap3A_406, %swap3A_407] {strides = array<i32>} : memref<80x128xf32, #tpu.memory_space<vmem>>, vector<16xf32>,
        tpu.vector_store %arg12[%swap3A_406, %swap3A_407], %mul3A_405 {strides = array<i32>} : memref<80x128xf32, #tpu.memory_space<vmem>>, vector<16xf32>,
        %get3A_409 = arith.index_cast %add3A_392 : i32 to index
        %get3A_410 = arith.constant 32 : index
        %get3A_411 = tpu.vector_load %arg12[%get3A_409, %get3A_410] {strides = array<i32>} : memref<80x128xf32, #tpu.memory_space<vmem>>, vector<16xf32>,
        %mul3A_412 = vector.broadcast %squeeze3A_388 : f32 to vector<16xf32>
        %mul3A_413 = arith.mulf %get3A_411, %mul3A_412 : vector<16xf32>
        %swap3A_414 = arith.index_cast %add3A_392 : i32 to index
        %swap3A_415 = arith.constant 32 : index
        %swap3A_416 = tpu.vector_load %arg12[%swap3A_414, %swap3A_415] {strides = array<i32>} : memref<80x128xf32, #tpu.memory_space<vmem>>, vector<16xf32>,
        tpu.vector_store %arg12[%swap3A_414, %swap3A_415], %mul3A_413 {strides = array<i32>} : memref<80x128xf32, #tpu.memory_space<vmem>>, vector<16xf32>,
        %get3A_417 = arith.index_cast %add3A_392 : i32 to index
        %get3A_418 = arith.constant 48 : index
        %get3A_419 = tpu.vector_load %arg12[%get3A_417, %get3A_418] {strides = array<i32>} : memref<80x128xf32, #tpu.memory_space<vmem>>, vector<16xf32>,
        %mul3A_420 = vector.broadcast %squeeze3A_388 : f32 to vector<16xf32>
        %mul3A_421 = arith.mulf %get3A_419, %mul3A_420 : vector<16xf32>
        %swap3A_422 = arith.index_cast %add3A_392 : i32 to index
        %swap3A_423 = arith.constant 48 : index
        %swap3A_424 = tpu.vector_load %arg12[%swap3A_422, %swap3A_423] {strides = array<i32>} : memref<80x128xf32, #tpu.memory_space<vmem>>, vector<16xf32>,
        tpu.vector_store %arg12[%swap3A_422, %swap3A_423], %mul3A_421 {strides = array<i32>} : memref<80x128xf32, #tpu.memory_space<vmem>>, vector<16xf32>,
        %get3A_425 = arith.index_cast %add3A_392 : i32 to index
        %get3A_426 = arith.constant 64 : index
        %get3A_427 = tpu.vector_load %arg12[%get3A_425, %get3A_426] {strides = array<i32>} : memref<80x128xf32, #tpu.memory_space<vmem>>, vector<16xf32>,
        %mul3A_428 = vector.broadcast %squeeze3A_388 : f32 to vector<16xf32>
        %mul3A_429 = arith.mulf %get3A_427, %mul3A_428 : vector<16xf32>
        %swap3A_430 = arith.index_cast %add3A_392 : i32 to index
        %swap3A_431 = arith.constant 64 : index
        %swap3A_432 = tpu.vector_load %arg12[%swap3A_430, %swap3A_431] {strides = array<i32>} : memref<80x128xf32, #tpu.memory_space<vmem>>, vector<16xf32>,
        tpu.vector_store %arg12[%swap3A_430, %swap3A_431], %mul3A_429 {strides = array<i32>} : memref<80x128xf32, #tpu.memory_space<vmem>>, vector<16xf32>,
        %get3A_433 = arith.index_cast %add3A_392 : i32 to index
        %get3A_434 = arith.constant 80 : index
        %get3A_435 = tpu.vector_load %arg12[%get3A_433, %get3A_434] {strides = array<i32>} : memref<80x128xf32, #tpu.memory_space<vmem>>, vector<16xf32>,
        %mul3A_436 = vector.broadcast %squeeze3A_388 : f32 to vector<16xf32>
        %mul3A_437 = arith.mulf %get3A_435, %mul3A_436 : vector<16xf32>
        %swap3A_438 = arith.index_cast %add3A_392 : i32 to index
        %swap3A_439 = arith.constant 80 : index
        %swap3A_440 = tpu.vector_load %arg12[%swap3A_438, %swap3A_439] {strides = array<i32>} : memref<80x128xf32, #tpu.memory_space<vmem>>, vector<16xf32>,
        tpu.vector_store %arg12[%swap3A_438, %swap3A_439], %mul3A_437 {strides = array<i32>} : memref<80x128xf32, #tpu.memory_space<vmem>>, vector<16xf32>,
        %get3A_441 = arith.index_cast %add3A_392 : i32 to index
        %get3A_442 = arith.constant 96 : index
        %get3A_443 = tpu.vector_load %arg12[%get3A_441, %get3A_442] {strides = array<i32>} : memref<80x128xf32, #tpu.memory_space<vmem>>, vector<16xf32>,
        %mul3A_444 = vector.broadcast %squeeze3A_388 : f32 to vector<16xf32>
        %mul3A_445 = arith.mulf %get3A_443, %mul3A_444 : vector<16xf32>
        %swap3A_446 = arith.index_cast %add3A_392 : i32 to index
        %swap3A_447 = arith.constant 96 : index
        %swap3A_448 = tpu.vector_load %arg12[%swap3A_446, %swap3A_447] {strides = array<i32>} : memref<80x128xf32, #tpu.memory_space<vmem>>, vector<16xf32>,
        tpu.vector_store %arg12[%swap3A_446, %swap3A_447], %mul3A_445 {strides = array<i32>} : memref<80x128xf32, #tpu.memory_space<vmem>>, vector<16xf32>,
        %get3A_449 = arith.index_cast %add3A_392 : i32 to index
        %get3A_450 = arith.constant 112 : index
        %get3A_451 = tpu.vector_load %arg12[%get3A_449, %get3A_450] {strides = array<i32>} : memref<80x128xf32, #tpu.memory_space<vmem>>, vector<16xf32>,
        %mul3A_452 = vector.broadcast %squeeze3A_388 : f32 to vector<16xf32>
        %mul3A_453 = arith.mulf %get3A_451, %mul3A_452 : vector<16xf32>
        %swap3A_454 = arith.index_cast %add3A_392 : i32 to index
        %swap3A_455 = arith.constant 112 : index
        %swap3A_456 = tpu.vector_load %arg12[%swap3A_454, %swap3A_455] {strides = array<i32>} : memref<80x128xf32, #tpu.memory_space<vmem>>, vector<16xf32>,
        tpu.vector_store %arg12[%swap3A_454, %swap3A_455], %mul3A_453 {strides = array<i32>} : memref<80x128xf32, #tpu.memory_space<vmem>>, vector<16xf32>,
        %slice3A_457 = vector.extract_strided_slice %gather3A {offsets = [3], sizes = [1], strides = [1]} : vector<16xf32> to vector<1xf32>
        %squeeze3A_458 = vector.extract %slice3A_457[0] : f32 from vector<1xf32>
        %mul3A_459 = arith.constant 16 : i32
        %mul3A_460 = arith.muli %scan3A_241, %mul3A_459 : i32
        %add3A_461 = arith.constant 3 : i32
        %add3A_462 = arith.addi %mul3A_460, %add3A_461 : i32
        %get3A_463 = arith.index_cast %add3A_462 : i32 to index
        %get3A_464 = arith.constant 0 : index
        %get3A_465 = tpu.vector_load %arg12[%get3A_463, %get3A_464] {strides = array<i32>} : memref<80x128xf32, #tpu.memory_space<vmem>>, vector<16xf32>,
        %mul3A_466 = vector.broadcast %squeeze3A_458 : f32 to vector<16xf32>
        %mul3A_467 = arith.mulf %get3A_465, %mul3A_466 : vector<16xf32>
        %swap3A_468 = arith.index_cast %add3A_462 : i32 to index
        %swap3A_469 = arith.constant 0 : index
        %swap3A_470 = tpu.vector_load %arg12[%swap3A_468, %swap3A_469] {strides = array<i32>} : memref<80x128xf32, #tpu.memory_space<vmem>>, vector<16xf32>,
        tpu.vector_store %arg12[%swap3A_468, %swap3A_469], %mul3A_467 {strides = array<i32>} : memref<80x128xf32, #tpu.memory_space<vmem>>, vector<16xf32>,
        %get3A_471 = arith.index_cast %add3A_462 : i32 to index
        %get3A_472 = arith.constant 16 : index
        %get3A_473 = tpu.vector_load %arg12[%get3A_471, %get3A_472] {strides = array<i32>} : memref<80x128xf32, #tpu.memory_space<vmem>>, vector<16xf32>,
        %mul3A_474 = vector.broadcast %squeeze3A_458 : f32 to vector<16xf32>
        %mul3A_475 = arith.mulf %get3A_473, %mul3A_474 : vector<16xf32>
        %swap3A_476 = arith.index_cast %add3A_462 : i32 to index
        %swap3A_477 = arith.constant 16 : index
        %swap3A_478 = tpu.vector_load %arg12[%swap3A_476, %swap3A_477] {strides = array<i32>} : memref<80x128xf32, #tpu.memory_space<vmem>>, vector<16xf32>,
        tpu.vector_store %arg12[%swap3A_476, %swap3A_477], %mul3A_475 {strides = array<i32>} : memref<80x128xf32, #tpu.memory_space<vmem>>, vector<16xf32>,
        %get3A_479 = arith.index_cast %add3A_462 : i32 to index
        %get3A_480 = arith.constant 32 : index
        %get3A_481 = tpu.vector_load %arg12[%get3A_479, %get3A_480] {strides = array<i32>} : memref<80x128xf32, #tpu.memory_space<vmem>>, vector<16xf32>,
        %mul3A_482 = vector.broadcast %squeeze3A_458 : f32 to vector<16xf32>
        %mul3A_483 = arith.mulf %get3A_481, %mul3A_482 : vector<16xf32>
        %swap3A_484 = arith.index_cast %add3A_462 : i32 to index
        %swap3A_485 = arith.constant 32 : index
        %swap3A_486 = tpu.vector_load %arg12[%swap3A_484, %swap3A_485] {strides = array<i32>} : memref<80x128xf32, #tpu.memory_space<vmem>>, vector<16xf32>,
        tpu.vector_store %arg12[%swap3A_484, %swap3A_485], %mul3A_483 {strides = array<i32>} : memref<80x128xf32, #tpu.memory_space<vmem>>, vector<16xf32>,
        %get3A_487 = arith.index_cast %add3A_462 : i32 to index
        %get3A_488 = arith.constant 48 : index
        %get3A_489 = tpu.vector_load %arg12[%get3A_487, %get3A_488] {strides = array<i32>} : memref<80x128xf32, #tpu.memory_space<vmem>>, vector<16xf32>,
        %mul3A_490 = vector.broadcast %squeeze3A_458 : f32 to vector<16xf32>
        %mul3A_491 = arith.mulf %get3A_489, %mul3A_490 : vector<16xf32>
        %swap3A_492 = arith.index_cast %add3A_462 : i32 to index
        %swap3A_493 = arith.constant 48 : index
        %swap3A_494 = tpu.vector_load %arg12[%swap3A_492, %swap3A_493] {strides = array<i32>} : memref<80x128xf32, #tpu.memory_space<vmem>>, vector<16xf32>,
        tpu.vector_store %arg12[%swap3A_492, %swap3A_493], %mul3A_491 {strides = array<i32>} : memref<80x128xf32, #tpu.memory_space<vmem>>, vector<16xf32>,
        %get3A_495 = arith.index_cast %add3A_462 : i32 to index
        %get3A_496 = arith.constant 64 : index
        %get3A_497 = tpu.vector_load %arg12[%get3A_495, %get3A_496] {strides = array<i32>} : memref<80x128xf32, #tpu.memory_space<vmem>>, vector<16xf32>,
        %mul3A_498 = vector.broadcast %squeeze3A_458 : f32 to vector<16xf32>
        %mul3A_499 = arith.mulf %get3A_497, %mul3A_498 : vector<16xf32>
        %swap3A_500 = arith.index_cast %add3A_462 : i32 to index
        %swap3A_501 = arith.constant 64 : index
        %swap3A_502 = tpu.vector_load %arg12[%swap3A_500, %swap3A_501] {strides = array<i32>} : memref<80x128xf32, #tpu.memory_space<vmem>>, vector<16xf32>,
        tpu.vector_store %arg12[%swap3A_500, %swap3A_501], %mul3A_499 {strides = array<i32>} : memref<80x128xf32, #tpu.memory_space<vmem>>, vector<16xf32>,
        %get3A_503 = arith.index_cast %add3A_462 : i32 to index
        %get3A_504 = arith.constant 80 : index
        %get3A_505 = tpu.vector_load %arg12[%get3A_503, %get3A_504] {strides = array<i32>} : memref<80x128xf32, #tpu.memory_space<vmem>>, vector<16xf32>,
        %mul3A_506 = vector.broadcast %squeeze3A_458 : f32 to vector<16xf32>
        %mul3A_507 = arith.mulf %get3A_505, %mul3A_506 : vector<16xf32>
        %swap3A_508 = arith.index_cast %add3A_462 : i32 to index
        %swap3A_509 = arith.constant 80 : index
        %swap3A_510 = tpu.vector_load %arg12[%swap3A_508, %swap3A_509] {strides = array<i32>} : memref<80x128xf32, #tpu.memory_space<vmem>>, vector<16xf32>,
        tpu.vector_store %arg12[%swap3A_508, %swap3A_509], %mul3A_507 {strides = array<i32>} : memref<80x128xf32, #tpu.memory_space<vmem>>, vector<16xf32>,
        %get3A_511 = arith.index_cast %add3A_462 : i32 to index
        %get3A_512 = arith.constant 96 : index
        %get3A_513 = tpu.vector_load %arg12[%get3A_511, %get3A_512] {strides = array<i32>} : memref<80x128xf32, #tpu.memory_space<vmem>>, vector<16xf32>,
        %mul3A_514 = vector.broadcast %squeeze3A_458 : f32 to vector<16xf32>
        %mul3A_515 = arith.mulf %get3A_513, %mul3A_514 : vector<16xf32>
        %swap3A_516 = arith.index_cast %add3A_462 : i32 to index
        %swap3A_517 = arith.constant 96 : index
        %swap3A_518 = tpu.vector_load %arg12[%swap3A_516, %swap3A_517] {strides = array<i32>} : memref<80x128xf32, #tpu.memory_space<vmem>>, vector<16xf32>,
        tpu.vector_store %arg12[%swap3A_516, %swap3A_517], %mul3A_515 {strides = array<i32>} : memref<80x128xf32, #tpu.memory_space<vmem>>, vector<16xf32>,
        %get3A_519 = arith.index_cast %add3A_462 : i32 to index
        %get3A_520 = arith.constant 112 : index
        %get3A_521 = tpu.vector_load %arg12[%get3A_519, %get3A_520] {strides = array<i32>} : memref<80x128xf32, #tpu.memory_space<vmem>>, vector<16xf32>,
        %mul3A_522 = vector.broadcast %squeeze3A_458 : f32 to vector<16xf32>
        %mul3A_523 = arith.mulf %get3A_521, %mul3A_522 : vector<16xf32>
        %swap3A_524 = arith.index_cast %add3A_462 : i32 to index
        %swap3A_525 = arith.constant 112 : index
        %swap3A_526 = tpu.vector_load %arg12[%swap3A_524, %swap3A_525] {strides = array<i32>} : memref<80x128xf32, #tpu.memory_space<vmem>>, vector<16xf32>,
        tpu.vector_store %arg12[%swap3A_524, %swap3A_525], %mul3A_523 {strides = array<i32>} : memref<80x128xf32, #tpu.memory_space<vmem>>, vector<16xf32>,
        %slice3A_527 = vector.extract_strided_slice %gather3A {offsets = [4], sizes = [1], strides = [1]} : vector<16xf32> to vector<1xf32>
        %squeeze3A_528 = vector.extract %slice3A_527[0] : f32 from vector<1xf32>
        %mul3A_529 = arith.constant 16 : i32
        %mul3A_530 = arith.muli %scan3A_241, %mul3A_529 : i32
        %add3A_531 = arith.constant 4 : i32
        %add3A_532 = arith.addi %mul3A_530, %add3A_531 : i32
        %get3A_533 = arith.index_cast %add3A_532 : i32 to index
        %get3A_534 = arith.constant 0 : index
        %get3A_535 = tpu.vector_load %arg12[%get3A_533, %get3A_534] {strides = array<i32>} : memref<80x128xf32, #tpu.memory_space<vmem>>, vector<16xf32>,
        %mul3A_536 = vector.broadcast %squeeze3A_528 : f32 to vector<16xf32>
        %mul3A_537 = arith.mulf %get3A_535, %mul3A_536 : vector<16xf32>
        %swap3A_538 = arith.index_cast %add3A_532 : i32 to index
        %swap3A_539 = arith.constant 0 : index
        %swap3A_540 = tpu.vector_load %arg12[%swap3A_538, %swap3A_539] {strides = array<i32>} : memref<80x128xf32, #tpu.memory_space<vmem>>, vector<16xf32>,
        tpu.vector_store %arg12[%swap3A_538, %swap3A_539], %mul3A_537 {strides = array<i32>} : memref<80x128xf32, #tpu.memory_space<vmem>>, vector<16xf32>,
        %get3A_541 = arith.index_cast %add3A_532 : i32 to index
        %get3A_542 = arith.constant 16 : index
        %get3A_543 = tpu.vector_load %arg12[%get3A_541, %get3A_542] {strides = array<i32>} : memref<80x128xf32, #tpu.memory_space<vmem>>, vector<16xf32>,
        %mul3A_544 = vector.broadcast %squeeze3A_528 : f32 to vector<16xf32>
        %mul3A_545 = arith.mulf %get3A_543, %mul3A_544 : vector<16xf32>
        %swap3A_546 = arith.index_cast %add3A_532 : i32 to index
        %swap3A_547 = arith.constant 16 : index
        %swap3A_548 = tpu.vector_load %arg12[%swap3A_546, %swap3A_547] {strides = array<i32>} : memref<80x128xf32, #tpu.memory_space<vmem>>, vector<16xf32>,
        tpu.vector_store %arg12[%swap3A_546, %swap3A_547], %mul3A_545 {strides = array<i32>} : memref<80x128xf32, #tpu.memory_space<vmem>>, vector<16xf32>,
        %get3A_549 = arith.index_cast %add3A_532 : i32 to index
        %get3A_550 = arith.constant 32 : index
        %get3A_551 = tpu.vector_load %arg12[%get3A_549, %get3A_550] {strides = array<i32>} : memref<80x128xf32, #tpu.memory_space<vmem>>, vector<16xf32>,
        %mul3A_552 = vector.broadcast %squeeze3A_528 : f32 to vector<16xf32>
        %mul3A_553 = arith.mulf %get3A_551, %mul3A_552 : vector<16xf32>
        %swap3A_554 = arith.index_cast %add3A_532 : i32 to index
        %swap3A_555 = arith.constant 32 : index
        %swap3A_556 = tpu.vector_load %arg12[%swap3A_554, %swap3A_555] {strides = array<i32>} : memref<80x128xf32, #tpu.memory_space<vmem>>, vector<16xf32>,
        tpu.vector_store %arg12[%swap3A_554, %swap3A_555], %mul3A_553 {strides = array<i32>} : memref<80x128xf32, #tpu.memory_space<vmem>>, vector<16xf32>,
        %get3A_557 = arith.index_cast %add3A_532 : i32 to index
        %get3A_558 = arith.constant 48 : index
        %get3A_559 = tpu.vector_load %arg12[%get3A_557, %get3A_558] {strides = array<i32>} : memref<80x128xf32, #tpu.memory_space<vmem>>, vector<16xf32>,
        %mul3A_560 = vector.broadcast %squeeze3A_528 : f32 to vector<16xf32>
        %mul3A_561 = arith.mulf %get3A_559, %mul3A_560 : vector<16xf32>
        %swap3A_562 = arith.index_cast %add3A_532 : i32 to index
        %swap3A_563 = arith.constant 48 : index
        %swap3A_564 = tpu.vector_load %arg12[%swap3A_562, %swap3A_563] {strides = array<i32>} : memref<80x128xf32, #tpu.memory_space<vmem>>, vector<16xf32>,
        tpu.vector_store %arg12[%swap3A_562, %swap3A_563], %mul3A_561 {strides = array<i32>} : memref<80x128xf32, #tpu.memory_space<vmem>>, vector<16xf32>,
        %get3A_565 = arith.index_cast %add3A_532 : i32 to index
        %get3A_566 = arith.constant 64 : index
        %get3A_567 = tpu.vector_load %arg12[%get3A_565, %get3A_566] {strides = array<i32>} : memref<80x128xf32, #tpu.memory_space<vmem>>, vector<16xf32>,
        %mul3A_568 = vector.broadcast %squeeze3A_528 : f32 to vector<16xf32>
        %mul3A_569 = arith.mulf %get3A_567, %mul3A_568 : vector<16xf32>
        %swap3A_570 = arith.index_cast %add3A_532 : i32 to index
        %swap3A_571 = arith.constant 64 : index
        %swap3A_572 = tpu.vector_load %arg12[%swap3A_570, %swap3A_571] {strides = array<i32>} : memref<80x128xf32, #tpu.memory_space<vmem>>, vector<16xf32>,
        tpu.vector_store %arg12[%swap3A_570, %swap3A_571], %mul3A_569 {strides = array<i32>} : memref<80x128xf32, #tpu.memory_space<vmem>>, vector<16xf32>,
        %get3A_573 = arith.index_cast %add3A_532 : i32 to index
        %get3A_574 = arith.constant 80 : index
        %get3A_575 = tpu.vector_load %arg12[%get3A_573, %get3A_574] {strides = array<i32>} : memref<80x128xf32, #tpu.memory_space<vmem>>, vector<16xf32>,
        %mul3A_576 = vector.broadcast %squeeze3A_528 : f32 to vector<16xf32>
        %mul3A_577 = arith.mulf %get3A_575, %mul3A_576 : vector<16xf32>
        %swap3A_578 = arith.index_cast %add3A_532 : i32 to index
        %swap3A_579 = arith.constant 80 : index
        %swap3A_580 = tpu.vector_load %arg12[%swap3A_578, %swap3A_579] {strides = array<i32>} : memref<80x128xf32, #tpu.memory_space<vmem>>, vector<16xf32>,
        tpu.vector_store %arg12[%swap3A_578, %swap3A_579], %mul3A_577 {strides = array<i32>} : memref<80x128xf32, #tpu.memory_space<vmem>>, vector<16xf32>,
        %get3A_581 = arith.index_cast %add3A_532 : i32 to index
        %get3A_582 = arith.constant 96 : index
        %get3A_583 = tpu.vector_load %arg12[%get3A_581, %get3A_582] {strides = array<i32>} : memref<80x128xf32, #tpu.memory_space<vmem>>, vector<16xf32>,
        %mul3A_584 = vector.broadcast %squeeze3A_528 : f32 to vector<16xf32>
        %mul3A_585 = arith.mulf %get3A_583, %mul3A_584 : vector<16xf32>
        %swap3A_586 = arith.index_cast %add3A_532 : i32 to index
        %swap3A_587 = arith.constant 96 : index
        %swap3A_588 = tpu.vector_load %arg12[%swap3A_586, %swap3A_587] {strides = array<i32>} : memref<80x128xf32, #tpu.memory_space<vmem>>, vector<16xf32>,
        tpu.vector_store %arg12[%swap3A_586, %swap3A_587], %mul3A_585 {strides = array<i32>} : memref<80x128xf32, #tpu.memory_space<vmem>>, vector<16xf32>,
        %get3A_589 = arith.index_cast %add3A_532 : i32 to index
        %get3A_590 = arith.constant 112 : index
        %get3A_591 = tpu.vector_load %arg12[%get3A_589, %get3A_590] {strides = array<i32>} : memref<80x128xf32, #tpu.memory_space<vmem>>, vector<16xf32>,
        %mul3A_592 = vector.broadcast %squeeze3A_528 : f32 to vector<16xf32>
        %mul3A_593 = arith.mulf %get3A_591, %mul3A_592 : vector<16xf32>
        %swap3A_594 = arith.index_cast %add3A_532 : i32 to index
        %swap3A_595 = arith.constant 112 : index
        %swap3A_596 = tpu.vector_load %arg12[%swap3A_594, %swap3A_595] {strides = array<i32>} : memref<80x128xf32, #tpu.memory_space<vmem>>, vector<16xf32>,
        tpu.vector_store %arg12[%swap3A_594, %swap3A_595], %mul3A_593 {strides = array<i32>} : memref<80x128xf32, #tpu.memory_space<vmem>>, vector<16xf32>,
        %slice3A_597 = vector.extract_strided_slice %gather3A {offsets = [5], sizes = [1], strides = [1]} : vector<16xf32> to vector<1xf32>
        %squeeze3A_598 = vector.extract %slice3A_597[0] : f32 from vector<1xf32>
        %mul3A_599 = arith.constant 16 : i32
        %mul3A_600 = arith.muli %scan3A_241, %mul3A_599 : i32
        %add3A_601 = arith.constant 5 : i32
        %add3A_602 = arith.addi %mul3A_600, %add3A_601 : i32
        %get3A_603 = arith.index_cast %add3A_602 : i32 to index
        %get3A_604 = arith.constant 0 : index
        %get3A_605 = tpu.vector_load %arg12[%get3A_603, %get3A_604] {strides = array<i32>} : memref<80x128xf32, #tpu.memory_space<vmem>>, vector<16xf32>,
        %mul3A_606 = vector.broadcast %squeeze3A_598 : f32 to vector<16xf32>
        %mul3A_607 = arith.mulf %get3A_605, %mul3A_606 : vector<16xf32>
        %swap3A_608 = arith.index_cast %add3A_602 : i32 to index
        %swap3A_609 = arith.constant 0 : index
        %swap3A_610 = tpu.vector_load %arg12[%swap3A_608, %swap3A_609] {strides = array<i32>} : memref<80x128xf32, #tpu.memory_space<vmem>>, vector<16xf32>,
        tpu.vector_store %arg12[%swap3A_608, %swap3A_609], %mul3A_607 {strides = array<i32>} : memref<80x128xf32, #tpu.memory_space<vmem>>, vector<16xf32>,
        %get3A_611 = arith.index_cast %add3A_602 : i32 to index
        %get3A_612 = arith.constant 16 : index
        %get3A_613 = tpu.vector_load %arg12[%get3A_611, %get3A_612] {strides = array<i32>} : memref<80x128xf32, #tpu.memory_space<vmem>>, vector<16xf32>,
        %mul3A_614 = vector.broadcast %squeeze3A_598 : f32 to vector<16xf32>
        %mul3A_615 = arith.mulf %get3A_613, %mul3A_614 : vector<16xf32>
        %swap3A_616 = arith.index_cast %add3A_602 : i32 to index
        %swap3A_617 = arith.constant 16 : index
        %swap3A_618 = tpu.vector_load %arg12[%swap3A_616, %swap3A_617] {strides = array<i32>} : memref<80x128xf32, #tpu.memory_space<vmem>>, vector<16xf32>,
        tpu.vector_store %arg12[%swap3A_616, %swap3A_617], %mul3A_615 {strides = array<i32>} : memref<80x128xf32, #tpu.memory_space<vmem>>, vector<16xf32>,
        %get3A_619 = arith.index_cast %add3A_602 : i32 to index
        %get3A_620 = arith.constant 32 : index
        %get3A_621 = tpu.vector_load %arg12[%get3A_619, %get3A_620] {strides = array<i32>} : memref<80x128xf32, #tpu.memory_space<vmem>>, vector<16xf32>,
        %mul3A_622 = vector.broadcast %squeeze3A_598 : f32 to vector<16xf32>
        %mul3A_623 = arith.mulf %get3A_621, %mul3A_622 : vector<16xf32>
        %swap3A_624 = arith.index_cast %add3A_602 : i32 to index
        %swap3A_625 = arith.constant 32 : index
        %swap3A_626 = tpu.vector_load %arg12[%swap3A_624, %swap3A_625] {strides = array<i32>} : memref<80x128xf32, #tpu.memory_space<vmem>>, vector<16xf32>,
        tpu.vector_store %arg12[%swap3A_624, %swap3A_625], %mul3A_623 {strides = array<i32>} : memref<80x128xf32, #tpu.memory_space<vmem>>, vector<16xf32>,
        %get3A_627 = arith.index_cast %add3A_602 : i32 to index
        %get3A_628 = arith.constant 48 : index
        %get3A_629 = tpu.vector_load %arg12[%get3A_627, %get3A_628] {strides = array<i32>} : memref<80x128xf32, #tpu.memory_space<vmem>>, vector<16xf32>,
        %mul3A_630 = vector.broadcast %squeeze3A_598 : f32 to vector<16xf32>
        %mul3A_631 = arith.mulf %get3A_629, %mul3A_630 : vector<16xf32>
        %swap3A_632 = arith.index_cast %add3A_602 : i32 to index
        %swap3A_633 = arith.constant 48 : index
        %swap3A_634 = tpu.vector_load %arg12[%swap3A_632, %swap3A_633] {strides = array<i32>} : memref<80x128xf32, #tpu.memory_space<vmem>>, vector<16xf32>,
        tpu.vector_store %arg12[%swap3A_632, %swap3A_633], %mul3A_631 {strides = array<i32>} : memref<80x128xf32, #tpu.memory_space<vmem>>, vector<16xf32>,
        %get3A_635 = arith.index_cast %add3A_602 : i32 to index
        %get3A_636 = arith.constant 64 : index
        %get3A_637 = tpu.vector_load %arg12[%get3A_635, %get3A_636] {strides = array<i32>} : memref<80x128xf32, #tpu.memory_space<vmem>>, vector<16xf32>,
        %mul3A_638 = vector.broadcast %squeeze3A_598 : f32 to vector<16xf32>
        %mul3A_639 = arith.mulf %get3A_637, %mul3A_638 : vector<16xf32>
        %swap3A_640 = arith.index_cast %add3A_602 : i32 to index
        %swap3A_641 = arith.constant 64 : index
        %swap3A_642 = tpu.vector_load %arg12[%swap3A_640, %swap3A_641] {strides = array<i32>} : memref<80x128xf32, #tpu.memory_space<vmem>>, vector<16xf32>,
        tpu.vector_store %arg12[%swap3A_640, %swap3A_641], %mul3A_639 {strides = array<i32>} : memref<80x128xf32, #tpu.memory_space<vmem>>, vector<16xf32>,
        %get3A_643 = arith.index_cast %add3A_602 : i32 to index
        %get3A_644 = arith.constant 80 : index
        %get3A_645 = tpu.vector_load %arg12[%get3A_643, %get3A_644] {strides = array<i32>} : memref<80x128xf32, #tpu.memory_space<vmem>>, vector<16xf32>,
        %mul3A_646 = vector.broadcast %squeeze3A_598 : f32 to vector<16xf32>
        %mul3A_647 = arith.mulf %get3A_645, %mul3A_646 : vector<16xf32>
        %swap3A_648 = arith.index_cast %add3A_602 : i32 to index
        %swap3A_649 = arith.constant 80 : index
        %swap3A_650 = tpu.vector_load %arg12[%swap3A_648, %swap3A_649] {strides = array<i32>} : memref<80x128xf32, #tpu.memory_space<vmem>>, vector<16xf32>,
        tpu.vector_store %arg12[%swap3A_648, %swap3A_649], %mul3A_647 {strides = array<i32>} : memref<80x128xf32, #tpu.memory_space<vmem>>, vector<16xf32>,
        %get3A_651 = arith.index_cast %add3A_602 : i32 to index
        %get3A_652 = arith.constant 96 : index
        %get3A_653 = tpu.vector_load %arg12[%get3A_651, %get3A_652] {strides = array<i32>} : memref<80x128xf32, #tpu.memory_space<vmem>>, vector<16xf32>,
        %mul3A_654 = vector.broadcast %squeeze3A_598 : f32 to vector<16xf32>
        %mul3A_655 = arith.mulf %get3A_653, %mul3A_654 : vector<16xf32>
        %swap3A_656 = arith.index_cast %add3A_602 : i32 to index
        %swap3A_657 = arith.constant 96 : index
        %swap3A_658 = tpu.vector_load %arg12[%swap3A_656, %swap3A_657] {strides = array<i32>} : memref<80x128xf32, #tpu.memory_space<vmem>>, vector<16xf32>,
        tpu.vector_store %arg12[%swap3A_656, %swap3A_657], %mul3A_655 {strides = array<i32>} : memref<80x128xf32, #tpu.memory_space<vmem>>, vector<16xf32>,
        %get3A_659 = arith.index_cast %add3A_602 : i32 to index
        %get3A_660 = arith.constant 112 : index
        %get3A_661 = tpu.vector_load %arg12[%get3A_659, %get3A_660] {strides = array<i32>} : memref<80x128xf32, #tpu.memory_space<vmem>>, vector<16xf32>,
        %mul3A_662 = vector.broadcast %squeeze3A_598 : f32 to vector<16xf32>
        %mul3A_663 = arith.mulf %get3A_661, %mul3A_662 : vector<16xf32>
        %swap3A_664 = arith.index_cast %add3A_602 : i32 to index
        %swap3A_665 = arith.constant 112 : index
        %swap3A_666 = tpu.vector_load %arg12[%swap3A_664, %swap3A_665] {strides = array<i32>} : memref<80x128xf32, #tpu.memory_space<vmem>>, vector<16xf32>,
        tpu.vector_store %arg12[%swap3A_664, %swap3A_665], %mul3A_663 {strides = array<i32>} : memref<80x128xf32, #tpu.memory_space<vmem>>, vector<16xf32>,
        %slice3A_667 = vector.extract_strided_slice %gather3A {offsets = [6], sizes = [1], strides = [1]} : vector<16xf32> to vector<1xf32>
        %squeeze3A_668 = vector.extract %slice3A_667[0] : f32 from vector<1xf32>
        %mul3A_669 = arith.constant 16 : i32
        %mul3A_670 = arith.muli %scan3A_241, %mul3A_669 : i32
        %add3A_671 = arith.constant 6 : i32
        %add3A_672 = arith.addi %mul3A_670, %add3A_671 : i32
        %get3A_673 = arith.index_cast %add3A_672 : i32 to index
        %get3A_674 = arith.constant 0 : index
        %get3A_675 = tpu.vector_load %arg12[%get3A_673, %get3A_674] {strides = array<i32>} : memref<80x128xf32, #tpu.memory_space<vmem>>, vector<16xf32>,
        %mul3A_676 = vector.broadcast %squeeze3A_668 : f32 to vector<16xf32>
        %mul3A_677 = arith.mulf %get3A_675, %mul3A_676 : vector<16xf32>
        %swap3A_678 = arith.index_cast %add3A_672 : i32 to index
        %swap3A_679 = arith.constant 0 : index
        %swap3A_680 = tpu.vector_load %arg12[%swap3A_678, %swap3A_679] {strides = array<i32>} : memref<80x128xf32, #tpu.memory_space<vmem>>, vector<16xf32>,
        tpu.vector_store %arg12[%swap3A_678, %swap3A_679], %mul3A_677 {strides = array<i32>} : memref<80x128xf32, #tpu.memory_space<vmem>>, vector<16xf32>,
        %get3A_681 = arith.index_cast %add3A_672 : i32 to index
        %get3A_682 = arith.constant 16 : index
        %get3A_683 = tpu.vector_load %arg12[%get3A_681, %get3A_682] {strides = array<i32>} : memref<80x128xf32, #tpu.memory_space<vmem>>, vector<16xf32>,
        %mul3A_684 = vector.broadcast %squeeze3A_668 : f32 to vector<16xf32>
        %mul3A_685 = arith.mulf %get3A_683, %mul3A_684 : vector<16xf32>
        %swap3A_686 = arith.index_cast %add3A_672 : i32 to index
        %swap3A_687 = arith.constant 16 : index
        %swap3A_688 = tpu.vector_load %arg12[%swap3A_686, %swap3A_687] {strides = array<i32>} : memref<80x128xf32, #tpu.memory_space<vmem>>, vector<16xf32>,
        tpu.vector_store %arg12[%swap3A_686, %swap3A_687], %mul3A_685 {strides = array<i32>} : memref<80x128xf32, #tpu.memory_space<vmem>>, vector<16xf32>,
        %get3A_689 = arith.index_cast %add3A_672 : i32 to index
        %get3A_690 = arith.constant 32 : index
        %get3A_691 = tpu.vector_load %arg12[%get3A_689, %get3A_690] {strides = array<i32>} : memref<80x128xf32, #tpu.memory_space<vmem>>, vector<16xf32>,
        %mul3A_692 = vector.broadcast %squeeze3A_668 : f32 to vector<16xf32>
        %mul3A_693 = arith.mulf %get3A_691, %mul3A_692 : vector<16xf32>
        %swap3A_694 = arith.index_cast %add3A_672 : i32 to index
        %swap3A_695 = arith.constant 32 : index
        %swap3A_696 = tpu.vector_load %arg12[%swap3A_694, %swap3A_695] {strides = array<i32>} : memref<80x128xf32, #tpu.memory_space<vmem>>, vector<16xf32>,
        tpu.vector_store %arg12[%swap3A_694, %swap3A_695], %mul3A_693 {strides = array<i32>} : memref<80x128xf32, #tpu.memory_space<vmem>>, vector<16xf32>,
        %get3A_697 = arith.index_cast %add3A_672 : i32 to index
        %get3A_698 = arith.constant 48 : index
        %get3A_699 = tpu.vector_load %arg12[%get3A_697, %get3A_698] {strides = array<i32>} : memref<80x128xf32, #tpu.memory_space<vmem>>, vector<16xf32>,
        %mul3A_700 = vector.broadcast %squeeze3A_668 : f32 to vector<16xf32>
        %mul3A_701 = arith.mulf %get3A_699, %mul3A_700 : vector<16xf32>
        %swap3A_702 = arith.index_cast %add3A_672 : i32 to index
        %swap3A_703 = arith.constant 48 : index
        %swap3A_704 = tpu.vector_load %arg12[%swap3A_702, %swap3A_703] {strides = array<i32>} : memref<80x128xf32, #tpu.memory_space<vmem>>, vector<16xf32>,
        tpu.vector_store %arg12[%swap3A_702, %swap3A_703], %mul3A_701 {strides = array<i32>} : memref<80x128xf32, #tpu.memory_space<vmem>>, vector<16xf32>,
        %get3A_705 = arith.index_cast %add3A_672 : i32 to index
        %get3A_706 = arith.constant 64 : index
        %get3A_707 = tpu.vector_load %arg12[%get3A_705, %get3A_706] {strides = array<i32>} : memref<80x128xf32, #tpu.memory_space<vmem>>, vector<16xf32>,
        %mul3A_708 = vector.broadcast %squeeze3A_668 : f32 to vector<16xf32>
        %mul3A_709 = arith.mulf %get3A_707, %mul3A_708 : vector<16xf32>
        %swap3A_710 = arith.index_cast %add3A_672 : i32 to index
        %swap3A_711 = arith.constant 64 : index
        %swap3A_712 = tpu.vector_load %arg12[%swap3A_710, %swap3A_711] {strides = array<i32>} : memref<80x128xf32, #tpu.memory_space<vmem>>, vector<16xf32>,
        tpu.vector_store %arg12[%swap3A_710, %swap3A_711], %mul3A_709 {strides = array<i32>} : memref<80x128xf32, #tpu.memory_space<vmem>>, vector<16xf32>,
        %get3A_713 = arith.index_cast %add3A_672 : i32 to index
        %get3A_714 = arith.constant 80 : index
        %get3A_715 = tpu.vector_load %arg12[%get3A_713, %get3A_714] {strides = array<i32>} : memref<80x128xf32, #tpu.memory_space<vmem>>, vector<16xf32>,
        %mul3A_716 = vector.broadcast %squeeze3A_668 : f32 to vector<16xf32>
        %mul3A_717 = arith.mulf %get3A_715, %mul3A_716 : vector<16xf32>
        %swap3A_718 = arith.index_cast %add3A_672 : i32 to index
        %swap3A_719 = arith.constant 80 : index
        %swap3A_720 = tpu.vector_load %arg12[%swap3A_718, %swap3A_719] {strides = array<i32>} : memref<80x128xf32, #tpu.memory_space<vmem>>, vector<16xf32>,
        tpu.vector_store %arg12[%swap3A_718, %swap3A_719], %mul3A_717 {strides = array<i32>} : memref<80x128xf32, #tpu.memory_space<vmem>>, vector<16xf32>,
        %get3A_721 = arith.index_cast %add3A_672 : i32 to index
        %get3A_722 = arith.constant 96 : index
        %get3A_723 = tpu.vector_load %arg12[%get3A_721, %get3A_722] {strides = array<i32>} : memref<80x128xf32, #tpu.memory_space<vmem>>, vector<16xf32>,
        %mul3A_724 = vector.broadcast %squeeze3A_668 : f32 to vector<16xf32>
        %mul3A_725 = arith.mulf %get3A_723, %mul3A_724 : vector<16xf32>
        %swap3A_726 = arith.index_cast %add3A_672 : i32 to index
        %swap3A_727 = arith.constant 96 : index
        %swap3A_728 = tpu.vector_load %arg12[%swap3A_726, %swap3A_727] {strides = array<i32>} : memref<80x128xf32, #tpu.memory_space<vmem>>, vector<16xf32>,
        tpu.vector_store %arg12[%swap3A_726, %swap3A_727], %mul3A_725 {strides = array<i32>} : memref<80x128xf32, #tpu.memory_space<vmem>>, vector<16xf32>,
        %get3A_729 = arith.index_cast %add3A_672 : i32 to index
        %get3A_730 = arith.constant 112 : index
        %get3A_731 = tpu.vector_load %arg12[%get3A_729, %get3A_730] {strides = array<i32>} : memref<80x128xf32, #tpu.memory_space<vmem>>, vector<16xf32>,
        %mul3A_732 = vector.broadcast %squeeze3A_668 : f32 to vector<16xf32>
        %mul3A_733 = arith.mulf %get3A_731, %mul3A_732 : vector<16xf32>
        %swap3A_734 = arith.index_cast %add3A_672 : i32 to index
        %swap3A_735 = arith.constant 112 : index
        %swap3A_736 = tpu.vector_load %arg12[%swap3A_734, %swap3A_735] {strides = array<i32>} : memref<80x128xf32, #tpu.memory_space<vmem>>, vector<16xf32>,
        tpu.vector_store %arg12[%swap3A_734, %swap3A_735], %mul3A_733 {strides = array<i32>} : memref<80x128xf32, #tpu.memory_space<vmem>>, vector<16xf32>,
        %slice3A_737 = vector.extract_strided_slice %gather3A {offsets = [7], sizes = [1], strides = [1]} : vector<16xf32> to vector<1xf32>
        %squeeze3A_738 = vector.extract %slice3A_737[0] : f32 from vector<1xf32>
        %mul3A_739 = arith.constant 16 : i32
        %mul3A_740 = arith.muli %scan3A_241, %mul3A_739 : i32
        %add3A_741 = arith.constant 7 : i32
        %add3A_742 = arith.addi %mul3A_740, %add3A_741 : i32
        %get3A_743 = arith.index_cast %add3A_742 : i32 to index
        %get3A_744 = arith.constant 0 : index
        %get3A_745 = tpu.vector_load %arg12[%get3A_743, %get3A_744] {strides = array<i32>} : memref<80x128xf32, #tpu.memory_space<vmem>>, vector<16xf32>,
        %mul3A_746 = vector.broadcast %squeeze3A_738 : f32 to vector<16xf32>
        %mul3A_747 = arith.mulf %get3A_745, %mul3A_746 : vector<16xf32>
        %swap3A_748 = arith.index_cast %add3A_742 : i32 to index
        %swap3A_749 = arith.constant 0 : index
        %swap3A_750 = tpu.vector_load %arg12[%swap3A_748, %swap3A_749] {strides = array<i32>} : memref<80x128xf32, #tpu.memory_space<vmem>>, vector<16xf32>,
        tpu.vector_store %arg12[%swap3A_748, %swap3A_749], %mul3A_747 {strides = array<i32>} : memref<80x128xf32, #tpu.memory_space<vmem>>, vector<16xf32>,
        %get3A_751 = arith.index_cast %add3A_742 : i32 to index
        %get3A_752 = arith.constant 16 : index
        %get3A_753 = tpu.vector_load %arg12[%get3A_751, %get3A_752] {strides = array<i32>} : memref<80x128xf32, #tpu.memory_space<vmem>>, vector<16xf32>,
        %mul3A_754 = vector.broadcast %squeeze3A_738 : f32 to vector<16xf32>
        %mul3A_755 = arith.mulf %get3A_753, %mul3A_754 : vector<16xf32>
        %swap3A_756 = arith.index_cast %add3A_742 : i32 to index
        %swap3A_757 = arith.constant 16 : index
        %swap3A_758 = tpu.vector_load %arg12[%swap3A_756, %swap3A_757] {strides = array<i32>} : memref<80x128xf32, #tpu.memory_space<vmem>>, vector<16xf32>,
        tpu.vector_store %arg12[%swap3A_756, %swap3A_757], %mul3A_755 {strides = array<i32>} : memref<80x128xf32, #tpu.memory_space<vmem>>, vector<16xf32>,
        %get3A_759 = arith.index_cast %add3A_742 : i32 to index
        %get3A_760 = arith.constant 32 : index
        %get3A_761 = tpu.vector_load %arg12[%get3A_759, %get3A_760] {strides = array<i32>} : memref<80x128xf32, #tpu.memory_space<vmem>>, vector<16xf32>,
        %mul3A_762 = vector.broadcast %squeeze3A_738 : f32 to vector<16xf32>
        %mul3A_763 = arith.mulf %get3A_761, %mul3A_762 : vector<16xf32>
        %swap3A_764 = arith.index_cast %add3A_742 : i32 to index
        %swap3A_765 = arith.constant 32 : index
        %swap3A_766 = tpu.vector_load %arg12[%swap3A_764, %swap3A_765] {strides = array<i32>} : memref<80x128xf32, #tpu.memory_space<vmem>>, vector<16xf32>,
        tpu.vector_store %arg12[%swap3A_764, %swap3A_765], %mul3A_763 {strides = array<i32>} : memref<80x128xf32, #tpu.memory_space<vmem>>, vector<16xf32>,
        %get3A_767 = arith.index_cast %add3A_742 : i32 to index
        %get3A_768 = arith.constant 48 : index
        %get3A_769 = tpu.vector_load %arg12[%get3A_767, %get3A_768] {strides = array<i32>} : memref<80x128xf32, #tpu.memory_space<vmem>>, vector<16xf32>,
        %mul3A_770 = vector.broadcast %squeeze3A_738 : f32 to vector<16xf32>
        %mul3A_771 = arith.mulf %get3A_769, %mul3A_770 : vector<16xf32>
        %swap3A_772 = arith.index_cast %add3A_742 : i32 to index
        %swap3A_773 = arith.constant 48 : index
        %swap3A_774 = tpu.vector_load %arg12[%swap3A_772, %swap3A_773] {strides = array<i32>} : memref<80x128xf32, #tpu.memory_space<vmem>>, vector<16xf32>,
        tpu.vector_store %arg12[%swap3A_772, %swap3A_773], %mul3A_771 {strides = array<i32>} : memref<80x128xf32, #tpu.memory_space<vmem>>, vector<16xf32>,
        %get3A_775 = arith.index_cast %add3A_742 : i32 to index
        %get3A_776 = arith.constant 64 : index
        %get3A_777 = tpu.vector_load %arg12[%get3A_775, %get3A_776] {strides = array<i32>} : memref<80x128xf32, #tpu.memory_space<vmem>>, vector<16xf32>,
        %mul3A_778 = vector.broadcast %squeeze3A_738 : f32 to vector<16xf32>
        %mul3A_779 = arith.mulf %get3A_777, %mul3A_778 : vector<16xf32>
        %swap3A_780 = arith.index_cast %add3A_742 : i32 to index
        %swap3A_781 = arith.constant 64 : index
        %swap3A_782 = tpu.vector_load %arg12[%swap3A_780, %swap3A_781] {strides = array<i32>} : memref<80x128xf32, #tpu.memory_space<vmem>>, vector<16xf32>,
        tpu.vector_store %arg12[%swap3A_780, %swap3A_781], %mul3A_779 {strides = array<i32>} : memref<80x128xf32, #tpu.memory_space<vmem>>, vector<16xf32>,
        %get3A_783 = arith.index_cast %add3A_742 : i32 to index
        %get3A_784 = arith.constant 80 : index
        %get3A_785 = tpu.vector_load %arg12[%get3A_783, %get3A_784] {strides = array<i32>} : memref<80x128xf32, #tpu.memory_space<vmem>>, vector<16xf32>,
        %mul3A_786 = vector.broadcast %squeeze3A_738 : f32 to vector<16xf32>
        %mul3A_787 = arith.mulf %get3A_785, %mul3A_786 : vector<16xf32>
        %swap3A_788 = arith.index_cast %add3A_742 : i32 to index
        %swap3A_789 = arith.constant 80 : index
        %swap3A_790 = tpu.vector_load %arg12[%swap3A_788, %swap3A_789] {strides = array<i32>} : memref<80x128xf32, #tpu.memory_space<vmem>>, vector<16xf32>,
        tpu.vector_store %arg12[%swap3A_788, %swap3A_789], %mul3A_787 {strides = array<i32>} : memref<80x128xf32, #tpu.memory_space<vmem>>, vector<16xf32>,
        %get3A_791 = arith.index_cast %add3A_742 : i32 to index
        %get3A_792 = arith.constant 96 : index
        %get3A_793 = tpu.vector_load %arg12[%get3A_791, %get3A_792] {strides = array<i32>} : memref<80x128xf32, #tpu.memory_space<vmem>>, vector<16xf32>,
        %mul3A_794 = vector.broadcast %squeeze3A_738 : f32 to vector<16xf32>
        %mul3A_795 = arith.mulf %get3A_793, %mul3A_794 : vector<16xf32>
        %swap3A_796 = arith.index_cast %add3A_742 : i32 to index
        %swap3A_797 = arith.constant 96 : index
        %swap3A_798 = tpu.vector_load %arg12[%swap3A_796, %swap3A_797] {strides = array<i32>} : memref<80x128xf32, #tpu.memory_space<vmem>>, vector<16xf32>,
        tpu.vector_store %arg12[%swap3A_796, %swap3A_797], %mul3A_795 {strides = array<i32>} : memref<80x128xf32, #tpu.memory_space<vmem>>, vector<16xf32>,
        %get3A_799 = arith.index_cast %add3A_742 : i32 to index
        %get3A_800 = arith.constant 112 : index
        %get3A_801 = tpu.vector_load %arg12[%get3A_799, %get3A_800] {strides = array<i32>} : memref<80x128xf32, #tpu.memory_space<vmem>>, vector<16xf32>,
        %mul3A_802 = vector.broadcast %squeeze3A_738 : f32 to vector<16xf32>
        %mul3A_803 = arith.mulf %get3A_801, %mul3A_802 : vector<16xf32>
        %swap3A_804 = arith.index_cast %add3A_742 : i32 to index
        %swap3A_805 = arith.constant 112 : index
        %swap3A_806 = tpu.vector_load %arg12[%swap3A_804, %swap3A_805] {strides = array<i32>} : memref<80x128xf32, #tpu.memory_space<vmem>>, vector<16xf32>,
        tpu.vector_store %arg12[%swap3A_804, %swap3A_805], %mul3A_803 {strides = array<i32>} : memref<80x128xf32, #tpu.memory_space<vmem>>, vector<16xf32>,
        %slice3A_807 = vector.extract_strided_slice %gather3A {offsets = [8], sizes = [1], strides = [1]} : vector<16xf32> to vector<1xf32>
        %squeeze3A_808 = vector.extract %slice3A_807[0] : f32 from vector<1xf32>
        %mul3A_809 = arith.constant 16 : i32
        %mul3A_810 = arith.muli %scan3A_241, %mul3A_809 : i32
        %add3A_811 = arith.constant 8 : i32
        %add3A_812 = arith.addi %mul3A_810, %add3A_811 : i32
        %get3A_813 = arith.index_cast %add3A_812 : i32 to index
        %get3A_814 = arith.constant 0 : index
        %get3A_815 = tpu.vector_load %arg12[%get3A_813, %get3A_814] {strides = array<i32>} : memref<80x128xf32, #tpu.memory_space<vmem>>, vector<16xf32>,
        %mul3A_816 = vector.broadcast %squeeze3A_808 : f32 to vector<16xf32>
        %mul3A_817 = arith.mulf %get3A_815, %mul3A_816 : vector<16xf32>
        %swap3A_818 = arith.index_cast %add3A_812 : i32 to index
        %swap3A_819 = arith.constant 0 : index
        %swap3A_820 = tpu.vector_load %arg12[%swap3A_818, %swap3A_819] {strides = array<i32>} : memref<80x128xf32, #tpu.memory_space<vmem>>, vector<16xf32>,
        tpu.vector_store %arg12[%swap3A_818, %swap3A_819], %mul3A_817 {strides = array<i32>} : memref<80x128xf32, #tpu.memory_space<vmem>>, vector<16xf32>,
        %get3A_821 = arith.index_cast %add3A_812 : i32 to index
        %get3A_822 = arith.constant 16 : index
        %get3A_823 = tpu.vector_load %arg12[%get3A_821, %get3A_822] {strides = array<i32>} : memref<80x128xf32, #tpu.memory_space<vmem>>, vector<16xf32>,
        %mul3A_824 = vector.broadcast %squeeze3A_808 : f32 to vector<16xf32>
        %mul3A_825 = arith.mulf %get3A_823, %mul3A_824 : vector<16xf32>
        %swap3A_826 = arith.index_cast %add3A_812 : i32 to index
        %swap3A_827 = arith.constant 16 : index
        %swap3A_828 = tpu.vector_load %arg12[%swap3A_826, %swap3A_827] {strides = array<i32>} : memref<80x128xf32, #tpu.memory_space<vmem>>, vector<16xf32>,
        tpu.vector_store %arg12[%swap3A_826, %swap3A_827], %mul3A_825 {strides = array<i32>} : memref<80x128xf32, #tpu.memory_space<vmem>>, vector<16xf32>,
        %get3A_829 = arith.index_cast %add3A_812 : i32 to index
        %get3A_830 = arith.constant 32 : index
        %get3A_831 = tpu.vector_load %arg12[%get3A_829, %get3A_830] {strides = array<i32>} : memref<80x128xf32, #tpu.memory_space<vmem>>, vector<16xf32>,
        %mul3A_832 = vector.broadcast %squeeze3A_808 : f32 to vector<16xf32>
        %mul3A_833 = arith.mulf %get3A_831, %mul3A_832 : vector<16xf32>
        %swap3A_834 = arith.index_cast %add3A_812 : i32 to index
        %swap3A_835 = arith.constant 32 : index
        %swap3A_836 = tpu.vector_load %arg12[%swap3A_834, %swap3A_835] {strides = array<i32>} : memref<80x128xf32, #tpu.memory_space<vmem>>, vector<16xf32>,
        tpu.vector_store %arg12[%swap3A_834, %swap3A_835], %mul3A_833 {strides = array<i32>} : memref<80x128xf32, #tpu.memory_space<vmem>>, vector<16xf32>,
        %get3A_837 = arith.index_cast %add3A_812 : i32 to index
        %get3A_838 = arith.constant 48 : index
        %get3A_839 = tpu.vector_load %arg12[%get3A_837, %get3A_838] {strides = array<i32>} : memref<80x128xf32, #tpu.memory_space<vmem>>, vector<16xf32>,
        %mul3A_840 = vector.broadcast %squeeze3A_808 : f32 to vector<16xf32>
        %mul3A_841 = arith.mulf %get3A_839, %mul3A_840 : vector<16xf32>
        %swap3A_842 = arith.index_cast %add3A_812 : i32 to index
        %swap3A_843 = arith.constant 48 : index
        %swap3A_844 = tpu.vector_load %arg12[%swap3A_842, %swap3A_843] {strides = array<i32>} : memref<80x128xf32, #tpu.memory_space<vmem>>, vector<16xf32>,
        tpu.vector_store %arg12[%swap3A_842, %swap3A_843], %mul3A_841 {strides = array<i32>} : memref<80x128xf32, #tpu.memory_space<vmem>>, vector<16xf32>,
        %get3A_845 = arith.index_cast %add3A_812 : i32 to index
        %get3A_846 = arith.constant 64 : index
        %get3A_847 = tpu.vector_load %arg12[%get3A_845, %get3A_846] {strides = array<i32>} : memref<80x128xf32, #tpu.memory_space<vmem>>, vector<16xf32>,
        %mul3A_848 = vector.broadcast %squeeze3A_808 : f32 to vector<16xf32>
        %mul3A_849 = arith.mulf %get3A_847, %mul3A_848 : vector<16xf32>
        %swap3A_850 = arith.index_cast %add3A_812 : i32 to index
        %swap3A_851 = arith.constant 64 : index
        %swap3A_852 = tpu.vector_load %arg12[%swap3A_850, %swap3A_851] {strides = array<i32>} : memref<80x128xf32, #tpu.memory_space<vmem>>, vector<16xf32>,
        tpu.vector_store %arg12[%swap3A_850, %swap3A_851], %mul3A_849 {strides = array<i32>} : memref<80x128xf32, #tpu.memory_space<vmem>>, vector<16xf32>,
        %get3A_853 = arith.index_cast %add3A_812 : i32 to index
        %get3A_854 = arith.constant 80 : index
        %get3A_855 = tpu.vector_load %arg12[%get3A_853, %get3A_854] {strides = array<i32>} : memref<80x128xf32, #tpu.memory_space<vmem>>, vector<16xf32>,
        %mul3A_856 = vector.broadcast %squeeze3A_808 : f32 to vector<16xf32>
        %mul3A_857 = arith.mulf %get3A_855, %mul3A_856 : vector<16xf32>
        %swap3A_858 = arith.index_cast %add3A_812 : i32 to index
        %swap3A_859 = arith.constant 80 : index
        %swap3A_860 = tpu.vector_load %arg12[%swap3A_858, %swap3A_859] {strides = array<i32>} : memref<80x128xf32, #tpu.memory_space<vmem>>, vector<16xf32>,
        tpu.vector_store %arg12[%swap3A_858, %swap3A_859], %mul3A_857 {strides = array<i32>} : memref<80x128xf32, #tpu.memory_space<vmem>>, vector<16xf32>,
        %get3A_861 = arith.index_cast %add3A_812 : i32 to index
        %get3A_862 = arith.constant 96 : index
        %get3A_863 = tpu.vector_load %arg12[%get3A_861, %get3A_862] {strides = array<i32>} : memref<80x128xf32, #tpu.memory_space<vmem>>, vector<16xf32>,
        %mul3A_864 = vector.broadcast %squeeze3A_808 : f32 to vector<16xf32>
        %mul3A_865 = arith.mulf %get3A_863, %mul3A_864 : vector<16xf32>
        %swap3A_866 = arith.index_cast %add3A_812 : i32 to index
        %swap3A_867 = arith.constant 96 : index
        %swap3A_868 = tpu.vector_load %arg12[%swap3A_866, %swap3A_867] {strides = array<i32>} : memref<80x128xf32, #tpu.memory_space<vmem>>, vector<16xf32>,
        tpu.vector_store %arg12[%swap3A_866, %swap3A_867], %mul3A_865 {strides = array<i32>} : memref<80x128xf32, #tpu.memory_space<vmem>>, vector<16xf32>,
        %get3A_869 = arith.index_cast %add3A_812 : i32 to index
        %get3A_870 = arith.constant 112 : index
        %get3A_871 = tpu.vector_load %arg12[%get3A_869, %get3A_870] {strides = array<i32>} : memref<80x128xf32, #tpu.memory_space<vmem>>, vector<16xf32>,
        %mul3A_872 = vector.broadcast %squeeze3A_808 : f32 to vector<16xf32>
        %mul3A_873 = arith.mulf %get3A_871, %mul3A_872 : vector<16xf32>
        %swap3A_874 = arith.index_cast %add3A_812 : i32 to index
        %swap3A_875 = arith.constant 112 : index
        %swap3A_876 = tpu.vector_load %arg12[%swap3A_874, %swap3A_875] {strides = array<i32>} : memref<80x128xf32, #tpu.memory_space<vmem>>, vector<16xf32>,
        tpu.vector_store %arg12[%swap3A_874, %swap3A_875], %mul3A_873 {strides = array<i32>} : memref<80x128xf32, #tpu.memory_space<vmem>>, vector<16xf32>,
        %slice3A_877 = vector.extract_strided_slice %gather3A {offsets = [9], sizes = [1], strides = [1]} : vector<16xf32> to vector<1xf32>
        %squeeze3A_878 = vector.extract %slice3A_877[0] : f32 from vector<1xf32>
        %mul3A_879 = arith.constant 16 : i32
        %mul3A_880 = arith.muli %scan3A_241, %mul3A_879 : i32
        %add3A_881 = arith.constant 9 : i32
        %add3A_882 = arith.addi %mul3A_880, %add3A_881 : i32
        %get3A_883 = arith.index_cast %add3A_882 : i32 to index
        %get3A_884 = arith.constant 0 : index
        %get3A_885 = tpu.vector_load %arg12[%get3A_883, %get3A_884] {strides = array<i32>} : memref<80x128xf32, #tpu.memory_space<vmem>>, vector<16xf32>,
        %mul3A_886 = vector.broadcast %squeeze3A_878 : f32 to vector<16xf32>
        %mul3A_887 = arith.mulf %get3A_885, %mul3A_886 : vector<16xf32>
        %swap3A_888 = arith.index_cast %add3A_882 : i32 to index
        %swap3A_889 = arith.constant 0 : index
        %swap3A_890 = tpu.vector_load %arg12[%swap3A_888, %swap3A_889] {strides = array<i32>} : memref<80x128xf32, #tpu.memory_space<vmem>>, vector<16xf32>,
        tpu.vector_store %arg12[%swap3A_888, %swap3A_889], %mul3A_887 {strides = array<i32>} : memref<80x128xf32, #tpu.memory_space<vmem>>, vector<16xf32>,
        %get3A_891 = arith.index_cast %add3A_882 : i32 to index
        %get3A_892 = arith.constant 16 : index
        %get3A_893 = tpu.vector_load %arg12[%get3A_891, %get3A_892] {strides = array<i32>} : memref<80x128xf32, #tpu.memory_space<vmem>>, vector<16xf32>,
        %mul3A_894 = vector.broadcast %squeeze3A_878 : f32 to vector<16xf32>
        %mul3A_895 = arith.mulf %get3A_893, %mul3A_894 : vector<16xf32>
        %swap3A_896 = arith.index_cast %add3A_882 : i32 to index
        %swap3A_897 = arith.constant 16 : index
        %swap3A_898 = tpu.vector_load %arg12[%swap3A_896, %swap3A_897] {strides = array<i32>} : memref<80x128xf32, #tpu.memory_space<vmem>>, vector<16xf32>,
        tpu.vector_store %arg12[%swap3A_896, %swap3A_897], %mul3A_895 {strides = array<i32>} : memref<80x128xf32, #tpu.memory_space<vmem>>, vector<16xf32>,
        %get3A_899 = arith.index_cast %add3A_882 : i32 to index
        %get3A_900 = arith.constant 32 : index
        %get3A_901 = tpu.vector_load %arg12[%get3A_899, %get3A_900] {strides = array<i32>} : memref<80x128xf32, #tpu.memory_space<vmem>>, vector<16xf32>,
        %mul3A_902 = vector.broadcast %squeeze3A_878 : f32 to vector<16xf32>
        %mul3A_903 = arith.mulf %get3A_901, %mul3A_902 : vector<16xf32>
        %swap3A_904 = arith.index_cast %add3A_882 : i32 to index
        %swap3A_905 = arith.constant 32 : index
        %swap3A_906 = tpu.vector_load %arg12[%swap3A_904, %swap3A_905] {strides = array<i32>} : memref<80x128xf32, #tpu.memory_space<vmem>>, vector<16xf32>,
        tpu.vector_store %arg12[%swap3A_904, %swap3A_905], %mul3A_903 {strides = array<i32>} : memref<80x128xf32, #tpu.memory_space<vmem>>, vector<16xf32>,
        %get3A_907 = arith.index_cast %add3A_882 : i32 to index
        %get3A_908 = arith.constant 48 : index
        %get3A_909 = tpu.vector_load %arg12[%get3A_907, %get3A_908] {strides = array<i32>} : memref<80x128xf32, #tpu.memory_space<vmem>>, vector<16xf32>,
        %mul3A_910 = vector.broadcast %squeeze3A_878 : f32 to vector<16xf32>
        %mul3A_911 = arith.mulf %get3A_909, %mul3A_910 : vector<16xf32>
        %swap3A_912 = arith.index_cast %add3A_882 : i32 to index
        %swap3A_913 = arith.constant 48 : index
        %swap3A_914 = tpu.vector_load %arg12[%swap3A_912, %swap3A_913] {strides = array<i32>} : memref<80x128xf32, #tpu.memory_space<vmem>>, vector<16xf32>,
        tpu.vector_store %arg12[%swap3A_912, %swap3A_913], %mul3A_911 {strides = array<i32>} : memref<80x128xf32, #tpu.memory_space<vmem>>, vector<16xf32>,
        %get3A_915 = arith.index_cast %add3A_882 : i32 to index
        %get3A_916 = arith.constant 64 : index
        %get3A_917 = tpu.vector_load %arg12[%get3A_915, %get3A_916] {strides = array<i32>} : memref<80x128xf32, #tpu.memory_space<vmem>>, vector<16xf32>,
        %mul3A_918 = vector.broadcast %squeeze3A_878 : f32 to vector<16xf32>
        %mul3A_919 = arith.mulf %get3A_917, %mul3A_918 : vector<16xf32>
        %swap3A_920 = arith.index_cast %add3A_882 : i32 to index
        %swap3A_921 = arith.constant 64 : index
        %swap3A_922 = tpu.vector_load %arg12[%swap3A_920, %swap3A_921] {strides = array<i32>} : memref<80x128xf32, #tpu.memory_space<vmem>>, vector<16xf32>,
        tpu.vector_store %arg12[%swap3A_920, %swap3A_921], %mul3A_919 {strides = array<i32>} : memref<80x128xf32, #tpu.memory_space<vmem>>, vector<16xf32>,
        %get3A_923 = arith.index_cast %add3A_882 : i32 to index
        %get3A_924 = arith.constant 80 : index
        %get3A_925 = tpu.vector_load %arg12[%get3A_923, %get3A_924] {strides = array<i32>} : memref<80x128xf32, #tpu.memory_space<vmem>>, vector<16xf32>,
        %mul3A_926 = vector.broadcast %squeeze3A_878 : f32 to vector<16xf32>
        %mul3A_927 = arith.mulf %get3A_925, %mul3A_926 : vector<16xf32>
        %swap3A_928 = arith.index_cast %add3A_882 : i32 to index
        %swap3A_929 = arith.constant 80 : index
        %swap3A_930 = tpu.vector_load %arg12[%swap3A_928, %swap3A_929] {strides = array<i32>} : memref<80x128xf32, #tpu.memory_space<vmem>>, vector<16xf32>,
        tpu.vector_store %arg12[%swap3A_928, %swap3A_929], %mul3A_927 {strides = array<i32>} : memref<80x128xf32, #tpu.memory_space<vmem>>, vector<16xf32>,
        %get3A_931 = arith.index_cast %add3A_882 : i32 to index
        %get3A_932 = arith.constant 96 : index
        %get3A_933 = tpu.vector_load %arg12[%get3A_931, %get3A_932] {strides = array<i32>} : memref<80x128xf32, #tpu.memory_space<vmem>>, vector<16xf32>,
        %mul3A_934 = vector.broadcast %squeeze3A_878 : f32 to vector<16xf32>
        %mul3A_935 = arith.mulf %get3A_933, %mul3A_934 : vector<16xf32>
        %swap3A_936 = arith.index_cast %add3A_882 : i32 to index
        %swap3A_937 = arith.constant 96 : index
        %swap3A_938 = tpu.vector_load %arg12[%swap3A_936, %swap3A_937] {strides = array<i32>} : memref<80x128xf32, #tpu.memory_space<vmem>>, vector<16xf32>,
        tpu.vector_store %arg12[%swap3A_936, %swap3A_937], %mul3A_935 {strides = array<i32>} : memref<80x128xf32, #tpu.memory_space<vmem>>, vector<16xf32>,
        %get3A_939 = arith.index_cast %add3A_882 : i32 to index
        %get3A_940 = arith.constant 112 : index
        %get3A_941 = tpu.vector_load %arg12[%get3A_939, %get3A_940] {strides = array<i32>} : memref<80x128xf32, #tpu.memory_space<vmem>>, vector<16xf32>,
        %mul3A_942 = vector.broadcast %squeeze3A_878 : f32 to vector<16xf32>
        %mul3A_943 = arith.mulf %get3A_941, %mul3A_942 : vector<16xf32>
        %swap3A_944 = arith.index_cast %add3A_882 : i32 to index
        %swap3A_945 = arith.constant 112 : index
        %swap3A_946 = tpu.vector_load %arg12[%swap3A_944, %swap3A_945] {strides = array<i32>} : memref<80x128xf32, #tpu.memory_space<vmem>>, vector<16xf32>,
        tpu.vector_store %arg12[%swap3A_944, %swap3A_945], %mul3A_943 {strides = array<i32>} : memref<80x128xf32, #tpu.memory_space<vmem>>, vector<16xf32>,
        %slice3A_947 = vector.extract_strided_slice %gather3A {offsets = [10], sizes = [1], strides = [1]} : vector<16xf32> to vector<1xf32>
        %squeeze3A_948 = vector.extract %slice3A_947[0] : f32 from vector<1xf32>
        %mul3A_949 = arith.constant 16 : i32
        %mul3A_950 = arith.muli %scan3A_241, %mul3A_949 : i32
        %add3A_951 = arith.constant 10 : i32
        %add3A_952 = arith.addi %mul3A_950, %add3A_951 : i32
        %get3A_953 = arith.index_cast %add3A_952 : i32 to index
        %get3A_954 = arith.constant 0 : index
        %get3A_955 = tpu.vector_load %arg12[%get3A_953, %get3A_954] {strides = array<i32>} : memref<80x128xf32, #tpu.memory_space<vmem>>, vector<16xf32>,
        %mul3A_956 = vector.broadcast %squeeze3A_948 : f32 to vector<16xf32>
        %mul3A_957 = arith.mulf %get3A_955, %mul3A_956 : vector<16xf32>
        %swap3A_958 = arith.index_cast %add3A_952 : i32 to index
        %swap3A_959 = arith.constant 0 : index
        %swap3A_960 = tpu.vector_load %arg12[%swap3A_958, %swap3A_959] {strides = array<i32>} : memref<80x128xf32, #tpu.memory_space<vmem>>, vector<16xf32>,
        tpu.vector_store %arg12[%swap3A_958, %swap3A_959], %mul3A_957 {strides = array<i32>} : memref<80x128xf32, #tpu.memory_space<vmem>>, vector<16xf32>,
        %get3A_961 = arith.index_cast %add3A_952 : i32 to index
        %get3A_962 = arith.constant 16 : index
        %get3A_963 = tpu.vector_load %arg12[%get3A_961, %get3A_962] {strides = array<i32>} : memref<80x128xf32, #tpu.memory_space<vmem>>, vector<16xf32>,
        %mul3A_964 = vector.broadcast %squeeze3A_948 : f32 to vector<16xf32>
        %mul3A_965 = arith.mulf %get3A_963, %mul3A_964 : vector<16xf32>
        %swap3A_966 = arith.index_cast %add3A_952 : i32 to index
        %swap3A_967 = arith.constant 16 : index
        %swap3A_968 = tpu.vector_load %arg12[%swap3A_966, %swap3A_967] {strides = array<i32>} : memref<80x128xf32, #tpu.memory_space<vmem>>, vector<16xf32>,
        tpu.vector_store %arg12[%swap3A_966, %swap3A_967], %mul3A_965 {strides = array<i32>} : memref<80x128xf32, #tpu.memory_space<vmem>>, vector<16xf32>,
        %get3A_969 = arith.index_cast %add3A_952 : i32 to index
        %get3A_970 = arith.constant 32 : index
        %get3A_971 = tpu.vector_load %arg12[%get3A_969, %get3A_970] {strides = array<i32>} : memref<80x128xf32, #tpu.memory_space<vmem>>, vector<16xf32>,
        %mul3A_972 = vector.broadcast %squeeze3A_948 : f32 to vector<16xf32>
        %mul3A_973 = arith.mulf %get3A_971, %mul3A_972 : vector<16xf32>
        %swap3A_974 = arith.index_cast %add3A_952 : i32 to index
        %swap3A_975 = arith.constant 32 : index
        %swap3A_976 = tpu.vector_load %arg12[%swap3A_974, %swap3A_975] {strides = array<i32>} : memref<80x128xf32, #tpu.memory_space<vmem>>, vector<16xf32>,
        tpu.vector_store %arg12[%swap3A_974, %swap3A_975], %mul3A_973 {strides = array<i32>} : memref<80x128xf32, #tpu.memory_space<vmem>>, vector<16xf32>,
        %get3A_977 = arith.index_cast %add3A_952 : i32 to index
        %get3A_978 = arith.constant 48 : index
        %get3A_979 = tpu.vector_load %arg12[%get3A_977, %get3A_978] {strides = array<i32>} : memref<80x128xf32, #tpu.memory_space<vmem>>, vector<16xf32>,
        %mul3A_980 = vector.broadcast %squeeze3A_948 : f32 to vector<16xf32>
        %mul3A_981 = arith.mulf %get3A_979, %mul3A_980 : vector<16xf32>
        %swap3A_982 = arith.index_cast %add3A_952 : i32 to index
        %swap3A_983 = arith.constant 48 : index
        %swap3A_984 = tpu.vector_load %arg12[%swap3A_982, %swap3A_983] {strides = array<i32>} : memref<80x128xf32, #tpu.memory_space<vmem>>, vector<16xf32>,
        tpu.vector_store %arg12[%swap3A_982, %swap3A_983], %mul3A_981 {strides = array<i32>} : memref<80x128xf32, #tpu.memory_space<vmem>>, vector<16xf32>,
        %get3A_985 = arith.index_cast %add3A_952 : i32 to index
        %get3A_986 = arith.constant 64 : index
        %get3A_987 = tpu.vector_load %arg12[%get3A_985, %get3A_986] {strides = array<i32>} : memref<80x128xf32, #tpu.memory_space<vmem>>, vector<16xf32>,
        %mul3A_988 = vector.broadcast %squeeze3A_948 : f32 to vector<16xf32>
        %mul3A_989 = arith.mulf %get3A_987, %mul3A_988 : vector<16xf32>
        %swap3A_990 = arith.index_cast %add3A_952 : i32 to index
        %swap3A_991 = arith.constant 64 : index
        %swap3A_992 = tpu.vector_load %arg12[%swap3A_990, %swap3A_991] {strides = array<i32>} : memref<80x128xf32, #tpu.memory_space<vmem>>, vector<16xf32>,
        tpu.vector_store %arg12[%swap3A_990, %swap3A_991], %mul3A_989 {strides = array<i32>} : memref<80x128xf32, #tpu.memory_space<vmem>>, vector<16xf32>,
        %get3A_993 = arith.index_cast %add3A_952 : i32 to index
        %get3A_994 = arith.constant 80 : index
        %get3A_995 = tpu.vector_load %arg12[%get3A_993, %get3A_994] {strides = array<i32>} : memref<80x128xf32, #tpu.memory_space<vmem>>, vector<16xf32>,
        %mul3A_996 = vector.broadcast %squeeze3A_948 : f32 to vector<16xf32>
        %mul3A_997 = arith.mulf %get3A_995, %mul3A_996 : vector<16xf32>
        %swap3A_998 = arith.index_cast %add3A_952 : i32 to index
        %swap3A_999 = arith.constant 80 : index
        %swap3A_1000 = tpu.vector_load %arg12[%swap3A_998, %swap3A_999] {strides = array<i32>} : memref<80x128xf32, #tpu.memory_space<vmem>>, vector<16xf32>,
        tpu.vector_store %arg12[%swap3A_998, %swap3A_999], %mul3A_997 {strides = array<i32>} : memref<80x128xf32, #tpu.memory_space<vmem>>, vector<16xf32>,
        %get3A_1001 = arith.index_cast %add3A_952 : i32 to index
        %get3A_1002 = arith.constant 96 : index
        %get3A_1003 = tpu.vector_load %arg12[%get3A_1001, %get3A_1002] {strides = array<i32>} : memref<80x128xf32, #tpu.memory_space<vmem>>, vector<16xf32>,
        %mul3A_1004 = vector.broadcast %squeeze3A_948 : f32 to vector<16xf32>
        %mul3A_1005 = arith.mulf %get3A_1003, %mul3A_1004 : vector<16xf32>
        %swap3A_1006 = arith.index_cast %add3A_952 : i32 to index
        %swap3A_1007 = arith.constant 96 : index
        %swap3A_1008 = tpu.vector_load %arg12[%swap3A_1006, %swap3A_1007] {strides = array<i32>} : memref<80x128xf32, #tpu.memory_space<vmem>>, vector<16xf32>,
        tpu.vector_store %arg12[%swap3A_1006, %swap3A_1007], %mul3A_1005 {strides = array<i32>} : memref<80x128xf32, #tpu.memory_space<vmem>>, vector<16xf32>,
        %get3A_1009 = arith.index_cast %add3A_952 : i32 to index
        %get3A_1010 = arith.constant 112 : index
        %get3A_1011 = tpu.vector_load %arg12[%get3A_1009, %get3A_1010] {strides = array<i32>} : memref<80x128xf32, #tpu.memory_space<vmem>>, vector<16xf32>,
        %mul3A_1012 = vector.broadcast %squeeze3A_948 : f32 to vector<16xf32>
        %mul3A_1013 = arith.mulf %get3A_1011, %mul3A_1012 : vector<16xf32>
        %swap3A_1014 = arith.index_cast %add3A_952 : i32 to index
        %swap3A_1015 = arith.constant 112 : index
        %swap3A_1016 = tpu.vector_load %arg12[%swap3A_1014, %swap3A_1015] {strides = array<i32>} : memref<80x128xf32, #tpu.memory_space<vmem>>, vector<16xf32>,
        tpu.vector_store %arg12[%swap3A_1014, %swap3A_1015], %mul3A_1013 {strides = array<i32>} : memref<80x128xf32, #tpu.memory_space<vmem>>, vector<16xf32>,
        %slice3A_1017 = vector.extract_strided_slice %gather3A {offsets = [11], sizes = [1], strides = [1]} : vector<16xf32> to vector<1xf32>
        %squeeze3A_1018 = vector.extract %slice3A_1017[0] : f32 from vector<1xf32>
        %mul3A_1019 = arith.constant 16 : i32
        %mul3A_1020 = arith.muli %scan3A_241, %mul3A_1019 : i32
        %add3A_1021 = arith.constant 11 : i32
        %add3A_1022 = arith.addi %mul3A_1020, %add3A_1021 : i32
        %get3A_1023 = arith.index_cast %add3A_1022 : i32 to index
        %get3A_1024 = arith.constant 0 : index
        %get3A_1025 = tpu.vector_load %arg12[%get3A_1023, %get3A_1024] {strides = array<i32>} : memref<80x128xf32, #tpu.memory_space<vmem>>, vector<16xf32>,
        %mul3A_1026 = vector.broadcast %squeeze3A_1018 : f32 to vector<16xf32>
        %mul3A_1027 = arith.mulf %get3A_1025, %mul3A_1026 : vector<16xf32>
        %swap3A_1028 = arith.index_cast %add3A_1022 : i32 to index
        %swap3A_1029 = arith.constant 0 : index
        %swap3A_1030 = tpu.vector_load %arg12[%swap3A_1028, %swap3A_1029] {strides = array<i32>} : memref<80x128xf32, #tpu.memory_space<vmem>>, vector<16xf32>,
        tpu.vector_store %arg12[%swap3A_1028, %swap3A_1029], %mul3A_1027 {strides = array<i32>} : memref<80x128xf32, #tpu.memory_space<vmem>>, vector<16xf32>,
        %get3A_1031 = arith.index_cast %add3A_1022 : i32 to index
        %get3A_1032 = arith.constant 16 : index
        %get3A_1033 = tpu.vector_load %arg12[%get3A_1031, %get3A_1032] {strides = array<i32>} : memref<80x128xf32, #tpu.memory_space<vmem>>, vector<16xf32>,
        %mul3A_1034 = vector.broadcast %squeeze3A_1018 : f32 to vector<16xf32>
        %mul3A_1035 = arith.mulf %get3A_1033, %mul3A_1034 : vector<16xf32>
        %swap3A_1036 = arith.index_cast %add3A_1022 : i32 to index
        %swap3A_1037 = arith.constant 16 : index
        %swap3A_1038 = tpu.vector_load %arg12[%swap3A_1036, %swap3A_1037] {strides = array<i32>} : memref<80x128xf32, #tpu.memory_space<vmem>>, vector<16xf32>,
        tpu.vector_store %arg12[%swap3A_1036, %swap3A_1037], %mul3A_1035 {strides = array<i32>} : memref<80x128xf32, #tpu.memory_space<vmem>>, vector<16xf32>,
        %get3A_1039 = arith.index_cast %add3A_1022 : i32 to index
        %get3A_1040 = arith.constant 32 : index
        %get3A_1041 = tpu.vector_load %arg12[%get3A_1039, %get3A_1040] {strides = array<i32>} : memref<80x128xf32, #tpu.memory_space<vmem>>, vector<16xf32>,
        %mul3A_1042 = vector.broadcast %squeeze3A_1018 : f32 to vector<16xf32>
        %mul3A_1043 = arith.mulf %get3A_1041, %mul3A_1042 : vector<16xf32>
        %swap3A_1044 = arith.index_cast %add3A_1022 : i32 to index
        %swap3A_1045 = arith.constant 32 : index
        %swap3A_1046 = tpu.vector_load %arg12[%swap3A_1044, %swap3A_1045] {strides = array<i32>} : memref<80x128xf32, #tpu.memory_space<vmem>>, vector<16xf32>,
        tpu.vector_store %arg12[%swap3A_1044, %swap3A_1045], %mul3A_1043 {strides = array<i32>} : memref<80x128xf32, #tpu.memory_space<vmem>>, vector<16xf32>,
        %get3A_1047 = arith.index_cast %add3A_1022 : i32 to index
        %get3A_1048 = arith.constant 48 : index
        %get3A_1049 = tpu.vector_load %arg12[%get3A_1047, %get3A_1048] {strides = array<i32>} : memref<80x128xf32, #tpu.memory_space<vmem>>, vector<16xf32>,
        %mul3A_1050 = vector.broadcast %squeeze3A_1018 : f32 to vector<16xf32>
        %mul3A_1051 = arith.mulf %get3A_1049, %mul3A_1050 : vector<16xf32>
        %swap3A_1052 = arith.index_cast %add3A_1022 : i32 to index
        %swap3A_1053 = arith.constant 48 : index
        %swap3A_1054 = tpu.vector_load %arg12[%swap3A_1052, %swap3A_1053] {strides = array<i32>} : memref<80x128xf32, #tpu.memory_space<vmem>>, vector<16xf32>,
        tpu.vector_store %arg12[%swap3A_1052, %swap3A_1053], %mul3A_1051 {strides = array<i32>} : memref<80x128xf32, #tpu.memory_space<vmem>>, vector<16xf32>,
        %get3A_1055 = arith.index_cast %add3A_1022 : i32 to index
        %get3A_1056 = arith.constant 64 : index
        %get3A_1057 = tpu.vector_load %arg12[%get3A_1055, %get3A_1056] {strides = array<i32>} : memref<80x128xf32, #tpu.memory_space<vmem>>, vector<16xf32>,
        %mul3A_1058 = vector.broadcast %squeeze3A_1018 : f32 to vector<16xf32>
        %mul3A_1059 = arith.mulf %get3A_1057, %mul3A_1058 : vector<16xf32>
        %swap3A_1060 = arith.index_cast %add3A_1022 : i32 to index
        %swap3A_1061 = arith.constant 64 : index
        %swap3A_1062 = tpu.vector_load %arg12[%swap3A_1060, %swap3A_1061] {strides = array<i32>} : memref<80x128xf32, #tpu.memory_space<vmem>>, vector<16xf32>,
        tpu.vector_store %arg12[%swap3A_1060, %swap3A_1061], %mul3A_1059 {strides = array<i32>} : memref<80x128xf32, #tpu.memory_space<vmem>>, vector<16xf32>,
        %get3A_1063 = arith.index_cast %add3A_1022 : i32 to index
        %get3A_1064 = arith.constant 80 : index
        %get3A_1065 = tpu.vector_load %arg12[%get3A_1063, %get3A_1064] {strides = array<i32>} : memref<80x128xf32, #tpu.memory_space<vmem>>, vector<16xf32>,
        %mul3A_1066 = vector.broadcast %squeeze3A_1018 : f32 to vector<16xf32>
        %mul3A_1067 = arith.mulf %get3A_1065, %mul3A_1066 : vector<16xf32>
        %swap3A_1068 = arith.index_cast %add3A_1022 : i32 to index
        %swap3A_1069 = arith.constant 80 : index
        %swap3A_1070 = tpu.vector_load %arg12[%swap3A_1068, %swap3A_1069] {strides = array<i32>} : memref<80x128xf32, #tpu.memory_space<vmem>>, vector<16xf32>,
        tpu.vector_store %arg12[%swap3A_1068, %swap3A_1069], %mul3A_1067 {strides = array<i32>} : memref<80x128xf32, #tpu.memory_space<vmem>>, vector<16xf32>,
        %get3A_1071 = arith.index_cast %add3A_1022 : i32 to index
        %get3A_1072 = arith.constant 96 : index
        %get3A_1073 = tpu.vector_load %arg12[%get3A_1071, %get3A_1072] {strides = array<i32>} : memref<80x128xf32, #tpu.memory_space<vmem>>, vector<16xf32>,
        %mul3A_1074 = vector.broadcast %squeeze3A_1018 : f32 to vector<16xf32>
        %mul3A_1075 = arith.mulf %get3A_1073, %mul3A_1074 : vector<16xf32>
        %swap3A_1076 = arith.index_cast %add3A_1022 : i32 to index
        %swap3A_1077 = arith.constant 96 : index
        %swap3A_1078 = tpu.vector_load %arg12[%swap3A_1076, %swap3A_1077] {strides = array<i32>} : memref<80x128xf32, #tpu.memory_space<vmem>>, vector<16xf32>,
        tpu.vector_store %arg12[%swap3A_1076, %swap3A_1077], %mul3A_1075 {strides = array<i32>} : memref<80x128xf32, #tpu.memory_space<vmem>>, vector<16xf32>,
        %get3A_1079 = arith.index_cast %add3A_1022 : i32 to index
        %get3A_1080 = arith.constant 112 : index
        %get3A_1081 = tpu.vector_load %arg12[%get3A_1079, %get3A_1080] {strides = array<i32>} : memref<80x128xf32, #tpu.memory_space<vmem>>, vector<16xf32>,
        %mul3A_1082 = vector.broadcast %squeeze3A_1018 : f32 to vector<16xf32>
        %mul3A_1083 = arith.mulf %get3A_1081, %mul3A_1082 : vector<16xf32>
        %swap3A_1084 = arith.index_cast %add3A_1022 : i32 to index
        %swap3A_1085 = arith.constant 112 : index
        %swap3A_1086 = tpu.vector_load %arg12[%swap3A_1084, %swap3A_1085] {strides = array<i32>} : memref<80x128xf32, #tpu.memory_space<vmem>>, vector<16xf32>,
        tpu.vector_store %arg12[%swap3A_1084, %swap3A_1085], %mul3A_1083 {strides = array<i32>} : memref<80x128xf32, #tpu.memory_space<vmem>>, vector<16xf32>,
        %slice3A_1087 = vector.extract_strided_slice %gather3A {offsets = [12], sizes = [1], strides = [1]} : vector<16xf32> to vector<1xf32>
        %squeeze3A_1088 = vector.extract %slice3A_1087[0] : f32 from vector<1xf32>
        %mul3A_1089 = arith.constant 16 : i32
        %mul3A_1090 = arith.muli %scan3A_241, %mul3A_1089 : i32
        %add3A_1091 = arith.constant 12 : i32
        %add3A_1092 = arith.addi %mul3A_1090, %add3A_1091 : i32
        %get3A_1093 = arith.index_cast %add3A_1092 : i32 to index
        %get3A_1094 = arith.constant 0 : index
        %get3A_1095 = tpu.vector_load %arg12[%get3A_1093, %get3A_1094] {strides = array<i32>} : memref<80x128xf32, #tpu.memory_space<vmem>>, vector<16xf32>,
        %mul3A_1096 = vector.broadcast %squeeze3A_1088 : f32 to vector<16xf32>
        %mul3A_1097 = arith.mulf %get3A_1095, %mul3A_1096 : vector<16xf32>
        %swap3A_1098 = arith.index_cast %add3A_1092 : i32 to index
        %swap3A_1099 = arith.constant 0 : index
        %swap3A_1100 = tpu.vector_load %arg12[%swap3A_1098, %swap3A_1099] {strides = array<i32>} : memref<80x128xf32, #tpu.memory_space<vmem>>, vector<16xf32>,
        tpu.vector_store %arg12[%swap3A_1098, %swap3A_1099], %mul3A_1097 {strides = array<i32>} : memref<80x128xf32, #tpu.memory_space<vmem>>, vector<16xf32>,
        %get3A_1101 = arith.index_cast %add3A_1092 : i32 to index
        %get3A_1102 = arith.constant 16 : index
        %get3A_1103 = tpu.vector_load %arg12[%get3A_1101, %get3A_1102] {strides = array<i32>} : memref<80x128xf32, #tpu.memory_space<vmem>>, vector<16xf32>,
        %mul3A_1104 = vector.broadcast %squeeze3A_1088 : f32 to vector<16xf32>
        %mul3A_1105 = arith.mulf %get3A_1103, %mul3A_1104 : vector<16xf32>
        %swap3A_1106 = arith.index_cast %add3A_1092 : i32 to index
        %swap3A_1107 = arith.constant 16 : index
        %swap3A_1108 = tpu.vector_load %arg12[%swap3A_1106, %swap3A_1107] {strides = array<i32>} : memref<80x128xf32, #tpu.memory_space<vmem>>, vector<16xf32>,
        tpu.vector_store %arg12[%swap3A_1106, %swap3A_1107], %mul3A_1105 {strides = array<i32>} : memref<80x128xf32, #tpu.memory_space<vmem>>, vector<16xf32>,
        %get3A_1109 = arith.index_cast %add3A_1092 : i32 to index
        %get3A_1110 = arith.constant 32 : index
        %get3A_1111 = tpu.vector_load %arg12[%get3A_1109, %get3A_1110] {strides = array<i32>} : memref<80x128xf32, #tpu.memory_space<vmem>>, vector<16xf32>,
        %mul3A_1112 = vector.broadcast %squeeze3A_1088 : f32 to vector<16xf32>
        %mul3A_1113 = arith.mulf %get3A_1111, %mul3A_1112 : vector<16xf32>
        %swap3A_1114 = arith.index_cast %add3A_1092 : i32 to index
        %swap3A_1115 = arith.constant 32 : index
        %swap3A_1116 = tpu.vector_load %arg12[%swap3A_1114, %swap3A_1115] {strides = array<i32>} : memref<80x128xf32, #tpu.memory_space<vmem>>, vector<16xf32>,
        tpu.vector_store %arg12[%swap3A_1114, %swap3A_1115], %mul3A_1113 {strides = array<i32>} : memref<80x128xf32, #tpu.memory_space<vmem>>, vector<16xf32>,
        %get3A_1117 = arith.index_cast %add3A_1092 : i32 to index
        %get3A_1118 = arith.constant 48 : index
        %get3A_1119 = tpu.vector_load %arg12[%get3A_1117, %get3A_1118] {strides = array<i32>} : memref<80x128xf32, #tpu.memory_space<vmem>>, vector<16xf32>,
        %mul3A_1120 = vector.broadcast %squeeze3A_1088 : f32 to vector<16xf32>
        %mul3A_1121 = arith.mulf %get3A_1119, %mul3A_1120 : vector<16xf32>
        %swap3A_1122 = arith.index_cast %add3A_1092 : i32 to index
        %swap3A_1123 = arith.constant 48 : index
        %swap3A_1124 = tpu.vector_load %arg12[%swap3A_1122, %swap3A_1123] {strides = array<i32>} : memref<80x128xf32, #tpu.memory_space<vmem>>, vector<16xf32>,
        tpu.vector_store %arg12[%swap3A_1122, %swap3A_1123], %mul3A_1121 {strides = array<i32>} : memref<80x128xf32, #tpu.memory_space<vmem>>, vector<16xf32>,
        %get3A_1125 = arith.index_cast %add3A_1092 : i32 to index
        %get3A_1126 = arith.constant 64 : index
        %get3A_1127 = tpu.vector_load %arg12[%get3A_1125, %get3A_1126] {strides = array<i32>} : memref<80x128xf32, #tpu.memory_space<vmem>>, vector<16xf32>,
        %mul3A_1128 = vector.broadcast %squeeze3A_1088 : f32 to vector<16xf32>
        %mul3A_1129 = arith.mulf %get3A_1127, %mul3A_1128 : vector<16xf32>
        %swap3A_1130 = arith.index_cast %add3A_1092 : i32 to index
        %swap3A_1131 = arith.constant 64 : index
        %swap3A_1132 = tpu.vector_load %arg12[%swap3A_1130, %swap3A_1131] {strides = array<i32>} : memref<80x128xf32, #tpu.memory_space<vmem>>, vector<16xf32>,
        tpu.vector_store %arg12[%swap3A_1130, %swap3A_1131], %mul3A_1129 {strides = array<i32>} : memref<80x128xf32, #tpu.memory_space<vmem>>, vector<16xf32>,
        %get3A_1133 = arith.index_cast %add3A_1092 : i32 to index
        %get3A_1134 = arith.constant 80 : index
        %get3A_1135 = tpu.vector_load %arg12[%get3A_1133, %get3A_1134] {strides = array<i32>} : memref<80x128xf32, #tpu.memory_space<vmem>>, vector<16xf32>,
        %mul3A_1136 = vector.broadcast %squeeze3A_1088 : f32 to vector<16xf32>
        %mul3A_1137 = arith.mulf %get3A_1135, %mul3A_1136 : vector<16xf32>
        %swap3A_1138 = arith.index_cast %add3A_1092 : i32 to index
        %swap3A_1139 = arith.constant 80 : index
        %swap3A_1140 = tpu.vector_load %arg12[%swap3A_1138, %swap3A_1139] {strides = array<i32>} : memref<80x128xf32, #tpu.memory_space<vmem>>, vector<16xf32>,
        tpu.vector_store %arg12[%swap3A_1138, %swap3A_1139], %mul3A_1137 {strides = array<i32>} : memref<80x128xf32, #tpu.memory_space<vmem>>, vector<16xf32>,
        %get3A_1141 = arith.index_cast %add3A_1092 : i32 to index
        %get3A_1142 = arith.constant 96 : index
        %get3A_1143 = tpu.vector_load %arg12[%get3A_1141, %get3A_1142] {strides = array<i32>} : memref<80x128xf32, #tpu.memory_space<vmem>>, vector<16xf32>,
        %mul3A_1144 = vector.broadcast %squeeze3A_1088 : f32 to vector<16xf32>
        %mul3A_1145 = arith.mulf %get3A_1143, %mul3A_1144 : vector<16xf32>
        %swap3A_1146 = arith.index_cast %add3A_1092 : i32 to index
        %swap3A_1147 = arith.constant 96 : index
        %swap3A_1148 = tpu.vector_load %arg12[%swap3A_1146, %swap3A_1147] {strides = array<i32>} : memref<80x128xf32, #tpu.memory_space<vmem>>, vector<16xf32>,
        tpu.vector_store %arg12[%swap3A_1146, %swap3A_1147], %mul3A_1145 {strides = array<i32>} : memref<80x128xf32, #tpu.memory_space<vmem>>, vector<16xf32>,
        %get3A_1149 = arith.index_cast %add3A_1092 : i32 to index
        %get3A_1150 = arith.constant 112 : index
        %get3A_1151 = tpu.vector_load %arg12[%get3A_1149, %get3A_1150] {strides = array<i32>} : memref<80x128xf32, #tpu.memory_space<vmem>>, vector<16xf32>,
        %mul3A_1152 = vector.broadcast %squeeze3A_1088 : f32 to vector<16xf32>
        %mul3A_1153 = arith.mulf %get3A_1151, %mul3A_1152 : vector<16xf32>
        %swap3A_1154 = arith.index_cast %add3A_1092 : i32 to index
        %swap3A_1155 = arith.constant 112 : index
        %swap3A_1156 = tpu.vector_load %arg12[%swap3A_1154, %swap3A_1155] {strides = array<i32>} : memref<80x128xf32, #tpu.memory_space<vmem>>, vector<16xf32>,
        tpu.vector_store %arg12[%swap3A_1154, %swap3A_1155], %mul3A_1153 {strides = array<i32>} : memref<80x128xf32, #tpu.memory_space<vmem>>, vector<16xf32>,
        %slice3A_1157 = vector.extract_strided_slice %gather3A {offsets = [13], sizes = [1], strides = [1]} : vector<16xf32> to vector<1xf32>
        %squeeze3A_1158 = vector.extract %slice3A_1157[0] : f32 from vector<1xf32>
        %mul3A_1159 = arith.constant 16 : i32
        %mul3A_1160 = arith.muli %scan3A_241, %mul3A_1159 : i32
        %add3A_1161 = arith.constant 13 : i32
        %add3A_1162 = arith.addi %mul3A_1160, %add3A_1161 : i32
        %get3A_1163 = arith.index_cast %add3A_1162 : i32 to index
        %get3A_1164 = arith.constant 0 : index
        %get3A_1165 = tpu.vector_load %arg12[%get3A_1163, %get3A_1164] {strides = array<i32>} : memref<80x128xf32, #tpu.memory_space<vmem>>, vector<16xf32>,
        %mul3A_1166 = vector.broadcast %squeeze3A_1158 : f32 to vector<16xf32>
        %mul3A_1167 = arith.mulf %get3A_1165, %mul3A_1166 : vector<16xf32>
        %swap3A_1168 = arith.index_cast %add3A_1162 : i32 to index
        %swap3A_1169 = arith.constant 0 : index
        %swap3A_1170 = tpu.vector_load %arg12[%swap3A_1168, %swap3A_1169] {strides = array<i32>} : memref<80x128xf32, #tpu.memory_space<vmem>>, vector<16xf32>,
        tpu.vector_store %arg12[%swap3A_1168, %swap3A_1169], %mul3A_1167 {strides = array<i32>} : memref<80x128xf32, #tpu.memory_space<vmem>>, vector<16xf32>,
        %get3A_1171 = arith.index_cast %add3A_1162 : i32 to index
        %get3A_1172 = arith.constant 16 : index
        %get3A_1173 = tpu.vector_load %arg12[%get3A_1171, %get3A_1172] {strides = array<i32>} : memref<80x128xf32, #tpu.memory_space<vmem>>, vector<16xf32>,
        %mul3A_1174 = vector.broadcast %squeeze3A_1158 : f32 to vector<16xf32>
        %mul3A_1175 = arith.mulf %get3A_1173, %mul3A_1174 : vector<16xf32>
        %swap3A_1176 = arith.index_cast %add3A_1162 : i32 to index
        %swap3A_1177 = arith.constant 16 : index
        %swap3A_1178 = tpu.vector_load %arg12[%swap3A_1176, %swap3A_1177] {strides = array<i32>} : memref<80x128xf32, #tpu.memory_space<vmem>>, vector<16xf32>,
        tpu.vector_store %arg12[%swap3A_1176, %swap3A_1177], %mul3A_1175 {strides = array<i32>} : memref<80x128xf32, #tpu.memory_space<vmem>>, vector<16xf32>,
        %get3A_1179 = arith.index_cast %add3A_1162 : i32 to index
        %get3A_1180 = arith.constant 32 : index
        %get3A_1181 = tpu.vector_load %arg12[%get3A_1179, %get3A_1180] {strides = array<i32>} : memref<80x128xf32, #tpu.memory_space<vmem>>, vector<16xf32>,
        %mul3A_1182 = vector.broadcast %squeeze3A_1158 : f32 to vector<16xf32>
        %mul3A_1183 = arith.mulf %get3A_1181, %mul3A_1182 : vector<16xf32>
        %swap3A_1184 = arith.index_cast %add3A_1162 : i32 to index
        %swap3A_1185 = arith.constant 32 : index
        %swap3A_1186 = tpu.vector_load %arg12[%swap3A_1184, %swap3A_1185] {strides = array<i32>} : memref<80x128xf32, #tpu.memory_space<vmem>>, vector<16xf32>,
        tpu.vector_store %arg12[%swap3A_1184, %swap3A_1185], %mul3A_1183 {strides = array<i32>} : memref<80x128xf32, #tpu.memory_space<vmem>>, vector<16xf32>,
        %get3A_1187 = arith.index_cast %add3A_1162 : i32 to index
        %get3A_1188 = arith.constant 48 : index
        %get3A_1189 = tpu.vector_load %arg12[%get3A_1187, %get3A_1188] {strides = array<i32>} : memref<80x128xf32, #tpu.memory_space<vmem>>, vector<16xf32>,
        %mul3A_1190 = vector.broadcast %squeeze3A_1158 : f32 to vector<16xf32>
        %mul3A_1191 = arith.mulf %get3A_1189, %mul3A_1190 : vector<16xf32>
        %swap3A_1192 = arith.index_cast %add3A_1162 : i32 to index
        %swap3A_1193 = arith.constant 48 : index
        %swap3A_1194 = tpu.vector_load %arg12[%swap3A_1192, %swap3A_1193] {strides = array<i32>} : memref<80x128xf32, #tpu.memory_space<vmem>>, vector<16xf32>,
        tpu.vector_store %arg12[%swap3A_1192, %swap3A_1193], %mul3A_1191 {strides = array<i32>} : memref<80x128xf32, #tpu.memory_space<vmem>>, vector<16xf32>,
        %get3A_1195 = arith.index_cast %add3A_1162 : i32 to index
        %get3A_1196 = arith.constant 64 : index
        %get3A_1197 = tpu.vector_load %arg12[%get3A_1195, %get3A_1196] {strides = array<i32>} : memref<80x128xf32, #tpu.memory_space<vmem>>, vector<16xf32>,
        %mul3A_1198 = vector.broadcast %squeeze3A_1158 : f32 to vector<16xf32>
        %mul3A_1199 = arith.mulf %get3A_1197, %mul3A_1198 : vector<16xf32>
        %swap3A_1200 = arith.index_cast %add3A_1162 : i32 to index
        %swap3A_1201 = arith.constant 64 : index
        %swap3A_1202 = tpu.vector_load %arg12[%swap3A_1200, %swap3A_1201] {strides = array<i32>} : memref<80x128xf32, #tpu.memory_space<vmem>>, vector<16xf32>,
        tpu.vector_store %arg12[%swap3A_1200, %swap3A_1201], %mul3A_1199 {strides = array<i32>} : memref<80x128xf32, #tpu.memory_space<vmem>>, vector<16xf32>,
        %get3A_1203 = arith.index_cast %add3A_1162 : i32 to index
        %get3A_1204 = arith.constant 80 : index
        %get3A_1205 = tpu.vector_load %arg12[%get3A_1203, %get3A_1204] {strides = array<i32>} : memref<80x128xf32, #tpu.memory_space<vmem>>, vector<16xf32>,
        %mul3A_1206 = vector.broadcast %squeeze3A_1158 : f32 to vector<16xf32>
        %mul3A_1207 = arith.mulf %get3A_1205, %mul3A_1206 : vector<16xf32>
        %swap3A_1208 = arith.index_cast %add3A_1162 : i32 to index
        %swap3A_1209 = arith.constant 80 : index
        %swap3A_1210 = tpu.vector_load %arg12[%swap3A_1208, %swap3A_1209] {strides = array<i32>} : memref<80x128xf32, #tpu.memory_space<vmem>>, vector<16xf32>,
        tpu.vector_store %arg12[%swap3A_1208, %swap3A_1209], %mul3A_1207 {strides = array<i32>} : memref<80x128xf32, #tpu.memory_space<vmem>>, vector<16xf32>,
        %get3A_1211 = arith.index_cast %add3A_1162 : i32 to index
        %get3A_1212 = arith.constant 96 : index
        %get3A_1213 = tpu.vector_load %arg12[%get3A_1211, %get3A_1212] {strides = array<i32>} : memref<80x128xf32, #tpu.memory_space<vmem>>, vector<16xf32>,
        %mul3A_1214 = vector.broadcast %squeeze3A_1158 : f32 to vector<16xf32>
        %mul3A_1215 = arith.mulf %get3A_1213, %mul3A_1214 : vector<16xf32>
        %swap3A_1216 = arith.index_cast %add3A_1162 : i32 to index
        %swap3A_1217 = arith.constant 96 : index
        %swap3A_1218 = tpu.vector_load %arg12[%swap3A_1216, %swap3A_1217] {strides = array<i32>} : memref<80x128xf32, #tpu.memory_space<vmem>>, vector<16xf32>,
        tpu.vector_store %arg12[%swap3A_1216, %swap3A_1217], %mul3A_1215 {strides = array<i32>} : memref<80x128xf32, #tpu.memory_space<vmem>>, vector<16xf32>,
        %get3A_1219 = arith.index_cast %add3A_1162 : i32 to index
        %get3A_1220 = arith.constant 112 : index
        %get3A_1221 = tpu.vector_load %arg12[%get3A_1219, %get3A_1220] {strides = array<i32>} : memref<80x128xf32, #tpu.memory_space<vmem>>, vector<16xf32>,
        %mul3A_1222 = vector.broadcast %squeeze3A_1158 : f32 to vector<16xf32>
        %mul3A_1223 = arith.mulf %get3A_1221, %mul3A_1222 : vector<16xf32>
        %swap3A_1224 = arith.index_cast %add3A_1162 : i32 to index
        %swap3A_1225 = arith.constant 112 : index
        %swap3A_1226 = tpu.vector_load %arg12[%swap3A_1224, %swap3A_1225] {strides = array<i32>} : memref<80x128xf32, #tpu.memory_space<vmem>>, vector<16xf32>,
        tpu.vector_store %arg12[%swap3A_1224, %swap3A_1225], %mul3A_1223 {strides = array<i32>} : memref<80x128xf32, #tpu.memory_space<vmem>>, vector<16xf32>,
        %slice3A_1227 = vector.extract_strided_slice %gather3A {offsets = [14], sizes = [1], strides = [1]} : vector<16xf32> to vector<1xf32>
        %squeeze3A_1228 = vector.extract %slice3A_1227[0] : f32 from vector<1xf32>
        %mul3A_1229 = arith.constant 16 : i32
        %mul3A_1230 = arith.muli %scan3A_241, %mul3A_1229 : i32
        %add3A_1231 = arith.constant 14 : i32
        %add3A_1232 = arith.addi %mul3A_1230, %add3A_1231 : i32
        %get3A_1233 = arith.index_cast %add3A_1232 : i32 to index
        %get3A_1234 = arith.constant 0 : index
        %get3A_1235 = tpu.vector_load %arg12[%get3A_1233, %get3A_1234] {strides = array<i32>} : memref<80x128xf32, #tpu.memory_space<vmem>>, vector<16xf32>,
        %mul3A_1236 = vector.broadcast %squeeze3A_1228 : f32 to vector<16xf32>
        %mul3A_1237 = arith.mulf %get3A_1235, %mul3A_1236 : vector<16xf32>
        %swap3A_1238 = arith.index_cast %add3A_1232 : i32 to index
        %swap3A_1239 = arith.constant 0 : index
        %swap3A_1240 = tpu.vector_load %arg12[%swap3A_1238, %swap3A_1239] {strides = array<i32>} : memref<80x128xf32, #tpu.memory_space<vmem>>, vector<16xf32>,
        tpu.vector_store %arg12[%swap3A_1238, %swap3A_1239], %mul3A_1237 {strides = array<i32>} : memref<80x128xf32, #tpu.memory_space<vmem>>, vector<16xf32>,
        %get3A_1241 = arith.index_cast %add3A_1232 : i32 to index
        %get3A_1242 = arith.constant 16 : index
        %get3A_1243 = tpu.vector_load %arg12[%get3A_1241, %get3A_1242] {strides = array<i32>} : memref<80x128xf32, #tpu.memory_space<vmem>>, vector<16xf32>,
        %mul3A_1244 = vector.broadcast %squeeze3A_1228 : f32 to vector<16xf32>
        %mul3A_1245 = arith.mulf %get3A_1243, %mul3A_1244 : vector<16xf32>
        %swap3A_1246 = arith.index_cast %add3A_1232 : i32 to index
        %swap3A_1247 = arith.constant 16 : index
        %swap3A_1248 = tpu.vector_load %arg12[%swap3A_1246, %swap3A_1247] {strides = array<i32>} : memref<80x128xf32, #tpu.memory_space<vmem>>, vector<16xf32>,
        tpu.vector_store %arg12[%swap3A_1246, %swap3A_1247], %mul3A_1245 {strides = array<i32>} : memref<80x128xf32, #tpu.memory_space<vmem>>, vector<16xf32>,
        %get3A_1249 = arith.index_cast %add3A_1232 : i32 to index
        %get3A_1250 = arith.constant 32 : index
        %get3A_1251 = tpu.vector_load %arg12[%get3A_1249, %get3A_1250] {strides = array<i32>} : memref<80x128xf32, #tpu.memory_space<vmem>>, vector<16xf32>,
        %mul3A_1252 = vector.broadcast %squeeze3A_1228 : f32 to vector<16xf32>
        %mul3A_1253 = arith.mulf %get3A_1251, %mul3A_1252 : vector<16xf32>
        %swap3A_1254 = arith.index_cast %add3A_1232 : i32 to index
        %swap3A_1255 = arith.constant 32 : index
        %swap3A_1256 = tpu.vector_load %arg12[%swap3A_1254, %swap3A_1255] {strides = array<i32>} : memref<80x128xf32, #tpu.memory_space<vmem>>, vector<16xf32>,
        tpu.vector_store %arg12[%swap3A_1254, %swap3A_1255], %mul3A_1253 {strides = array<i32>} : memref<80x128xf32, #tpu.memory_space<vmem>>, vector<16xf32>,
        %get3A_1257 = arith.index_cast %add3A_1232 : i32 to index
        %get3A_1258 = arith.constant 48 : index
        %get3A_1259 = tpu.vector_load %arg12[%get3A_1257, %get3A_1258] {strides = array<i32>} : memref<80x128xf32, #tpu.memory_space<vmem>>, vector<16xf32>,
        %mul3A_1260 = vector.broadcast %squeeze3A_1228 : f32 to vector<16xf32>
        %mul3A_1261 = arith.mulf %get3A_1259, %mul3A_1260 : vector<16xf32>
        %swap3A_1262 = arith.index_cast %add3A_1232 : i32 to index
        %swap3A_1263 = arith.constant 48 : index
        %swap3A_1264 = tpu.vector_load %arg12[%swap3A_1262, %swap3A_1263] {strides = array<i32>} : memref<80x128xf32, #tpu.memory_space<vmem>>, vector<16xf32>,
        tpu.vector_store %arg12[%swap3A_1262, %swap3A_1263], %mul3A_1261 {strides = array<i32>} : memref<80x128xf32, #tpu.memory_space<vmem>>, vector<16xf32>,
        %get3A_1265 = arith.index_cast %add3A_1232 : i32 to index
        %get3A_1266 = arith.constant 64 : index
        %get3A_1267 = tpu.vector_load %arg12[%get3A_1265, %get3A_1266] {strides = array<i32>} : memref<80x128xf32, #tpu.memory_space<vmem>>, vector<16xf32>,
        %mul3A_1268 = vector.broadcast %squeeze3A_1228 : f32 to vector<16xf32>
        %mul3A_1269 = arith.mulf %get3A_1267, %mul3A_1268 : vector<16xf32>
        %swap3A_1270 = arith.index_cast %add3A_1232 : i32 to index
        %swap3A_1271 = arith.constant 64 : index
        %swap3A_1272 = tpu.vector_load %arg12[%swap3A_1270, %swap3A_1271] {strides = array<i32>} : memref<80x128xf32, #tpu.memory_space<vmem>>, vector<16xf32>,
        tpu.vector_store %arg12[%swap3A_1270, %swap3A_1271], %mul3A_1269 {strides = array<i32>} : memref<80x128xf32, #tpu.memory_space<vmem>>, vector<16xf32>,
        %get3A_1273 = arith.index_cast %add3A_1232 : i32 to index
        %get3A_1274 = arith.constant 80 : index
        %get3A_1275 = tpu.vector_load %arg12[%get3A_1273, %get3A_1274] {strides = array<i32>} : memref<80x128xf32, #tpu.memory_space<vmem>>, vector<16xf32>,
        %mul3A_1276 = vector.broadcast %squeeze3A_1228 : f32 to vector<16xf32>
        %mul3A_1277 = arith.mulf %get3A_1275, %mul3A_1276 : vector<16xf32>
        %swap3A_1278 = arith.index_cast %add3A_1232 : i32 to index
        %swap3A_1279 = arith.constant 80 : index
        %swap3A_1280 = tpu.vector_load %arg12[%swap3A_1278, %swap3A_1279] {strides = array<i32>} : memref<80x128xf32, #tpu.memory_space<vmem>>, vector<16xf32>,
        tpu.vector_store %arg12[%swap3A_1278, %swap3A_1279], %mul3A_1277 {strides = array<i32>} : memref<80x128xf32, #tpu.memory_space<vmem>>, vector<16xf32>,
        %get3A_1281 = arith.index_cast %add3A_1232 : i32 to index
        %get3A_1282 = arith.constant 96 : index
        %get3A_1283 = tpu.vector_load %arg12[%get3A_1281, %get3A_1282] {strides = array<i32>} : memref<80x128xf32, #tpu.memory_space<vmem>>, vector<16xf32>,
        %mul3A_1284 = vector.broadcast %squeeze3A_1228 : f32 to vector<16xf32>
        %mul3A_1285 = arith.mulf %get3A_1283, %mul3A_1284 : vector<16xf32>
        %swap3A_1286 = arith.index_cast %add3A_1232 : i32 to index
        %swap3A_1287 = arith.constant 96 : index
        %swap3A_1288 = tpu.vector_load %arg12[%swap3A_1286, %swap3A_1287] {strides = array<i32>} : memref<80x128xf32, #tpu.memory_space<vmem>>, vector<16xf32>,
        tpu.vector_store %arg12[%swap3A_1286, %swap3A_1287], %mul3A_1285 {strides = array<i32>} : memref<80x128xf32, #tpu.memory_space<vmem>>, vector<16xf32>,
        %get3A_1289 = arith.index_cast %add3A_1232 : i32 to index
        %get3A_1290 = arith.constant 112 : index
        %get3A_1291 = tpu.vector_load %arg12[%get3A_1289, %get3A_1290] {strides = array<i32>} : memref<80x128xf32, #tpu.memory_space<vmem>>, vector<16xf32>,
        %mul3A_1292 = vector.broadcast %squeeze3A_1228 : f32 to vector<16xf32>
        %mul3A_1293 = arith.mulf %get3A_1291, %mul3A_1292 : vector<16xf32>
        %swap3A_1294 = arith.index_cast %add3A_1232 : i32 to index
        %swap3A_1295 = arith.constant 112 : index
        %swap3A_1296 = tpu.vector_load %arg12[%swap3A_1294, %swap3A_1295] {strides = array<i32>} : memref<80x128xf32, #tpu.memory_space<vmem>>, vector<16xf32>,
        tpu.vector_store %arg12[%swap3A_1294, %swap3A_1295], %mul3A_1293 {strides = array<i32>} : memref<80x128xf32, #tpu.memory_space<vmem>>, vector<16xf32>,
        %slice3A_1297 = vector.extract_strided_slice %gather3A {offsets = [15], sizes = [1], strides = [1]} : vector<16xf32> to vector<1xf32>
        %squeeze3A_1298 = vector.extract %slice3A_1297[0] : f32 from vector<1xf32>
        %mul3A_1299 = arith.constant 16 : i32
        %mul3A_1300 = arith.muli %scan3A_241, %mul3A_1299 : i32
        %add3A_1301 = arith.constant 15 : i32
        %add3A_1302 = arith.addi %mul3A_1300, %add3A_1301 : i32
        %get3A_1303 = arith.index_cast %add3A_1302 : i32 to index
        %get3A_1304 = arith.constant 0 : index
        %get3A_1305 = tpu.vector_load %arg12[%get3A_1303, %get3A_1304] {strides = array<i32>} : memref<80x128xf32, #tpu.memory_space<vmem>>, vector<16xf32>,
        %mul3A_1306 = vector.broadcast %squeeze3A_1298 : f32 to vector<16xf32>
        %mul3A_1307 = arith.mulf %get3A_1305, %mul3A_1306 : vector<16xf32>
        %swap3A_1308 = arith.index_cast %add3A_1302 : i32 to index
        %swap3A_1309 = arith.constant 0 : index
        %swap3A_1310 = tpu.vector_load %arg12[%swap3A_1308, %swap3A_1309] {strides = array<i32>} : memref<80x128xf32, #tpu.memory_space<vmem>>, vector<16xf32>,
        tpu.vector_store %arg12[%swap3A_1308, %swap3A_1309], %mul3A_1307 {strides = array<i32>} : memref<80x128xf32, #tpu.memory_space<vmem>>, vector<16xf32>,
        %get3A_1311 = arith.index_cast %add3A_1302 : i32 to index
        %get3A_1312 = arith.constant 16 : index
        %get3A_1313 = tpu.vector_load %arg12[%get3A_1311, %get3A_1312] {strides = array<i32>} : memref<80x128xf32, #tpu.memory_space<vmem>>, vector<16xf32>,
        %mul3A_1314 = vector.broadcast %squeeze3A_1298 : f32 to vector<16xf32>
        %mul3A_1315 = arith.mulf %get3A_1313, %mul3A_1314 : vector<16xf32>
        %swap3A_1316 = arith.index_cast %add3A_1302 : i32 to index
        %swap3A_1317 = arith.constant 16 : index
        %swap3A_1318 = tpu.vector_load %arg12[%swap3A_1316, %swap3A_1317] {strides = array<i32>} : memref<80x128xf32, #tpu.memory_space<vmem>>, vector<16xf32>,
        tpu.vector_store %arg12[%swap3A_1316, %swap3A_1317], %mul3A_1315 {strides = array<i32>} : memref<80x128xf32, #tpu.memory_space<vmem>>, vector<16xf32>,
        %get3A_1319 = arith.index_cast %add3A_1302 : i32 to index
        %get3A_1320 = arith.constant 32 : index
        %get3A_1321 = tpu.vector_load %arg12[%get3A_1319, %get3A_1320] {strides = array<i32>} : memref<80x128xf32, #tpu.memory_space<vmem>>, vector<16xf32>,
        %mul3A_1322 = vector.broadcast %squeeze3A_1298 : f32 to vector<16xf32>
        %mul3A_1323 = arith.mulf %get3A_1321, %mul3A_1322 : vector<16xf32>
        %swap3A_1324 = arith.index_cast %add3A_1302 : i32 to index
        %swap3A_1325 = arith.constant 32 : index
        %swap3A_1326 = tpu.vector_load %arg12[%swap3A_1324, %swap3A_1325] {strides = array<i32>} : memref<80x128xf32, #tpu.memory_space<vmem>>, vector<16xf32>,
        tpu.vector_store %arg12[%swap3A_1324, %swap3A_1325], %mul3A_1323 {strides = array<i32>} : memref<80x128xf32, #tpu.memory_space<vmem>>, vector<16xf32>,
        %get3A_1327 = arith.index_cast %add3A_1302 : i32 to index
        %get3A_1328 = arith.constant 48 : index
        %get3A_1329 = tpu.vector_load %arg12[%get3A_1327, %get3A_1328] {strides = array<i32>} : memref<80x128xf32, #tpu.memory_space<vmem>>, vector<16xf32>,
        %mul3A_1330 = vector.broadcast %squeeze3A_1298 : f32 to vector<16xf32>
        %mul3A_1331 = arith.mulf %get3A_1329, %mul3A_1330 : vector<16xf32>
        %swap3A_1332 = arith.index_cast %add3A_1302 : i32 to index
        %swap3A_1333 = arith.constant 48 : index
        %swap3A_1334 = tpu.vector_load %arg12[%swap3A_1332, %swap3A_1333] {strides = array<i32>} : memref<80x128xf32, #tpu.memory_space<vmem>>, vector<16xf32>,
        tpu.vector_store %arg12[%swap3A_1332, %swap3A_1333], %mul3A_1331 {strides = array<i32>} : memref<80x128xf32, #tpu.memory_space<vmem>>, vector<16xf32>,
        %get3A_1335 = arith.index_cast %add3A_1302 : i32 to index
        %get3A_1336 = arith.constant 64 : index
        %get3A_1337 = tpu.vector_load %arg12[%get3A_1335, %get3A_1336] {strides = array<i32>} : memref<80x128xf32, #tpu.memory_space<vmem>>, vector<16xf32>,
        %mul3A_1338 = vector.broadcast %squeeze3A_1298 : f32 to vector<16xf32>
        %mul3A_1339 = arith.mulf %get3A_1337, %mul3A_1338 : vector<16xf32>
        %swap3A_1340 = arith.index_cast %add3A_1302 : i32 to index
        %swap3A_1341 = arith.constant 64 : index
        %swap3A_1342 = tpu.vector_load %arg12[%swap3A_1340, %swap3A_1341] {strides = array<i32>} : memref<80x128xf32, #tpu.memory_space<vmem>>, vector<16xf32>,
        tpu.vector_store %arg12[%swap3A_1340, %swap3A_1341], %mul3A_1339 {strides = array<i32>} : memref<80x128xf32, #tpu.memory_space<vmem>>, vector<16xf32>,
        %get3A_1343 = arith.index_cast %add3A_1302 : i32 to index
        %get3A_1344 = arith.constant 80 : index
        %get3A_1345 = tpu.vector_load %arg12[%get3A_1343, %get3A_1344] {strides = array<i32>} : memref<80x128xf32, #tpu.memory_space<vmem>>, vector<16xf32>,
        %mul3A_1346 = vector.broadcast %squeeze3A_1298 : f32 to vector<16xf32>
        %mul3A_1347 = arith.mulf %get3A_1345, %mul3A_1346 : vector<16xf32>
        %swap3A_1348 = arith.index_cast %add3A_1302 : i32 to index
        %swap3A_1349 = arith.constant 80 : index
        %swap3A_1350 = tpu.vector_load %arg12[%swap3A_1348, %swap3A_1349] {strides = array<i32>} : memref<80x128xf32, #tpu.memory_space<vmem>>, vector<16xf32>,
        tpu.vector_store %arg12[%swap3A_1348, %swap3A_1349], %mul3A_1347 {strides = array<i32>} : memref<80x128xf32, #tpu.memory_space<vmem>>, vector<16xf32>,
        %get3A_1351 = arith.index_cast %add3A_1302 : i32 to index
        %get3A_1352 = arith.constant 96 : index
        %get3A_1353 = tpu.vector_load %arg12[%get3A_1351, %get3A_1352] {strides = array<i32>} : memref<80x128xf32, #tpu.memory_space<vmem>>, vector<16xf32>,
        %mul3A_1354 = vector.broadcast %squeeze3A_1298 : f32 to vector<16xf32>
        %mul3A_1355 = arith.mulf %get3A_1353, %mul3A_1354 : vector<16xf32>
        %swap3A_1356 = arith.index_cast %add3A_1302 : i32 to index
        %swap3A_1357 = arith.constant 96 : index
        %swap3A_1358 = tpu.vector_load %arg12[%swap3A_1356, %swap3A_1357] {strides = array<i32>} : memref<80x128xf32, #tpu.memory_space<vmem>>, vector<16xf32>,
        tpu.vector_store %arg12[%swap3A_1356, %swap3A_1357], %mul3A_1355 {strides = array<i32>} : memref<80x128xf32, #tpu.memory_space<vmem>>, vector<16xf32>,
        %get3A_1359 = arith.index_cast %add3A_1302 : i32 to index
        %get3A_1360 = arith.constant 112 : index
        %get3A_1361 = tpu.vector_load %arg12[%get3A_1359, %get3A_1360] {strides = array<i32>} : memref<80x128xf32, #tpu.memory_space<vmem>>, vector<16xf32>,
        %mul3A_1362 = vector.broadcast %squeeze3A_1298 : f32 to vector<16xf32>
        %mul3A_1363 = arith.mulf %get3A_1361, %mul3A_1362 : vector<16xf32>
        %swap3A_1364 = arith.index_cast %add3A_1302 : i32 to index
        %swap3A_1365 = arith.constant 112 : index
        %swap3A_1366 = tpu.vector_load %arg12[%swap3A_1364, %swap3A_1365] {strides = array<i32>} : memref<80x128xf32, #tpu.memory_space<vmem>>, vector<16xf32>,
        tpu.vector_store %arg12[%swap3A_1364, %swap3A_1365], %mul3A_1363 {strides = array<i32>} : memref<80x128xf32, #tpu.memory_space<vmem>>, vector<16xf32>,
        %scan3A_1367 = arith.constant 0 : i32
        scf.yield %scan3A_1367 : i32
      }
      %scan3A_233 = arith.constant 5 : i32
      %dma_start3A_234 = arith.constant 0 : i32
      %dma_start3A_235 = arith.constant 0 : i32
      %dma_start3A_236 = tpu.memref_slice %arg15[%dma_start3A_234, %dma_start3A_235] : memref<10240x128xf32, #tpu.memory_space<vmem_shared>> -> memref<10240x128xf32, #tpu.memory_space<vmem_shared>>
      tpu.enqueue_indirect_dma source(%arg12 : memref<80x128xf32, #tpu.memory_space<vmem>>) target(%dma_start3A_236 : memref<10240x128xf32, #tpu.memory_space<vmem_shared>>) offsets(%arg11 : memref<80xi32, #tpu.memory_space<vmem>>) semaphore(%arg18 : memref<!tpu.dma_semaphore, #tpu.memory_space<semaphore_mem>>) {add = true}
      %dma_wait3A_237 = arith.constant 0 : i32
      %dma_wait3A_238 = arith.constant 0 : i32
      %dma_wait3A_239 = tpu.memref_slice %arg15[%dma_wait3A_237, %dma_wait3A_238] : memref<10240x128xf32, #tpu.memory_space<vmem_shared>> -> memref<10240x128xf32, #tpu.memory_space<vmem_shared>>
      tpu.wait_indirect_dma semaphore(%arg18 : memref<!tpu.dma_semaphore, #tpu.memory_space<semaphore_mem>>) src(%arg12 : memref<80x128xf32, #tpu.memory_space<vmem>>) dst(%dma_wait3A_239 : memref<10240x128xf32, #tpu.memory_space<vmem_shared>>)
      %scan3A_240 = arith.constant 0 : i32
      scf.yield %scan3A_240 : i32
    }
    %scan3A_55 = arith.constant 125 : i32
    %barrier3A_56 = arith.constant 0 : index
    tpu.barrier barrier_id(%barrier3A_56)
    %mul3A_57 = arith.constant 640 : i32
    %mul3A_58 = arith.muli %arg1, %mul3A_57 : i32
    %mul3A_59 = arith.constant 640 : i32
    %mul3A_60 = arith.muli %arg1, %mul3A_59 : i32
    "tpu.region"() ({
      %run_scoped3A_216 = tpu.sem_alloc : memref<!tpu.dma_semaphore, #tpu.memory_space<semaphore_mem>>
      %dma_start3A = arith.constant 0 : i32
      %dma_start3A_217 = tpu.memref_slice %arg6[%arg0, %mul3A_60, %dma_start3A] : memref<2x10240x128xf32, #tpu.memory_space<hbm>> -> memref<1x640x128xf32, #tpu.memory_space<hbm>>
      %dma_start3A_218 = tpu.memref_squeeze %dma_start3A_217 : memref<1x640x128xf32, #tpu.memory_space<hbm>> -> memref<640x128xf32, #tpu.memory_space<hbm>>
      %dma_start3A_219 = arith.constant 0 : i32
      %dma_start3A_220 = tpu.memref_slice %arg15[%mul3A_58, %dma_start3A_219] : memref<10240x128xf32, #tpu.memory_space<vmem_shared>> -> memref<640x128xf32, #tpu.memory_space<vmem_shared>>
      tpu.enqueue_dma source(%dma_start3A_220 : memref<640x128xf32, #tpu.memory_space<vmem_shared>>) target(%dma_start3A_218 : memref<640x128xf32, #tpu.memory_space<hbm>>) target_semaphore(%run_scoped3A_216 : memref<!tpu.dma_semaphore, #tpu.memory_space<semaphore_mem>>)
      %dma_wait3A = arith.constant 0 : i32
      %dma_wait3A_221 = tpu.memref_slice %arg6[%arg0, %mul3A_60, %dma_wait3A] : memref<2x10240x128xf32, #tpu.memory_space<hbm>> -> memref<1x640x128xf32, #tpu.memory_space<hbm>>
      %dma_wait3A_222 = tpu.memref_squeeze %dma_wait3A_221 : memref<1x640x128xf32, #tpu.memory_space<hbm>> -> memref<640x128xf32, #tpu.memory_space<hbm>>
      %dma_wait3A_223 = arith.constant 0 : i32
      %dma_wait3A_224 = tpu.memref_slice %arg15[%mul3A_58, %dma_wait3A_223] : memref<10240x128xf32, #tpu.memory_space<vmem_shared>> -> memref<640x128xf32, #tpu.memory_space<vmem_shared>>
      tpu.wait_dma2 semaphore(%run_scoped3A_216 : memref<!tpu.dma_semaphore, #tpu.memory_space<semaphore_mem>>) src(%dma_wait3A_224 : memref<640x128xf32, #tpu.memory_space<vmem_shared>>) dst(%dma_wait3A_222 : memref<640x128xf32, #tpu.memory_space<hbm>>)
      tpu.yield
    }) : () -> ()
    "tpu.region"() ({
      %run_scoped3A_216 = tpu.sem_alloc : memref<!tpu.dma_semaphore, #tpu.memory_space<semaphore_mem>>
      %dma_start3A = arith.constant 0 : i32
      %dma_start3A_217 = tpu.memref_slice %arg16[%arg1, %dma_start3A] : memref<16x10240xf32, #tpu.memory_space<vmem_shared>> -> memref<1x10240xf32, #tpu.memory_space<vmem_shared>>
      %dma_start3A_218 = tpu.memref_squeeze %dma_start3A_217 : memref<1x10240xf32, #tpu.memory_space<vmem_shared>> -> memref<10240xf32, #tpu.memory_space<vmem_shared>>
      %dma_start3A_219 = arith.constant 0 : i32
      %dma_start3A_220 = tpu.memref_slice %arg16[%arg1, %dma_start3A_219] : memref<16x10240xf32, #tpu.memory_space<vmem_shared>> -> memref<1x10240xf32, #tpu.memory_space<vmem_shared>>
      %dma_start3A_221 = tpu.memref_squeeze %dma_start3A_220 : memref<1x10240xf32, #tpu.memory_space<vmem_shared>> -> memref<10240xf32, #tpu.memory_space<vmem_shared>>
      tpu.enqueue_dma source(%arg9 : memref<10240xf32, #tpu.memory_space<vmem>>) target(%dma_start3A_221 : memref<10240xf32, #tpu.memory_space<vmem_shared>>) target_semaphore(%run_scoped3A_216 : memref<!tpu.dma_semaphore, #tpu.memory_space<semaphore_mem>>)
      %dma_wait3A = arith.constant 0 : i32
      %dma_wait3A_222 = tpu.memref_slice %arg16[%arg1, %dma_wait3A] : memref<16x10240xf32, #tpu.memory_space<vmem_shared>> -> memref<1x10240xf32, #tpu.memory_space<vmem_shared>>
      %dma_wait3A_223 = tpu.memref_squeeze %dma_wait3A_222 : memref<1x10240xf32, #tpu.memory_space<vmem_shared>> -> memref<10240xf32, #tpu.memory_space<vmem_shared>>
      %dma_wait3A_224 = arith.constant 0 : i32
      %dma_wait3A_225 = tpu.memref_slice %arg16[%arg1, %dma_wait3A_224] : memref<16x10240xf32, #tpu.memory_space<vmem_shared>> -> memref<1x10240xf32, #tpu.memory_space<vmem_shared>>
      %dma_wait3A_226 = tpu.memref_squeeze %dma_wait3A_225 : memref<1x10240xf32, #tpu.memory_space<vmem_shared>> -> memref<10240xf32, #tpu.memory_space<vmem_shared>>
      tpu.wait_dma2 semaphore(%run_scoped3A_216 : memref<!tpu.dma_semaphore, #tpu.memory_space<semaphore_mem>>) src(%arg9 : memref<10240xf32, #tpu.memory_space<vmem>>) dst(%dma_wait3A_226 : memref<10240xf32, #tpu.memory_space<vmem_shared>>)
      tpu.yield
    }) : () -> ()
    %barrier3A_61 = arith.constant 0 : index
    tpu.barrier barrier_id(%barrier3A_61)
    %mul3A_62 = arith.constant 640 : i32
    %mul3A_63 = arith.muli %arg1, %mul3A_62 : i32
    %run_scoped3A = arith.constant 0 : i32
    "tpu.region"() ({
      %run_scoped3A_216 = tpu.sem_alloc : memref<!tpu.dma_semaphore, #tpu.memory_space<semaphore_mem>>
      %dma_start3A = tpu.memref_slice %arg16[%run_scoped3A, %mul3A_63] : memref<16x10240xf32, #tpu.memory_space<vmem_shared>> -> memref<1x640xf32, #tpu.memory_space<vmem_shared>>
      %dma_start3A_217 = tpu.memref_squeeze %dma_start3A : memref<1x640xf32, #tpu.memory_space<vmem_shared>> -> memref<640xf32, #tpu.memory_space<vmem_shared>>
      %dma_start3A_218 = tpu.memref_slice %arg16[%run_scoped3A, %mul3A_63] : memref<16x10240xf32, #tpu.memory_space<vmem_shared>> -> memref<1x640xf32, #tpu.memory_space<vmem_shared>>
      %dma_start3A_219 = tpu.memref_squeeze %dma_start3A_218 : memref<1x640xf32, #tpu.memory_space<vmem_shared>> -> memref<640xf32, #tpu.memory_space<vmem_shared>>
      tpu.enqueue_dma source(%dma_start3A_219 : memref<640xf32, #tpu.memory_space<vmem_shared>>) target(%arg13 : memref<640xf32, #tpu.memory_space<vmem>>) target_semaphore(%run_scoped3A_216 : memref<!tpu.dma_semaphore, #tpu.memory_space<semaphore_mem>>)
      %dma_wait3A = tpu.memref_slice %arg16[%run_scoped3A, %mul3A_63] : memref<16x10240xf32, #tpu.memory_space<vmem_shared>> -> memref<1x640xf32, #tpu.memory_space<vmem_shared>>
      %dma_wait3A_220 = tpu.memref_squeeze %dma_wait3A : memref<1x640xf32, #tpu.memory_space<vmem_shared>> -> memref<640xf32, #tpu.memory_space<vmem_shared>>
      %dma_wait3A_221 = tpu.memref_slice %arg16[%run_scoped3A, %mul3A_63] : memref<16x10240xf32, #tpu.memory_space<vmem_shared>> -> memref<1x640xf32, #tpu.memory_space<vmem_shared>>
      %dma_wait3A_222 = tpu.memref_squeeze %dma_wait3A_221 : memref<1x640xf32, #tpu.memory_space<vmem_shared>> -> memref<640xf32, #tpu.memory_space<vmem_shared>>
      tpu.wait_dma2 semaphore(%run_scoped3A_216 : memref<!tpu.dma_semaphore, #tpu.memory_space<semaphore_mem>>) src(%dma_wait3A_222 : memref<640xf32, #tpu.memory_space<vmem_shared>>) dst(%arg13 : memref<640xf32, #tpu.memory_space<vmem>>)
      tpu.yield
    }) : () -> ()
    %mul3A_64 = arith.constant 640 : i32
    %mul3A_65 = arith.muli %arg1, %mul3A_64 : i32
    %run_scoped3A_66 = arith.constant 1 : i32
    "tpu.region"() ({
      %run_scoped3A_216 = tpu.sem_alloc : memref<!tpu.dma_semaphore, #tpu.memory_space<semaphore_mem>>
      %dma_start3A = tpu.memref_slice %arg16[%run_scoped3A_66, %mul3A_65] : memref<16x10240xf32, #tpu.memory_space<vmem_shared>> -> memref<1x640xf32, #tpu.memory_space<vmem_shared>>
      %dma_start3A_217 = tpu.memref_squeeze %dma_start3A : memref<1x640xf32, #tpu.memory_space<vmem_shared>> -> memref<640xf32, #tpu.memory_space<vmem_shared>>
      %dma_start3A_218 = tpu.memref_slice %arg16[%run_scoped3A_66, %mul3A_65] : memref<16x10240xf32, #tpu.memory_space<vmem_shared>> -> memref<1x640xf32, #tpu.memory_space<vmem_shared>>
      %dma_start3A_219 = tpu.memref_squeeze %dma_start3A_218 : memref<1x640xf32, #tpu.memory_space<vmem_shared>> -> memref<640xf32, #tpu.memory_space<vmem_shared>>
      tpu.enqueue_dma source(%dma_start3A_219 : memref<640xf32, #tpu.memory_space<vmem_shared>>) target(%arg14 : memref<640xf32, #tpu.memory_space<vmem>>) target_semaphore(%run_scoped3A_216 : memref<!tpu.dma_semaphore, #tpu.memory_space<semaphore_mem>>)
      %dma_wait3A = tpu.memref_slice %arg16[%run_scoped3A_66, %mul3A_65] : memref<16x10240xf32, #tpu.memory_space<vmem_shared>> -> memref<1x640xf32, #tpu.memory_space<vmem_shared>>
      %dma_wait3A_220 = tpu.memref_squeeze %dma_wait3A : memref<1x640xf32, #tpu.memory_space<vmem_shared>> -> memref<640xf32, #tpu.memory_space<vmem_shared>>
      %dma_wait3A_221 = tpu.memref_slice %arg16[%run_scoped3A_66, %mul3A_65] : memref<16x10240xf32, #tpu.memory_space<vmem_shared>> -> memref<1x640xf32, #tpu.memory_space<vmem_shared>>
      %dma_wait3A_222 = tpu.memref_squeeze %dma_wait3A_221 : memref<1x640xf32, #tpu.memory_space<vmem_shared>> -> memref<640xf32, #tpu.memory_space<vmem_shared>>
      tpu.wait_dma2 semaphore(%run_scoped3A_216 : memref<!tpu.dma_semaphore, #tpu.memory_space<semaphore_mem>>) src(%dma_wait3A_222 : memref<640xf32, #tpu.memory_space<vmem_shared>>) dst(%arg14 : memref<640xf32, #tpu.memory_space<vmem>>)
      tpu.yield
    }) : () -> ()
    %scan3A_67 = arith.constant 0 : i32
    %scan3A_68 = arith.constant 0 : i32
    %scan3A_69 = arith.constant 40 : i32
    %scan3A_70 = arith.addi %scan3A_68, %scan3A_69 : i32
    %scan3A_71 = arith.constant 1 : i32
    %scan3A_72 = scf.for %scan3A_216 = %scan3A_68 to %scan3A_70 step %scan3A_71 iter_args(%scan3A_217 = %scan3A_67) -> (i32)  : i32 {
      %mul3A_218 = arith.constant 16 : i32
      %mul3A_219 = arith.muli %scan3A_216, %mul3A_218 : i32
      %get3A = arith.index_cast %mul3A_219 : i32 to index
      %get3A_220 = tpu.vector_load %arg13[%get3A] {strides = array<i32>} : memref<640xf32, #tpu.memory_space<vmem>>, vector<16xf32>,
      %mul3A_221 = arith.constant 16 : i32
      %mul3A_222 = arith.muli %scan3A_216, %mul3A_221 : i32
      %get3A_223 = arith.index_cast %mul3A_222 : i32 to index
      %get3A_224 = tpu.vector_load %arg14[%get3A_223] {strides = array<i32>} : memref<640xf32, #tpu.memory_space<vmem>>, vector<16xf32>,
      %add3A_225 = arith.addf %get3A_220, %get3A_224 : vector<16xf32>
      %mul3A_226 = arith.constant 16 : i32
      %mul3A_227 = arith.muli %scan3A_216, %mul3A_226 : i32
      %swap3A = arith.index_cast %mul3A_227 : i32 to index
      %swap3A_228 = tpu.vector_load %arg13[%swap3A] {strides = array<i32>} : memref<640xf32, #tpu.memory_space<vmem>>, vector<16xf32>,
      tpu.vector_store %arg13[%swap3A], %add3A_225 {strides = array<i32>} : memref<640xf32, #tpu.memory_space<vmem>>, vector<16xf32>,
      %scan3A_229 = arith.constant 0 : i32
      scf.yield %scan3A_229 : i32
    }
    %scan3A_73 = arith.constant 40 : i32
    %mul3A_74 = arith.constant 640 : i32
    %mul3A_75 = arith.muli %arg1, %mul3A_74 : i32
    %run_scoped3A_76 = arith.constant 2 : i32
    "tpu.region"() ({
      %run_scoped3A_216 = tpu.sem_alloc : memref<!tpu.dma_semaphore, #tpu.memory_space<semaphore_mem>>
      %dma_start3A = tpu.memref_slice %arg16[%run_scoped3A_76, %mul3A_75] : memref<16x10240xf32, #tpu.memory_space<vmem_shared>> -> memref<1x640xf32, #tpu.memory_space<vmem_shared>>
      %dma_start3A_217 = tpu.memref_squeeze %dma_start3A : memref<1x640xf32, #tpu.memory_space<vmem_shared>> -> memref<640xf32, #tpu.memory_space<vmem_shared>>
      %dma_start3A_218 = tpu.memref_slice %arg16[%run_scoped3A_76, %mul3A_75] : memref<16x10240xf32, #tpu.memory_space<vmem_shared>> -> memref<1x640xf32, #tpu.memory_space<vmem_shared>>
      %dma_start3A_219 = tpu.memref_squeeze %dma_start3A_218 : memref<1x640xf32, #tpu.memory_space<vmem_shared>> -> memref<640xf32, #tpu.memory_space<vmem_shared>>
      tpu.enqueue_dma source(%dma_start3A_219 : memref<640xf32, #tpu.memory_space<vmem_shared>>) target(%arg14 : memref<640xf32, #tpu.memory_space<vmem>>) target_semaphore(%run_scoped3A_216 : memref<!tpu.dma_semaphore, #tpu.memory_space<semaphore_mem>>)
      %dma_wait3A = tpu.memref_slice %arg16[%run_scoped3A_76, %mul3A_75] : memref<16x10240xf32, #tpu.memory_space<vmem_shared>> -> memref<1x640xf32, #tpu.memory_space<vmem_shared>>
      %dma_wait3A_220 = tpu.memref_squeeze %dma_wait3A : memref<1x640xf32, #tpu.memory_space<vmem_shared>> -> memref<640xf32, #tpu.memory_space<vmem_shared>>
      %dma_wait3A_221 = tpu.memref_slice %arg16[%run_scoped3A_76, %mul3A_75] : memref<16x10240xf32, #tpu.memory_space<vmem_shared>> -> memref<1x640xf32, #tpu.memory_space<vmem_shared>>
      %dma_wait3A_222 = tpu.memref_squeeze %dma_wait3A_221 : memref<1x640xf32, #tpu.memory_space<vmem_shared>> -> memref<640xf32, #tpu.memory_space<vmem_shared>>
      tpu.wait_dma2 semaphore(%run_scoped3A_216 : memref<!tpu.dma_semaphore, #tpu.memory_space<semaphore_mem>>) src(%dma_wait3A_222 : memref<640xf32, #tpu.memory_space<vmem_shared>>) dst(%arg14 : memref<640xf32, #tpu.memory_space<vmem>>)
      tpu.yield
    }) : () -> ()
    %scan3A_77 = arith.constant 0 : i32
    %scan3A_78 = arith.constant 0 : i32
    %scan3A_79 = arith.constant 40 : i32
    %scan3A_80 = arith.addi %scan3A_78, %scan3A_79 : i32
    %scan3A_81 = arith.constant 1 : i32
    %scan3A_82 = scf.for %scan3A_216 = %scan3A_78 to %scan3A_80 step %scan3A_81 iter_args(%scan3A_217 = %scan3A_77) -> (i32)  : i32 {
      %mul3A_218 = arith.constant 16 : i32
      %mul3A_219 = arith.muli %scan3A_216, %mul3A_218 : i32
      %get3A = arith.index_cast %mul3A_219 : i32 to index
      %get3A_220 = tpu.vector_load %arg13[%get3A] {strides = array<i32>} : memref<640xf32, #tpu.memory_space<vmem>>, vector<16xf32>,
      %mul3A_221 = arith.constant 16 : i32
      %mul3A_222 = arith.muli %scan3A_216, %mul3A_221 : i32
      %get3A_223 = arith.index_cast %mul3A_222 : i32 to index
      %get3A_224 = tpu.vector_load %arg14[%get3A_223] {strides = array<i32>} : memref<640xf32, #tpu.memory_space<vmem>>, vector<16xf32>,
      %add3A_225 = arith.addf %get3A_220, %get3A_224 : vector<16xf32>
      %mul3A_226 = arith.constant 16 : i32
      %mul3A_227 = arith.muli %scan3A_216, %mul3A_226 : i32
      %swap3A = arith.index_cast %mul3A_227 : i32 to index
      %swap3A_228 = tpu.vector_load %arg13[%swap3A] {strides = array<i32>} : memref<640xf32, #tpu.memory_space<vmem>>, vector<16xf32>,
      tpu.vector_store %arg13[%swap3A], %add3A_225 {strides = array<i32>} : memref<640xf32, #tpu.memory_space<vmem>>, vector<16xf32>,
      %scan3A_229 = arith.constant 0 : i32
      scf.yield %scan3A_229 : i32
    }
    %scan3A_83 = arith.constant 40 : i32
    %mul3A_84 = arith.constant 640 : i32
    %mul3A_85 = arith.muli %arg1, %mul3A_84 : i32
    %run_scoped3A_86 = arith.constant 3 : i32
    "tpu.region"() ({
      %run_scoped3A_216 = tpu.sem_alloc : memref<!tpu.dma_semaphore, #tpu.memory_space<semaphore_mem>>
      %dma_start3A = tpu.memref_slice %arg16[%run_scoped3A_86, %mul3A_85] : memref<16x10240xf32, #tpu.memory_space<vmem_shared>> -> memref<1x640xf32, #tpu.memory_space<vmem_shared>>
      %dma_start3A_217 = tpu.memref_squeeze %dma_start3A : memref<1x640xf32, #tpu.memory_space<vmem_shared>> -> memref<640xf32, #tpu.memory_space<vmem_shared>>
      %dma_start3A_218 = tpu.memref_slice %arg16[%run_scoped3A_86, %mul3A_85] : memref<16x10240xf32, #tpu.memory_space<vmem_shared>> -> memref<1x640xf32, #tpu.memory_space<vmem_shared>>
      %dma_start3A_219 = tpu.memref_squeeze %dma_start3A_218 : memref<1x640xf32, #tpu.memory_space<vmem_shared>> -> memref<640xf32, #tpu.memory_space<vmem_shared>>
      tpu.enqueue_dma source(%dma_start3A_219 : memref<640xf32, #tpu.memory_space<vmem_shared>>) target(%arg14 : memref<640xf32, #tpu.memory_space<vmem>>) target_semaphore(%run_scoped3A_216 : memref<!tpu.dma_semaphore, #tpu.memory_space<semaphore_mem>>)
      %dma_wait3A = tpu.memref_slice %arg16[%run_scoped3A_86, %mul3A_85] : memref<16x10240xf32, #tpu.memory_space<vmem_shared>> -> memref<1x640xf32, #tpu.memory_space<vmem_shared>>
      %dma_wait3A_220 = tpu.memref_squeeze %dma_wait3A : memref<1x640xf32, #tpu.memory_space<vmem_shared>> -> memref<640xf32, #tpu.memory_space<vmem_shared>>
      %dma_wait3A_221 = tpu.memref_slice %arg16[%run_scoped3A_86, %mul3A_85] : memref<16x10240xf32, #tpu.memory_space<vmem_shared>> -> memref<1x640xf32, #tpu.memory_space<vmem_shared>>
      %dma_wait3A_222 = tpu.memref_squeeze %dma_wait3A_221 : memref<1x640xf32, #tpu.memory_space<vmem_shared>> -> memref<640xf32, #tpu.memory_space<vmem_shared>>
      tpu.wait_dma2 semaphore(%run_scoped3A_216 : memref<!tpu.dma_semaphore, #tpu.memory_space<semaphore_mem>>) src(%dma_wait3A_222 : memref<640xf32, #tpu.memory_space<vmem_shared>>) dst(%arg14 : memref<640xf32, #tpu.memory_space<vmem>>)
      tpu.yield
    }) : () -> ()
    %scan3A_87 = arith.constant 0 : i32
    %scan3A_88 = arith.constant 0 : i32
    %scan3A_89 = arith.constant 40 : i32
    %scan3A_90 = arith.addi %scan3A_88, %scan3A_89 : i32
    %scan3A_91 = arith.constant 1 : i32
    %scan3A_92 = scf.for %scan3A_216 = %scan3A_88 to %scan3A_90 step %scan3A_91 iter_args(%scan3A_217 = %scan3A_87) -> (i32)  : i32 {
      %mul3A_218 = arith.constant 16 : i32
      %mul3A_219 = arith.muli %scan3A_216, %mul3A_218 : i32
      %get3A = arith.index_cast %mul3A_219 : i32 to index
      %get3A_220 = tpu.vector_load %arg13[%get3A] {strides = array<i32>} : memref<640xf32, #tpu.memory_space<vmem>>, vector<16xf32>,
      %mul3A_221 = arith.constant 16 : i32
      %mul3A_222 = arith.muli %scan3A_216, %mul3A_221 : i32
      %get3A_223 = arith.index_cast %mul3A_222 : i32 to index
      %get3A_224 = tpu.vector_load %arg14[%get3A_223] {strides = array<i32>} : memref<640xf32, #tpu.memory_space<vmem>>, vector<16xf32>,
      %add3A_225 = arith.addf %get3A_220, %get3A_224 : vector<16xf32>
      %mul3A_226 = arith.constant 16 : i32
      %mul3A_227 = arith.muli %scan3A_216, %mul3A_226 : i32
      %swap3A = arith.index_cast %mul3A_227 : i32 to index
      %swap3A_228 = tpu.vector_load %arg13[%swap3A] {strides = array<i32>} : memref<640xf32, #tpu.memory_space<vmem>>, vector<16xf32>,
      tpu.vector_store %arg13[%swap3A], %add3A_225 {strides = array<i32>} : memref<640xf32, #tpu.memory_space<vmem>>, vector<16xf32>,
      %scan3A_229 = arith.constant 0 : i32
      scf.yield %scan3A_229 : i32
    }
    %scan3A_93 = arith.constant 40 : i32
    %mul3A_94 = arith.constant 640 : i32
    %mul3A_95 = arith.muli %arg1, %mul3A_94 : i32
    %run_scoped3A_96 = arith.constant 4 : i32
    "tpu.region"() ({
      %run_scoped3A_216 = tpu.sem_alloc : memref<!tpu.dma_semaphore, #tpu.memory_space<semaphore_mem>>
      %dma_start3A = tpu.memref_slice %arg16[%run_scoped3A_96, %mul3A_95] : memref<16x10240xf32, #tpu.memory_space<vmem_shared>> -> memref<1x640xf32, #tpu.memory_space<vmem_shared>>
      %dma_start3A_217 = tpu.memref_squeeze %dma_start3A : memref<1x640xf32, #tpu.memory_space<vmem_shared>> -> memref<640xf32, #tpu.memory_space<vmem_shared>>
      %dma_start3A_218 = tpu.memref_slice %arg16[%run_scoped3A_96, %mul3A_95] : memref<16x10240xf32, #tpu.memory_space<vmem_shared>> -> memref<1x640xf32, #tpu.memory_space<vmem_shared>>
      %dma_start3A_219 = tpu.memref_squeeze %dma_start3A_218 : memref<1x640xf32, #tpu.memory_space<vmem_shared>> -> memref<640xf32, #tpu.memory_space<vmem_shared>>
      tpu.enqueue_dma source(%dma_start3A_219 : memref<640xf32, #tpu.memory_space<vmem_shared>>) target(%arg14 : memref<640xf32, #tpu.memory_space<vmem>>) target_semaphore(%run_scoped3A_216 : memref<!tpu.dma_semaphore, #tpu.memory_space<semaphore_mem>>)
      %dma_wait3A = tpu.memref_slice %arg16[%run_scoped3A_96, %mul3A_95] : memref<16x10240xf32, #tpu.memory_space<vmem_shared>> -> memref<1x640xf32, #tpu.memory_space<vmem_shared>>
      %dma_wait3A_220 = tpu.memref_squeeze %dma_wait3A : memref<1x640xf32, #tpu.memory_space<vmem_shared>> -> memref<640xf32, #tpu.memory_space<vmem_shared>>
      %dma_wait3A_221 = tpu.memref_slice %arg16[%run_scoped3A_96, %mul3A_95] : memref<16x10240xf32, #tpu.memory_space<vmem_shared>> -> memref<1x640xf32, #tpu.memory_space<vmem_shared>>
      %dma_wait3A_222 = tpu.memref_squeeze %dma_wait3A_221 : memref<1x640xf32, #tpu.memory_space<vmem_shared>> -> memref<640xf32, #tpu.memory_space<vmem_shared>>
      tpu.wait_dma2 semaphore(%run_scoped3A_216 : memref<!tpu.dma_semaphore, #tpu.memory_space<semaphore_mem>>) src(%dma_wait3A_222 : memref<640xf32, #tpu.memory_space<vmem_shared>>) dst(%arg14 : memref<640xf32, #tpu.memory_space<vmem>>)
      tpu.yield
    }) : () -> ()
    %scan3A_97 = arith.constant 0 : i32
    %scan3A_98 = arith.constant 0 : i32
    %scan3A_99 = arith.constant 40 : i32
    %scan3A_100 = arith.addi %scan3A_98, %scan3A_99 : i32
    %scan3A_101 = arith.constant 1 : i32
    %scan3A_102 = scf.for %scan3A_216 = %scan3A_98 to %scan3A_100 step %scan3A_101 iter_args(%scan3A_217 = %scan3A_97) -> (i32)  : i32 {
      %mul3A_218 = arith.constant 16 : i32
      %mul3A_219 = arith.muli %scan3A_216, %mul3A_218 : i32
      %get3A = arith.index_cast %mul3A_219 : i32 to index
      %get3A_220 = tpu.vector_load %arg13[%get3A] {strides = array<i32>} : memref<640xf32, #tpu.memory_space<vmem>>, vector<16xf32>,
      %mul3A_221 = arith.constant 16 : i32
      %mul3A_222 = arith.muli %scan3A_216, %mul3A_221 : i32
      %get3A_223 = arith.index_cast %mul3A_222 : i32 to index
      %get3A_224 = tpu.vector_load %arg14[%get3A_223] {strides = array<i32>} : memref<640xf32, #tpu.memory_space<vmem>>, vector<16xf32>,
      %add3A_225 = arith.addf %get3A_220, %get3A_224 : vector<16xf32>
      %mul3A_226 = arith.constant 16 : i32
      %mul3A_227 = arith.muli %scan3A_216, %mul3A_226 : i32
      %swap3A = arith.index_cast %mul3A_227 : i32 to index
      %swap3A_228 = tpu.vector_load %arg13[%swap3A] {strides = array<i32>} : memref<640xf32, #tpu.memory_space<vmem>>, vector<16xf32>,
      tpu.vector_store %arg13[%swap3A], %add3A_225 {strides = array<i32>} : memref<640xf32, #tpu.memory_space<vmem>>, vector<16xf32>,
      %scan3A_229 = arith.constant 0 : i32
      scf.yield %scan3A_229 : i32
    }
    %scan3A_103 = arith.constant 40 : i32
    %mul3A_104 = arith.constant 640 : i32
    %mul3A_105 = arith.muli %arg1, %mul3A_104 : i32
    %run_scoped3A_106 = arith.constant 5 : i32
    "tpu.region"() ({
      %run_scoped3A_216 = tpu.sem_alloc : memref<!tpu.dma_semaphore, #tpu.memory_space<semaphore_mem>>
      %dma_start3A = tpu.memref_slice %arg16[%run_scoped3A_106, %mul3A_105] : memref<16x10240xf32, #tpu.memory_space<vmem_shared>> -> memref<1x640xf32, #tpu.memory_space<vmem_shared>>
      %dma_start3A_217 = tpu.memref_squeeze %dma_start3A : memref<1x640xf32, #tpu.memory_space<vmem_shared>> -> memref<640xf32, #tpu.memory_space<vmem_shared>>
      %dma_start3A_218 = tpu.memref_slice %arg16[%run_scoped3A_106, %mul3A_105] : memref<16x10240xf32, #tpu.memory_space<vmem_shared>> -> memref<1x640xf32, #tpu.memory_space<vmem_shared>>
      %dma_start3A_219 = tpu.memref_squeeze %dma_start3A_218 : memref<1x640xf32, #tpu.memory_space<vmem_shared>> -> memref<640xf32, #tpu.memory_space<vmem_shared>>
      tpu.enqueue_dma source(%dma_start3A_219 : memref<640xf32, #tpu.memory_space<vmem_shared>>) target(%arg14 : memref<640xf32, #tpu.memory_space<vmem>>) target_semaphore(%run_scoped3A_216 : memref<!tpu.dma_semaphore, #tpu.memory_space<semaphore_mem>>)
      %dma_wait3A = tpu.memref_slice %arg16[%run_scoped3A_106, %mul3A_105] : memref<16x10240xf32, #tpu.memory_space<vmem_shared>> -> memref<1x640xf32, #tpu.memory_space<vmem_shared>>
      %dma_wait3A_220 = tpu.memref_squeeze %dma_wait3A : memref<1x640xf32, #tpu.memory_space<vmem_shared>> -> memref<640xf32, #tpu.memory_space<vmem_shared>>
      %dma_wait3A_221 = tpu.memref_slice %arg16[%run_scoped3A_106, %mul3A_105] : memref<16x10240xf32, #tpu.memory_space<vmem_shared>> -> memref<1x640xf32, #tpu.memory_space<vmem_shared>>
      %dma_wait3A_222 = tpu.memref_squeeze %dma_wait3A_221 : memref<1x640xf32, #tpu.memory_space<vmem_shared>> -> memref<640xf32, #tpu.memory_space<vmem_shared>>
      tpu.wait_dma2 semaphore(%run_scoped3A_216 : memref<!tpu.dma_semaphore, #tpu.memory_space<semaphore_mem>>) src(%dma_wait3A_222 : memref<640xf32, #tpu.memory_space<vmem_shared>>) dst(%arg14 : memref<640xf32, #tpu.memory_space<vmem>>)
      tpu.yield
    }) : () -> ()
    %scan3A_107 = arith.constant 0 : i32
    %scan3A_108 = arith.constant 0 : i32
    %scan3A_109 = arith.constant 40 : i32
    %scan3A_110 = arith.addi %scan3A_108, %scan3A_109 : i32
    %scan3A_111 = arith.constant 1 : i32
    %scan3A_112 = scf.for %scan3A_216 = %scan3A_108 to %scan3A_110 step %scan3A_111 iter_args(%scan3A_217 = %scan3A_107) -> (i32)  : i32 {
      %mul3A_218 = arith.constant 16 : i32
      %mul3A_219 = arith.muli %scan3A_216, %mul3A_218 : i32
      %get3A = arith.index_cast %mul3A_219 : i32 to index
      %get3A_220 = tpu.vector_load %arg13[%get3A] {strides = array<i32>} : memref<640xf32, #tpu.memory_space<vmem>>, vector<16xf32>,
      %mul3A_221 = arith.constant 16 : i32
      %mul3A_222 = arith.muli %scan3A_216, %mul3A_221 : i32
      %get3A_223 = arith.index_cast %mul3A_222 : i32 to index
      %get3A_224 = tpu.vector_load %arg14[%get3A_223] {strides = array<i32>} : memref<640xf32, #tpu.memory_space<vmem>>, vector<16xf32>,
      %add3A_225 = arith.addf %get3A_220, %get3A_224 : vector<16xf32>
      %mul3A_226 = arith.constant 16 : i32
      %mul3A_227 = arith.muli %scan3A_216, %mul3A_226 : i32
      %swap3A = arith.index_cast %mul3A_227 : i32 to index
      %swap3A_228 = tpu.vector_load %arg13[%swap3A] {strides = array<i32>} : memref<640xf32, #tpu.memory_space<vmem>>, vector<16xf32>,
      tpu.vector_store %arg13[%swap3A], %add3A_225 {strides = array<i32>} : memref<640xf32, #tpu.memory_space<vmem>>, vector<16xf32>,
      %scan3A_229 = arith.constant 0 : i32
      scf.yield %scan3A_229 : i32
    }
    %scan3A_113 = arith.constant 40 : i32
    %mul3A_114 = arith.constant 640 : i32
    %mul3A_115 = arith.muli %arg1, %mul3A_114 : i32
    %run_scoped3A_116 = arith.constant 6 : i32
    "tpu.region"() ({
      %run_scoped3A_216 = tpu.sem_alloc : memref<!tpu.dma_semaphore, #tpu.memory_space<semaphore_mem>>
      %dma_start3A = tpu.memref_slice %arg16[%run_scoped3A_116, %mul3A_115] : memref<16x10240xf32, #tpu.memory_space<vmem_shared>> -> memref<1x640xf32, #tpu.memory_space<vmem_shared>>
      %dma_start3A_217 = tpu.memref_squeeze %dma_start3A : memref<1x640xf32, #tpu.memory_space<vmem_shared>> -> memref<640xf32, #tpu.memory_space<vmem_shared>>
      %dma_start3A_218 = tpu.memref_slice %arg16[%run_scoped3A_116, %mul3A_115] : memref<16x10240xf32, #tpu.memory_space<vmem_shared>> -> memref<1x640xf32, #tpu.memory_space<vmem_shared>>
      %dma_start3A_219 = tpu.memref_squeeze %dma_start3A_218 : memref<1x640xf32, #tpu.memory_space<vmem_shared>> -> memref<640xf32, #tpu.memory_space<vmem_shared>>
      tpu.enqueue_dma source(%dma_start3A_219 : memref<640xf32, #tpu.memory_space<vmem_shared>>) target(%arg14 : memref<640xf32, #tpu.memory_space<vmem>>) target_semaphore(%run_scoped3A_216 : memref<!tpu.dma_semaphore, #tpu.memory_space<semaphore_mem>>)
      %dma_wait3A = tpu.memref_slice %arg16[%run_scoped3A_116, %mul3A_115] : memref<16x10240xf32, #tpu.memory_space<vmem_shared>> -> memref<1x640xf32, #tpu.memory_space<vmem_shared>>
      %dma_wait3A_220 = tpu.memref_squeeze %dma_wait3A : memref<1x640xf32, #tpu.memory_space<vmem_shared>> -> memref<640xf32, #tpu.memory_space<vmem_shared>>
      %dma_wait3A_221 = tpu.memref_slice %arg16[%run_scoped3A_116, %mul3A_115] : memref<16x10240xf32, #tpu.memory_space<vmem_shared>> -> memref<1x640xf32, #tpu.memory_space<vmem_shared>>
      %dma_wait3A_222 = tpu.memref_squeeze %dma_wait3A_221 : memref<1x640xf32, #tpu.memory_space<vmem_shared>> -> memref<640xf32, #tpu.memory_space<vmem_shared>>
      tpu.wait_dma2 semaphore(%run_scoped3A_216 : memref<!tpu.dma_semaphore, #tpu.memory_space<semaphore_mem>>) src(%dma_wait3A_222 : memref<640xf32, #tpu.memory_space<vmem_shared>>) dst(%arg14 : memref<640xf32, #tpu.memory_space<vmem>>)
      tpu.yield
    }) : () -> ()
    %scan3A_117 = arith.constant 0 : i32
    %scan3A_118 = arith.constant 0 : i32
    %scan3A_119 = arith.constant 40 : i32
    %scan3A_120 = arith.addi %scan3A_118, %scan3A_119 : i32
    %scan3A_121 = arith.constant 1 : i32
    %scan3A_122 = scf.for %scan3A_216 = %scan3A_118 to %scan3A_120 step %scan3A_121 iter_args(%scan3A_217 = %scan3A_117) -> (i32)  : i32 {
      %mul3A_218 = arith.constant 16 : i32
      %mul3A_219 = arith.muli %scan3A_216, %mul3A_218 : i32
      %get3A = arith.index_cast %mul3A_219 : i32 to index
      %get3A_220 = tpu.vector_load %arg13[%get3A] {strides = array<i32>} : memref<640xf32, #tpu.memory_space<vmem>>, vector<16xf32>,
      %mul3A_221 = arith.constant 16 : i32
      %mul3A_222 = arith.muli %scan3A_216, %mul3A_221 : i32
      %get3A_223 = arith.index_cast %mul3A_222 : i32 to index
      %get3A_224 = tpu.vector_load %arg14[%get3A_223] {strides = array<i32>} : memref<640xf32, #tpu.memory_space<vmem>>, vector<16xf32>,
      %add3A_225 = arith.addf %get3A_220, %get3A_224 : vector<16xf32>
      %mul3A_226 = arith.constant 16 : i32
      %mul3A_227 = arith.muli %scan3A_216, %mul3A_226 : i32
      %swap3A = arith.index_cast %mul3A_227 : i32 to index
      %swap3A_228 = tpu.vector_load %arg13[%swap3A] {strides = array<i32>} : memref<640xf32, #tpu.memory_space<vmem>>, vector<16xf32>,
      tpu.vector_store %arg13[%swap3A], %add3A_225 {strides = array<i32>} : memref<640xf32, #tpu.memory_space<vmem>>, vector<16xf32>,
      %scan3A_229 = arith.constant 0 : i32
      scf.yield %scan3A_229 : i32
    }
    %scan3A_123 = arith.constant 40 : i32
    %mul3A_124 = arith.constant 640 : i32
    %mul3A_125 = arith.muli %arg1, %mul3A_124 : i32
    %run_scoped3A_126 = arith.constant 7 : i32
    "tpu.region"() ({
      %run_scoped3A_216 = tpu.sem_alloc : memref<!tpu.dma_semaphore, #tpu.memory_space<semaphore_mem>>
      %dma_start3A = tpu.memref_slice %arg16[%run_scoped3A_126, %mul3A_125] : memref<16x10240xf32, #tpu.memory_space<vmem_shared>> -> memref<1x640xf32, #tpu.memory_space<vmem_shared>>
      %dma_start3A_217 = tpu.memref_squeeze %dma_start3A : memref<1x640xf32, #tpu.memory_space<vmem_shared>> -> memref<640xf32, #tpu.memory_space<vmem_shared>>
      %dma_start3A_218 = tpu.memref_slice %arg16[%run_scoped3A_126, %mul3A_125] : memref<16x10240xf32, #tpu.memory_space<vmem_shared>> -> memref<1x640xf32, #tpu.memory_space<vmem_shared>>
      %dma_start3A_219 = tpu.memref_squeeze %dma_start3A_218 : memref<1x640xf32, #tpu.memory_space<vmem_shared>> -> memref<640xf32, #tpu.memory_space<vmem_shared>>
      tpu.enqueue_dma source(%dma_start3A_219 : memref<640xf32, #tpu.memory_space<vmem_shared>>) target(%arg14 : memref<640xf32, #tpu.memory_space<vmem>>) target_semaphore(%run_scoped3A_216 : memref<!tpu.dma_semaphore, #tpu.memory_space<semaphore_mem>>)
      %dma_wait3A = tpu.memref_slice %arg16[%run_scoped3A_126, %mul3A_125] : memref<16x10240xf32, #tpu.memory_space<vmem_shared>> -> memref<1x640xf32, #tpu.memory_space<vmem_shared>>
      %dma_wait3A_220 = tpu.memref_squeeze %dma_wait3A : memref<1x640xf32, #tpu.memory_space<vmem_shared>> -> memref<640xf32, #tpu.memory_space<vmem_shared>>
      %dma_wait3A_221 = tpu.memref_slice %arg16[%run_scoped3A_126, %mul3A_125] : memref<16x10240xf32, #tpu.memory_space<vmem_shared>> -> memref<1x640xf32, #tpu.memory_space<vmem_shared>>
      %dma_wait3A_222 = tpu.memref_squeeze %dma_wait3A_221 : memref<1x640xf32, #tpu.memory_space<vmem_shared>> -> memref<640xf32, #tpu.memory_space<vmem_shared>>
      tpu.wait_dma2 semaphore(%run_scoped3A_216 : memref<!tpu.dma_semaphore, #tpu.memory_space<semaphore_mem>>) src(%dma_wait3A_222 : memref<640xf32, #tpu.memory_space<vmem_shared>>) dst(%arg14 : memref<640xf32, #tpu.memory_space<vmem>>)
      tpu.yield
    }) : () -> ()
    %scan3A_127 = arith.constant 0 : i32
    %scan3A_128 = arith.constant 0 : i32
    %scan3A_129 = arith.constant 40 : i32
    %scan3A_130 = arith.addi %scan3A_128, %scan3A_129 : i32
    %scan3A_131 = arith.constant 1 : i32
    %scan3A_132 = scf.for %scan3A_216 = %scan3A_128 to %scan3A_130 step %scan3A_131 iter_args(%scan3A_217 = %scan3A_127) -> (i32)  : i32 {
      %mul3A_218 = arith.constant 16 : i32
      %mul3A_219 = arith.muli %scan3A_216, %mul3A_218 : i32
      %get3A = arith.index_cast %mul3A_219 : i32 to index
      %get3A_220 = tpu.vector_load %arg13[%get3A] {strides = array<i32>} : memref<640xf32, #tpu.memory_space<vmem>>, vector<16xf32>,
      %mul3A_221 = arith.constant 16 : i32
      %mul3A_222 = arith.muli %scan3A_216, %mul3A_221 : i32
      %get3A_223 = arith.index_cast %mul3A_222 : i32 to index
      %get3A_224 = tpu.vector_load %arg14[%get3A_223] {strides = array<i32>} : memref<640xf32, #tpu.memory_space<vmem>>, vector<16xf32>,
      %add3A_225 = arith.addf %get3A_220, %get3A_224 : vector<16xf32>
      %mul3A_226 = arith.constant 16 : i32
      %mul3A_227 = arith.muli %scan3A_216, %mul3A_226 : i32
      %swap3A = arith.index_cast %mul3A_227 : i32 to index
      %swap3A_228 = tpu.vector_load %arg13[%swap3A] {strides = array<i32>} : memref<640xf32, #tpu.memory_space<vmem>>, vector<16xf32>,
      tpu.vector_store %arg13[%swap3A], %add3A_225 {strides = array<i32>} : memref<640xf32, #tpu.memory_space<vmem>>, vector<16xf32>,
      %scan3A_229 = arith.constant 0 : i32
      scf.yield %scan3A_229 : i32
    }
    %scan3A_133 = arith.constant 40 : i32
    %mul3A_134 = arith.constant 640 : i32
    %mul3A_135 = arith.muli %arg1, %mul3A_134 : i32
    %run_scoped3A_136 = arith.constant 8 : i32
    "tpu.region"() ({
      %run_scoped3A_216 = tpu.sem_alloc : memref<!tpu.dma_semaphore, #tpu.memory_space<semaphore_mem>>
      %dma_start3A = tpu.memref_slice %arg16[%run_scoped3A_136, %mul3A_135] : memref<16x10240xf32, #tpu.memory_space<vmem_shared>> -> memref<1x640xf32, #tpu.memory_space<vmem_shared>>
      %dma_start3A_217 = tpu.memref_squeeze %dma_start3A : memref<1x640xf32, #tpu.memory_space<vmem_shared>> -> memref<640xf32, #tpu.memory_space<vmem_shared>>
      %dma_start3A_218 = tpu.memref_slice %arg16[%run_scoped3A_136, %mul3A_135] : memref<16x10240xf32, #tpu.memory_space<vmem_shared>> -> memref<1x640xf32, #tpu.memory_space<vmem_shared>>
      %dma_start3A_219 = tpu.memref_squeeze %dma_start3A_218 : memref<1x640xf32, #tpu.memory_space<vmem_shared>> -> memref<640xf32, #tpu.memory_space<vmem_shared>>
      tpu.enqueue_dma source(%dma_start3A_219 : memref<640xf32, #tpu.memory_space<vmem_shared>>) target(%arg14 : memref<640xf32, #tpu.memory_space<vmem>>) target_semaphore(%run_scoped3A_216 : memref<!tpu.dma_semaphore, #tpu.memory_space<semaphore_mem>>)
      %dma_wait3A = tpu.memref_slice %arg16[%run_scoped3A_136, %mul3A_135] : memref<16x10240xf32, #tpu.memory_space<vmem_shared>> -> memref<1x640xf32, #tpu.memory_space<vmem_shared>>
      %dma_wait3A_220 = tpu.memref_squeeze %dma_wait3A : memref<1x640xf32, #tpu.memory_space<vmem_shared>> -> memref<640xf32, #tpu.memory_space<vmem_shared>>
      %dma_wait3A_221 = tpu.memref_slice %arg16[%run_scoped3A_136, %mul3A_135] : memref<16x10240xf32, #tpu.memory_space<vmem_shared>> -> memref<1x640xf32, #tpu.memory_space<vmem_shared>>
      %dma_wait3A_222 = tpu.memref_squeeze %dma_wait3A_221 : memref<1x640xf32, #tpu.memory_space<vmem_shared>> -> memref<640xf32, #tpu.memory_space<vmem_shared>>
      tpu.wait_dma2 semaphore(%run_scoped3A_216 : memref<!tpu.dma_semaphore, #tpu.memory_space<semaphore_mem>>) src(%dma_wait3A_222 : memref<640xf32, #tpu.memory_space<vmem_shared>>) dst(%arg14 : memref<640xf32, #tpu.memory_space<vmem>>)
      tpu.yield
    }) : () -> ()
    %scan3A_137 = arith.constant 0 : i32
    %scan3A_138 = arith.constant 0 : i32
    %scan3A_139 = arith.constant 40 : i32
    %scan3A_140 = arith.addi %scan3A_138, %scan3A_139 : i32
    %scan3A_141 = arith.constant 1 : i32
    %scan3A_142 = scf.for %scan3A_216 = %scan3A_138 to %scan3A_140 step %scan3A_141 iter_args(%scan3A_217 = %scan3A_137) -> (i32)  : i32 {
      %mul3A_218 = arith.constant 16 : i32
      %mul3A_219 = arith.muli %scan3A_216, %mul3A_218 : i32
      %get3A = arith.index_cast %mul3A_219 : i32 to index
      %get3A_220 = tpu.vector_load %arg13[%get3A] {strides = array<i32>} : memref<640xf32, #tpu.memory_space<vmem>>, vector<16xf32>,
      %mul3A_221 = arith.constant 16 : i32
      %mul3A_222 = arith.muli %scan3A_216, %mul3A_221 : i32
      %get3A_223 = arith.index_cast %mul3A_222 : i32 to index
      %get3A_224 = tpu.vector_load %arg14[%get3A_223] {strides = array<i32>} : memref<640xf32, #tpu.memory_space<vmem>>, vector<16xf32>,
      %add3A_225 = arith.addf %get3A_220, %get3A_224 : vector<16xf32>
      %mul3A_226 = arith.constant 16 : i32
      %mul3A_227 = arith.muli %scan3A_216, %mul3A_226 : i32
      %swap3A = arith.index_cast %mul3A_227 : i32 to index
      %swap3A_228 = tpu.vector_load %arg13[%swap3A] {strides = array<i32>} : memref<640xf32, #tpu.memory_space<vmem>>, vector<16xf32>,
      tpu.vector_store %arg13[%swap3A], %add3A_225 {strides = array<i32>} : memref<640xf32, #tpu.memory_space<vmem>>, vector<16xf32>,
      %scan3A_229 = arith.constant 0 : i32
      scf.yield %scan3A_229 : i32
    }
    %scan3A_143 = arith.constant 40 : i32
    %mul3A_144 = arith.constant 640 : i32
    %mul3A_145 = arith.muli %arg1, %mul3A_144 : i32
    %run_scoped3A_146 = arith.constant 9 : i32
    "tpu.region"() ({
      %run_scoped3A_216 = tpu.sem_alloc : memref<!tpu.dma_semaphore, #tpu.memory_space<semaphore_mem>>
      %dma_start3A = tpu.memref_slice %arg16[%run_scoped3A_146, %mul3A_145] : memref<16x10240xf32, #tpu.memory_space<vmem_shared>> -> memref<1x640xf32, #tpu.memory_space<vmem_shared>>
      %dma_start3A_217 = tpu.memref_squeeze %dma_start3A : memref<1x640xf32, #tpu.memory_space<vmem_shared>> -> memref<640xf32, #tpu.memory_space<vmem_shared>>
      %dma_start3A_218 = tpu.memref_slice %arg16[%run_scoped3A_146, %mul3A_145] : memref<16x10240xf32, #tpu.memory_space<vmem_shared>> -> memref<1x640xf32, #tpu.memory_space<vmem_shared>>
      %dma_start3A_219 = tpu.memref_squeeze %dma_start3A_218 : memref<1x640xf32, #tpu.memory_space<vmem_shared>> -> memref<640xf32, #tpu.memory_space<vmem_shared>>
      tpu.enqueue_dma source(%dma_start3A_219 : memref<640xf32, #tpu.memory_space<vmem_shared>>) target(%arg14 : memref<640xf32, #tpu.memory_space<vmem>>) target_semaphore(%run_scoped3A_216 : memref<!tpu.dma_semaphore, #tpu.memory_space<semaphore_mem>>)
      %dma_wait3A = tpu.memref_slice %arg16[%run_scoped3A_146, %mul3A_145] : memref<16x10240xf32, #tpu.memory_space<vmem_shared>> -> memref<1x640xf32, #tpu.memory_space<vmem_shared>>
      %dma_wait3A_220 = tpu.memref_squeeze %dma_wait3A : memref<1x640xf32, #tpu.memory_space<vmem_shared>> -> memref<640xf32, #tpu.memory_space<vmem_shared>>
      %dma_wait3A_221 = tpu.memref_slice %arg16[%run_scoped3A_146, %mul3A_145] : memref<16x10240xf32, #tpu.memory_space<vmem_shared>> -> memref<1x640xf32, #tpu.memory_space<vmem_shared>>
      %dma_wait3A_222 = tpu.memref_squeeze %dma_wait3A_221 : memref<1x640xf32, #tpu.memory_space<vmem_shared>> -> memref<640xf32, #tpu.memory_space<vmem_shared>>
      tpu.wait_dma2 semaphore(%run_scoped3A_216 : memref<!tpu.dma_semaphore, #tpu.memory_space<semaphore_mem>>) src(%dma_wait3A_222 : memref<640xf32, #tpu.memory_space<vmem_shared>>) dst(%arg14 : memref<640xf32, #tpu.memory_space<vmem>>)
      tpu.yield
    }) : () -> ()
    %scan3A_147 = arith.constant 0 : i32
    %scan3A_148 = arith.constant 0 : i32
    %scan3A_149 = arith.constant 40 : i32
    %scan3A_150 = arith.addi %scan3A_148, %scan3A_149 : i32
    %scan3A_151 = arith.constant 1 : i32
    %scan3A_152 = scf.for %scan3A_216 = %scan3A_148 to %scan3A_150 step %scan3A_151 iter_args(%scan3A_217 = %scan3A_147) -> (i32)  : i32 {
      %mul3A_218 = arith.constant 16 : i32
      %mul3A_219 = arith.muli %scan3A_216, %mul3A_218 : i32
      %get3A = arith.index_cast %mul3A_219 : i32 to index
      %get3A_220 = tpu.vector_load %arg13[%get3A] {strides = array<i32>} : memref<640xf32, #tpu.memory_space<vmem>>, vector<16xf32>,
      %mul3A_221 = arith.constant 16 : i32
      %mul3A_222 = arith.muli %scan3A_216, %mul3A_221 : i32
      %get3A_223 = arith.index_cast %mul3A_222 : i32 to index
      %get3A_224 = tpu.vector_load %arg14[%get3A_223] {strides = array<i32>} : memref<640xf32, #tpu.memory_space<vmem>>, vector<16xf32>,
      %add3A_225 = arith.addf %get3A_220, %get3A_224 : vector<16xf32>
      %mul3A_226 = arith.constant 16 : i32
      %mul3A_227 = arith.muli %scan3A_216, %mul3A_226 : i32
      %swap3A = arith.index_cast %mul3A_227 : i32 to index
      %swap3A_228 = tpu.vector_load %arg13[%swap3A] {strides = array<i32>} : memref<640xf32, #tpu.memory_space<vmem>>, vector<16xf32>,
      tpu.vector_store %arg13[%swap3A], %add3A_225 {strides = array<i32>} : memref<640xf32, #tpu.memory_space<vmem>>, vector<16xf32>,
      %scan3A_229 = arith.constant 0 : i32
      scf.yield %scan3A_229 : i32
    }
    %scan3A_153 = arith.constant 40 : i32
    %mul3A_154 = arith.constant 640 : i32
    %mul3A_155 = arith.muli %arg1, %mul3A_154 : i32
    %run_scoped3A_156 = arith.constant 10 : i32
    "tpu.region"() ({
      %run_scoped3A_216 = tpu.sem_alloc : memref<!tpu.dma_semaphore, #tpu.memory_space<semaphore_mem>>
      %dma_start3A = tpu.memref_slice %arg16[%run_scoped3A_156, %mul3A_155] : memref<16x10240xf32, #tpu.memory_space<vmem_shared>> -> memref<1x640xf32, #tpu.memory_space<vmem_shared>>
      %dma_start3A_217 = tpu.memref_squeeze %dma_start3A : memref<1x640xf32, #tpu.memory_space<vmem_shared>> -> memref<640xf32, #tpu.memory_space<vmem_shared>>
      %dma_start3A_218 = tpu.memref_slice %arg16[%run_scoped3A_156, %mul3A_155] : memref<16x10240xf32, #tpu.memory_space<vmem_shared>> -> memref<1x640xf32, #tpu.memory_space<vmem_shared>>
      %dma_start3A_219 = tpu.memref_squeeze %dma_start3A_218 : memref<1x640xf32, #tpu.memory_space<vmem_shared>> -> memref<640xf32, #tpu.memory_space<vmem_shared>>
      tpu.enqueue_dma source(%dma_start3A_219 : memref<640xf32, #tpu.memory_space<vmem_shared>>) target(%arg14 : memref<640xf32, #tpu.memory_space<vmem>>) target_semaphore(%run_scoped3A_216 : memref<!tpu.dma_semaphore, #tpu.memory_space<semaphore_mem>>)
      %dma_wait3A = tpu.memref_slice %arg16[%run_scoped3A_156, %mul3A_155] : memref<16x10240xf32, #tpu.memory_space<vmem_shared>> -> memref<1x640xf32, #tpu.memory_space<vmem_shared>>
      %dma_wait3A_220 = tpu.memref_squeeze %dma_wait3A : memref<1x640xf32, #tpu.memory_space<vmem_shared>> -> memref<640xf32, #tpu.memory_space<vmem_shared>>
      %dma_wait3A_221 = tpu.memref_slice %arg16[%run_scoped3A_156, %mul3A_155] : memref<16x10240xf32, #tpu.memory_space<vmem_shared>> -> memref<1x640xf32, #tpu.memory_space<vmem_shared>>
      %dma_wait3A_222 = tpu.memref_squeeze %dma_wait3A_221 : memref<1x640xf32, #tpu.memory_space<vmem_shared>> -> memref<640xf32, #tpu.memory_space<vmem_shared>>
      tpu.wait_dma2 semaphore(%run_scoped3A_216 : memref<!tpu.dma_semaphore, #tpu.memory_space<semaphore_mem>>) src(%dma_wait3A_222 : memref<640xf32, #tpu.memory_space<vmem_shared>>) dst(%arg14 : memref<640xf32, #tpu.memory_space<vmem>>)
      tpu.yield
    }) : () -> ()
    %scan3A_157 = arith.constant 0 : i32
    %scan3A_158 = arith.constant 0 : i32
    %scan3A_159 = arith.constant 40 : i32
    %scan3A_160 = arith.addi %scan3A_158, %scan3A_159 : i32
    %scan3A_161 = arith.constant 1 : i32
    %scan3A_162 = scf.for %scan3A_216 = %scan3A_158 to %scan3A_160 step %scan3A_161 iter_args(%scan3A_217 = %scan3A_157) -> (i32)  : i32 {
      %mul3A_218 = arith.constant 16 : i32
      %mul3A_219 = arith.muli %scan3A_216, %mul3A_218 : i32
      %get3A = arith.index_cast %mul3A_219 : i32 to index
      %get3A_220 = tpu.vector_load %arg13[%get3A] {strides = array<i32>} : memref<640xf32, #tpu.memory_space<vmem>>, vector<16xf32>,
      %mul3A_221 = arith.constant 16 : i32
      %mul3A_222 = arith.muli %scan3A_216, %mul3A_221 : i32
      %get3A_223 = arith.index_cast %mul3A_222 : i32 to index
      %get3A_224 = tpu.vector_load %arg14[%get3A_223] {strides = array<i32>} : memref<640xf32, #tpu.memory_space<vmem>>, vector<16xf32>,
      %add3A_225 = arith.addf %get3A_220, %get3A_224 : vector<16xf32>
      %mul3A_226 = arith.constant 16 : i32
      %mul3A_227 = arith.muli %scan3A_216, %mul3A_226 : i32
      %swap3A = arith.index_cast %mul3A_227 : i32 to index
      %swap3A_228 = tpu.vector_load %arg13[%swap3A] {strides = array<i32>} : memref<640xf32, #tpu.memory_space<vmem>>, vector<16xf32>,
      tpu.vector_store %arg13[%swap3A], %add3A_225 {strides = array<i32>} : memref<640xf32, #tpu.memory_space<vmem>>, vector<16xf32>,
      %scan3A_229 = arith.constant 0 : i32
      scf.yield %scan3A_229 : i32
    }
    %scan3A_163 = arith.constant 40 : i32
    %mul3A_164 = arith.constant 640 : i32
    %mul3A_165 = arith.muli %arg1, %mul3A_164 : i32
    %run_scoped3A_166 = arith.constant 11 : i32
    "tpu.region"() ({
      %run_scoped3A_216 = tpu.sem_alloc : memref<!tpu.dma_semaphore, #tpu.memory_space<semaphore_mem>>
      %dma_start3A = tpu.memref_slice %arg16[%run_scoped3A_166, %mul3A_165] : memref<16x10240xf32, #tpu.memory_space<vmem_shared>> -> memref<1x640xf32, #tpu.memory_space<vmem_shared>>
      %dma_start3A_217 = tpu.memref_squeeze %dma_start3A : memref<1x640xf32, #tpu.memory_space<vmem_shared>> -> memref<640xf32, #tpu.memory_space<vmem_shared>>
      %dma_start3A_218 = tpu.memref_slice %arg16[%run_scoped3A_166, %mul3A_165] : memref<16x10240xf32, #tpu.memory_space<vmem_shared>> -> memref<1x640xf32, #tpu.memory_space<vmem_shared>>
      %dma_start3A_219 = tpu.memref_squeeze %dma_start3A_218 : memref<1x640xf32, #tpu.memory_space<vmem_shared>> -> memref<640xf32, #tpu.memory_space<vmem_shared>>
      tpu.enqueue_dma source(%dma_start3A_219 : memref<640xf32, #tpu.memory_space<vmem_shared>>) target(%arg14 : memref<640xf32, #tpu.memory_space<vmem>>) target_semaphore(%run_scoped3A_216 : memref<!tpu.dma_semaphore, #tpu.memory_space<semaphore_mem>>)
      %dma_wait3A = tpu.memref_slice %arg16[%run_scoped3A_166, %mul3A_165] : memref<16x10240xf32, #tpu.memory_space<vmem_shared>> -> memref<1x640xf32, #tpu.memory_space<vmem_shared>>
      %dma_wait3A_220 = tpu.memref_squeeze %dma_wait3A : memref<1x640xf32, #tpu.memory_space<vmem_shared>> -> memref<640xf32, #tpu.memory_space<vmem_shared>>
      %dma_wait3A_221 = tpu.memref_slice %arg16[%run_scoped3A_166, %mul3A_165] : memref<16x10240xf32, #tpu.memory_space<vmem_shared>> -> memref<1x640xf32, #tpu.memory_space<vmem_shared>>
      %dma_wait3A_222 = tpu.memref_squeeze %dma_wait3A_221 : memref<1x640xf32, #tpu.memory_space<vmem_shared>> -> memref<640xf32, #tpu.memory_space<vmem_shared>>
      tpu.wait_dma2 semaphore(%run_scoped3A_216 : memref<!tpu.dma_semaphore, #tpu.memory_space<semaphore_mem>>) src(%dma_wait3A_222 : memref<640xf32, #tpu.memory_space<vmem_shared>>) dst(%arg14 : memref<640xf32, #tpu.memory_space<vmem>>)
      tpu.yield
    }) : () -> ()
    %scan3A_167 = arith.constant 0 : i32
    %scan3A_168 = arith.constant 0 : i32
    %scan3A_169 = arith.constant 40 : i32
    %scan3A_170 = arith.addi %scan3A_168, %scan3A_169 : i32
    %scan3A_171 = arith.constant 1 : i32
    %scan3A_172 = scf.for %scan3A_216 = %scan3A_168 to %scan3A_170 step %scan3A_171 iter_args(%scan3A_217 = %scan3A_167) -> (i32)  : i32 {
      %mul3A_218 = arith.constant 16 : i32
      %mul3A_219 = arith.muli %scan3A_216, %mul3A_218 : i32
      %get3A = arith.index_cast %mul3A_219 : i32 to index
      %get3A_220 = tpu.vector_load %arg13[%get3A] {strides = array<i32>} : memref<640xf32, #tpu.memory_space<vmem>>, vector<16xf32>,
      %mul3A_221 = arith.constant 16 : i32
      %mul3A_222 = arith.muli %scan3A_216, %mul3A_221 : i32
      %get3A_223 = arith.index_cast %mul3A_222 : i32 to index
      %get3A_224 = tpu.vector_load %arg14[%get3A_223] {strides = array<i32>} : memref<640xf32, #tpu.memory_space<vmem>>, vector<16xf32>,
      %add3A_225 = arith.addf %get3A_220, %get3A_224 : vector<16xf32>
      %mul3A_226 = arith.constant 16 : i32
      %mul3A_227 = arith.muli %scan3A_216, %mul3A_226 : i32
      %swap3A = arith.index_cast %mul3A_227 : i32 to index
      %swap3A_228 = tpu.vector_load %arg13[%swap3A] {strides = array<i32>} : memref<640xf32, #tpu.memory_space<vmem>>, vector<16xf32>,
      tpu.vector_store %arg13[%swap3A], %add3A_225 {strides = array<i32>} : memref<640xf32, #tpu.memory_space<vmem>>, vector<16xf32>,
      %scan3A_229 = arith.constant 0 : i32
      scf.yield %scan3A_229 : i32
    }
    %scan3A_173 = arith.constant 40 : i32
    %mul3A_174 = arith.constant 640 : i32
    %mul3A_175 = arith.muli %arg1, %mul3A_174 : i32
    %run_scoped3A_176 = arith.constant 12 : i32
    "tpu.region"() ({
      %run_scoped3A_216 = tpu.sem_alloc : memref<!tpu.dma_semaphore, #tpu.memory_space<semaphore_mem>>
      %dma_start3A = tpu.memref_slice %arg16[%run_scoped3A_176, %mul3A_175] : memref<16x10240xf32, #tpu.memory_space<vmem_shared>> -> memref<1x640xf32, #tpu.memory_space<vmem_shared>>
      %dma_start3A_217 = tpu.memref_squeeze %dma_start3A : memref<1x640xf32, #tpu.memory_space<vmem_shared>> -> memref<640xf32, #tpu.memory_space<vmem_shared>>
      %dma_start3A_218 = tpu.memref_slice %arg16[%run_scoped3A_176, %mul3A_175] : memref<16x10240xf32, #tpu.memory_space<vmem_shared>> -> memref<1x640xf32, #tpu.memory_space<vmem_shared>>
      %dma_start3A_219 = tpu.memref_squeeze %dma_start3A_218 : memref<1x640xf32, #tpu.memory_space<vmem_shared>> -> memref<640xf32, #tpu.memory_space<vmem_shared>>
      tpu.enqueue_dma source(%dma_start3A_219 : memref<640xf32, #tpu.memory_space<vmem_shared>>) target(%arg14 : memref<640xf32, #tpu.memory_space<vmem>>) target_semaphore(%run_scoped3A_216 : memref<!tpu.dma_semaphore, #tpu.memory_space<semaphore_mem>>)
      %dma_wait3A = tpu.memref_slice %arg16[%run_scoped3A_176, %mul3A_175] : memref<16x10240xf32, #tpu.memory_space<vmem_shared>> -> memref<1x640xf32, #tpu.memory_space<vmem_shared>>
      %dma_wait3A_220 = tpu.memref_squeeze %dma_wait3A : memref<1x640xf32, #tpu.memory_space<vmem_shared>> -> memref<640xf32, #tpu.memory_space<vmem_shared>>
      %dma_wait3A_221 = tpu.memref_slice %arg16[%run_scoped3A_176, %mul3A_175] : memref<16x10240xf32, #tpu.memory_space<vmem_shared>> -> memref<1x640xf32, #tpu.memory_space<vmem_shared>>
      %dma_wait3A_222 = tpu.memref_squeeze %dma_wait3A_221 : memref<1x640xf32, #tpu.memory_space<vmem_shared>> -> memref<640xf32, #tpu.memory_space<vmem_shared>>
      tpu.wait_dma2 semaphore(%run_scoped3A_216 : memref<!tpu.dma_semaphore, #tpu.memory_space<semaphore_mem>>) src(%dma_wait3A_222 : memref<640xf32, #tpu.memory_space<vmem_shared>>) dst(%arg14 : memref<640xf32, #tpu.memory_space<vmem>>)
      tpu.yield
    }) : () -> ()
    %scan3A_177 = arith.constant 0 : i32
    %scan3A_178 = arith.constant 0 : i32
    %scan3A_179 = arith.constant 40 : i32
    %scan3A_180 = arith.addi %scan3A_178, %scan3A_179 : i32
    %scan3A_181 = arith.constant 1 : i32
    %scan3A_182 = scf.for %scan3A_216 = %scan3A_178 to %scan3A_180 step %scan3A_181 iter_args(%scan3A_217 = %scan3A_177) -> (i32)  : i32 {
      %mul3A_218 = arith.constant 16 : i32
      %mul3A_219 = arith.muli %scan3A_216, %mul3A_218 : i32
      %get3A = arith.index_cast %mul3A_219 : i32 to index
      %get3A_220 = tpu.vector_load %arg13[%get3A] {strides = array<i32>} : memref<640xf32, #tpu.memory_space<vmem>>, vector<16xf32>,
      %mul3A_221 = arith.constant 16 : i32
      %mul3A_222 = arith.muli %scan3A_216, %mul3A_221 : i32
      %get3A_223 = arith.index_cast %mul3A_222 : i32 to index
      %get3A_224 = tpu.vector_load %arg14[%get3A_223] {strides = array<i32>} : memref<640xf32, #tpu.memory_space<vmem>>, vector<16xf32>,
      %add3A_225 = arith.addf %get3A_220, %get3A_224 : vector<16xf32>
      %mul3A_226 = arith.constant 16 : i32
      %mul3A_227 = arith.muli %scan3A_216, %mul3A_226 : i32
      %swap3A = arith.index_cast %mul3A_227 : i32 to index
      %swap3A_228 = tpu.vector_load %arg13[%swap3A] {strides = array<i32>} : memref<640xf32, #tpu.memory_space<vmem>>, vector<16xf32>,
      tpu.vector_store %arg13[%swap3A], %add3A_225 {strides = array<i32>} : memref<640xf32, #tpu.memory_space<vmem>>, vector<16xf32>,
      %scan3A_229 = arith.constant 0 : i32
      scf.yield %scan3A_229 : i32
    }
    %scan3A_183 = arith.constant 40 : i32
    %mul3A_184 = arith.constant 640 : i32
    %mul3A_185 = arith.muli %arg1, %mul3A_184 : i32
    %run_scoped3A_186 = arith.constant 13 : i32
    "tpu.region"() ({
      %run_scoped3A_216 = tpu.sem_alloc : memref<!tpu.dma_semaphore, #tpu.memory_space<semaphore_mem>>
      %dma_start3A = tpu.memref_slice %arg16[%run_scoped3A_186, %mul3A_185] : memref<16x10240xf32, #tpu.memory_space<vmem_shared>> -> memref<1x640xf32, #tpu.memory_space<vmem_shared>>
      %dma_start3A_217 = tpu.memref_squeeze %dma_start3A : memref<1x640xf32, #tpu.memory_space<vmem_shared>> -> memref<640xf32, #tpu.memory_space<vmem_shared>>
      %dma_start3A_218 = tpu.memref_slice %arg16[%run_scoped3A_186, %mul3A_185] : memref<16x10240xf32, #tpu.memory_space<vmem_shared>> -> memref<1x640xf32, #tpu.memory_space<vmem_shared>>
      %dma_start3A_219 = tpu.memref_squeeze %dma_start3A_218 : memref<1x640xf32, #tpu.memory_space<vmem_shared>> -> memref<640xf32, #tpu.memory_space<vmem_shared>>
      tpu.enqueue_dma source(%dma_start3A_219 : memref<640xf32, #tpu.memory_space<vmem_shared>>) target(%arg14 : memref<640xf32, #tpu.memory_space<vmem>>) target_semaphore(%run_scoped3A_216 : memref<!tpu.dma_semaphore, #tpu.memory_space<semaphore_mem>>)
      %dma_wait3A = tpu.memref_slice %arg16[%run_scoped3A_186, %mul3A_185] : memref<16x10240xf32, #tpu.memory_space<vmem_shared>> -> memref<1x640xf32, #tpu.memory_space<vmem_shared>>
      %dma_wait3A_220 = tpu.memref_squeeze %dma_wait3A : memref<1x640xf32, #tpu.memory_space<vmem_shared>> -> memref<640xf32, #tpu.memory_space<vmem_shared>>
      %dma_wait3A_221 = tpu.memref_slice %arg16[%run_scoped3A_186, %mul3A_185] : memref<16x10240xf32, #tpu.memory_space<vmem_shared>> -> memref<1x640xf32, #tpu.memory_space<vmem_shared>>
      %dma_wait3A_222 = tpu.memref_squeeze %dma_wait3A_221 : memref<1x640xf32, #tpu.memory_space<vmem_shared>> -> memref<640xf32, #tpu.memory_space<vmem_shared>>
      tpu.wait_dma2 semaphore(%run_scoped3A_216 : memref<!tpu.dma_semaphore, #tpu.memory_space<semaphore_mem>>) src(%dma_wait3A_222 : memref<640xf32, #tpu.memory_space<vmem_shared>>) dst(%arg14 : memref<640xf32, #tpu.memory_space<vmem>>)
      tpu.yield
    }) : () -> ()
    %scan3A_187 = arith.constant 0 : i32
    %scan3A_188 = arith.constant 0 : i32
    %scan3A_189 = arith.constant 40 : i32
    %scan3A_190 = arith.addi %scan3A_188, %scan3A_189 : i32
    %scan3A_191 = arith.constant 1 : i32
    %scan3A_192 = scf.for %scan3A_216 = %scan3A_188 to %scan3A_190 step %scan3A_191 iter_args(%scan3A_217 = %scan3A_187) -> (i32)  : i32 {
      %mul3A_218 = arith.constant 16 : i32
      %mul3A_219 = arith.muli %scan3A_216, %mul3A_218 : i32
      %get3A = arith.index_cast %mul3A_219 : i32 to index
      %get3A_220 = tpu.vector_load %arg13[%get3A] {strides = array<i32>} : memref<640xf32, #tpu.memory_space<vmem>>, vector<16xf32>,
      %mul3A_221 = arith.constant 16 : i32
      %mul3A_222 = arith.muli %scan3A_216, %mul3A_221 : i32
      %get3A_223 = arith.index_cast %mul3A_222 : i32 to index
      %get3A_224 = tpu.vector_load %arg14[%get3A_223] {strides = array<i32>} : memref<640xf32, #tpu.memory_space<vmem>>, vector<16xf32>,
      %add3A_225 = arith.addf %get3A_220, %get3A_224 : vector<16xf32>
      %mul3A_226 = arith.constant 16 : i32
      %mul3A_227 = arith.muli %scan3A_216, %mul3A_226 : i32
      %swap3A = arith.index_cast %mul3A_227 : i32 to index
      %swap3A_228 = tpu.vector_load %arg13[%swap3A] {strides = array<i32>} : memref<640xf32, #tpu.memory_space<vmem>>, vector<16xf32>,
      tpu.vector_store %arg13[%swap3A], %add3A_225 {strides = array<i32>} : memref<640xf32, #tpu.memory_space<vmem>>, vector<16xf32>,
      %scan3A_229 = arith.constant 0 : i32
      scf.yield %scan3A_229 : i32
    }
    %scan3A_193 = arith.constant 40 : i32
    %mul3A_194 = arith.constant 640 : i32
    %mul3A_195 = arith.muli %arg1, %mul3A_194 : i32
    %run_scoped3A_196 = arith.constant 14 : i32
    "tpu.region"() ({
      %run_scoped3A_216 = tpu.sem_alloc : memref<!tpu.dma_semaphore, #tpu.memory_space<semaphore_mem>>
      %dma_start3A = tpu.memref_slice %arg16[%run_scoped3A_196, %mul3A_195] : memref<16x10240xf32, #tpu.memory_space<vmem_shared>> -> memref<1x640xf32, #tpu.memory_space<vmem_shared>>
      %dma_start3A_217 = tpu.memref_squeeze %dma_start3A : memref<1x640xf32, #tpu.memory_space<vmem_shared>> -> memref<640xf32, #tpu.memory_space<vmem_shared>>
      %dma_start3A_218 = tpu.memref_slice %arg16[%run_scoped3A_196, %mul3A_195] : memref<16x10240xf32, #tpu.memory_space<vmem_shared>> -> memref<1x640xf32, #tpu.memory_space<vmem_shared>>
      %dma_start3A_219 = tpu.memref_squeeze %dma_start3A_218 : memref<1x640xf32, #tpu.memory_space<vmem_shared>> -> memref<640xf32, #tpu.memory_space<vmem_shared>>
      tpu.enqueue_dma source(%dma_start3A_219 : memref<640xf32, #tpu.memory_space<vmem_shared>>) target(%arg14 : memref<640xf32, #tpu.memory_space<vmem>>) target_semaphore(%run_scoped3A_216 : memref<!tpu.dma_semaphore, #tpu.memory_space<semaphore_mem>>)
      %dma_wait3A = tpu.memref_slice %arg16[%run_scoped3A_196, %mul3A_195] : memref<16x10240xf32, #tpu.memory_space<vmem_shared>> -> memref<1x640xf32, #tpu.memory_space<vmem_shared>>
      %dma_wait3A_220 = tpu.memref_squeeze %dma_wait3A : memref<1x640xf32, #tpu.memory_space<vmem_shared>> -> memref<640xf32, #tpu.memory_space<vmem_shared>>
      %dma_wait3A_221 = tpu.memref_slice %arg16[%run_scoped3A_196, %mul3A_195] : memref<16x10240xf32, #tpu.memory_space<vmem_shared>> -> memref<1x640xf32, #tpu.memory_space<vmem_shared>>
      %dma_wait3A_222 = tpu.memref_squeeze %dma_wait3A_221 : memref<1x640xf32, #tpu.memory_space<vmem_shared>> -> memref<640xf32, #tpu.memory_space<vmem_shared>>
      tpu.wait_dma2 semaphore(%run_scoped3A_216 : memref<!tpu.dma_semaphore, #tpu.memory_space<semaphore_mem>>) src(%dma_wait3A_222 : memref<640xf32, #tpu.memory_space<vmem_shared>>) dst(%arg14 : memref<640xf32, #tpu.memory_space<vmem>>)
      tpu.yield
    }) : () -> ()
    %scan3A_197 = arith.constant 0 : i32
    %scan3A_198 = arith.constant 0 : i32
    %scan3A_199 = arith.constant 40 : i32
    %scan3A_200 = arith.addi %scan3A_198, %scan3A_199 : i32
    %scan3A_201 = arith.constant 1 : i32
    %scan3A_202 = scf.for %scan3A_216 = %scan3A_198 to %scan3A_200 step %scan3A_201 iter_args(%scan3A_217 = %scan3A_197) -> (i32)  : i32 {
      %mul3A_218 = arith.constant 16 : i32
      %mul3A_219 = arith.muli %scan3A_216, %mul3A_218 : i32
      %get3A = arith.index_cast %mul3A_219 : i32 to index
      %get3A_220 = tpu.vector_load %arg13[%get3A] {strides = array<i32>} : memref<640xf32, #tpu.memory_space<vmem>>, vector<16xf32>,
      %mul3A_221 = arith.constant 16 : i32
      %mul3A_222 = arith.muli %scan3A_216, %mul3A_221 : i32
      %get3A_223 = arith.index_cast %mul3A_222 : i32 to index
      %get3A_224 = tpu.vector_load %arg14[%get3A_223] {strides = array<i32>} : memref<640xf32, #tpu.memory_space<vmem>>, vector<16xf32>,
      %add3A_225 = arith.addf %get3A_220, %get3A_224 : vector<16xf32>
      %mul3A_226 = arith.constant 16 : i32
      %mul3A_227 = arith.muli %scan3A_216, %mul3A_226 : i32
      %swap3A = arith.index_cast %mul3A_227 : i32 to index
      %swap3A_228 = tpu.vector_load %arg13[%swap3A] {strides = array<i32>} : memref<640xf32, #tpu.memory_space<vmem>>, vector<16xf32>,
      tpu.vector_store %arg13[%swap3A], %add3A_225 {strides = array<i32>} : memref<640xf32, #tpu.memory_space<vmem>>, vector<16xf32>,
      %scan3A_229 = arith.constant 0 : i32
      scf.yield %scan3A_229 : i32
    }
    %scan3A_203 = arith.constant 40 : i32
    %mul3A_204 = arith.constant 640 : i32
    %mul3A_205 = arith.muli %arg1, %mul3A_204 : i32
    %run_scoped3A_206 = arith.constant 15 : i32
    "tpu.region"() ({
      %run_scoped3A_216 = tpu.sem_alloc : memref<!tpu.dma_semaphore, #tpu.memory_space<semaphore_mem>>
      %dma_start3A = tpu.memref_slice %arg16[%run_scoped3A_206, %mul3A_205] : memref<16x10240xf32, #tpu.memory_space<vmem_shared>> -> memref<1x640xf32, #tpu.memory_space<vmem_shared>>
      %dma_start3A_217 = tpu.memref_squeeze %dma_start3A : memref<1x640xf32, #tpu.memory_space<vmem_shared>> -> memref<640xf32, #tpu.memory_space<vmem_shared>>
      %dma_start3A_218 = tpu.memref_slice %arg16[%run_scoped3A_206, %mul3A_205] : memref<16x10240xf32, #tpu.memory_space<vmem_shared>> -> memref<1x640xf32, #tpu.memory_space<vmem_shared>>
      %dma_start3A_219 = tpu.memref_squeeze %dma_start3A_218 : memref<1x640xf32, #tpu.memory_space<vmem_shared>> -> memref<640xf32, #tpu.memory_space<vmem_shared>>
      tpu.enqueue_dma source(%dma_start3A_219 : memref<640xf32, #tpu.memory_space<vmem_shared>>) target(%arg14 : memref<640xf32, #tpu.memory_space<vmem>>) target_semaphore(%run_scoped3A_216 : memref<!tpu.dma_semaphore, #tpu.memory_space<semaphore_mem>>)
      %dma_wait3A = tpu.memref_slice %arg16[%run_scoped3A_206, %mul3A_205] : memref<16x10240xf32, #tpu.memory_space<vmem_shared>> -> memref<1x640xf32, #tpu.memory_space<vmem_shared>>
      %dma_wait3A_220 = tpu.memref_squeeze %dma_wait3A : memref<1x640xf32, #tpu.memory_space<vmem_shared>> -> memref<640xf32, #tpu.memory_space<vmem_shared>>
      %dma_wait3A_221 = tpu.memref_slice %arg16[%run_scoped3A_206, %mul3A_205] : memref<16x10240xf32, #tpu.memory_space<vmem_shared>> -> memref<1x640xf32, #tpu.memory_space<vmem_shared>>
      %dma_wait3A_222 = tpu.memref_squeeze %dma_wait3A_221 : memref<1x640xf32, #tpu.memory_space<vmem_shared>> -> memref<640xf32, #tpu.memory_space<vmem_shared>>
      tpu.wait_dma2 semaphore(%run_scoped3A_216 : memref<!tpu.dma_semaphore, #tpu.memory_space<semaphore_mem>>) src(%dma_wait3A_222 : memref<640xf32, #tpu.memory_space<vmem_shared>>) dst(%arg14 : memref<640xf32, #tpu.memory_space<vmem>>)
      tpu.yield
    }) : () -> ()
    %scan3A_207 = arith.constant 0 : i32
    %scan3A_208 = arith.constant 0 : i32
    %scan3A_209 = arith.constant 40 : i32
    %scan3A_210 = arith.addi %scan3A_208, %scan3A_209 : i32
    %scan3A_211 = arith.constant 1 : i32
    %scan3A_212 = scf.for %scan3A_216 = %scan3A_208 to %scan3A_210 step %scan3A_211 iter_args(%scan3A_217 = %scan3A_207) -> (i32)  : i32 {
      %mul3A_218 = arith.constant 16 : i32
      %mul3A_219 = arith.muli %scan3A_216, %mul3A_218 : i32
      %get3A = arith.index_cast %mul3A_219 : i32 to index
      %get3A_220 = tpu.vector_load %arg13[%get3A] {strides = array<i32>} : memref<640xf32, #tpu.memory_space<vmem>>, vector<16xf32>,
      %mul3A_221 = arith.constant 16 : i32
      %mul3A_222 = arith.muli %scan3A_216, %mul3A_221 : i32
      %get3A_223 = arith.index_cast %mul3A_222 : i32 to index
      %get3A_224 = tpu.vector_load %arg14[%get3A_223] {strides = array<i32>} : memref<640xf32, #tpu.memory_space<vmem>>, vector<16xf32>,
      %add3A_225 = arith.addf %get3A_220, %get3A_224 : vector<16xf32>
      %mul3A_226 = arith.constant 16 : i32
      %mul3A_227 = arith.muli %scan3A_216, %mul3A_226 : i32
      %swap3A = arith.index_cast %mul3A_227 : i32 to index
      %swap3A_228 = tpu.vector_load %arg13[%swap3A] {strides = array<i32>} : memref<640xf32, #tpu.memory_space<vmem>>, vector<16xf32>,
      tpu.vector_store %arg13[%swap3A], %add3A_225 {strides = array<i32>} : memref<640xf32, #tpu.memory_space<vmem>>, vector<16xf32>,
      %scan3A_229 = arith.constant 0 : i32
      scf.yield %scan3A_229 : i32
    }
    %scan3A_213 = arith.constant 40 : i32
    %mul3A_214 = arith.constant 640 : i32
    %mul3A_215 = arith.muli %arg1, %mul3A_214 : i32
    "tpu.region"() ({
      %run_scoped3A_216 = tpu.sem_alloc : memref<!tpu.dma_semaphore, #tpu.memory_space<semaphore_mem>>
      %dma_start3A = arith.constant 0 : i32
      %dma_start3A_217 = tpu.memref_slice %arg7[%arg0, %dma_start3A] : memref<2x10240xf32, #tpu.memory_space<hbm>> -> memref<1x10240xf32, #tpu.memory_space<hbm>>
      %dma_start3A_218 = tpu.memref_squeeze %dma_start3A_217 : memref<1x10240xf32, #tpu.memory_space<hbm>> -> memref<10240xf32, #tpu.memory_space<hbm>>
      %dma_start3A_219 = tpu.memref_slice %dma_start3A_218[%mul3A_215] : memref<10240xf32, #tpu.memory_space<hbm>> -> memref<640xf32, #tpu.memory_space<hbm>>
      %dma_start3A_220 = arith.constant 0 : i32
      %dma_start3A_221 = tpu.memref_slice %arg7[%arg0, %dma_start3A_220] : memref<2x10240xf32, #tpu.memory_space<hbm>> -> memref<1x10240xf32, #tpu.memory_space<hbm>>
      %dma_start3A_222 = tpu.memref_squeeze %dma_start3A_221 : memref<1x10240xf32, #tpu.memory_space<hbm>> -> memref<10240xf32, #tpu.memory_space<hbm>>
      %dma_start3A_223 = tpu.memref_slice %dma_start3A_222[%mul3A_215] : memref<10240xf32, #tpu.memory_space<hbm>> -> memref<640xf32, #tpu.memory_space<hbm>>
      tpu.enqueue_dma source(%arg13 : memref<640xf32, #tpu.memory_space<vmem>>) target(%dma_start3A_223 : memref<640xf32, #tpu.memory_space<hbm>>) target_semaphore(%run_scoped3A_216 : memref<!tpu.dma_semaphore, #tpu.memory_space<semaphore_mem>>)
      %dma_wait3A = arith.constant 0 : i32
      %dma_wait3A_224 = tpu.memref_slice %arg7[%arg0, %dma_wait3A] : memref<2x10240xf32, #tpu.memory_space<hbm>> -> memref<1x10240xf32, #tpu.memory_space<hbm>>
      %dma_wait3A_225 = tpu.memref_squeeze %dma_wait3A_224 : memref<1x10240xf32, #tpu.memory_space<hbm>> -> memref<10240xf32, #tpu.memory_space<hbm>>
      %dma_wait3A_226 = tpu.memref_slice %dma_wait3A_225[%mul3A_215] : memref<10240xf32, #tpu.memory_space<hbm>> -> memref<640xf32, #tpu.memory_space<hbm>>
      %dma_wait3A_227 = arith.constant 0 : i32
      %dma_wait3A_228 = tpu.memref_slice %arg7[%arg0, %dma_wait3A_227] : memref<2x10240xf32, #tpu.memory_space<hbm>> -> memref<1x10240xf32, #tpu.memory_space<hbm>>
      %dma_wait3A_229 = tpu.memref_squeeze %dma_wait3A_228 : memref<1x10240xf32, #tpu.memory_space<hbm>> -> memref<10240xf32, #tpu.memory_space<hbm>>
      %dma_wait3A_230 = tpu.memref_slice %dma_wait3A_229[%mul3A_215] : memref<10240xf32, #tpu.memory_space<hbm>> -> memref<640xf32, #tpu.memory_space<hbm>>
      tpu.wait_dma2 semaphore(%run_scoped3A_216 : memref<!tpu.dma_semaphore, #tpu.memory_space<semaphore_mem>>) src(%arg13 : memref<640xf32, #tpu.memory_space<vmem>>) dst(%dma_wait3A_230 : memref<640xf32, #tpu.memory_space<hbm>>)
      tpu.yield
    }) : () -> ()
    return
  }
}

module attributes {stable_mosaic.version = 14 : i64} {
  func.func @_tc_a_body(%arg0: i32, %arg1: memref<2000x128xf32, #tpu.memory_space<vmem>>, %arg2: memref<128x128xf32, #tpu.memory_space<vmem>>, %arg3: memref<2000x1xf32, #tpu.memory_space<vmem>>, %arg4: memref<2000x1xf32, #tpu.memory_space<vmem>>, %arg5: memref<2000x128xf32, #tpu.memory_space<vmem>>, %arg6: memref<2000x1xf32, #tpu.memory_space<vmem>>) attributes {dimension_semantics = [#tpu.dimension_semantics<arbitrary>], iteration_bounds = array<i64: 5>, scalar_prefetch = 0 : i64, scratch_operands = 0 : i64, tpu.core_type = #tpu.core_type<tc>, window_params = [{transform_indices = @transform_0, window_bounds = array<i64: 2000, 128>}, {pipeline_mode = #tpu.pipeline_mode<synchronous>, transform_indices = @transform_1, window_bounds = array<i64: 128, 128>}, {transform_indices = @transform_2, window_bounds = array<i64: 2000, 1>}, {transform_indices = @transform_3, window_bounds = array<i64: 2000, 1>}, {transform_indices = @transform_4, window_bounds = array<i64: 2000, 128>}, {transform_indices = @transform_5, window_bounds = array<i64: 2000, 1>}]} {
    %get3A = arith.constant 0 : index
    %get3A_0 = arith.constant 0 : index
    %get3A_1 = vector.load %arg3[%get3A, %get3A_0] : memref<2000x1xf32, #tpu.memory_space<vmem>>, vector<2000x1xf32>
    %get3A_2 = arith.constant 0 : index
    %get3A_3 = arith.constant 0 : index
    %get3A_4 = vector.load %arg4[%get3A_2, %get3A_3] : memref<2000x1xf32, #tpu.memory_space<vmem>>, vector<2000x1xf32>
    %add3A = arith.addf %get3A_1, %get3A_4 : vector<2000x1xf32>
    %add3A_5 = arith.constant 1.000000e+00 : f32
    %add3A_6 = vector.broadcast %add3A_5 : f32 to vector<2000x1xf32>
    %add3A_7 = arith.addf %add3A, %add3A_6 : vector<2000x1xf32>
    %rsqrt3A = math.rsqrt %add3A_7 : vector<2000x1xf32>
    %get3A_8 = arith.constant 0 : index
    %get3A_9 = arith.constant 0 : index
    %get3A_10 = vector.load %arg1[%get3A_8, %get3A_9] : memref<2000x128xf32, #tpu.memory_space<vmem>>, vector<2000x128xf32>
    %get3A_11 = arith.constant 0 : index
    %get3A_12 = arith.constant 0 : index
    %get3A_13 = vector.load %arg2[%get3A_11, %get3A_12] : memref<128x128xf32, #tpu.memory_space<vmem>>, vector<128x128xf32>
    %dot_general3A = arith.constant dense<0.000000e+00> : vector<2000x128xf32>
    %dot_general3A_14 = tpu.matmul %get3A_10, %get3A_13, %dot_general3A {dimension_numbers = #tpu.dot_dimension_numbers<[1], [0], [0], [1], [0, 0, 1, 1], [], []>, transpose_lhs_hint = false} : vector<2000x128xf32>, vector<128x128xf32>, vector<2000x128xf32> -> vector<2000x128xf32>
    %mul3A = vector.broadcast %rsqrt3A : vector<2000x1xf32> to vector<2000x128xf32>
    %mul3A_15 = arith.mulf %mul3A, %dot_general3A_14 : vector<2000x128xf32>
    %swap3A = arith.constant 0 : index
    %swap3A_16 = arith.constant 0 : index
    %swap3A_17 = vector.load %arg5[%swap3A, %swap3A_16] : memref<2000x128xf32, #tpu.memory_space<vmem>>, vector<2000x128xf32>
    tpu.vector_store %arg5[%swap3A, %swap3A_16], %mul3A_15 {strides = array<i32>} : memref<2000x128xf32, #tpu.memory_space<vmem>>, vector<2000x128xf32>,
    %swap3A_18 = arith.constant 0 : index
    %swap3A_19 = arith.constant 0 : index
    %swap3A_20 = vector.load %arg6[%swap3A_18, %swap3A_19] : memref<2000x1xf32, #tpu.memory_space<vmem>>, vector<2000x1xf32>
    tpu.vector_store %arg6[%swap3A_18, %swap3A_19], %rsqrt3A {strides = array<i32>} : memref<2000x1xf32, #tpu.memory_space<vmem>>, vector<2000x1xf32>,
    return
  }
  func.func @transform_0(%arg0: i32) -> (i32, i32) {
    %c0_i32 = arith.constant 0 : i32
    %c0_i32_0 = arith.constant 0 : i32
    return %arg0, %c0_i32 : i32, i32
  }
  func.func @transform_1(%arg0: i32) -> (i32, i32) {
    %c0_i32 = arith.constant 0 : i32
    %c0_i32_0 = arith.constant 0 : i32
    %c0_i32_1 = arith.constant 0 : i32
    return %c0_i32, %c0_i32_0 : i32, i32
  }
  func.func @transform_2(%arg0: i32) -> (i32, i32) {
    %c0_i32 = arith.constant 0 : i32
    %c0_i32_0 = arith.constant 0 : i32
    return %arg0, %c0_i32 : i32, i32
  }
  func.func @transform_3(%arg0: i32) -> (i32, i32) {
    %c0_i32 = arith.constant 0 : i32
    %c0_i32_0 = arith.constant 0 : i32
    return %arg0, %c0_i32 : i32, i32
  }
  func.func @transform_4(%arg0: i32) -> (i32, i32) {
    %c0_i32 = arith.constant 0 : i32
    %c0_i32_0 = arith.constant 0 : i32
    return %arg0, %c0_i32 : i32, i32
  }
  func.func @transform_5(%arg0: i32) -> (i32, i32) {
    %c0_i32 = arith.constant 0 : i32
    %c0_i32_0 = arith.constant 0 : i32
    return %arg0, %c0_i32 : i32, i32
  }
}

module attributes {stable_mosaic.version = 14 : i64} {
  func.func @_tc_b_body(%arg0: i32, %arg1: memref<2000x128xf32, #tpu.memory_space<vmem>>, %arg2: memref<2000x128xf32, #tpu.memory_space<vmem>>, %arg3: memref<2000x128xf32, #tpu.memory_space<vmem>>, %arg4: memref<2000x1xf32, #tpu.memory_space<vmem>>, %arg5: memref<2000x1xf32, #tpu.memory_space<vmem>>, %arg6: memref<2000x1xf32, #tpu.memory_space<vmem>>, %arg7: memref<1x128xf32, #tpu.memory_space<vmem>>, %arg8: memref<128x128xf32, #tpu.memory_space<vmem>>, %arg9: memref<1x128xf32, #tpu.memory_space<vmem>>, %arg10: memref<128x128xf32, #tpu.memory_space<vmem>>, %arg11: memref<1x128xf32, #tpu.memory_space<vmem>>, %arg12: memref<1x128xf32, #tpu.memory_space<vmem>>, %arg13: memref<1x128xf32, #tpu.memory_space<vmem>>) attributes {dimension_semantics = [#tpu.dimension_semantics<arbitrary>], iteration_bounds = array<i64: 5>, scalar_prefetch = 0 : i64, scratch_operands = 1 : i64, tpu.core_type = #tpu.core_type<tc>, window_params = [{transform_indices = @transform_0, window_bounds = array<i64: 2000, 128>}, {transform_indices = @transform_1, window_bounds = array<i64: 2000, 128>}, {transform_indices = @transform_2, window_bounds = array<i64: 2000, 128>}, {transform_indices = @transform_3, window_bounds = array<i64: 2000, 1>}, {transform_indices = @transform_4, window_bounds = array<i64: 2000, 1>}, {transform_indices = @transform_5, window_bounds = array<i64: 2000, 1>}, {pipeline_mode = #tpu.pipeline_mode<synchronous>, transform_indices = @transform_6, window_bounds = array<i64: 1, 128>}, {pipeline_mode = #tpu.pipeline_mode<synchronous>, transform_indices = @transform_7, window_bounds = array<i64: 128, 128>}, {pipeline_mode = #tpu.pipeline_mode<synchronous>, transform_indices = @transform_8, window_bounds = array<i64: 1, 128>}, {pipeline_mode = #tpu.pipeline_mode<synchronous>, transform_indices = @transform_9, window_bounds = array<i64: 128, 128>}, {pipeline_mode = #tpu.pipeline_mode<synchronous>, transform_indices = @transform_10, window_bounds = array<i64: 1, 128>}, {pipeline_mode = #tpu.pipeline_mode<synchronous>, transform_indices = @transform_11, window_bounds = array<i64: 1, 128>}]} {
    %eq3A = arith.constant 0 : i32
    %eq3A_0 = arith.cmpi eq, %arg0, %eq3A : i32
    %convert_element_type3A = arith.extui %eq3A_0 : i1 to i32
    %cond3A = arith.constant 0 : i32
    %cond3A_1 = arith.cmpi ne, %convert_element_type3A, %cond3A : i32
    scf.if %cond3A_1 {
      %broadcast_in_dim3A_45 = arith.constant 0.000000e+00 : f32
      %broadcast_in_dim3A_46 = vector.broadcast %broadcast_in_dim3A_45 : f32 to vector<1x128xf32>
      %swap3A_47 = arith.constant 0 : index
      %swap3A_48 = arith.constant 0 : index
      %swap3A_49 = vector.load %arg13[%swap3A_47, %swap3A_48] : memref<1x128xf32, #tpu.memory_space<vmem>>, vector<1x128xf32>
      tpu.vector_store %arg13[%swap3A_47, %swap3A_48], %broadcast_in_dim3A_46 {strides = array<i32>} : memref<1x128xf32, #tpu.memory_space<vmem>>, vector<1x128xf32>,
    } else {
    }
    %get3A = arith.constant 0 : index
    %get3A_2 = arith.constant 0 : index
    %get3A_3 = vector.load %arg4[%get3A, %get3A_2] : memref<2000x1xf32, #tpu.memory_space<vmem>>, vector<2000x1xf32>
    %get3A_4 = arith.constant 0 : index
    %get3A_5 = arith.constant 0 : index
    %get3A_6 = vector.load %arg1[%get3A_4, %get3A_5] : memref<2000x128xf32, #tpu.memory_space<vmem>>, vector<2000x128xf32>
    %get3A_7 = arith.constant 0 : index
    %get3A_8 = arith.constant 0 : index
    %get3A_9 = vector.load %arg2[%get3A_7, %get3A_8] : memref<2000x128xf32, #tpu.memory_space<vmem>>, vector<2000x128xf32>
    %add3A = arith.addf %get3A_6, %get3A_9 : vector<2000x128xf32>
    %get3A_10 = arith.constant 0 : index
    %get3A_11 = arith.constant 0 : index
    %get3A_12 = vector.load %arg3[%get3A_10, %get3A_11] : memref<2000x128xf32, #tpu.memory_space<vmem>>, vector<2000x128xf32>
    %mul3A = vector.broadcast %get3A_3 : vector<2000x1xf32> to vector<2000x128xf32>
    %mul3A_13 = arith.mulf %mul3A, %get3A_12 : vector<2000x128xf32>
    %add3A_14 = arith.addf %add3A, %mul3A_13 : vector<2000x128xf32>
    %get3A_15 = arith.constant 0 : index
    %get3A_16 = arith.constant 0 : index
    %get3A_17 = vector.load %arg7[%get3A_15, %get3A_16] : memref<1x128xf32, #tpu.memory_space<vmem>>, vector<1x128xf32>
    %add3A_18 = vector.broadcast %get3A_17 : vector<1x128xf32> to vector<2000x128xf32>
    %add3A_19 = arith.addf %add3A_14, %add3A_18 : vector<2000x128xf32>
    %max3A = arith.constant 0.000000e+00 : f32
    %max3A_20 = vector.broadcast %max3A : f32 to vector<2000x128xf32>
    %max3A_21 = arith.maximumf %add3A_19, %max3A_20 : vector<2000x128xf32>
    %get3A_22 = arith.constant 0 : index
    %get3A_23 = arith.constant 0 : index
    %get3A_24 = vector.load %arg5[%get3A_22, %get3A_23] : memref<2000x1xf32, #tpu.memory_space<vmem>>, vector<2000x1xf32>
    %add3A_25 = arith.addf %get3A_3, %get3A_24 : vector<2000x1xf32>
    %get3A_26 = arith.constant 0 : index
    %get3A_27 = arith.constant 0 : index
    %get3A_28 = vector.load %arg6[%get3A_26, %get3A_27] : memref<2000x1xf32, #tpu.memory_space<vmem>>, vector<2000x1xf32>
    %add3A_29 = arith.addf %add3A_25, %get3A_28 : vector<2000x1xf32>
    %mul3A_30 = arith.mulf %get3A_3, %add3A_29 : vector<2000x1xf32>
    %get3A_31 = arith.constant 0 : index
    %get3A_32 = arith.constant 0 : index
    %get3A_33 = vector.load %arg13[%get3A_31, %get3A_32] : memref<1x128xf32, #tpu.memory_space<vmem>>, vector<1x128xf32>
    %mul3A_34 = vector.broadcast %mul3A_30 : vector<2000x1xf32> to vector<2000x128xf32>
    %mul3A_35 = arith.mulf %mul3A_34, %max3A_21 : vector<2000x128xf32>
    %reduce_sum3A = arith.constant dense<0.000000e+00> : vector<128xf32>
    %reduce_sum3A_36 = vector.multi_reduction <add>, %mul3A_35, %reduce_sum3A [0] : vector<2000x128xf32> to vector<128xf32>
    %broadcast_in_dim3A = vector.shape_cast %reduce_sum3A_36 : vector<128xf32> to vector<1x128xf32>
    %add3A_37 = arith.addf %get3A_33, %broadcast_in_dim3A : vector<1x128xf32>
    %swap3A = arith.constant 0 : index
    %swap3A_38 = arith.constant 0 : index
    %swap3A_39 = vector.load %arg13[%swap3A, %swap3A_38] : memref<1x128xf32, #tpu.memory_space<vmem>>, vector<1x128xf32>
    tpu.vector_store %arg13[%swap3A, %swap3A_38], %add3A_37 {strides = array<i32>} : memref<1x128xf32, #tpu.memory_space<vmem>>, vector<1x128xf32>,
    %eq3A_40 = arith.constant 4 : i32
    %eq3A_41 = arith.cmpi eq, %arg0, %eq3A_40 : i32
    %convert_element_type3A_42 = arith.extui %eq3A_41 : i1 to i32
    %cond3A_43 = arith.constant 0 : i32
    %cond3A_44 = arith.cmpi ne, %convert_element_type3A_42, %cond3A_43 : i32
    scf.if %cond3A_44 {
      %get3A_45 = arith.constant 0 : index
      %get3A_46 = arith.constant 0 : index
      %get3A_47 = vector.load %arg13[%get3A_45, %get3A_46] : memref<1x128xf32, #tpu.memory_space<vmem>>, vector<1x128xf32>
      %mul3A_48 = arith.constant 9.99999974E-5 : f32
      %mul3A_49 = vector.broadcast %mul3A_48 : f32 to vector<1x128xf32>
      %mul3A_50 = arith.mulf %get3A_47, %mul3A_49 : vector<1x128xf32>
      %get3A_51 = arith.constant 0 : index
      %get3A_52 = arith.constant 0 : index
      %get3A_53 = vector.load %arg8[%get3A_51, %get3A_52] : memref<128x128xf32, #tpu.memory_space<vmem>>, vector<128x128xf32>
      %dot_general3A = arith.constant dense<0.000000e+00> : vector<1x128xf32>
      %dot_general3A_54 = tpu.matmul %mul3A_50, %get3A_53, %dot_general3A {dimension_numbers = #tpu.dot_dimension_numbers<[1], [0], [0], [1], [0, 0, 1, 1], [], []>, transpose_lhs_hint = false} : vector<1x128xf32>, vector<128x128xf32>, vector<1x128xf32> -> vector<1x128xf32>
      %get3A_55 = arith.constant 0 : index
      %get3A_56 = arith.constant 0 : index
      %get3A_57 = vector.load %arg9[%get3A_55, %get3A_56] : memref<1x128xf32, #tpu.memory_space<vmem>>, vector<1x128xf32>
      %add3A_58 = arith.addf %dot_general3A_54, %get3A_57 : vector<1x128xf32>
      %get3A_59 = arith.constant 0 : index
      %get3A_60 = arith.constant 0 : index
      %get3A_61 = vector.load %arg10[%get3A_59, %get3A_60] : memref<128x128xf32, #tpu.memory_space<vmem>>, vector<128x128xf32>
      %dot_general3A_62 = arith.constant dense<0.000000e+00> : vector<1x128xf32>
      %dot_general3A_63 = tpu.matmul %add3A_58, %get3A_61, %dot_general3A_62 {dimension_numbers = #tpu.dot_dimension_numbers<[1], [0], [0], [1], [0, 0, 1, 1], [], []>, transpose_lhs_hint = false} : vector<1x128xf32>, vector<128x128xf32>, vector<1x128xf32> -> vector<1x128xf32>
      %get3A_64 = arith.constant 0 : index
      %get3A_65 = arith.constant 0 : index
      %get3A_66 = vector.load %arg11[%get3A_64, %get3A_65] : memref<1x128xf32, #tpu.memory_space<vmem>>, vector<1x128xf32>
      %add3A_67 = arith.addf %dot_general3A_63, %get3A_66 : vector<1x128xf32>
      %swap3A_68 = arith.constant 0 : index
      %swap3A_69 = arith.constant 0 : index
      %swap3A_70 = vector.load %arg12[%swap3A_68, %swap3A_69] : memref<1x128xf32, #tpu.memory_space<vmem>>, vector<1x128xf32>
      tpu.vector_store %arg12[%swap3A_68, %swap3A_69], %add3A_67 {strides = array<i32>} : memref<1x128xf32, #tpu.memory_space<vmem>>, vector<1x128xf32>,
    } else {
    }
    return
  }
  func.func @transform_0(%arg0: i32) -> (i32, i32) {
    %c0_i32 = arith.constant 0 : i32
    %c0_i32_0 = arith.constant 0 : i32
    return %arg0, %c0_i32 : i32, i32
  }
  func.func @transform_1(%arg0: i32) -> (i32, i32) {
    %c0_i32 = arith.constant 0 : i32
    %c0_i32_0 = arith.constant 0 : i32
    return %arg0, %c0_i32 : i32, i32
  }
  func.func @transform_2(%arg0: i32) -> (i32, i32) {
    %c0_i32 = arith.constant 0 : i32
    %c0_i32_0 = arith.constant 0 : i32
    return %arg0, %c0_i32 : i32, i32
  }
  func.func @transform_3(%arg0: i32) -> (i32, i32) {
    %c0_i32 = arith.constant 0 : i32
    %c0_i32_0 = arith.constant 0 : i32
    return %arg0, %c0_i32 : i32, i32
  }
  func.func @transform_4(%arg0: i32) -> (i32, i32) {
    %c0_i32 = arith.constant 0 : i32
    %c0_i32_0 = arith.constant 0 : i32
    return %arg0, %c0_i32 : i32, i32
  }
  func.func @transform_5(%arg0: i32) -> (i32, i32) {
    %c0_i32 = arith.constant 0 : i32
    %c0_i32_0 = arith.constant 0 : i32
    return %arg0, %c0_i32 : i32, i32
  }
  func.func @transform_6(%arg0: i32) -> (i32, i32) {
    %c0_i32 = arith.constant 0 : i32
    %c0_i32_0 = arith.constant 0 : i32
    %c0_i32_1 = arith.constant 0 : i32
    return %c0_i32, %c0_i32_0 : i32, i32
  }
  func.func @transform_7(%arg0: i32) -> (i32, i32) {
    %c0_i32 = arith.constant 0 : i32
    %c0_i32_0 = arith.constant 0 : i32
    %c0_i32_1 = arith.constant 0 : i32
    return %c0_i32, %c0_i32_0 : i32, i32
  }
  func.func @transform_8(%arg0: i32) -> (i32, i32) {
    %c0_i32 = arith.constant 0 : i32
    %c0_i32_0 = arith.constant 0 : i32
    %c0_i32_1 = arith.constant 0 : i32
    return %c0_i32, %c0_i32_0 : i32, i32
  }
  func.func @transform_9(%arg0: i32) -> (i32, i32) {
    %c0_i32 = arith.constant 0 : i32
    %c0_i32_0 = arith.constant 0 : i32
    %c0_i32_1 = arith.constant 0 : i32
    return %c0_i32, %c0_i32_0 : i32, i32
  }
  func.func @transform_10(%arg0: i32) -> (i32, i32) {
    %c0_i32 = arith.constant 0 : i32
    %c0_i32_0 = arith.constant 0 : i32
    %c0_i32_1 = arith.constant 0 : i32
    return %c0_i32, %c0_i32_0 : i32, i32
  }
  func.func @transform_11(%arg0: i32) -> (i32, i32) {
    %c0_i32 = arith.constant 0 : i32
    %c0_i32_0 = arith.constant 0 : i32
    %c0_i32_1 = arith.constant 0 : i32
    return %c0_i32, %c0_i32_0 : i32, i32
  }
}

</mosaic_0001>

<sc_bundles>
// kernel: kernel.6.cloned.1.call-start
scs
__scs_entry_jumppad:
0x0: {  	(pc) =	sbr.rel $0x88, $3  }
0x1: {  	(tag) =	ssettag $0x0;
	lr =	simm.s32 $0x1  }
0x2: {  	[smem:$0x3F99] =	sst lr;
	_ =	strace $0xD0000000  }
0x3: {  	_ = 	snop  }
0x4: {  	_ = 	snop  }
0x5: {  	_ = 	snop  }
0x6: {  	_ = 	snop  }
0x7: {  	_ = 	snop  }
__scs_overlays_trampoline_lowered:
0x8: {  	[smem:$0x3FA8] =	sst s0  }
0x9: {  	[smem:$0x3FA9] =	sst s1  }
0xa: {  	[smem:$0x3FAA] =	sst s2  }
0xb: {  	[smem:$0x3FAB] =	sst s3  }
0xc: {  	[smem:$0x3FAC] =	sst s4  }
0xd: {  	[smem:$0x3FAD] =	sst s5  }
0xe: {  	[smem:$0x3FAE] =	sst s6  }
0xf: {  	[smem:$0x3FAF] =	sst s7  }
0x10: {  	[smem:$0x3FB0] =	sst s8  }
0x11: {  	[smem:$0x3FB1] =	sst s9;
	s0 =	simm.s32 @!p0 $0x0  }
0x12: {  	s1 =	sld [smem:$0x3F97];
	s0 =	simm.s32 @p0 $0x1  }
0x13: {  	[smem:$0x3FB2] =	sst s0;
	s0 =	simm.s32 @!p1 $0x0  }
0x14: {  	s2 =	sld [smem:$0x3F96];
	s0 =	simm.s32 @p1 $0x1  }
0x15: {  	[smem:$0x3FB3] =	sst s0;
	s0 =	simm.s32 @!p2 $0x0  }
0x16: {  	s3 =	sld [smem:$0x3FDB];
	s0 =	simm.s32 @p2 $0x1  }
0x17: {  	s4 =	simm.s32 $0x1BF5;
	[smem:$0x3FB5] =	sst s0  }
0x18: {  	s0 =	sld [smem:$0x3F98];
	_ =	swait.ge [sflag:s4], $0x0  }
0x19: {  	s7 =	sld [smem:$0x3F99]  }
0x1a: {  	s8 =	sadd.s32 $0xFFFFE003, lr  }
0x1b: {  	s9 =	sadd.s32 $0xFFFFFEF7, lr;
	s5 =	simm.s32 $0xFFFFFFFF;
	p2 =	slt.u32 s8, $0xFFFFF086  }
0x1c: {  	p1 =	slt.u32 s9, $0xF7A;
	s5 =	simm.s32 @!p2 $0x0  }
0x1d: {  	s5 =	simm.s32 @p1 $0x1;
	p0 =	seq.s32 s7, s2  }
0x1e: {  	s7 =	smul.u32 @!p0 $0xF7A, s2;
	p2 =	seq.s32 @!p0 s5, $0x0  }
0x1f: {  	s9 =	smul.u32 $0xF7A, s1;
	s8 =	simm.s32 @!p0 $0x1BF5;
	p2 =	por !p2, p0  }
0x20: {  	[sflag:s8] =	ssyncset.s32 @!p0 $0xFFFFF086;
	s6 =	sadd.s32 @!p0 s3, s7;
	s7 =	simm.s32 @!p0 $0x108  }
0x21: {  	s3 =	sadd.s32 s3, s9;
	s6 =	sadd.s32 @!p0 $0x88, s6;
	s7 =	simm.s32 @p2 $0x1082  }
0x22: {  	[simem:s7], [sflag:s8] =	dma.local @!p0 [hbm:s6], $0xF7A  }
0x23: {  	s9 =	sor.u32 $0xD0000000, s2;
	s6 =	simm.s32 $0x108;
	_ =	swait.ge @!p0 [sflag:s8], $0x0  }
0x24: {  	s3 =	sadd.s32 $0x88, s3;
	s6 =	simm.s32 @!p1 $0x1082;
	[sflag:s4] =	ssyncset.s32 $0xFFFFF086  }
0x25: {  	[simem:s6], [sflag:s4] =	dma.local [hbm:s3], $0xF7A  }
0x26: {  	[smem:$0x3F99] =	sst s1;
	(tag) =	ssettag s2;
	_ =	strace s9  }
0x27: {  	s1 =	sld [smem:$0x3FA9]  }
0x28: {  	s2 =	sld [smem:$0x3FAA]  }
0x29: {  	s4 =	sld [smem:$0x3FAC]  }
0x2a: {  	p0 =	seq.s32 s5, $0x0;
	s5 =	sld [smem:$0x3FAD]  }
0x2b: {  	s6 =	sld [smem:$0x3FAE]  }
0x2c: {  	s7 =	sld [smem:$0x3FAF]  }
0x2d: {  	s3 =	simm.s32 $0x108;
	s8 =	sld [smem:$0x3FB0]  }
0x2e: {  	s3 =	simm.s32 @!p0 $0x1082;
	s9 =	sld [smem:$0x3FB1]  }
0x2f: {  	lr =	sadd.s32 s0, s3;
	s0 =	sld [smem:$0x3FA8]  }
0x30: {  	s3 =	sld [smem:$0x3FAB]  }
0x31: {  	[smem:$0x3FB4] =	sst s10  }
0x32: {  	s10 =	sld [smem:$0x3FB2];
	_ =	sdelay $0x3  }
0x33: {  	p0 =	seq.s32 s10, $0x1;
	s10 =	sld [smem:$0x3FB4];
	_ =	sdelay $0x3  }
0x34: {  	[smem:$0x3FB4] =	sst s10  }
0x35: {  	s10 =	sld [smem:$0x3FB3];
	_ =	sdelay $0x3  }
0x36: {  	p1 =	seq.s32 s10, $0x1;
	s10 =	sld [smem:$0x3FB4];
	_ =	sdelay $0x3  }
0x37: {  	[smem:$0x3FB4] =	sst s10  }
0x38: {  	s10 =	sld [smem:$0x3FB5]  }
0x39: {  	_ = 	snop;
	(pc) =	sbr.ind lr, $3  }
0x3a: {  	_ = 	snop  }
0x3b: {  	_ = 	snop  }
0x3c: {  	p2 =	seq.s32 s10, $0x1;
	s10 =	sld [smem:$0x3FB4]  }
0x3d: {  	_ =	shalt  }
0x3e: {  	_ =	shalt  }
0x3f: {  	_ =	shalt  }
0x40: {  	_ =	shalt  }
0x41: {  	_ =	shalt  }
0x42: {  	_ =	shalt  }
0x43: {  	_ =	shalt  }
0x44: {  	_ =	shalt  }
0x45: {  	_ =	shalt  }
0x46: {  	_ =	shalt  }
0x47: {  	_ =	shalt  }
0x48: {  	_ =	shalt  }
0x49: {  	_ =	shalt  }
0x4a: {  	_ =	shalt  }
0x4b: {  	_ =	shalt  }
0x4c: {  	_ =	shalt  }
0x4d: {  	_ =	shalt  }
0x4e: {  	_ =	shalt  }
0x4f: {  	_ =	shalt  }
0x50: {  	_ =	shalt  }
0x51: {  	_ =	shalt  }
0x52: {  	_ =	shalt  }
0x53: {  	_ =	shalt  }
0x54: {  	_ =	shalt  }
0x55: {  	_ =	shalt  }
0x56: {  	_ =	shalt  }
0x57: {  	_ =	shalt  }
0x58: {  	_ =	shalt  }
0x59: {  	_ =	shalt  }
0x5a: {  	_ =	shalt  }
0x5b: {  	_ =	shalt  }
0x5c: {  	_ =	shalt  }
0x5d: {  	_ =	shalt  }
0x5e: {  	_ =	shalt  }
0x5f: {  	_ =	shalt  }
0x60: {  	_ =	shalt  }
0x61: {  	_ =	shalt  }
0x62: {  	_ =	shalt  }
0x63: {  	_ =	shalt  }
0x64: {  	_ =	shalt  }
0x65: {  	_ =	shalt  }
0x66: {  	_ =	shalt  }
0x67: {  	_ =	shalt  }
0x68: {  	_ =	shalt  }
0x69: {  	_ =	shalt  }
0x6a: {  	_ =	shalt  }
0x6b: {  	_ =	shalt  }
0x6c: {  	_ =	shalt  }
0x6d: {  	_ =	shalt  }
0x6e: {  	_ =	shalt  }
0x6f: {  	_ =	shalt  }
0x70: {  	_ =	shalt  }
0x71: {  	_ =	shalt  }
0x72: {  	_ =	shalt  }
0x73: {  	_ =	shalt  }
0x74: {  	_ =	shalt  }
0x75: {  	_ =	shalt  }
0x76: {  	_ =	shalt  }
0x77: {  	_ =	shalt  }
0x78: {  	_ =	shalt  }
0x79: {  	_ =	shalt  }
0x7a: {  	_ =	shalt  }
0x7b: {  	_ =	shalt  }
0x7c: {  	_ =	shalt  }
0x7d: {  	_ =	shalt  }
0x7e: {  	_ =	shalt  }
0x7f: {  	_ =	shalt  }
0x80: {  	_ =	shalt  }
0x81: {  	_ =	shalt  }
0x82: {  	_ =	shalt  }
0x83: {  	_ =	shalt  }
0x84: {  	_ =	shalt  }
0x85: {  	_ =	shalt  }
0x86: {  	_ =	shalt  }
0x87: {  	_ =	shalt  }
.Lfunc_end0:
.L_simem_size_0:
called_computation_lowered:
.L_overlay_start_0:
0x88: {  	s2 =	sld [smem:$0x3FD9]  }
0x89: {  	s3 =	sld [smem:$0x3FFE];
	_ =	sdelay $0x1  }
0x8a: {  	s1 =	srdreg.scid  }
0x8b: {  	s0 =	sand.u32 $0x1, s1  }
0x8c: {  	s16 =	sshll.u32 s0, $0xA;
	s2 =	sadd.s32 s3, s2  }
0x8d: {  	s2 =	sadd.s32 s2, s16  }
0x8e: {  	[smem:$0x3FC0] =	sst s2  }
0x8f: {  	_ = 	snop  }
0x90: {  	(tm) =	ssettm $0x1  }
0x91: {  	s17 =	sld [smem:$0x3FFB];
	_ =	sdelay $0x3  }
0x92: {  	_ =	strace s17  }
0x93: {  	s2 =	sld [smem:$0x3FFC];
	_ =	sdelay $0x3  }
0x94: {  	_ =	strace s2  }
0x95: {  	s2 =	sld [smem:$0x3FFD];
	_ =	sdelay $0x3  }
0x96: {  	_ =	strace s2  }
0x97: {  	_ =	strace $0x8FFFFFFF  }
0x98: {  	s18 =	sld [smem:$0x3FDB];
	_ =	sdelay $0x1  }
0x99: {  	s19 =	simm.s32 $_scs_section_size  }
0x9a: {  	s4 =	simm.s32 $_size__tile_overlayer_lowered;
	s5 =	simm.s32 $_tile_overlayer_lowered  }
0x9b: {  	s22 =	simm.s32 $0x1BFF;
	s21 =	sshll.u32 s5, $0x1;
	s2 =	sadd.s32 s19, s18  }
0x9c: {  	s6 =	simm.s32 $0x0;
	s20 =	sshll.u32 s4, $0x1;
	s4 =	sadd.s32 s21, s2  }
0x9d: {  	[timem:s6], [sflag:s22] =	dma.local [hbm:s4], s20  }
0x9e: {  	_ =	swait.ge [sflag:s22], s20  }
0x9f: {  	s3 =	ssub.s32 $0x0, s20;
	[sflag:s22] =	ssyncset.done $0x0  }
0xa0: {  	[sflag:s22] =	ssyncadd.s32 s3;
	_ =	sdelay $0x1  }
0xa1: {  	s23 =	simm.s32 $0x1B8B  }
0xa2: {  	_ =	swait.ge [sflag:s23], $0x1  }
0xa3: {  	[sflag:s23] =	ssyncset.done $0x0  }
0xa4: {  	s25 =	simm.s32 $0x1B8E;
	s24 =	sld [smem:$0x3FFE];
	[sflag:s23] =	ssyncadd.s32 $0xFFFFFFFF  }
0xa5: {  	s26 =	simm.s32 $execute0_lowered;
	[smem:$0x3FD2] =	sst s25  }
0xa6: {  	s4 =	sshll.u32 s26, $0x1;
	_ =	strace $0x80000046;
	[dreg:$0x1] =	wrdreg $0xFFFFFFFF  }
0xa7: {  	s28 =	simm.s32 $_size_execute0_lowered;
	s2 =	sadd.s32 s2, s4;
	[dreg:$0x0] =	wrdreg $0x0  }
0xa8: {  	s4 =	sshll.u32 s28, $0x1;
	[dreg:$0x2] =	wrdreg s2  }
0xa9: {  	[dreg:$0x3] =	wrdreg s4  }
0xaa: {  	[dreg:$0x4] =	wrdreg $0xC0  }
0xab: {  	_ =	task [dreg:s6], $0x5FFFF  }
0xac: {  	[dreg:$0x1] =	wrdreg $0xFFFFFFFF  }
0xad: {  	[dreg:$0x0] =	wrdreg $0x60  }
0xae: {  	[dreg:$0x2] =	wrdreg s24  }
0xaf: {  	[dreg:$0x3] =	wrdreg $0x2D800  }
0xb0: {  	[dreg:$0x4] =	wrdreg $0x9  }
0xb1: {  	_ =	task.clear_ibuf [dreg:s6], $0x5FFFF;
	_ =	strace $0x90000046  }
0xb2: {  	s29 =	simm.s32 $0x9;
	_ =	strace $0x80000048  }
0xb3: {  	_ =	swait.ge [sflag:s29], $0x1  }
0xb4: {  	[sflag:s29] =	ssyncadd.s32 $0xFFFFFFFF  }
0xb5: {  	_ =	strace $0x90000048  }
0xb6: {  	_ =	sfence  }
0xb7: {  	s30 =	sld [smem:$0x0];
	_ =	sdelay $0x2  }
0xb8: {  	s31 =	sshll.u32 s1, $0xD;
	s1 =	sshrl.u32 s1, $0x2  }
0xb9: {  	s3 =	sand.u32 $0x4000, s31;
	s1 =	sadd.s32 s1, s30  }
0xba: {  	s0 =	sor.u32 s3, s0;
	s1 =	sshll.u32 s1, $0x11  }
0xbb: {  	s0 =	sor.u32 s1, s0  }
0xbc: {  	s0 =	sadd.s32 $0x8F2B, s0  }
0xbd: {  	[sflag:s0] =	ssyncadd.remote.s32 $0x1  }
0xbe: {  	_ =	sfence.sel $0xFFFF  }
0xbf: {  	[dreg:$0x0] =	wrdreg $0xFFFFFFFF;
	(pc) =	sbr.abs _section_cstart, $3  }
0xc0: {  	[dreg:$0x1] =	wrdreg $0xFFFFFFFF  }
0xc1: {  	_ =	task.clear_ibuf [dreg:s6], $0x2FFFF;
	_ =	strace $0x9FFFFFFF  }
0xc2: {  	(tm) =	ssettm $0x7FFFFFFF  }
0xc3: {  	_ =	shalt  }
tec
execute0_lowered:
.L_overlay_start_1:
0x0: {  	(tag) =	ssettag $0x1  }
0x1: {  	s0 =	srdreg.scid;
	s1 =	rddreg [dreg:$0x0]  }
0x2: {  	s20 =	stileid.u32;
	s4 =	rddreg [dreg:$0x1]  }
0x3: {  	s2 =	simm.s32 $0x0;
	s22 =	simm.s32 $0x2800;
	s23 =	simm.s32 $0x1  }
0x4: {  	s28 =	simm.s32 $0x2880;
	s29 =	simm.s32 $0x2B00;
	s3 =	smul.u32 $0x4E20, s20  }
0x5: {  	s31 =	simm.s32 $0x0;
	s0 =	sand.u32 $0x1, s0;
	s7 =	smul.u32 $0x5000, s20  }
0x6: {  	[smem:$0x7FF] =	sst s2;
	s25 =	sshrl.u32 s20, $0x3;
	s24 =	smul.u32 $0xA0, s20  }
0x7: {  	s30 =	sshll.u32 s20, $0x7;
	s5 =	smul.u32 $0x2710, s0;
	_ =	strace $0x80000047  }
0x8: {  	s6 =	sshll.u32 s0, $0x4;
	s0 =	ssub.s32 $0x2, s0;
	s8 =	sand.u32 $0x380, s30  }
0x9: {  	s26 =	sshrl.u32 s0, $0x1;
	s7 =	sshrl.u32 s7, $0x2;
	s3 =	sadd.s32 s5, s3  }
0xa: {  	s5 =	smul.u32 $0x50000, s25;
	s0 =	ssub.s32 s0, s26;
	s25 =	simm.s32 $0x80  }
0xb: {  	s26 =	simm.s32 $0x400;
	s3 =	sshrl.u32 s3, $0x3;
	s20 =	smax.u32 s0, $0x1  }
0xc: {  	s21 =	sadd.s32 s3, s1;
	s5 =	sshrl.u32 s5, $0x2;
	s3 =	sadd.s32 s7, s4  }
0xd: {  	s1 =	sadd.s32 s6, s1;
	s5 =	sadd.s32 s5, s4;
	s6 =	sadd.s32 $0x100, s3  }
0xe: {  	s7 =	sadd.s32 $0x180, s3;
	s9 =	sadd.s32 $0x280, s3;
	s10 =	sadd.s32 $0x300, s3  }
0xf: {  	s11 =	sadd.s32 $0x380, s3;
	s12 =	sadd.s32 $0x14000, s3;
	s13 =	sadd.s32 $0x14080, s3  }
0x10: {  	s14 =	sadd.s32 $0x14100, s3;
	s15 =	sadd.s32 $0x14180, s3;
	s16 =	sadd.s32 $0x14200, s3  }
0x11: {  	s17 =	sadd.s32 $0x14280, s3;
	s18 =	sadd.s32 $0x14300, s3;
	s19 =	sadd.s32 $0x14380, s3  }
0x12: {  	s1 =	sadd.s32 $0x15C00, s1;
	s21 =	sadd.s32 $0x2000, s21;
	s4 =	sadd.s32 s8, s5  }
0x13: {  	v0 =	vimm.f32 $0.0e+00;
	v1 =	vimm.f32 $1.000000000e+00;
	s5 =	sadd.s32 $0x80, s3;
	s8 =	sadd.s32 $0x200, s3;
	s24 =	sadd.s32 s24, s1  }
.LBB2_1:
0x14: {  	s0 =	simm.s32 $0x0  }
.LBB2_2:
0x15: {  	p0 =	sne.s32 s0, $0x9FC0  }
.Ltmp0:
0x16: {  	_ = 	snop;
	(pc) =	sbr.rel @p0 .LBB2_2-.Ltmp0, $3  }
0x17: {  	_ =	sdelay $0x1  }
0x18: {  	s1 =	sshra.s32 s0, $0x2  }
0x19: {  	s0 =	sadd.s32 $0x40, s0;
	[tilespmem:s1+$0x0] =	vst v0  }
0x1a: {  	s1 =	simm.s32 $0x0  }
.LBB2_4:
0x1b: {  	s0 =	sadd.s32 s1, s21  }
0x1c: {  	[tilespmem:s22], [sflag:$0x1] =	stream.linear.gather [hbm4b:s0+s2], $0x50, $0x38;
	[tilespmem:$0x5580] =	vst v63  }
0x1d: {  	_ =	swait.ge [sflag:s23], $0x50  }
0x1e: {  	[sflag:s23] =	ssyncset.done $0x0  }
0x1f: {  	[sflag:s23] =	ssyncadd.s32 $0xFFFFFFB0  }
0x20: {  	v2 =	vld [tilespmem:$0x2800];
	_ =	sdelay $0x7  }
0x21: {  	[tilespmem:v2+s2+$0x0] =	vst.idx.add.f32.msk $0xffff, v1  }
0x22: {  	v2 =	vld [tilespmem:$0x2810];
	_ =	sdelay $0x7  }
0x23: {  	[tilespmem:v2+s2+$0x0] =	vst.idx.add.f32.msk $0xffff, v1  }
0x24: {  	v2 =	vld [tilespmem:$0x2820];
	_ =	sdelay $0x7  }
0x25: {  	[tilespmem:v2+s2+$0x0] =	vst.idx.add.f32.msk $0xffff, v1  }
0x26: {  	v2 =	vld [tilespmem:$0x2830];
	_ =	sdelay $0x7  }
0x27: {  	[tilespmem:v2+s2+$0x0] =	vst.idx.add.f32.msk $0xffff, v1  }
0x28: {  	v2 =	vld [tilespmem:$0x2840];
	_ =	sdelay $0x2  }
0x29: {  	p0 =	sne.s32 s1, $0x4D8  }
.Ltmp1:
0x2a: {  	_ = 	snop;
	(pc) =	sbr.rel @p0 .LBB2_4-.Ltmp1, $2  }
0x2b: {  	_ =	sdelay $0x2  }
0x2c: {  	s1 =	sadd.s32 $0xA, s1;
	[tilespmem:v2+s2+$0x0] =	vst.idx.add.f32.msk $0xffff, v1  }
0x2d: {  	s0 =	simm.s32 $0x0  }
0x2e: {  	[spmem:s4] =	stream.strided.scatter [tilespmem:s0], [sflag:$0x1], $0x2800, s26, s25, $0x38;
	[tilespmem:$0x5580] =	vst v63  }
0x2f: {  	_ =	swait.ge [sflag:s23], $0x2800  }
0x30: {  	[sflag:s23] =	ssyncset.done $0x0  }
0x31: {  	[sflag:s23] =	ssyncadd.s32 $0xFFFFD800  }
0x32: {  	[bflag:$0x0] =	sbarrier.arrive $0xFFFF  }
0x33: {  	[tilespmem:s28], [sflag:$0x1] =	stream.strided.gather [spmem:s3], $0x280, s26, s25, $0x38;
	[tilespmem:$0x5580] =	vst v63  }
0x34: {  	_ =	swait.ge [sflag:s23], $0x280  }
0x35: {  	[sflag:s23] =	ssyncset.done $0x0  }
0x36: {  	[sflag:s23] =	ssyncadd.s32 $0xFFFFFD80  }
0x37: {  	[tilespmem:s29], [sflag:$0x1] =	stream.strided.gather [spmem:s5], $0x280, s26, s25, $0x38;
	[tilespmem:$0x5580] =	vst v63  }
0x38: {  	_ =	swait.ge [sflag:s23], $0x280  }
0x39: {  	[sflag:s23] =	ssyncset.done $0x0  }
0x3a: {  	s1 =	simm.s32 $0x0;
	[sflag:s23] =	ssyncadd.s32 $0xFFFFFD80  }
0x3b: {  	s0 =	simm.s32 $0x40;
	v2 =	vld [tilespmem:s1+$0x2B00]  }
.LBB2_6:
0x3c: {  	p0 =	sne.s32 s0, $0x9C0;
	v3 =	vld [tilespmem:s1+$0x2880];
	_ =	sdelay $0x2  }
.Ltmp2:
0x3d: {  	(pc) =	sbr.rel @p0 .LBB2_6-.Ltmp2, $4  }
0x3e: {  	_ = 	snop  }
0x3f: {  	v3 =	vadd.f32 v2, v3  }
0x40: {  	s30 =	sshra.s32 s0, $0x2  }
0x41: {  	s0 =	sadd.s32 $0x40, s0;
	v2 =	vld [tilespmem:s30+$0x2B00];
	[tilespmem:s1+$0x2880] =	vst v3;
	s1 =	smov.u32 s30  }
0x42: {  	v3 =	vld [tilespmem:s1+$0x2880];
	_ =	sdelay $0x4  }
0x43: {  	v2 =	vadd.f32 v2, v3;
	_ =	sdelay $0x1  }
0x44: {  	[tilespmem:s1+$0x2880] =	vst v2  }
0x45: {  	[tilespmem:s29], [sflag:$0x1] =	stream.strided.gather [spmem:s6], $0x280, s26, s25, $0x38;
	[tilespmem:$0x5580] =	vst v63  }
0x46: {  	_ =	swait.ge [sflag:s23], $0x280  }
0x47: {  	[sflag:s23] =	ssyncset.done $0x0  }
0x48: {  	s1 =	simm.s32 $0x0;
	[sflag:s23] =	ssyncadd.s32 $0xFFFFFD80  }
0x49: {  	s0 =	simm.s32 $0x40;
	v2 =	vld [tilespmem:s1+$0x2B00]  }
.LBB2_8:
0x4a: {  	p0 =	sne.s32 s0, $0x9C0;
	v3 =	vld [tilespmem:s1+$0x2880];
	_ =	sdelay $0x2  }
.Ltmp3:
0x4b: {  	(pc) =	sbr.rel @p0 .LBB2_8-.Ltmp3, $4  }
0x4c: {  	_ = 	snop  }
0x4d: {  	v3 =	vadd.f32 v2, v3  }
0x4e: {  	s30 =	sshra.s32 s0, $0x2  }
0x4f: {  	s0 =	sadd.s32 $0x40, s0;
	v2 =	vld [tilespmem:s30+$0x2B00];
	[tilespmem:s1+$0x2880] =	vst v3;
	s1 =	smov.u32 s30  }
0x50: {  	v3 =	vld [tilespmem:s1+$0x2880];
	_ =	sdelay $0x4  }
0x51: {  	v2 =	vadd.f32 v2, v3;
	_ =	sdelay $0x1  }
0x52: {  	[tilespmem:s1+$0x2880] =	vst v2  }
0x53: {  	[tilespmem:s29], [sflag:$0x1] =	stream.strided.gather [spmem:s7], $0x280, s26, s25, $0x38;
	[tilespmem:$0x5580] =	vst v63  }
0x54: {  	_ =	swait.ge [sflag:s23], $0x280  }
0x55: {  	[sflag:s23] =	ssyncset.done $0x0  }
0x56: {  	s1 =	simm.s32 $0x0;
	[sflag:s23] =	ssyncadd.s32 $0xFFFFFD80  }
0x57: {  	s0 =	simm.s32 $0x40;
	v2 =	vld [tilespmem:s1+$0x2B00]  }
.LBB2_10:
0x58: {  	p0 =	sne.s32 s0, $0x9C0;
	v3 =	vld [tilespmem:s1+$0x2880];
	_ =	sdelay $0x2  }
.Ltmp4:
0x59: {  	(pc) =	sbr.rel @p0 .LBB2_10-.Ltmp4, $4  }
0x5a: {  	_ = 	snop  }
0x5b: {  	v3 =	vadd.f32 v2, v3  }
0x5c: {  	s30 =	sshra.s32 s0, $0x2  }
0x5d: {  	s0 =	sadd.s32 $0x40, s0;
	v2 =	vld [tilespmem:s30+$0x2B00];
	[tilespmem:s1+$0x2880] =	vst v3;
	s1 =	smov.u32 s30  }
0x5e: {  	v3 =	vld [tilespmem:s1+$0x2880];
	_ =	sdelay $0x4  }
0x5f: {  	v2 =	vadd.f32 v2, v3;
	_ =	sdelay $0x1  }
0x60: {  	[tilespmem:s1+$0x2880] =	vst v2  }
0x61: {  	[tilespmem:s29], [sflag:$0x1] =	stream.strided.gather [spmem:s8], $0x280, s26, s25, $0x38;
	[tilespmem:$0x5580] =	vst v63  }
0x62: {  	_ =	swait.ge [sflag:s23], $0x280  }
0x63: {  	[sflag:s23] =	ssyncset.done $0x0  }
0x64: {  	s1 =	simm.s32 $0x0;
	[sflag:s23] =	ssyncadd.s32 $0xFFFFFD80  }
0x65: {  	s0 =	simm.s32 $0x40;
	v2 =	vld [tilespmem:s1+$0x2B00]  }
.LBB2_12:
0x66: {  	p0 =	sne.s32 s0, $0x9C0;
	v3 =	vld [tilespmem:s1+$0x2880];
	_ =	sdelay $0x2  }
.Ltmp5:
0x67: {  	(pc) =	sbr.rel @p0 .LBB2_12-.Ltmp5, $4  }
0x68: {  	_ = 	snop  }
0x69: {  	v3 =	vadd.f32 v2, v3  }
0x6a: {  	s30 =	sshra.s32 s0, $0x2  }
0x6b: {  	s0 =	sadd.s32 $0x40, s0;
	v2 =	vld [tilespmem:s30+$0x2B00];
	[tilespmem:s1+$0x2880] =	vst v3;
	s1 =	smov.u32 s30  }
0x6c: {  	v3 =	vld [tilespmem:s1+$0x2880];
	_ =	sdelay $0x4  }
0x6d: {  	v2 =	vadd.f32 v2, v3;
	_ =	sdelay $0x1  }
0x6e: {  	[tilespmem:s1+$0x2880] =	vst v2  }
0x6f: {  	[tilespmem:s29], [sflag:$0x1] =	stream.strided.gather [spmem:s9], $0x280, s26, s25, $0x38;
	[tilespmem:$0x5580] =	vst v63  }
0x70: {  	_ =	swait.ge [sflag:s23], $0x280  }
0x71: {  	[sflag:s23] =	ssyncset.done $0x0  }
0x72: {  	s1 =	simm.s32 $0x0;
	[sflag:s23] =	ssyncadd.s32 $0xFFFFFD80  }
0x73: {  	s0 =	simm.s32 $0x40;
	v2 =	vld [tilespmem:s1+$0x2B00]  }
.LBB2_14:
0x74: {  	p0 =	sne.s32 s0, $0x9C0;
	v3 =	vld [tilespmem:s1+$0x2880];
	_ =	sdelay $0x2  }
.Ltmp6:
0x75: {  	(pc) =	sbr.rel @p0 .LBB2_14-.Ltmp6, $4  }
0x76: {  	_ = 	snop  }
0x77: {  	v3 =	vadd.f32 v2, v3  }
0x78: {  	s30 =	sshra.s32 s0, $0x2  }
0x79: {  	s0 =	sadd.s32 $0x40, s0;
	v2 =	vld [tilespmem:s30+$0x2B00];
	[tilespmem:s1+$0x2880] =	vst v3;
	s1 =	smov.u32 s30  }
0x7a: {  	v3 =	vld [tilespmem:s1+$0x2880];
	_ =	sdelay $0x4  }
0x7b: {  	v2 =	vadd.f32 v2, v3;
	_ =	sdelay $0x1  }
0x7c: {  	[tilespmem:s1+$0x2880] =	vst v2  }
0x7d: {  	[tilespmem:s29], [sflag:$0x1] =	stream.strided.gather [spmem:s10], $0x280, s26, s25, $0x38;
	[tilespmem:$0x5580] =	vst v63  }
0x7e: {  	_ =	swait.ge [sflag:s23], $0x280  }
0x7f: {  	[sflag:s23] =	ssyncset.done $0x0  }
0x80: {  	s1 =	simm.s32 $0x0;
	[sflag:s23] =	ssyncadd.s32 $0xFFFFFD80  }
0x81: {  	s0 =	simm.s32 $0x40;
	v2 =	vld [tilespmem:s1+$0x2B00]  }
.LBB2_16:
0x82: {  	p0 =	sne.s32 s0, $0x9C0;
	v3 =	vld [tilespmem:s1+$0x2880];
	_ =	sdelay $0x2  }
.Ltmp7:
0x83: {  	(pc) =	sbr.rel @p0 .LBB2_16-.Ltmp7, $4  }
0x84: {  	_ = 	snop  }
0x85: {  	v3 =	vadd.f32 v2, v3  }
0x86: {  	s30 =	sshra.s32 s0, $0x2  }
0x87: {  	s0 =	sadd.s32 $0x40, s0;
	v2 =	vld [tilespmem:s30+$0x2B00];
	[tilespmem:s1+$0x2880] =	vst v3;
	s1 =	smov.u32 s30  }
0x88: {  	v3 =	vld [tilespmem:s1+$0x2880];
	_ =	sdelay $0x4  }
0x89: {  	v2 =	vadd.f32 v2, v3;
	_ =	sdelay $0x1  }
0x8a: {  	[tilespmem:s1+$0x2880] =	vst v2  }
0x8b: {  	[tilespmem:s29], [sflag:$0x1] =	stream.strided.gather [spmem:s11], $0x280, s26, s25, $0x38;
	[tilespmem:$0x5580] =	vst v63  }
0x8c: {  	_ =	swait.ge [sflag:s23], $0x280  }
0x8d: {  	[sflag:s23] =	ssyncset.done $0x0  }
0x8e: {  	s1 =	simm.s32 $0x0;
	[sflag:s23] =	ssyncadd.s32 $0xFFFFFD80  }
0x8f: {  	s0 =	simm.s32 $0x40;
	v2 =	vld [tilespmem:s1+$0x2B00]  }
.LBB2_18:
0x90: {  	p0 =	sne.s32 s0, $0x9C0;
	v3 =	vld [tilespmem:s1+$0x2880];
	_ =	sdelay $0x2  }
.Ltmp8:
0x91: {  	(pc) =	sbr.rel @p0 .LBB2_18-.Ltmp8, $4  }
0x92: {  	_ = 	snop  }
0x93: {  	v3 =	vadd.f32 v2, v3  }
0x94: {  	s30 =	sshra.s32 s0, $0x2  }
0x95: {  	s0 =	sadd.s32 $0x40, s0;
	v2 =	vld [tilespmem:s30+$0x2B00];
	[tilespmem:s1+$0x2880] =	vst v3;
	s1 =	smov.u32 s30  }
0x96: {  	v3 =	vld [tilespmem:s1+$0x2880];
	_ =	sdelay $0x4  }
0x97: {  	v2 =	vadd.f32 v2, v3;
	_ =	sdelay $0x1  }
0x98: {  	[tilespmem:s1+$0x2880] =	vst v2  }
0x99: {  	[tilespmem:s29], [sflag:$0x1] =	stream.strided.gather [spmem:s12], $0x280, s26, s25, $0x38;
	[tilespmem:$0x5580] =	vst v63  }
0x9a: {  	_ =	swait.ge [sflag:s23], $0x280  }
0x9b: {  	[sflag:s23] =	ssyncset.done $0x0  }
0x9c: {  	s1 =	simm.s32 $0x0;
	[sflag:s23] =	ssyncadd.s32 $0xFFFFFD80  }
0x9d: {  	s0 =	simm.s32 $0x40;
	v2 =	vld [tilespmem:s1+$0x2B00]  }
.LBB2_20:
0x9e: {  	p0 =	sne.s32 s0, $0x9C0;
	v3 =	vld [tilespmem:s1+$0x2880];
	_ =	sdelay $0x2  }
.Ltmp9:
0x9f: {  	(pc) =	sbr.rel @p0 .LBB2_20-.Ltmp9, $4  }
0xa0: {  	_ = 	snop  }
0xa1: {  	v3 =	vadd.f32 v2, v3  }
0xa2: {  	s30 =	sshra.s32 s0, $0x2  }
0xa3: {  	s0 =	sadd.s32 $0x40, s0;
	v2 =	vld [tilespmem:s30+$0x2B00];
	[tilespmem:s1+$0x2880] =	vst v3;
	s1 =	smov.u32 s30  }
0xa4: {  	v3 =	vld [tilespmem:s1+$0x2880];
	_ =	sdelay $0x4  }
0xa5: {  	v2 =	vadd.f32 v2, v3;
	_ =	sdelay $0x1  }
0xa6: {  	[tilespmem:s1+$0x2880] =	vst v2  }
0xa7: {  	[tilespmem:s29], [sflag:$0x1] =	stream.strided.gather [spmem:s13], $0x280, s26, s25, $0x38;
	[tilespmem:$0x5580] =	vst v63  }
0xa8: {  	_ =	swait.ge [sflag:s23], $0x280  }
0xa9: {  	[sflag:s23] =	ssyncset.done $0x0  }
0xaa: {  	s1 =	simm.s32 $0x0;
	[sflag:s23] =	ssyncadd.s32 $0xFFFFFD80  }
0xab: {  	s0 =	simm.s32 $0x40;
	v2 =	vld [tilespmem:s1+$0x2B00]  }
.LBB2_22:
0xac: {  	p0 =	sne.s32 s0, $0x9C0;
	v3 =	vld [tilespmem:s1+$0x2880];
	_ =	sdelay $0x2  }
.Ltmp10:
0xad: {  	(pc) =	sbr.rel @p0 .LBB2_22-.Ltmp10, $4  }
0xae: {  	_ = 	snop  }
0xaf: {  	v3 =	vadd.f32 v2, v3  }
0xb0: {  	s30 =	sshra.s32 s0, $0x2  }
0xb1: {  	s0 =	sadd.s32 $0x40, s0;
	v2 =	vld [tilespmem:s30+$0x2B00];
	[tilespmem:s1+$0x2880] =	vst v3;
	s1 =	smov.u32 s30  }
0xb2: {  	v3 =	vld [tilespmem:s1+$0x2880];
	_ =	sdelay $0x4  }
0xb3: {  	v2 =	vadd.f32 v2, v3;
	_ =	sdelay $0x1  }
0xb4: {  	[tilespmem:s1+$0x2880] =	vst v2  }
0xb5: {  	[tilespmem:s29], [sflag:$0x1] =	stream.strided.gather [spmem:s14], $0x280, s26, s25, $0x38;
	[tilespmem:$0x5580] =	vst v63  }
0xb6: {  	_ =	swait.ge [sflag:s23], $0x280  }
0xb7: {  	[sflag:s23] =	ssyncset.done $0x0  }
0xb8: {  	s1 =	simm.s32 $0x0;
	[sflag:s23] =	ssyncadd.s32 $0xFFFFFD80  }
0xb9: {  	s0 =	simm.s32 $0x40;
	v2 =	vld [tilespmem:s1+$0x2B00]  }
.LBB2_24:
0xba: {  	p0 =	sne.s32 s0, $0x9C0;
	v3 =	vld [tilespmem:s1+$0x2880];
	_ =	sdelay $0x2  }
.Ltmp11:
0xbb: {  	(pc) =	sbr.rel @p0 .LBB2_24-.Ltmp11, $4  }
0xbc: {  	_ = 	snop  }
0xbd: {  	v3 =	vadd.f32 v2, v3  }
0xbe: {  	s30 =	sshra.s32 s0, $0x2  }
0xbf: {  	s0 =	sadd.s32 $0x40, s0;
	v2 =	vld [tilespmem:s30+$0x2B00];
	[tilespmem:s1+$0x2880] =	vst v3;
	s1 =	smov.u32 s30  }
0xc0: {  	v3 =	vld [tilespmem:s1+$0x2880];
	_ =	sdelay $0x4  }
0xc1: {  	v2 =	vadd.f32 v2, v3;
	_ =	sdelay $0x1  }
0xc2: {  	[tilespmem:s1+$0x2880] =	vst v2  }
0xc3: {  	[tilespmem:s29], [sflag:$0x1] =	stream.strided.gather [spmem:s15], $0x280, s26, s25, $0x38;
	[tilespmem:$0x5580] =	vst v63  }
0xc4: {  	_ =	swait.ge [sflag:s23], $0x280  }
0xc5: {  	[sflag:s23] =	ssyncset.done $0x0  }
0xc6: {  	s1 =	simm.s32 $0x0;
	[sflag:s23] =	ssyncadd.s32 $0xFFFFFD80  }
0xc7: {  	s0 =	simm.s32 $0x40;
	v2 =	vld [tilespmem:s1+$0x2B00]  }
.LBB2_26:
0xc8: {  	p0 =	sne.s32 s0, $0x9C0;
	v3 =	vld [tilespmem:s1+$0x2880];
	_ =	sdelay $0x2  }
.Ltmp12:
0xc9: {  	(pc) =	sbr.rel @p0 .LBB2_26-.Ltmp12, $4  }
0xca: {  	_ = 	snop  }
0xcb: {  	v3 =	vadd.f32 v2, v3  }
0xcc: {  	s30 =	sshra.s32 s0, $0x2  }
0xcd: {  	s0 =	sadd.s32 $0x40, s0;
	v2 =	vld [tilespmem:s30+$0x2B00];
	[tilespmem:s1+$0x2880] =	vst v3;
	s1 =	smov.u32 s30  }
0xce: {  	v3 =	vld [tilespmem:s1+$0x2880];
	_ =	sdelay $0x4  }
0xcf: {  	v2 =	vadd.f32 v2, v3;
	_ =	sdelay $0x1  }
0xd0: {  	[tilespmem:s1+$0x2880] =	vst v2  }
0xd1: {  	[tilespmem:s29], [sflag:$0x1] =	stream.strided.gather [spmem:s16], $0x280, s26, s25, $0x38;
	[tilespmem:$0x5580] =	vst v63  }
0xd2: {  	_ =	swait.ge [sflag:s23], $0x280  }
0xd3: {  	[sflag:s23] =	ssyncset.done $0x0  }
0xd4: {  	s1 =	simm.s32 $0x0;
	[sflag:s23] =	ssyncadd.s32 $0xFFFFFD80  }
0xd5: {  	s0 =	simm.s32 $0x40;
	v2 =	vld [tilespmem:s1+$0x2B00]  }
.LBB2_28:
0xd6: {  	p0 =	sne.s32 s0, $0x9C0;
	v3 =	vld [tilespmem:s1+$0x2880];
	_ =	sdelay $0x2  }
.Ltmp13:
0xd7: {  	(pc) =	sbr.rel @p0 .LBB2_28-.Ltmp13, $4  }
0xd8: {  	_ = 	snop  }
0xd9: {  	v3 =	vadd.f32 v2, v3  }
0xda: {  	s30 =	sshra.s32 s0, $0x2  }
0xdb: {  	s0 =	sadd.s32 $0x40, s0;
	v2 =	vld [tilespmem:s30+$0x2B00];
	[tilespmem:s1+$0x2880] =	vst v3;
	s1 =	smov.u32 s30  }
0xdc: {  	v3 =	vld [tilespmem:s1+$0x2880];
	_ =	sdelay $0x4  }
0xdd: {  	v2 =	vadd.f32 v2, v3;
	_ =	sdelay $0x1  }
0xde: {  	[tilespmem:s1+$0x2880] =	vst v2  }
0xdf: {  	[tilespmem:s29], [sflag:$0x1] =	stream.strided.gather [spmem:s17], $0x280, s26, s25, $0x38;
	[tilespmem:$0x5580] =	vst v63  }
0xe0: {  	_ =	swait.ge [sflag:s23], $0x280  }
0xe1: {  	[sflag:s23] =	ssyncset.done $0x0  }
0xe2: {  	s1 =	simm.s32 $0x0;
	[sflag:s23] =	ssyncadd.s32 $0xFFFFFD80  }
0xe3: {  	s0 =	simm.s32 $0x40;
	v2 =	vld [tilespmem:s1+$0x2B00]  }
.LBB2_30:
0xe4: {  	p0 =	sne.s32 s0, $0x9C0;
	v3 =	vld [tilespmem:s1+$0x2880];
	_ =	sdelay $0x2  }
.Ltmp14:
0xe5: {  	(pc) =	sbr.rel @p0 .LBB2_30-.Ltmp14, $4  }
0xe6: {  	_ = 	snop  }
0xe7: {  	v3 =	vadd.f32 v2, v3  }
0xe8: {  	s30 =	sshra.s32 s0, $0x2  }
0xe9: {  	s0 =	sadd.s32 $0x40, s0;
	v2 =	vld [tilespmem:s30+$0x2B00];
	[tilespmem:s1+$0x2880] =	vst v3;
	s1 =	smov.u32 s30  }
0xea: {  	v3 =	vld [tilespmem:s1+$0x2880];
	_ =	sdelay $0x4  }
0xeb: {  	v2 =	vadd.f32 v2, v3;
	_ =	sdelay $0x1  }
0xec: {  	[tilespmem:s1+$0x2880] =	vst v2  }
0xed: {  	[tilespmem:s29], [sflag:$0x1] =	stream.strided.gather [spmem:s18], $0x280, s26, s25, $0x38;
	[tilespmem:$0x5580] =	vst v63  }
0xee: {  	_ =	swait.ge [sflag:s23], $0x280  }
0xef: {  	[sflag:s23] =	ssyncset.done $0x0  }
0xf0: {  	s1 =	simm.s32 $0x0;
	[sflag:s23] =	ssyncadd.s32 $0xFFFFFD80  }
0xf1: {  	s0 =	simm.s32 $0x40;
	v2 =	vld [tilespmem:s1+$0x2B00]  }
.LBB2_32:
0xf2: {  	p0 =	sne.s32 s0, $0x9C0;
	v3 =	vld [tilespmem:s1+$0x2880];
	_ =	sdelay $0x2  }
.Ltmp15:
0xf3: {  	(pc) =	sbr.rel @p0 .LBB2_32-.Ltmp15, $4  }
0xf4: {  	_ = 	snop  }
0xf5: {  	v3 =	vadd.f32 v2, v3  }
0xf6: {  	s30 =	sshra.s32 s0, $0x2  }
0xf7: {  	s0 =	sadd.s32 $0x40, s0;
	v2 =	vld [tilespmem:s30+$0x2B00];
	[tilespmem:s1+$0x2880] =	vst v3;
	s1 =	smov.u32 s30  }
0xf8: {  	v3 =	vld [tilespmem:s1+$0x2880];
	_ =	sdelay $0x4  }
0xf9: {  	v2 =	vadd.f32 v2, v3;
	_ =	sdelay $0x1  }
0xfa: {  	[tilespmem:s1+$0x2880] =	vst v2  }
0xfb: {  	[tilespmem:s29], [sflag:$0x1] =	stream.strided.gather [spmem:s19], $0x280, s26, s25, $0x38;
	[tilespmem:$0x5580] =	vst v63  }
0xfc: {  	_ =	swait.ge [sflag:s23], $0x280  }
0xfd: {  	[sflag:s23] =	ssyncset.done $0x0  }
0xfe: {  	s1 =	simm.s32 $0x0;
	[sflag:s23] =	ssyncadd.s32 $0xFFFFFD80  }
0xff: {  	s0 =	simm.s32 $0x40;
	v2 =	vld [tilespmem:s1+$0x2B00]  }
.LBB2_34:
0x100: {  	p0 =	sne.s32 s0, $0x9C0;
	v3 =	vld [tilespmem:s1+$0x2880];
	_ =	sdelay $0x2  }
.Ltmp16:
0x101: {  	(pc) =	sbr.rel @p0 .LBB2_34-.Ltmp16, $4  }
0x102: {  	_ = 	snop  }
0x103: {  	v3 =	vadd.f32 v2, v3  }
0x104: {  	s30 =	sshra.s32 s0, $0x2  }
0x105: {  	s0 =	sadd.s32 $0x40, s0;
	v2 =	vld [tilespmem:s30+$0x2B00];
	[tilespmem:s1+$0x2880] =	vst v3;
	s1 =	smov.u32 s30  }
0x106: {  	v3 =	vld [tilespmem:s1+$0x2880];
	_ =	sdelay $0x4  }
0x107: {  	s31 =	sadd.s32 $0x1, s31;
	v2 =	vadd.f32 v2, v3  }
0x108: {  	p0 =	sne.s32 s31, s20  }
.Ltmp17:
0x109: {  	s0 =	simm.s32 $0x100;
	[tilespmem:s1+$0x2880] =	vst v2;
	(pc) =	sbr.rel @p0 .LBB2_1-.Ltmp17, $4  }
0x10a: {  	[hbm4b:s24+s25] =	stream.strided.scatter [tilespmem:s28], [sflag:$0x1], $0x280, s0, s25, $0x38;
	[tilespmem:$0x5580] =	vst v63  }
0x10b: {  	_ =	swait.ge [sflag:s23], $0x280  }
0x10c: {  	[sflag:s23] =	ssyncset.done $0x0  }
0x10d: {  	[sflag:s23] =	ssyncadd.s32 $0xFFFFFD80  }
0x10e: {  	_ =	sfence.sel $0x180000  }
0x10f: {  	[bflag:$0x0] =	sbarrier.arrive $0xFFFF  }
0x110: {  	_ =	strace $0x90000047  }
0x111: {  	s0 =	stileid.u32;
	[bflag:$0x2] =	sbarrier.arrive $0xFFFF  }
0x112: {  	p0 =	sne.s32 s0, $0x0;
	s0 =	rddreg [dreg:$0x2]  }
0x113: {  	s0 =	sadd.s32 @!p0 $0x100000, s0  }
0x114: {  	[sflag:s0] =	ssyncadd.tile.s32 @!p0 $0x1;
	_ =	shalt  }
.Lfunc_end2:
_tile_overlayer_lowered:
.L_overlay_start_2:
0x115: {  	(tag) =	ssettag $0x2  }
0x116: {  	s0 =	rddreg [dreg:$0x0];
	s2 =	stileid.u32  }
0x117: {  	s1 =	rddreg [dreg:$0x1];
	p0 =	sne.s32 s2, $0x0  }
0x118: {  	s3 =	rddreg [dreg:$0x2];
	[bflag:$0x3] =	sbarrier.arrive $0xFFFF;
	s2 =	simm.s32 @!p0 $0x1C01  }
0x119: {  	[timem:s3], [sflag:s2] =	dma.local @!p0 [hbm:s0], s1  }
0x11a: {  	s0 =	simm.s32 @!p0 $0x1  }
0x11b: {  	_ =	swait.ge @!p0 [sflag:s0], s1  }
0x11c: {  	s1 =	ssub.s32 @!p0 $0x0, s1;
	[sflag:s0] =	ssyncset.done @!p0 $0x0  }
0x11d: {  	[sflag:s0] =	ssyncadd.s32 @!p0 s1  }
0x11e: {  	[bflag:$0x3] =	sbarrier.arrive $0xFFFF  }
0x11f: {  	_ =	shalt  }

// kernel: kernel.9.cloned.1.call-start
scs
__scs_entry_jumppad:
0x0: {  	(pc) =	sbr.rel $0x88, $3  }
0x1: {  	(tag) =	ssettag $0x0;
	lr =	simm.s32 $0x1  }
0x2: {  	[smem:$0x3F99] =	sst lr;
	_ =	strace $0xD0000000  }
0x3: {  	_ = 	snop  }
0x4: {  	_ = 	snop  }
0x5: {  	_ = 	snop  }
0x6: {  	_ = 	snop  }
0x7: {  	_ = 	snop  }
__scs_overlays_trampoline_lowered:
0x8: {  	[smem:$0x3FA8] =	sst s0  }
0x9: {  	[smem:$0x3FA9] =	sst s1  }
0xa: {  	[smem:$0x3FAA] =	sst s2  }
0xb: {  	[smem:$0x3FAB] =	sst s3  }
0xc: {  	[smem:$0x3FAC] =	sst s4  }
0xd: {  	[smem:$0x3FAD] =	sst s5  }
0xe: {  	[smem:$0x3FAE] =	sst s6  }
0xf: {  	[smem:$0x3FAF] =	sst s7  }
0x10: {  	[smem:$0x3FB0] =	sst s8  }
0x11: {  	[smem:$0x3FB1] =	sst s9;
	s0 =	simm.s32 @!p0 $0x0  }
0x12: {  	s1 =	sld [smem:$0x3F97];
	s0 =	simm.s32 @p0 $0x1  }
0x13: {  	[smem:$0x3FB2] =	sst s0;
	s0 =	simm.s32 @!p1 $0x0  }
0x14: {  	s2 =	sld [smem:$0x3F96];
	s0 =	simm.s32 @p1 $0x1  }
0x15: {  	[smem:$0x3FB3] =	sst s0;
	s0 =	simm.s32 @!p2 $0x0  }
0x16: {  	s3 =	sld [smem:$0x3FDB];
	s0 =	simm.s32 @p2 $0x1  }
0x17: {  	s4 =	simm.s32 $0x1BF5;
	[smem:$0x3FB5] =	sst s0  }
0x18: {  	s0 =	sld [smem:$0x3F98];
	_ =	swait.ge [sflag:s4], $0x0  }
0x19: {  	s7 =	sld [smem:$0x3F99]  }
0x1a: {  	s8 =	sadd.s32 $0xFFFFE003, lr  }
0x1b: {  	s9 =	sadd.s32 $0xFFFFFEF7, lr;
	s5 =	simm.s32 $0xFFFFFFFF;
	p2 =	slt.u32 s8, $0xFFFFF086  }
0x1c: {  	p1 =	slt.u32 s9, $0xF7A;
	s5 =	simm.s32 @!p2 $0x0  }
0x1d: {  	s5 =	simm.s32 @p1 $0x1;
	p0 =	seq.s32 s7, s2  }
0x1e: {  	s7 =	smul.u32 @!p0 $0xF7A, s2;
	p2 =	seq.s32 @!p0 s5, $0x0  }
0x1f: {  	s9 =	smul.u32 $0xF7A, s1;
	s8 =	simm.s32 @!p0 $0x1BF5;
	p2 =	por !p2, p0  }
0x20: {  	[sflag:s8] =	ssyncset.s32 @!p0 $0xFFFFF086;
	s6 =	sadd.s32 @!p0 s3, s7;
	s7 =	simm.s32 @!p0 $0x108  }
0x21: {  	s3 =	sadd.s32 s3, s9;
	s6 =	sadd.s32 @!p0 $0x88, s6;
	s7 =	simm.s32 @p2 $0x1082  }
0x22: {  	[simem:s7], [sflag:s8] =	dma.local @!p0 [hbm:s6], $0xF7A  }
0x23: {  	s9 =	sor.u32 $0xD0000000, s2;
	s6 =	simm.s32 $0x108;
	_ =	swait.ge @!p0 [sflag:s8], $0x0  }
0x24: {  	s3 =	sadd.s32 $0x88, s3;
	s6 =	simm.s32 @!p1 $0x1082;
	[sflag:s4] =	ssyncset.s32 $0xFFFFF086  }
0x25: {  	[simem:s6], [sflag:s4] =	dma.local [hbm:s3], $0xF7A  }
0x26: {  	[smem:$0x3F99] =	sst s1;
	(tag) =	ssettag s2;
	_ =	strace s9  }
0x27: {  	s1 =	sld [smem:$0x3FA9]  }
0x28: {  	s2 =	sld [smem:$0x3FAA]  }
0x29: {  	s4 =	sld [smem:$0x3FAC]  }
0x2a: {  	p0 =	seq.s32 s5, $0x0;
	s5 =	sld [smem:$0x3FAD]  }
0x2b: {  	s6 =	sld [smem:$0x3FAE]  }
0x2c: {  	s7 =	sld [smem:$0x3FAF]  }
0x2d: {  	s3 =	simm.s32 $0x108;
	s8 =	sld [smem:$0x3FB0]  }
0x2e: {  	s3 =	simm.s32 @!p0 $0x1082;
	s9 =	sld [smem:$0x3FB1]  }
0x2f: {  	lr =	sadd.s32 s0, s3;
	s0 =	sld [smem:$0x3FA8]  }
0x30: {  	s3 =	sld [smem:$0x3FAB]  }
0x31: {  	[smem:$0x3FB4] =	sst s10  }
0x32: {  	s10 =	sld [smem:$0x3FB2];
	_ =	sdelay $0x3  }
0x33: {  	p0 =	seq.s32 s10, $0x1;
	s10 =	sld [smem:$0x3FB4];
	_ =	sdelay $0x3  }
0x34: {  	[smem:$0x3FB4] =	sst s10  }
0x35: {  	s10 =	sld [smem:$0x3FB3];
	_ =	sdelay $0x3  }
0x36: {  	p1 =	seq.s32 s10, $0x1;
	s10 =	sld [smem:$0x3FB4];
	_ =	sdelay $0x3  }
0x37: {  	[smem:$0x3FB4] =	sst s10  }
0x38: {  	s10 =	sld [smem:$0x3FB5]  }
0x39: {  	_ = 	snop;
	(pc) =	sbr.ind lr, $3  }
0x3a: {  	_ = 	snop  }
0x3b: {  	_ = 	snop  }
0x3c: {  	p2 =	seq.s32 s10, $0x1;
	s10 =	sld [smem:$0x3FB4]  }
0x3d: {  	_ =	shalt  }
0x3e: {  	_ =	shalt  }
0x3f: {  	_ =	shalt  }
0x40: {  	_ =	shalt  }
0x41: {  	_ =	shalt  }
0x42: {  	_ =	shalt  }
0x43: {  	_ =	shalt  }
0x44: {  	_ =	shalt  }
0x45: {  	_ =	shalt  }
0x46: {  	_ =	shalt  }
0x47: {  	_ =	shalt  }
0x48: {  	_ =	shalt  }
0x49: {  	_ =	shalt  }
0x4a: {  	_ =	shalt  }
0x4b: {  	_ =	shalt  }
0x4c: {  	_ =	shalt  }
0x4d: {  	_ =	shalt  }
0x4e: {  	_ =	shalt  }
0x4f: {  	_ =	shalt  }
0x50: {  	_ =	shalt  }
0x51: {  	_ =	shalt  }
0x52: {  	_ =	shalt  }
0x53: {  	_ =	shalt  }
0x54: {  	_ =	shalt  }
0x55: {  	_ =	shalt  }
0x56: {  	_ =	shalt  }
0x57: {  	_ =	shalt  }
0x58: {  	_ =	shalt  }
0x59: {  	_ =	shalt  }
0x5a: {  	_ =	shalt  }
0x5b: {  	_ =	shalt  }
0x5c: {  	_ =	shalt  }
0x5d: {  	_ =	shalt  }
0x5e: {  	_ =	shalt  }
0x5f: {  	_ =	shalt  }
0x60: {  	_ =	shalt  }
0x61: {  	_ =	shalt  }
0x62: {  	_ =	shalt  }
0x63: {  	_ =	shalt  }
0x64: {  	_ =	shalt  }
0x65: {  	_ =	shalt  }
0x66: {  	_ =	shalt  }
0x67: {  	_ =	shalt  }
0x68: {  	_ =	shalt  }
0x69: {  	_ =	shalt  }
0x6a: {  	_ =	shalt  }
0x6b: {  	_ =	shalt  }
0x6c: {  	_ =	shalt  }
0x6d: {  	_ =	shalt  }
0x6e: {  	_ =	shalt  }
0x6f: {  	_ =	shalt  }
0x70: {  	_ =	shalt  }
0x71: {  	_ =	shalt  }
0x72: {  	_ =	shalt  }
0x73: {  	_ =	shalt  }
0x74: {  	_ =	shalt  }
0x75: {  	_ =	shalt  }
0x76: {  	_ =	shalt  }
0x77: {  	_ =	shalt  }
0x78: {  	_ =	shalt  }
0x79: {  	_ =	shalt  }
0x7a: {  	_ =	shalt  }
0x7b: {  	_ =	shalt  }
0x7c: {  	_ =	shalt  }
0x7d: {  	_ =	shalt  }
0x7e: {  	_ =	shalt  }
0x7f: {  	_ =	shalt  }
0x80: {  	_ =	shalt  }
0x81: {  	_ =	shalt  }
0x82: {  	_ =	shalt  }
0x83: {  	_ =	shalt  }
0x84: {  	_ =	shalt  }
0x85: {  	_ =	shalt  }
0x86: {  	_ =	shalt  }
0x87: {  	_ =	shalt  }
.Lfunc_end0:
.L_simem_size_0:
called_computation.1_lowered:
.L_overlay_start_0:
0x88: {  	s2 =	sld [smem:$0x3FD9]  }
0x89: {  	s3 =	sld [smem:$0x3FFE];
	_ =	sdelay $0x1  }
0x8a: {  	s1 =	srdreg.scid  }
0x8b: {  	s0 =	sand.u32 $0x1, s1  }
0x8c: {  	s16 =	sshll.u32 s0, $0xA;
	s2 =	sadd.s32 s3, s2  }
0x8d: {  	s2 =	sadd.s32 s2, s16  }
0x8e: {  	[smem:$0x3FC0] =	sst s2  }
0x8f: {  	_ = 	snop  }
0x90: {  	(tm) =	ssettm $0x1  }
0x91: {  	s17 =	sld [smem:$0x3FFB];
	_ =	sdelay $0x3  }
0x92: {  	_ =	strace s17  }
0x93: {  	s2 =	sld [smem:$0x3FFC];
	_ =	sdelay $0x3  }
0x94: {  	_ =	strace s2  }
0x95: {  	s2 =	sld [smem:$0x3FFD];
	_ =	sdelay $0x3  }
0x96: {  	_ =	strace s2  }
0x97: {  	_ =	strace $0x8FFFFFFF  }
0x98: {  	s18 =	sld [smem:$0x3FDB];
	_ =	sdelay $0x1  }
0x99: {  	s19 =	simm.s32 $_scs_section_size  }
0x9a: {  	s4 =	simm.s32 $_size__tile_overlayer_lowered;
	s5 =	simm.s32 $_tile_overlayer_lowered  }
0x9b: {  	s22 =	simm.s32 $0x1BFF;
	s21 =	sshll.u32 s5, $0x1;
	s2 =	sadd.s32 s19, s18  }
0x9c: {  	s6 =	simm.s32 $0x0;
	s20 =	sshll.u32 s4, $0x1;
	s4 =	sadd.s32 s21, s2  }
0x9d: {  	[timem:s6], [sflag:s22] =	dma.local [hbm:s4], s20  }
0x9e: {  	_ =	swait.ge [sflag:s22], s20  }
0x9f: {  	s3 =	ssub.s32 $0x0, s20;
	[sflag:s22] =	ssyncset.done $0x0  }
0xa0: {  	[sflag:s22] =	ssyncadd.s32 s3;
	_ =	sdelay $0x1  }
0xa1: {  	s23 =	simm.s32 $0x1B8B  }
0xa2: {  	_ =	swait.ge [sflag:s23], $0x1  }
0xa3: {  	[sflag:s23] =	ssyncset.done $0x0  }
0xa4: {  	s25 =	simm.s32 $0x1B8E;
	s24 =	sld [smem:$0x3FFE];
	[sflag:s23] =	ssyncadd.s32 $0xFFFFFFFF  }
0xa5: {  	s26 =	simm.s32 $execute0_lowered;
	[smem:$0x3FD2] =	sst s25  }
0xa6: {  	s4 =	sshll.u32 s26, $0x1;
	_ =	strace $0x80000049;
	[dreg:$0x1] =	wrdreg $0xFFFFFFFF  }
0xa7: {  	s28 =	simm.s32 $_size_execute0_lowered;
	s2 =	sadd.s32 s2, s4;
	[dreg:$0x0] =	wrdreg $0x0  }
0xa8: {  	s4 =	sshll.u32 s28, $0x1;
	[dreg:$0x2] =	wrdreg s2  }
0xa9: {  	[dreg:$0x3] =	wrdreg s4  }
0xaa: {  	[dreg:$0x4] =	wrdreg $0xC0  }
0xab: {  	_ =	task [dreg:s6], $0x5FFFF  }
0xac: {  	[dreg:$0x1] =	wrdreg $0xFFFFFFFF  }
0xad: {  	[dreg:$0x0] =	wrdreg $0x60  }
0xae: {  	[dreg:$0x2] =	wrdreg s24  }
0xaf: {  	[dreg:$0x3] =	wrdreg $0x7D800  }
0xb0: {  	[dreg:$0x4] =	wrdreg $0x1BD800  }
0xb1: {  	[dreg:$0x5] =	wrdreg $0x9  }
0xb2: {  	_ =	task.clear_ibuf [dreg:s6], $0x6FFFF;
	_ =	strace $0x90000049  }
0xb3: {  	s29 =	simm.s32 $0x9;
	_ =	strace $0x8000004B  }
0xb4: {  	_ =	swait.ge [sflag:s29], $0x1  }
0xb5: {  	[sflag:s29] =	ssyncadd.s32 $0xFFFFFFFF  }
0xb6: {  	_ =	strace $0x9000004B  }
0xb7: {  	_ =	sfence  }
0xb8: {  	s30 =	sld [smem:$0x0];
	_ =	sdelay $0x2  }
0xb9: {  	s31 =	sshll.u32 s1, $0xD;
	s1 =	sshrl.u32 s1, $0x2  }
0xba: {  	s3 =	sand.u32 $0x4000, s31;
	s1 =	sadd.s32 s1, s30  }
0xbb: {  	s0 =	sor.u32 s3, s0;
	s1 =	sshll.u32 s1, $0x11  }
0xbc: {  	s0 =	sor.u32 s1, s0  }
0xbd: {  	s0 =	sadd.s32 $0x8F2B, s0  }
0xbe: {  	[sflag:s0] =	ssyncadd.remote.s32 $0x1  }
0xbf: {  	_ =	sfence.sel $0xFFFF  }
0xc0: {  	[dreg:$0x0] =	wrdreg $0xFFFFFFFF;
	(pc) =	sbr.abs _section_cstart, $3  }
0xc1: {  	[dreg:$0x1] =	wrdreg $0xFFFFFFFF  }
0xc2: {  	_ =	task.clear_ibuf [dreg:s6], $0x2FFFF;
	_ =	strace $0x9FFFFFFF  }
0xc3: {  	(tm) =	ssettm $0x7FFFFFFF  }
tec
execute0_lowered:
.L_overlay_start_1:
0x0: {  	(tag) =	ssettag $0x1  }
0x1: {  	s0 =	rddreg [dreg:$0x0]  }
0x2: {  	s1 =	rddreg [dreg:$0x1]  }
0x3: {  	s2 =	rddreg [dreg:$0x2];
	s3 =	srdreg.scid  }
0x4: {  	s13 =	stileid.u32;
	s6 =	sand.u32 $0x1, s3;
	s3 =	simm.s32 $0x0  }
0x5: {  	s8 =	smul.u32 $0x14000, s13;
	s4 =	sadd.s32 $0xBE00, s0;
	s5 =	sadd.s32 $0x2000, s0  }
0x6: {  	s18 =	sadd.s32 $0x3CE00, s0;
	s9 =	smul.u32 $0x50000, s13;
	s12 =	sshll.u32 s13, $0x1  }
0x7: {  	s26 =	sshrl.u32 s13, $0x3;
	s14 =	smul.u32 $0x5000, s13;
	s17 =	sshll.u32 s13, $0x7  }
0x8: {  	s7 =	smul.u32 $0x140000, s6;
	[smem:$0x7FF] =	sst s3;
	s20 =	sshll.u32 s6, $0x4  }
0x9: {  	s11 =	ssub.s32 $0x2, s6;
	s6 =	sor.u32 s6, s12;
	s12 =	simm.s32 $0x3  }
0xa: {  	_ =	strace $0x8000004A;
	[dreg:$0x4] =	wrdreg s18;
	s21 =	sshrl.u32 s9, $0x2  }
0xb: {  	s22 =	sshrl.u32 s11, $0x1;
	s7 =	sadd.s32 s8, s7;
	s8 =	sadd.s32 s21, s1  }
0xc: {  	s16 =	smul.u32 $0x2710, s6;
	s6 =	sand.u32 $0x380, s17;
	s23 =	sadd.s32 $0x2800, s8  }
0xd: {  	s17 =	simm.s32 $0x50;
	s24 =	sadd.s32 $0x5000, s8;
	[dreg:$0x5] =	wrdreg s23  }
0xe: {  	s9 =	ssub.s32 s11, s22;
	s25 =	sadd.s32 $0x7800, s8;
	[dreg:$0x6] =	wrdreg s24  }
0xf: {  	s11 =	smul.u32 $0x50000, s26;
	s28 =	sadd.s32 $0xA000, s8;
	[dreg:$0x7] =	wrdreg s25  }
0x10: {  	s19 =	sshrl.u32 s7, $0x3;
	s29 =	sadd.s32 $0xC800, s8;
	[dreg:$0x8] =	wrdreg s28  }
0x11: {  	s7 =	sadd.s32 $0x15C00, s0;
	s30 =	sadd.s32 $0xF000, s8;
	[dreg:$0x9] =	wrdreg s29  }
0x12: {  	s31 =	sadd.s32 $0x11800, s8;
	s10 =	sadd.s32 s19, s0;
	[dreg:$0xa] =	wrdreg s30  }
0x13: {  	s0 =	sadd.s32 s20, s0;
	[dreg:$0xb] =	wrdreg s31;
	s18 =	sshrl.u32 s11, $0x2  }
0x14: {  	s19 =	sshrl.u32 s14, $0x2;
	s20 =	smul.u32 $0xA0, s13;
	s25 =	smax.u32 s9, $0x1  }
0x15: {  	s15 =	sadd.s32 $0x3D400, s10;
	s10 =	sadd.s32 s18, s2;
	[dreg:$0x13] =	wrdreg s25  }
0x16: {  	s18 =	sadd.s32 s19, s2;
	[dreg:$0xc] =	wrdreg s15;
	s6 =	sadd.s32 s6, s10  }
0x17: {  	s13 =	simm.s32 $0x5080;
	s21 =	sadd.s32 $0x80, s18;
	[dreg:$0xd] =	wrdreg s6  }
0x18: {  	s14 =	simm.s32 $0x4F80;
	s22 =	sadd.s32 $0x100, s18;
	[dreg:$0xe] =	wrdreg s21  }
0x19: {  	s0 =	sadd.s32 $0x8D400, s0;
	s23 =	sadd.s32 $0x180, s18;
	[dreg:$0xf] =	wrdreg s22  }
0x1a: {  	s19 =	simm.s32 $0x1;
	s0 =	sadd.s32 s20, s0;
	[dreg:$0x10] =	wrdreg s23  }
0x1b: {  	s25 =	simm.s32 $0x7B00;
	s24 =	sadd.s32 $0x200, s18;
	[dreg:$0x11] =	wrdreg s0  }
0x1c: {  	s26 =	sadd.s32 $0x280, s18;
	s28 =	sadd.s32 $0x300, s18;
	[dreg:$0x12] =	wrdreg s24  }
0x1d: {  	s29 =	sadd.s32 $0x380, s18;
	s30 =	sadd.s32 $0x14000, s18;
	[dreg:$0x14] =	wrdreg s26  }
0x1e: {  	s31 =	sadd.s32 $0x14080, s18;
	s2 =	sadd.s32 $0x14180, s18;
	[dreg:$0x15] =	wrdreg s28  }
0x1f: {  	s9 =	sadd.s32 $0x14280, s18;
	s10 =	sadd.s32 $0x14300, s18;
	[dreg:$0x16] =	wrdreg s29  }
0x20: {  	s11 =	sadd.s32 $0x14380, s18;
	s15 =	simm.s32 $0x5000;
	[dreg:$0x17] =	wrdreg s30  }
0x21: {  	s20 =	simm.s32 $0x2780;
	[dreg:$0x18] =	wrdreg s31;
	s0 =	sadd.s32 $0x14100, s18  }
0x22: {  	s6 =	sadd.s32 $0x14200, s18;
	s21 =	simm.s32 $0x2;
	s22 =	simm.s32 $0x80  }
0x23: {  	v0 =	vimm.f32 $0.0e+00;
	s23 =	simm.s32 $0x400;
	s24 =	simm.s32 $0x7880;
	s26 =	simm.s32 $0x0  }
.LBB2_1:
0x24: {  	s28 =	rddreg [dreg:$0x4]  }
0x25: {  	[tilespmem:s3], [sflag:$0x3] =	stream.linear.gather [hbm4b:s28+s3], $0x2780, $0x38;
	[tilespmem:$0x1E580] =	vst v63  }
0x26: {  	_ =	swait.ge [sflag:s12], $0x2780  }
0x27: {  	[sflag:s12] =	ssyncset.done $0x0  }
0x28: {  	s28 =	simm.s32 $0x0;
	[sflag:s12] =	ssyncadd.s32 $0xFFFFD880  }
.LBB2_2:
0x29: {  	p0 =	sne.s32 s28, $0x9FC0  }
.Ltmp0:
0x2a: {  	_ = 	snop;
	(pc) =	sbr.rel @p0 .LBB2_2-.Ltmp0, $3  }
0x2b: {  	_ =	sdelay $0x1  }
0x2c: {  	s29 =	sshra.s32 s28, $0x2  }
0x2d: {  	s28 =	sadd.s32 $0x40, s28;
	[tilespmem:s29+$0x2780] =	vst v0  }
0x2e: {  	s28 =	simm.s32 $0x0;
	s29 =	simm.s32 $0x200  }
.LBB2_4:
0x2f: {  	p0 =	sne.s32 s29, $0x9E00;
	[tilespmem:s28+$0x50F0] =	vst v0  }
0x30: {  	[tilespmem:s28+$0x5080] =	vst v0  }
0x31: {  	[tilespmem:s28+$0x5090] =	vst v0  }
.Ltmp1:
0x32: {  	[tilespmem:s28+$0x50A0] =	vst v0;
	(pc) =	sbr.rel @p0 .LBB2_4-.Ltmp1, $4  }
0x33: {  	[tilespmem:s28+$0x50B0] =	vst v0  }
0x34: {  	[tilespmem:s28+$0x50C0] =	vst v0  }
0x35: {  	[tilespmem:s28+$0x50D0] =	vst v0  }
0x36: {  	[tilespmem:s28+$0x50E0] =	vst v0;
	s28 =	sshra.s32 s29, $0x2;
	s29 =	sadd.s32 $0x200, s29  }
0x37: {  	[tilespmem:s28+$0x50F0] =	vst v0  }
0x38: {  	[tilespmem:s28+$0x5080] =	vst v0  }
0x39: {  	[tilespmem:s28+$0x5090] =	vst v0  }
0x3a: {  	[tilespmem:s28+$0x50A0] =	vst v0  }
0x3b: {  	[tilespmem:s28+$0x50B0] =	vst v0  }
0x3c: {  	[tilespmem:s28+$0x50C0] =	vst v0  }
0x3d: {  	[tilespmem:s28+$0x50D0] =	vst v0  }
0x3e: {  	[tilespmem:s28+$0x50E0] =	vst v0  }
0x3f: {  	[spmem:s8] =	stream.linear.scatter [tilespmem:s13], [sflag:$0x3], $0x2800, $0x38;
	[tilespmem:$0x1E580] =	vst v63  }
0x40: {  	_ =	swait.ge [sflag:s12], $0x2800  }
0x41: {  	[sflag:s12] =	ssyncset.done $0x0  }
0x42: {  	s28 =	rddreg [dreg:$0x5];
	[sflag:s12] =	ssyncadd.s32 $0xFFFFD800  }
0x43: {  	[spmem:s28] =	stream.linear.scatter [tilespmem:s13], [sflag:$0x3], $0x2800, $0x38;
	[tilespmem:$0x1E580] =	vst v63  }
0x44: {  	_ =	swait.ge [sflag:s12], $0x2800  }
0x45: {  	[sflag:s12] =	ssyncset.done $0x0  }
0x46: {  	s28 =	rddreg [dreg:$0x6];
	[sflag:s12] =	ssyncadd.s32 $0xFFFFD800  }
0x47: {  	[spmem:s28] =	stream.linear.scatter [tilespmem:s13], [sflag:$0x3], $0x2800, $0x38;
	[tilespmem:$0x1E580] =	vst v63  }
0x48: {  	_ =	swait.ge [sflag:s12], $0x2800  }
0x49: {  	[sflag:s12] =	ssyncset.done $0x0  }
0x4a: {  	s28 =	rddreg [dreg:$0x7];
	[sflag:s12] =	ssyncadd.s32 $0xFFFFD800  }
0x4b: {  	[spmem:s28] =	stream.linear.scatter [tilespmem:s13], [sflag:$0x3], $0x2800, $0x38;
	[tilespmem:$0x1E580] =	vst v63  }
0x4c: {  	_ =	swait.ge [sflag:s12], $0x2800  }
0x4d: {  	[sflag:s12] =	ssyncset.done $0x0  }
0x4e: {  	s28 =	rddreg [dreg:$0x8];
	[sflag:s12] =	ssyncadd.s32 $0xFFFFD800  }
0x4f: {  	[spmem:s28] =	stream.linear.scatter [tilespmem:s13], [sflag:$0x3], $0x2800, $0x38;
	[tilespmem:$0x1E580] =	vst v63  }
0x50: {  	_ =	swait.ge [sflag:s12], $0x2800  }
0x51: {  	[sflag:s12] =	ssyncset.done $0x0  }
0x52: {  	s28 =	rddreg [dreg:$0x9];
	[sflag:s12] =	ssyncadd.s32 $0xFFFFD800  }
0x53: {  	[spmem:s28] =	stream.linear.scatter [tilespmem:s13], [sflag:$0x3], $0x2800, $0x38;
	[tilespmem:$0x1E580] =	vst v63  }
0x54: {  	_ =	swait.ge [sflag:s12], $0x2800  }
0x55: {  	[sflag:s12] =	ssyncset.done $0x0  }
0x56: {  	s28 =	rddreg [dreg:$0xa];
	[sflag:s12] =	ssyncadd.s32 $0xFFFFD800  }
0x57: {  	[spmem:s28] =	stream.linear.scatter [tilespmem:s13], [sflag:$0x3], $0x2800, $0x38;
	[tilespmem:$0x1E580] =	vst v63  }
0x58: {  	_ =	swait.ge [sflag:s12], $0x2800  }
0x59: {  	[sflag:s12] =	ssyncset.done $0x0  }
0x5a: {  	s28 =	rddreg [dreg:$0xb];
	[sflag:s12] =	ssyncadd.s32 $0xFFFFD800  }
0x5b: {  	[spmem:s28] =	stream.linear.scatter [tilespmem:s13], [sflag:$0x3], $0x2800, $0x38;
	[tilespmem:$0x1E580] =	vst v63  }
0x5c: {  	_ =	swait.ge [sflag:s12], $0x2800  }
0x5d: {  	[sflag:s12] =	ssyncset.done $0x0  }
0x5e: {  	[sflag:s12] =	ssyncadd.s32 $0xFFFFD800  }
0x5f: {  	s29 =	simm.s32 $0x0;
	s28 =	simm.s32 $0x0;
	[bflag:$0x0] =	sbarrier.arrive $0xFFFF  }
.LBB2_6:
0x60: {  	s30 =	smul.u32 $0x50, s29;
	_ =	sdelay $0x1  }
0x61: {  	s30 =	sadd.s32 s16, s30  }
0x62: {  	s30 =	sshrl.u32 s30, $0x3  }
0x63: {  	s31 =	sadd.s32 s4, s30  }
0x64: {  	[tilespmem:s14], [sflag:$0x3] =	stream.linear.gather [hbm4b:s31+s28], $0x50, $0x38;
	[tilespmem:$0x1E580] =	vst v63  }
0x65: {  	_ =	swait.ge [sflag:s12], $0x50  }
0x66: {  	[sflag:s12] =	ssyncset.done $0x0  }
0x67: {  	s30 =	sadd.s32 s5, s30;
	[sflag:s12] =	ssyncadd.s32 $0xFFFFFFB0  }
0x68: {  	[tilespmem:s15], [sflag:$0x3] =	stream.linear.gather [hbm4b:s30+s28], $0x50, $0x38;
	[tilespmem:$0x1E580] =	vst v63  }
0x69: {  	_ =	swait.ge [sflag:s12], $0x50  }
0x6a: {  	[sflag:s12] =	ssyncset.done $0x0  }
0x6b: {  	[sflag:s12] =	ssyncadd.s32 $0xFFFFFFB0  }
0x6c: {  	[tilespmem:s13], [sflag:$0x1] =	stream.indirect.gather [hbm4b:s7+s17], $0x80, s14, s17, $0xb8;
	[tilespmem:$0x1E580] =	vst v63  }
0x6d: {  	_ =	swait.ge [sflag:s19], $0x2800  }
0x6e: {  	[sflag:s19] =	ssyncset.done $0x0  }
0x6f: {  	s30 =	simm.s32 $0x0;
	[sflag:s19] =	ssyncadd.s32 $0xFFFFD800  }
.LBB2_7:
0x70: {  	s31 =	sshll.u32 s30, $0x4  }
0x71: {  	v1 =	vld [tilespmem:s31+$0x5000];
	_ =	sdelay $0x4  }
0x72: {  	v2 =	vld [tilespmem:s31+$0x4F80];
	_ =	sdelay $0x2  }
0x73: {  	v1 =	vld.idx.msk [tilespmem:v1+s3+$0x0], $0xffff;
	_ =	sdelay $0x3  }
0x74: {  	s31 =	sshll.u32 s30, $0xB  }
0x75: {  	s31 =	sand.u32 $0x3FFFF800, s31;
	[tilespmem:v2+s20+$0x0] =	vst.idx.add.f32.msk $0xffff, v1  }
0x76: {  	v2 =	vld [tilespmem:s31+$0x5080]  }
0x77: {  	v3 =	vld [tilespmem:s31+$0x5090]  }
0x78: {  	v4 =	vld [tilespmem:s31+$0x50A0]  }
0x79: {  	v5 =	vbroadcast v1, $0x0;
	v6 =	vld [tilespmem:s31+$0x50B0]  }
0x7a: {  	v7 =	vld [tilespmem:s31+$0x50C0]  }
0x7b: {  	v8 =	vld [tilespmem:s31+$0x50D0];
	v2 =	vmul.f32 v2, v5  }
0x7c: {  	v9 =	vld [tilespmem:s31+$0x50E0];
	v3 =	vmul.f32 v3, v5  }
0x7d: {  	v34 =	vld [tilespmem:s31+$0x50F0];
	[tilespmem:s31+$0x5080] =	vst v2;
	v2 =	vmul.f32 v4, v5  }
0x7e: {  	v35 =	vld [tilespmem:s31+$0x5100];
	[tilespmem:s31+$0x5090] =	vst v3;
	v3 =	vmul.f32 v6, v5  }
0x7f: {  	v36 =	vld [tilespmem:s31+$0x5110];
	[tilespmem:s31+$0x50A0] =	vst v2;
	v2 =	vmul.f32 v7, v5  }
0x80: {  	v37 =	vld [tilespmem:s31+$0x5120];
	[tilespmem:s31+$0x50B0] =	vst v3;
	v3 =	vmul.f32 v8, v5  }
0x81: {  	v38 =	vbroadcast v1, $0x1;
	v10 =	vld [tilespmem:s31+$0x5130];
	[tilespmem:s31+$0x50C0] =	vst v2;
	v2 =	vmul.f32 v9, v5  }
0x82: {  	v39 =	vld [tilespmem:s31+$0x5140];
	[tilespmem:s31+$0x50D0] =	vst v3;
	v3 =	vmul.f32 v34, v5  }
0x83: {  	v40 =	vld [tilespmem:s31+$0x5150];
	[tilespmem:s31+$0x50E0] =	vst v2;
	v2 =	vmul.f32 v35, v38  }
0x84: {  	v41 =	vld [tilespmem:s31+$0x5160];
	[tilespmem:s31+$0x50F0] =	vst v3;
	v3 =	vmul.f32 v36, v38  }
0x85: {  	v42 =	vld [tilespmem:s31+$0x5170];
	[tilespmem:s31+$0x5100] =	vst v2;
	v2 =	vmul.f32 v37, v38  }
0x86: {  	v43 =	vld [tilespmem:s31+$0x5180];
	[tilespmem:s31+$0x5110] =	vst v3;
	v3 =	vmul.f32 v10, v38  }
0x87: {  	v44 =	vld [tilespmem:s31+$0x5190];
	[tilespmem:s31+$0x5120] =	vst v2;
	v2 =	vmul.f32 v39, v38  }
0x88: {  	v45 =	vld [tilespmem:s31+$0x51A0];
	[tilespmem:s31+$0x5130] =	vst v3;
	v3 =	vmul.f32 v40, v38  }
0x89: {  	v46 =	vbroadcast v1, $0x2;
	v47 =	vld [tilespmem:s31+$0x51B0];
	[tilespmem:s31+$0x5140] =	vst v2;
	v2 =	vmul.f32 v41, v38  }
0x8a: {  	v48 =	vld [tilespmem:s31+$0x51C0];
	[tilespmem:s31+$0x5150] =	vst v3;
	v3 =	vmul.f32 v42, v38  }
0x8b: {  	v49 =	vld [tilespmem:s31+$0x51D0];
	[tilespmem:s31+$0x5160] =	vst v2;
	v2 =	vmul.f32 v43, v46  }
0x8c: {  	v50 =	vld [tilespmem:s31+$0x51E0];
	[tilespmem:s31+$0x5170] =	vst v3;
	v3 =	vmul.f32 v44, v46  }
0x8d: {  	v51 =	vld [tilespmem:s31+$0x51F0];
	[tilespmem:s31+$0x5180] =	vst v2;
	v2 =	vmul.f32 v45, v46  }
0x8e: {  	v52 =	vld [tilespmem:s31+$0x5200];
	[tilespmem:s31+$0x5190] =	vst v3;
	v3 =	vmul.f32 v47, v46  }
0x8f: {  	v53 =	vld [tilespmem:s31+$0x5210];
	[tilespmem:s31+$0x51A0] =	vst v2;
	v2 =	vmul.f32 v48, v46  }
0x90: {  	v54 =	vld [tilespmem:s31+$0x5220];
	[tilespmem:s31+$0x51B0] =	vst v3;
	v3 =	vmul.f32 v49, v46  }
0x91: {  	v55 =	vbroadcast v1, $0x3;
	v56 =	vld [tilespmem:s31+$0x5230];
	[tilespmem:s31+$0x51C0] =	vst v2;
	v2 =	vmul.f32 v50, v46  }
0x92: {  	v57 =	vld [tilespmem:s31+$0x5240];
	[tilespmem:s31+$0x51D0] =	vst v3;
	v3 =	vmul.f32 v51, v46  }
0x93: {  	v58 =	vld [tilespmem:s31+$0x5250];
	[tilespmem:s31+$0x51E0] =	vst v2;
	v2 =	vmul.f32 v52, v55  }
0x94: {  	v59 =	vld [tilespmem:s31+$0x5260];
	[tilespmem:s31+$0x51F0] =	vst v3;
	v3 =	vmul.f32 v53, v55  }
0x95: {  	v60 =	vld [tilespmem:s31+$0x5270];
	[tilespmem:s31+$0x5200] =	vst v2;
	v2 =	vmul.f32 v54, v55  }
0x96: {  	v61 =	vld [tilespmem:s31+$0x5280];
	[tilespmem:s31+$0x5210] =	vst v3;
	v3 =	vmul.f32 v56, v55  }
0x97: {  	v62 =	vld [tilespmem:s31+$0x5290];
	[tilespmem:s31+$0x5220] =	vst v2;
	v2 =	vmul.f32 v57, v55  }
0x98: {  	v63 =	vld [tilespmem:s31+$0x52A0];
	[tilespmem:s31+$0x5230] =	vst v3;
	v3 =	vmul.f32 v58, v55  }
0x99: {  	v12 =	vbroadcast v1, $0x4;
	v13 =	vld [tilespmem:s31+$0x52B0];
	[tilespmem:s31+$0x5240] =	vst v2;
	v2 =	vmul.f32 v59, v55  }
0x9a: {  	v14 =	vld [tilespmem:s31+$0x52C0];
	[tilespmem:s31+$0x5250] =	vst v3;
	v3 =	vmul.f32 v60, v55  }
0x9b: {  	v15 =	vld [tilespmem:s31+$0x52D0];
	[tilespmem:s31+$0x5260] =	vst v2;
	v2 =	vmul.f32 v61, v12  }
0x9c: {  	v16 =	vld [tilespmem:s31+$0x52E0];
	[tilespmem:s31+$0x5270] =	vst v3;
	v3 =	vmul.f32 v62, v12  }
0x9d: {  	v17 =	vld [tilespmem:s31+$0x52F0];
	[tilespmem:s31+$0x5280] =	vst v2;
	v2 =	vmul.f32 v63, v12  }
0x9e: {  	v18 =	vld [tilespmem:s31+$0x5300];
	[tilespmem:s31+$0x5290] =	vst v3;
	v3 =	vmul.f32 v13, v12  }
0x9f: {  	v19 =	vld [tilespmem:s31+$0x5310];
	[tilespmem:s31+$0x52A0] =	vst v2;
	v2 =	vmul.f32 v14, v12  }
0xa0: {  	v20 =	vld [tilespmem:s31+$0x5320];
	[tilespmem:s31+$0x52B0] =	vst v3;
	v3 =	vmul.f32 v15, v12  }
0xa1: {  	v21 =	vbroadcast v1, $0x5;
	v22 =	vld [tilespmem:s31+$0x5330];
	[tilespmem:s31+$0x52C0] =	vst v2;
	v2 =	vmul.f32 v16, v12  }
0xa2: {  	v23 =	vld [tilespmem:s31+$0x5340];
	[tilespmem:s31+$0x52D0] =	vst v3;
	v3 =	vmul.f32 v17, v12  }
0xa3: {  	v24 =	vld [tilespmem:s31+$0x5350];
	[tilespmem:s31+$0x52E0] =	vst v2;
	v2 =	vmul.f32 v18, v21  }
0xa4: {  	v25 =	vld [tilespmem:s31+$0x5360];
	[tilespmem:s31+$0x52F0] =	vst v3;
	v3 =	vmul.f32 v19, v21  }
0xa5: {  	v26 =	vld [tilespmem:s31+$0x5370];
	[tilespmem:s31+$0x5300] =	vst v2;
	v2 =	vmul.f32 v20, v21  }
0xa6: {  	v27 =	vld [tilespmem:s31+$0x5380];
	[tilespmem:s31+$0x5310] =	vst v3;
	v3 =	vmul.f32 v22, v21  }
0xa7: {  	v28 =	vld [tilespmem:s31+$0x5390];
	[tilespmem:s31+$0x5320] =	vst v2;
	v2 =	vmul.f32 v23, v21  }
0xa8: {  	v29 =	vld [tilespmem:s31+$0x53A0];
	[tilespmem:s31+$0x5330] =	vst v3;
	v3 =	vmul.f32 v24, v21  }
0xa9: {  	v30 =	vbroadcast v1, $0x6;
	v31 =	vld [tilespmem:s31+$0x53B0];
	[tilespmem:s31+$0x5340] =	vst v2;
	v2 =	vmul.f32 v25, v21  }
0xaa: {  	v32 =	vld [tilespmem:s31+$0x53C0];
	[tilespmem:s31+$0x5350] =	vst v3;
	v3 =	vmul.f32 v26, v21  }
0xab: {  	v33 =	vld [tilespmem:s31+$0x53D0];
	[tilespmem:s31+$0x5360] =	vst v2;
	v2 =	vmul.f32 v27, v30  }
0xac: {  	v34 =	vld [tilespmem:s31+$0x53E0];
	[tilespmem:s31+$0x5370] =	vst v3;
	v3 =	vmul.f32 v28, v30  }
0xad: {  	v35 =	vld [tilespmem:s31+$0x53F0];
	[tilespmem:s31+$0x5380] =	vst v2;
	v2 =	vmul.f32 v29, v30  }
0xae: {  	v36 =	vld [tilespmem:s31+$0x5400];
	[tilespmem:s31+$0x5390] =	vst v3;
	v3 =	vmul.f32 v31, v30  }
0xaf: {  	v37 =	vld [tilespmem:s31+$0x5410];
	[tilespmem:s31+$0x53A0] =	vst v2;
	v2 =	vmul.f32 v32, v30  }
0xb0: {  	v38 =	vld [tilespmem:s31+$0x5420];
	[tilespmem:s31+$0x53B0] =	vst v3;
	v3 =	vmul.f32 v33, v30  }
0xb1: {  	v39 =	vbroadcast v1, $0x7;
	v40 =	vld [tilespmem:s31+$0x5430];
	[tilespmem:s31+$0x53C0] =	vst v2;
	v2 =	vmul.f32 v34, v30  }
0xb2: {  	v41 =	vld [tilespmem:s31+$0x5440];
	[tilespmem:s31+$0x53D0] =	vst v3;
	v3 =	vmul.f32 v35, v30  }
0xb3: {  	v42 =	vld [tilespmem:s31+$0x5450];
	[tilespmem:s31+$0x53E0] =	vst v2;
	v2 =	vmul.f32 v36, v39  }
0xb4: {  	v43 =	vld [tilespmem:s31+$0x5460];
	[tilespmem:s31+$0x53F0] =	vst v3;
	v3 =	vmul.f32 v37, v39  }
0xb5: {  	v44 =	vld [tilespmem:s31+$0x5470];
	[tilespmem:s31+$0x5400] =	vst v2;
	v2 =	vmul.f32 v38, v39  }
0xb6: {  	v45 =	vld [tilespmem:s31+$0x5480];
	[tilespmem:s31+$0x5410] =	vst v3;
	v3 =	vmul.f32 v40, v39  }
0xb7: {  	v46 =	vld [tilespmem:s31+$0x5490];
	[tilespmem:s31+$0x5420] =	vst v2;
	v2 =	vmul.f32 v41, v39  }
0xb8: {  	v47 =	vld [tilespmem:s31+$0x54A0];
	[tilespmem:s31+$0x5430] =	vst v3;
	v3 =	vmul.f32 v42, v39  }
0xb9: {  	v48 =	vbroadcast v1, $0x8;
	v49 =	vld [tilespmem:s31+$0x54B0];
	[tilespmem:s31+$0x5440] =	vst v2;
	v2 =	vmul.f32 v43, v39  }
0xba: {  	v50 =	vld [tilespmem:s31+$0x54C0];
	[tilespmem:s31+$0x5450] =	vst v3;
	v3 =	vmul.f32 v44, v39  }
0xbb: {  	v51 =	vld [tilespmem:s31+$0x54D0];
	[tilespmem:s31+$0x5460] =	vst v2;
	v2 =	vmul.f32 v45, v48  }
0xbc: {  	v52 =	vld [tilespmem:s31+$0x54E0];
	[tilespmem:s31+$0x5470] =	vst v3;
	v3 =	vmul.f32 v46, v48  }
0xbd: {  	v53 =	vld [tilespmem:s31+$0x54F0];
	[tilespmem:s31+$0x5480] =	vst v2;
	v2 =	vmul.f32 v47, v48  }
0xbe: {  	v54 =	vld [tilespmem:s31+$0x5500];
	[tilespmem:s31+$0x5490] =	vst v3;
	v3 =	vmul.f32 v49, v48  }
0xbf: {  	v55 =	vld [tilespmem:s31+$0x5510];
	[tilespmem:s31+$0x54A0] =	vst v2;
	v2 =	vmul.f32 v50, v48  }
0xc0: {  	v56 =	vld [tilespmem:s31+$0x5520];
	[tilespmem:s31+$0x54B0] =	vst v3;
	v3 =	vmul.f32 v51, v48  }
0xc1: {  	v57 =	vbroadcast v1, $0x9;
	v58 =	vld [tilespmem:s31+$0x5530];
	[tilespmem:s31+$0x54C0] =	vst v2;
	v2 =	vmul.f32 v52, v48  }
0xc2: {  	v59 =	vld [tilespmem:s31+$0x5540];
	[tilespmem:s31+$0x54D0] =	vst v3;
	v3 =	vmul.f32 v53, v48  }
0xc3: {  	v60 =	vld [tilespmem:s31+$0x5550];
	[tilespmem:s31+$0x54E0] =	vst v2;
	v2 =	vmul.f32 v54, v57  }
0xc4: {  	v61 =	vld [tilespmem:s31+$0x5560];
	[tilespmem:s31+$0x54F0] =	vst v3;
	v3 =	vmul.f32 v55, v57  }
0xc5: {  	v62 =	vld [tilespmem:s31+$0x5570];
	[tilespmem:s31+$0x5500] =	vst v2;
	v2 =	vmul.f32 v56, v57  }
0xc6: {  	v63 =	vld [tilespmem:s31+$0x5580];
	[tilespmem:s31+$0x5510] =	vst v3;
	v3 =	vmul.f32 v58, v57  }
0xc7: {  	v12 =	vld [tilespmem:s31+$0x5590];
	[tilespmem:s31+$0x5520] =	vst v2;
	v2 =	vmul.f32 v59, v57  }
0xc8: {  	v13 =	vld [tilespmem:s31+$0x55A0];
	[tilespmem:s31+$0x5530] =	vst v3;
	v3 =	vmul.f32 v60, v57  }
0xc9: {  	v14 =	vbroadcast v1, $0xA;
	v15 =	vld [tilespmem:s31+$0x55B0];
	[tilespmem:s31+$0x5540] =	vst v2;
	v2 =	vmul.f32 v61, v57  }
0xca: {  	v16 =	vld [tilespmem:s31+$0x55C0];
	[tilespmem:s31+$0x5550] =	vst v3;
	v3 =	vmul.f32 v62, v57  }
0xcb: {  	v17 =	vld [tilespmem:s31+$0x55D0];
	[tilespmem:s31+$0x5560] =	vst v2;
	v2 =	vmul.f32 v63, v14  }
0xcc: {  	v18 =	vld [tilespmem:s31+$0x55E0];
	[tilespmem:s31+$0x5570] =	vst v3;
	v3 =	vmul.f32 v12, v14  }
0xcd: {  	v19 =	vld [tilespmem:s31+$0x55F0];
	[tilespmem:s31+$0x5580] =	vst v2;
	v2 =	vmul.f32 v13, v14  }
0xce: {  	v20 =	vld [tilespmem:s31+$0x5600];
	[tilespmem:s31+$0x5590] =	vst v3;
	v3 =	vmul.f32 v15, v14  }
0xcf: {  	v21 =	vld [tilespmem:s31+$0x5610];
	[tilespmem:s31+$0x55A0] =	vst v2;
	v2 =	vmul.f32 v16, v14  }
0xd0: {  	v22 =	vld [tilespmem:s31+$0x5620];
	[tilespmem:s31+$0x55B0] =	vst v3;
	v3 =	vmul.f32 v17, v14  }
0xd1: {  	v23 =	vbroadcast v1, $0xB;
	v24 =	vld [tilespmem:s31+$0x5630];
	[tilespmem:s31+$0x55C0] =	vst v2;
	v2 =	vmul.f32 v18, v14  }
0xd2: {  	v25 =	vld [tilespmem:s31+$0x5640];
	[tilespmem:s31+$0x55D0] =	vst v3;
	v3 =	vmul.f32 v19, v14  }
0xd3: {  	v26 =	vld [tilespmem:s31+$0x5650];
	[tilespmem:s31+$0x55E0] =	vst v2;
	v2 =	vmul.f32 v20, v23  }
0xd4: {  	v27 =	vld [tilespmem:s31+$0x5660];
	[tilespmem:s31+$0x55F0] =	vst v3;
	v3 =	vmul.f32 v21, v23  }
0xd5: {  	v28 =	vld [tilespmem:s31+$0x5670];
	[tilespmem:s31+$0x5600] =	vst v2;
	v2 =	vmul.f32 v22, v23  }
0xd6: {  	v29 =	vld [tilespmem:s31+$0x5680];
	[tilespmem:s31+$0x5610] =	vst v3;
	v3 =	vmul.f32 v24, v23  }
0xd7: {  	v30 =	vld [tilespmem:s31+$0x5690];
	[tilespmem:s31+$0x5620] =	vst v2;
	v2 =	vmul.f32 v25, v23  }
0xd8: {  	v31 =	vld [tilespmem:s31+$0x56A0];
	[tilespmem:s31+$0x5630] =	vst v3;
	v3 =	vmul.f32 v26, v23  }
0xd9: {  	v32 =	vbroadcast v1, $0xC;
	v33 =	vld [tilespmem:s31+$0x56B0];
	[tilespmem:s31+$0x5640] =	vst v2;
	v2 =	vmul.f32 v27, v23  }
0xda: {  	v34 =	vld [tilespmem:s31+$0x56C0];
	[tilespmem:s31+$0x5650] =	vst v3;
	v3 =	vmul.f32 v28, v23  }
0xdb: {  	v35 =	vld [tilespmem:s31+$0x56D0];
	[tilespmem:s31+$0x5660] =	vst v2;
	v2 =	vmul.f32 v29, v32  }
0xdc: {  	v36 =	vld [tilespmem:s31+$0x56E0];
	[tilespmem:s31+$0x5670] =	vst v3;
	v3 =	vmul.f32 v30, v32  }
0xdd: {  	v37 =	vld [tilespmem:s31+$0x56F0];
	[tilespmem:s31+$0x5680] =	vst v2;
	v2 =	vmul.f32 v31, v32  }
0xde: {  	v38 =	vld [tilespmem:s31+$0x5700];
	[tilespmem:s31+$0x5690] =	vst v3;
	v3 =	vmul.f32 v33, v32  }
0xdf: {  	v39 =	vld [tilespmem:s31+$0x5710];
	[tilespmem:s31+$0x56A0] =	vst v2;
	v2 =	vmul.f32 v34, v32  }
0xe0: {  	v40 =	vld [tilespmem:s31+$0x5720];
	[tilespmem:s31+$0x56B0] =	vst v3;
	v3 =	vmul.f32 v35, v32  }
0xe1: {  	v41 =	vbroadcast v1, $0xD;
	v42 =	vld [tilespmem:s31+$0x5730];
	[tilespmem:s31+$0x56C0] =	vst v2;
	v2 =	vmul.f32 v36, v32  }
0xe2: {  	v43 =	vld [tilespmem:s31+$0x5740];
	[tilespmem:s31+$0x56D0] =	vst v3;
	v3 =	vmul.f32 v37, v32  }
0xe3: {  	v44 =	vld [tilespmem:s31+$0x5750];
	[tilespmem:s31+$0x56E0] =	vst v2;
	v2 =	vmul.f32 v38, v41  }
0xe4: {  	v45 =	vld [tilespmem:s31+$0x5760];
	[tilespmem:s31+$0x56F0] =	vst v3;
	v3 =	vmul.f32 v39, v41  }
0xe5: {  	v46 =	vld [tilespmem:s31+$0x5770];
	[tilespmem:s31+$0x5700] =	vst v2;
	v2 =	vmul.f32 v40, v41  }
0xe6: {  	v47 =	vld [tilespmem:s31+$0x5780];
	[tilespmem:s31+$0x5710] =	vst v3;
	v3 =	vmul.f32 v42, v41  }
0xe7: {  	v48 =	vld [tilespmem:s31+$0x5790];
	[tilespmem:s31+$0x5720] =	vst v2;
	v2 =	vmul.f32 v43, v41  }
0xe8: {  	v49 =	vld [tilespmem:s31+$0x57A0];
	[tilespmem:s31+$0x5730] =	vst v3;
	v3 =	vmul.f32 v44, v41  }
0xe9: {  	v50 =	vbroadcast v1, $0xE;
	v51 =	vld [tilespmem:s31+$0x57B0];
	[tilespmem:s31+$0x5740] =	vst v2;
	v2 =	vmul.f32 v45, v41  }
0xea: {  	v52 =	vld [tilespmem:s31+$0x57C0];
	[tilespmem:s31+$0x5750] =	vst v3;
	v3 =	vmul.f32 v46, v41  }
0xeb: {  	v53 =	vld [tilespmem:s31+$0x57D0];
	[tilespmem:s31+$0x5760] =	vst v2;
	v2 =	vmul.f32 v47, v50  }
0xec: {  	v54 =	vld [tilespmem:s31+$0x57E0];
	[tilespmem:s31+$0x5770] =	vst v3;
	v3 =	vmul.f32 v48, v50  }
0xed: {  	v55 =	vld [tilespmem:s31+$0x57F0];
	[tilespmem:s31+$0x5780] =	vst v2;
	v2 =	vmul.f32 v49, v50  }
0xee: {  	v56 =	vld [tilespmem:s31+$0x5800];
	[tilespmem:s31+$0x5790] =	vst v3;
	v3 =	vmul.f32 v51, v50  }
0xef: {  	v57 =	vld [tilespmem:s31+$0x5810];
	[tilespmem:s31+$0x57A0] =	vst v2;
	v2 =	vmul.f32 v52, v50  }
0xf0: {  	v58 =	vld [tilespmem:s31+$0x5820];
	[tilespmem:s31+$0x57B0] =	vst v3;
	v3 =	vmul.f32 v53, v50  }
0xf1: {  	v1 =	vbroadcast v1, $0xF;
	v59 =	vld [tilespmem:s31+$0x5830];
	[tilespmem:s31+$0x57C0] =	vst v2;
	v2 =	vmul.f32 v54, v50  }
0xf2: {  	v60 =	vld [tilespmem:s31+$0x5840];
	[tilespmem:s31+$0x57D0] =	vst v3;
	v3 =	vmul.f32 v55, v50  }
0xf3: {  	v61 =	vld [tilespmem:s31+$0x5850];
	[tilespmem:s31+$0x57E0] =	vst v2;
	v2 =	vmul.f32 v56, v1  }
0xf4: {  	v62 =	vld [tilespmem:s31+$0x5860];
	[tilespmem:s31+$0x57F0] =	vst v3;
	v3 =	vmul.f32 v57, v1  }
0xf5: {  	v63 =	vld [tilespmem:s31+$0x5870];
	[tilespmem:s31+$0x5800] =	vst v2;
	v2 =	vmul.f32 v58, v1  }
0xf6: {  	[tilespmem:s31+$0x5810] =	vst v3;
	v3 =	vmul.f32 v59, v1  }
0xf7: {  	p0 =	sne.s32 s30, $0x4;
	[tilespmem:s31+$0x5820] =	vst v2;
	v2 =	vmul.f32 v60, v1  }
.Ltmp2:
0xf8: {  	[tilespmem:s31+$0x5830] =	vst v3;
	v3 =	vmul.f32 v61, v1;
	(pc) =	sbr.rel @p0 .LBB2_7-.Ltmp2, $4  }
0xf9: {  	[tilespmem:s31+$0x5840] =	vst v2;
	v2 =	vmul.f32 v62, v1  }
0xfa: {  	[tilespmem:s31+$0x5850] =	vst v3;
	v1 =	vmul.f32 v63, v1  }
0xfb: {  	[tilespmem:s31+$0x5860] =	vst v2  }
0xfc: {  	s30 =	sadd.s32 $0x1, s30;
	[tilespmem:s31+$0x5870] =	vst v1  }
0xfd: {  	s29 =	sadd.s32 $0x1, s29  }
0xfe: {  	p0 =	sne.s32 s29, $0x7D  }
.Ltmp3:
0xff: {  	_ = 	snop;
	(pc) =	sbr.rel @p0 .LBB2_6-.Ltmp3, $4  }
0x100: {  	[spmem:s1] =	stream.indirect.scatter.add.f32 [tilespmem:s13], [sflag:$0x2], $0x80, s15, s17, $0xb8;
	[tilespmem:$0x1E580] =	vst v63  }
0x101: {  	_ =	swait.ge [sflag:s21], $0x2800  }
0x102: {  	[sflag:s21] =	ssyncset.done $0x0  }
0x103: {  	[sflag:s21] =	ssyncadd.s32 $0xFFFFD800  }
0x104: {  	s28 =	stileid.u32  }
0x105: {  	[bflag:$0x0] =	sbarrier.arrive $0xFFFF;
	s28 =	sshll.u32 s28, $0x6  }
0x106: {  	s29 =	sshrl.u32 s8, $0x3;
	s30 =	rddreg [dreg:$0xc];
	s28 =	sor.u32 $0x1C03, s28  }
0x107: {  	[hbm:s30], [sflag:s28] =	dma.local [spmem:s29], $0x2800  }
0x108: {  	_ =	swait.ge [sflag:s12], $0x2800  }
0x109: {  	[sflag:s12] =	ssyncset.done $0x0  }
0x10a: {  	s28 =	rddreg [dreg:$0xd];
	[sflag:s12] =	ssyncadd.s32 $0xFFFFD800  }
0x10b: {  	[spmem:s28] =	stream.strided.scatter [tilespmem:s20], [sflag:$0x3], $0x2800, s23, s22, $0x38;
	[tilespmem:$0x1E580] =	vst v63  }
0x10c: {  	_ =	swait.ge [sflag:s12], $0x2800  }
0x10d: {  	[sflag:s12] =	ssyncset.done $0x0  }
0x10e: {  	[sflag:s12] =	ssyncadd.s32 $0xFFFFD800  }
0x10f: {  	[bflag:$0x0] =	sbarrier.arrive $0xFFFF  }
0x110: {  	[tilespmem:s24], [sflag:$0x3] =	stream.strided.gather [spmem:s18], $0x280, s23, s22, $0x38;
	[tilespmem:$0x1E580] =	vst v63  }
0x111: {  	_ =	swait.ge [sflag:s12], $0x280  }
0x112: {  	[sflag:s12] =	ssyncset.done $0x0  }
0x113: {  	s28 =	rddreg [dreg:$0xe];
	[sflag:s12] =	ssyncadd.s32 $0xFFFFFD80  }
0x114: {  	[tilespmem:s25], [sflag:$0x3] =	stream.strided.gather [spmem:s28], $0x280, s23, s22, $0x38;
	[tilespmem:$0x1E580] =	vst v63  }
0x115: {  	_ =	swait.ge [sflag:s12], $0x280  }
0x116: {  	[sflag:s12] =	ssyncset.done $0x0  }
0x117: {  	s28 =	simm.s32 $0x0;
	[sflag:s12] =	ssyncadd.s32 $0xFFFFFD80  }
0x118: {  	s29 =	simm.s32 $0x40;
	v1 =	vld [tilespmem:s28+$0x7B00]  }
.LBB2_10:
0x119: {  	p0 =	sne.s32 s29, $0x9C0;
	v2 =	vld [tilespmem:s28+$0x7880];
	_ =	sdelay $0x2  }
.Ltmp4:
0x11a: {  	(pc) =	sbr.rel @p0 .LBB2_10-.Ltmp4, $4  }
0x11b: {  	_ = 	snop  }
0x11c: {  	v2 =	vadd.f32 v1, v2  }
0x11d: {  	s30 =	sshra.s32 s29, $0x2  }
0x11e: {  	s29 =	sadd.s32 $0x40, s29;
	v1 =	vld [tilespmem:s30+$0x7B00];
	[tilespmem:s28+$0x7880] =	vst v2;
	s28 =	smov.u32 s30  }
0x11f: {  	v2 =	vld [tilespmem:s28+$0x7880];
	_ =	sdelay $0x4  }
0x120: {  	v1 =	vadd.f32 v1, v2;
	_ =	sdelay $0x1  }
0x121: {  	[tilespmem:s28+$0x7880] =	vst v1;
	s28 =	rddreg [dreg:$0xf]  }
0x122: {  	[tilespmem:s25], [sflag:$0x3] =	stream.strided.gather [spmem:s28], $0x280, s23, s22, $0x38;
	[tilespmem:$0x1E580] =	vst v63  }
0x123: {  	_ =	swait.ge [sflag:s12], $0x280  }
0x124: {  	[sflag:s12] =	ssyncset.done $0x0  }
0x125: {  	s28 =	simm.s32 $0x0;
	[sflag:s12] =	ssyncadd.s32 $0xFFFFFD80  }
0x126: {  	s29 =	simm.s32 $0x40;
	v1 =	vld [tilespmem:s28+$0x7B00]  }
.LBB2_12:
0x127: {  	p0 =	sne.s32 s29, $0x9C0;
	v2 =	vld [tilespmem:s28+$0x7880];
	_ =	sdelay $0x2  }
.Ltmp5:
0x128: {  	(pc) =	sbr.rel @p0 .LBB2_12-.Ltmp5, $4  }
0x129: {  	_ = 	snop  }
0x12a: {  	v2 =	vadd.f32 v1, v2  }
0x12b: {  	s30 =	sshra.s32 s29, $0x2  }
0x12c: {  	s29 =	sadd.s32 $0x40, s29;
	v1 =	vld [tilespmem:s30+$0x7B00];
	[tilespmem:s28+$0x7880] =	vst v2;
	s28 =	smov.u32 s30  }
0x12d: {  	v2 =	vld [tilespmem:s28+$0x7880];
	_ =	sdelay $0x4  }
0x12e: {  	v1 =	vadd.f32 v1, v2;
	_ =	sdelay $0x1  }
0x12f: {  	[tilespmem:s28+$0x7880] =	vst v1;
	s28 =	rddreg [dreg:$0x10]  }
0x130: {  	[tilespmem:s25], [sflag:$0x3] =	stream.strided.gather [spmem:s28], $0x280, s23, s22, $0x38;
	[tilespmem:$0x1E580] =	vst v63  }
0x131: {  	_ =	swait.ge [sflag:s12], $0x280  }
0x132: {  	[sflag:s12] =	ssyncset.done $0x0  }
0x133: {  	s28 =	simm.s32 $0x0;
	[sflag:s12] =	ssyncadd.s32 $0xFFFFFD80  }
0x134: {  	s29 =	simm.s32 $0x40;
	v1 =	vld [tilespmem:s28+$0x7B00]  }
.LBB2_14:
0x135: {  	p0 =	sne.s32 s29, $0x9C0;
	v2 =	vld [tilespmem:s28+$0x7880];
	_ =	sdelay $0x2  }
.Ltmp6:
0x136: {  	(pc) =	sbr.rel @p0 .LBB2_14-.Ltmp6, $4  }
0x137: {  	_ = 	snop  }
0x138: {  	v2 =	vadd.f32 v1, v2  }
0x139: {  	s30 =	sshra.s32 s29, $0x2  }
0x13a: {  	s29 =	sadd.s32 $0x40, s29;
	v1 =	vld [tilespmem:s30+$0x7B00];
	[tilespmem:s28+$0x7880] =	vst v2;
	s28 =	smov.u32 s30  }
0x13b: {  	v2 =	vld [tilespmem:s28+$0x7880];
	_ =	sdelay $0x4  }
0x13c: {  	v1 =	vadd.f32 v1, v2;
	_ =	sdelay $0x1  }
0x13d: {  	[tilespmem:s28+$0x7880] =	vst v1;
	s28 =	rddreg [dreg:$0x12]  }
0x13e: {  	[tilespmem:s25], [sflag:$0x3] =	stream.strided.gather [spmem:s28], $0x280, s23, s22, $0x38;
	[tilespmem:$0x1E580] =	vst v63  }
0x13f: {  	_ =	swait.ge [sflag:s12], $0x280  }
0x140: {  	[sflag:s12] =	ssyncset.done $0x0  }
0x141: {  	s28 =	simm.s32 $0x0;
	[sflag:s12] =	ssyncadd.s32 $0xFFFFFD80  }
0x142: {  	s29 =	simm.s32 $0x40;
	v1 =	vld [tilespmem:s28+$0x7B00]  }
.LBB2_16:
0x143: {  	p0 =	sne.s32 s29, $0x9C0;
	v2 =	vld [tilespmem:s28+$0x7880];
	_ =	sdelay $0x2  }
.Ltmp7:
0x144: {  	(pc) =	sbr.rel @p0 .LBB2_16-.Ltmp7, $4  }
0x145: {  	_ = 	snop  }
0x146: {  	v2 =	vadd.f32 v1, v2  }
0x147: {  	s30 =	sshra.s32 s29, $0x2  }
0x148: {  	s29 =	sadd.s32 $0x40, s29;
	v1 =	vld [tilespmem:s30+$0x7B00];
	[tilespmem:s28+$0x7880] =	vst v2;
	s28 =	smov.u32 s30  }
0x149: {  	v2 =	vld [tilespmem:s28+$0x7880];
	_ =	sdelay $0x4  }
0x14a: {  	v1 =	vadd.f32 v1, v2;
	_ =	sdelay $0x1  }
0x14b: {  	[tilespmem:s28+$0x7880] =	vst v1;
	s28 =	rddreg [dreg:$0x14]  }
0x14c: {  	[tilespmem:s25], [sflag:$0x3] =	stream.strided.gather [spmem:s28], $0x280, s23, s22, $0x38;
	[tilespmem:$0x1E580] =	vst v63  }
0x14d: {  	_ =	swait.ge [sflag:s12], $0x280  }
0x14e: {  	[sflag:s12] =	ssyncset.done $0x0  }
0x14f: {  	s28 =	simm.s32 $0x0;
	[sflag:s12] =	ssyncadd.s32 $0xFFFFFD80  }
0x150: {  	s29 =	simm.s32 $0x40;
	v1 =	vld [tilespmem:s28+$0x7B00]  }
.LBB2_18:
0x151: {  	p0 =	sne.s32 s29, $0x9C0;
	v2 =	vld [tilespmem:s28+$0x7880];
	_ =	sdelay $0x2  }
.Ltmp8:
0x152: {  	(pc) =	sbr.rel @p0 .LBB2_18-.Ltmp8, $4  }
0x153: {  	_ = 	snop  }
0x154: {  	v2 =	vadd.f32 v1, v2  }
0x155: {  	s30 =	sshra.s32 s29, $0x2  }
0x156: {  	s29 =	sadd.s32 $0x40, s29;
	v1 =	vld [tilespmem:s30+$0x7B00];
	[tilespmem:s28+$0x7880] =	vst v2;
	s28 =	smov.u32 s30  }
0x157: {  	v2 =	vld [tilespmem:s28+$0x7880];
	_ =	sdelay $0x4  }
0x158: {  	v1 =	vadd.f32 v1, v2;
	_ =	sdelay $0x1  }
0x159: {  	[tilespmem:s28+$0x7880] =	vst v1;
	s28 =	rddreg [dreg:$0x15]  }
0x15a: {  	[tilespmem:s25], [sflag:$0x3] =	stream.strided.gather [spmem:s28], $0x280, s23, s22, $0x38;
	[tilespmem:$0x1E580] =	vst v63  }
0x15b: {  	_ =	swait.ge [sflag:s12], $0x280  }
0x15c: {  	[sflag:s12] =	ssyncset.done $0x0  }
0x15d: {  	s28 =	simm.s32 $0x0;
	[sflag:s12] =	ssyncadd.s32 $0xFFFFFD80  }
0x15e: {  	s29 =	simm.s32 $0x40;
	v1 =	vld [tilespmem:s28+$0x7B00]  }
.LBB2_20:
0x15f: {  	p0 =	sne.s32 s29, $0x9C0;
	v2 =	vld [tilespmem:s28+$0x7880];
	_ =	sdelay $0x2  }
.Ltmp9:
0x160: {  	(pc) =	sbr.rel @p0 .LBB2_20-.Ltmp9, $4  }
0x161: {  	_ = 	snop  }
0x162: {  	v2 =	vadd.f32 v1, v2  }
0x163: {  	s30 =	sshra.s32 s29, $0x2  }
0x164: {  	s29 =	sadd.s32 $0x40, s29;
	v1 =	vld [tilespmem:s30+$0x7B00];
	[tilespmem:s28+$0x7880] =	vst v2;
	s28 =	smov.u32 s30  }
0x165: {  	v2 =	vld [tilespmem:s28+$0x7880];
	_ =	sdelay $0x4  }
0x166: {  	v1 =	vadd.f32 v1, v2;
	_ =	sdelay $0x1  }
0x167: {  	[tilespmem:s28+$0x7880] =	vst v1;
	s28 =	rddreg [dreg:$0x16]  }
0x168: {  	[tilespmem:s25], [sflag:$0x3] =	stream.strided.gather [spmem:s28], $0x280, s23, s22, $0x38;
	[tilespmem:$0x1E580] =	vst v63  }
0x169: {  	_ =	swait.ge [sflag:s12], $0x280  }
0x16a: {  	[sflag:s12] =	ssyncset.done $0x0  }
0x16b: {  	s28 =	simm.s32 $0x0;
	[sflag:s12] =	ssyncadd.s32 $0xFFFFFD80  }
0x16c: {  	s29 =	simm.s32 $0x40;
	v1 =	vld [tilespmem:s28+$0x7B00]  }
.LBB2_22:
0x16d: {  	p0 =	sne.s32 s29, $0x9C0;
	v2 =	vld [tilespmem:s28+$0x7880];
	_ =	sdelay $0x2  }
.Ltmp10:
0x16e: {  	(pc) =	sbr.rel @p0 .LBB2_22-.Ltmp10, $4  }
0x16f: {  	_ = 	snop  }
0x170: {  	v2 =	vadd.f32 v1, v2  }
0x171: {  	s30 =	sshra.s32 s29, $0x2  }
0x172: {  	s29 =	sadd.s32 $0x40, s29;
	v1 =	vld [tilespmem:s30+$0x7B00];
	[tilespmem:s28+$0x7880] =	vst v2;
	s28 =	smov.u32 s30  }
0x173: {  	v2 =	vld [tilespmem:s28+$0x7880];
	_ =	sdelay $0x4  }
0x174: {  	v1 =	vadd.f32 v1, v2;
	_ =	sdelay $0x1  }
0x175: {  	[tilespmem:s28+$0x7880] =	vst v1;
	s28 =	rddreg [dreg:$0x17]  }
0x176: {  	[tilespmem:s25], [sflag:$0x3] =	stream.strided.gather [spmem:s28], $0x280, s23, s22, $0x38;
	[tilespmem:$0x1E580] =	vst v63  }
0x177: {  	_ =	swait.ge [sflag:s12], $0x280  }
0x178: {  	[sflag:s12] =	ssyncset.done $0x0  }
0x179: {  	s28 =	simm.s32 $0x0;
	[sflag:s12] =	ssyncadd.s32 $0xFFFFFD80  }
0x17a: {  	s29 =	simm.s32 $0x40;
	v1 =	vld [tilespmem:s28+$0x7B00]  }
.LBB2_24:
0x17b: {  	p0 =	sne.s32 s29, $0x9C0;
	v2 =	vld [tilespmem:s28+$0x7880];
	_ =	sdelay $0x2  }
.Ltmp11:
0x17c: {  	(pc) =	sbr.rel @p0 .LBB2_24-.Ltmp11, $4  }
0x17d: {  	_ = 	snop  }
0x17e: {  	v2 =	vadd.f32 v1, v2  }
0x17f: {  	s30 =	sshra.s32 s29, $0x2  }
0x180: {  	s29 =	sadd.s32 $0x40, s29;
	v1 =	vld [tilespmem:s30+$0x7B00];
	[tilespmem:s28+$0x7880] =	vst v2;
	s28 =	smov.u32 s30  }
0x181: {  	v2 =	vld [tilespmem:s28+$0x7880];
	_ =	sdelay $0x4  }
0x182: {  	v1 =	vadd.f32 v1, v2;
	_ =	sdelay $0x1  }
0x183: {  	[tilespmem:s28+$0x7880] =	vst v1;
	s28 =	rddreg [dreg:$0x18]  }
0x184: {  	[tilespmem:s25], [sflag:$0x3] =	stream.strided.gather [spmem:s28], $0x280, s23, s22, $0x38;
	[tilespmem:$0x1E580] =	vst v63  }
0x185: {  	_ =	swait.ge [sflag:s12], $0x280  }
0x186: {  	[sflag:s12] =	ssyncset.done $0x0  }
0x187: {  	s28 =	simm.s32 $0x0;
	[sflag:s12] =	ssyncadd.s32 $0xFFFFFD80  }
0x188: {  	s29 =	simm.s32 $0x40;
	v1 =	vld [tilespmem:s28+$0x7B00]  }
.LBB2_26:
0x189: {  	p0 =	sne.s32 s29, $0x9C0;
	v2 =	vld [tilespmem:s28+$0x7880];
	_ =	sdelay $0x2  }
.Ltmp12:
0x18a: {  	(pc) =	sbr.rel @p0 .LBB2_26-.Ltmp12, $4  }
0x18b: {  	_ = 	snop  }
0x18c: {  	v2 =	vadd.f32 v1, v2  }
0x18d: {  	s30 =	sshra.s32 s29, $0x2  }
0x18e: {  	s29 =	sadd.s32 $0x40, s29;
	v1 =	vld [tilespmem:s30+$0x7B00];
	[tilespmem:s28+$0x7880] =	vst v2;
	s28 =	smov.u32 s30  }
0x18f: {  	v2 =	vld [tilespmem:s28+$0x7880];
	_ =	sdelay $0x4  }
0x190: {  	v1 =	vadd.f32 v1, v2;
	_ =	sdelay $0x1  }
0x191: {  	[tilespmem:s28+$0x7880] =	vst v1  }
0x192: {  	[tilespmem:s25], [sflag:$0x3] =	stream.strided.gather [spmem:s0], $0x280, s23, s22, $0x38;
	[tilespmem:$0x1E580] =	vst v63  }
0x193: {  	_ =	swait.ge [sflag:s12], $0x280  }
0x194: {  	[sflag:s12] =	ssyncset.done $0x0  }
0x195: {  	s28 =	simm.s32 $0x0;
	[sflag:s12] =	ssyncadd.s32 $0xFFFFFD80  }
0x196: {  	s29 =	simm.s32 $0x40;
	v1 =	vld [tilespmem:s28+$0x7B00]  }
.LBB2_28:
0x197: {  	p0 =	sne.s32 s29, $0x9C0;
	v2 =	vld [tilespmem:s28+$0x7880];
	_ =	sdelay $0x2  }
.Ltmp13:
0x198: {  	(pc) =	sbr.rel @p0 .LBB2_28-.Ltmp13, $4  }
0x199: {  	_ = 	snop  }
0x19a: {  	v2 =	vadd.f32 v1, v2  }
0x19b: {  	s30 =	sshra.s32 s29, $0x2  }
0x19c: {  	s29 =	sadd.s32 $0x40, s29;
	v1 =	vld [tilespmem:s30+$0x7B00];
	[tilespmem:s28+$0x7880] =	vst v2;
	s28 =	smov.u32 s30  }
0x19d: {  	v2 =	vld [tilespmem:s28+$0x7880];
	_ =	sdelay $0x4  }
0x19e: {  	v1 =	vadd.f32 v1, v2;
	_ =	sdelay $0x1  }
0x19f: {  	[tilespmem:s28+$0x7880] =	vst v1  }
0x1a0: {  	[tilespmem:s25], [sflag:$0x3] =	stream.strided.gather [spmem:s2], $0x280, s23, s22, $0x38;
	[tilespmem:$0x1E580] =	vst v63  }
0x1a1: {  	_ =	swait.ge [sflag:s12], $0x280  }
0x1a2: {  	[sflag:s12] =	ssyncset.done $0x0  }
0x1a3: {  	s28 =	simm.s32 $0x0;
	[sflag:s12] =	ssyncadd.s32 $0xFFFFFD80  }
0x1a4: {  	s29 =	simm.s32 $0x40;
	v1 =	vld [tilespmem:s28+$0x7B00]  }
.LBB2_30:
0x1a5: {  	p0 =	sne.s32 s29, $0x9C0;
	v2 =	vld [tilespmem:s28+$0x7880];
	_ =	sdelay $0x2  }
.Ltmp14:
0x1a6: {  	(pc) =	sbr.rel @p0 .LBB2_30-.Ltmp14, $4  }
0x1a7: {  	_ = 	snop  }
0x1a8: {  	v2 =	vadd.f32 v1, v2  }
0x1a9: {  	s30 =	sshra.s32 s29, $0x2  }
0x1aa: {  	s29 =	sadd.s32 $0x40, s29;
	v1 =	vld [tilespmem:s30+$0x7B00];
	[tilespmem:s28+$0x7880] =	vst v2;
	s28 =	smov.u32 s30  }
0x1ab: {  	v2 =	vld [tilespmem:s28+$0x7880];
	_ =	sdelay $0x4  }
0x1ac: {  	v1 =	vadd.f32 v1, v2;
	_ =	sdelay $0x1  }
0x1ad: {  	[tilespmem:s28+$0x7880] =	vst v1  }
0x1ae: {  	[tilespmem:s25], [sflag:$0x3] =	stream.strided.gather [spmem:s6], $0x280, s23, s22, $0x38;
	[tilespmem:$0x1E580] =	vst v63  }
0x1af: {  	_ =	swait.ge [sflag:s12], $0x280  }
0x1b0: {  	[sflag:s12] =	ssyncset.done $0x0  }
0x1b1: {  	s28 =	simm.s32 $0x0;
	[sflag:s12] =	ssyncadd.s32 $0xFFFFFD80  }
0x1b2: {  	s29 =	simm.s32 $0x40;
	v1 =	vld [tilespmem:s28+$0x7B00]  }
.LBB2_32:
0x1b3: {  	p0 =	sne.s32 s29, $0x9C0;
	v2 =	vld [tilespmem:s28+$0x7880];
	_ =	sdelay $0x2  }
.Ltmp15:
0x1b4: {  	(pc) =	sbr.rel @p0 .LBB2_32-.Ltmp15, $4  }
0x1b5: {  	_ = 	snop  }
0x1b6: {  	v2 =	vadd.f32 v1, v2  }
0x1b7: {  	s30 =	sshra.s32 s29, $0x2  }
0x1b8: {  	s29 =	sadd.s32 $0x40, s29;
	v1 =	vld [tilespmem:s30+$0x7B00];
	[tilespmem:s28+$0x7880] =	vst v2;
	s28 =	smov.u32 s30  }
0x1b9: {  	v2 =	vld [tilespmem:s28+$0x7880];
	_ =	sdelay $0x4  }
0x1ba: {  	v1 =	vadd.f32 v1, v2;
	_ =	sdelay $0x1  }
0x1bb: {  	[tilespmem:s28+$0x7880] =	vst v1  }
0x1bc: {  	[tilespmem:s25], [sflag:$0x3] =	stream.strided.gather [spmem:s9], $0x280, s23, s22, $0x38;
	[tilespmem:$0x1E580] =	vst v63  }
0x1bd: {  	_ =	swait.ge [sflag:s12], $0x280  }
0x1be: {  	[sflag:s12] =	ssyncset.done $0x0  }
0x1bf: {  	s28 =	simm.s32 $0x0;
	[sflag:s12] =	ssyncadd.s32 $0xFFFFFD80  }
0x1c0: {  	s29 =	simm.s32 $0x40;
	v1 =	vld [tilespmem:s28+$0x7B00]  }
.LBB2_34:
0x1c1: {  	p0 =	sne.s32 s29, $0x9C0;
	v2 =	vld [tilespmem:s28+$0x7880];
	_ =	sdelay $0x2  }
.Ltmp16:
0x1c2: {  	(pc) =	sbr.rel @p0 .LBB2_34-.Ltmp16, $4  }
0x1c3: {  	_ = 	snop  }
0x1c4: {  	v2 =	vadd.f32 v1, v2  }
0x1c5: {  	s30 =	sshra.s32 s29, $0x2  }
0x1c6: {  	s29 =	sadd.s32 $0x40, s29;
	v1 =	vld [tilespmem:s30+$0x7B00];
	[tilespmem:s28+$0x7880] =	vst v2;
	s28 =	smov.u32 s30  }
0x1c7: {  	v2 =	vld [tilespmem:s28+$0x7880];
	_ =	sdelay $0x4  }
0x1c8: {  	v1 =	vadd.f32 v1, v2;
	_ =	sdelay $0x1  }
0x1c9: {  	[tilespmem:s28+$0x7880] =	vst v1  }
0x1ca: {  	[tilespmem:s25], [sflag:$0x3] =	stream.strided.gather [spmem:s10], $0x280, s23, s22, $0x38;
	[tilespmem:$0x1E580] =	vst v63  }
0x1cb: {  	_ =	swait.ge [sflag:s12], $0x280  }
0x1cc: {  	[sflag:s12] =	ssyncset.done $0x0  }
0x1cd: {  	s28 =	simm.s32 $0x0;
	[sflag:s12] =	ssyncadd.s32 $0xFFFFFD80  }
0x1ce: {  	s29 =	simm.s32 $0x40;
	v1 =	vld [tilespmem:s28+$0x7B00]  }
.LBB2_36:
0x1cf: {  	p0 =	sne.s32 s29, $0x9C0;
	v2 =	vld [tilespmem:s28+$0x7880];
	_ =	sdelay $0x2  }
.Ltmp17:
0x1d0: {  	(pc) =	sbr.rel @p0 .LBB2_36-.Ltmp17, $4  }
0x1d1: {  	_ = 	snop  }
0x1d2: {  	v2 =	vadd.f32 v1, v2  }
0x1d3: {  	s30 =	sshra.s32 s29, $0x2  }
0x1d4: {  	s29 =	sadd.s32 $0x40, s29;
	v1 =	vld [tilespmem:s30+$0x7B00];
	[tilespmem:s28+$0x7880] =	vst v2;
	s28 =	smov.u32 s30  }
0x1d5: {  	v2 =	vld [tilespmem:s28+$0x7880];
	_ =	sdelay $0x4  }
0x1d6: {  	v1 =	vadd.f32 v1, v2;
	_ =	sdelay $0x1  }
0x1d7: {  	[tilespmem:s28+$0x7880] =	vst v1  }
0x1d8: {  	[tilespmem:s25], [sflag:$0x3] =	stream.strided.gather [spmem:s11], $0x280, s23, s22, $0x38;
	[tilespmem:$0x1E580] =	vst v63  }
0x1d9: {  	_ =	swait.ge [sflag:s12], $0x280  }
0x1da: {  	[sflag:s12] =	ssyncset.done $0x0  }
0x1db: {  	s28 =	simm.s32 $0x0;
	[sflag:s12] =	ssyncadd.s32 $0xFFFFFD80  }
0x1dc: {  	s29 =	simm.s32 $0x40;
	v1 =	vld [tilespmem:s28+$0x7B00]  }
.LBB2_38:
0x1dd: {  	p0 =	sne.s32 s29, $0x9C0;
	v2 =	vld [tilespmem:s28+$0x7880];
	_ =	sdelay $0x2  }
.Ltmp18:
0x1de: {  	(pc) =	sbr.rel @p0 .LBB2_38-.Ltmp18, $4  }
0x1df: {  	_ = 	snop  }
0x1e0: {  	v2 =	vadd.f32 v1, v2  }
0x1e1: {  	s30 =	sshra.s32 s29, $0x2  }
0x1e2: {  	s29 =	sadd.s32 $0x40, s29;
	v1 =	vld [tilespmem:s30+$0x7B00];
	[tilespmem:s28+$0x7880] =	vst v2;
	s28 =	smov.u32 s30  }
0x1e3: {  	v2 =	vld [tilespmem:s28+$0x7880];
	_ =	sdelay $0x4  }
0x1e4: {  	v1 =	vadd.f32 v1, v2;
	_ =	sdelay $0x1  }
0x1e5: {  	s30 =	rddreg [dreg:$0x11];
	s29 =	simm.s32 $0x100;
	[tilespmem:s28+$0x7880] =	vst v1  }
0x1e6: {  	[hbm4b:s30+s22] =	stream.strided.scatter [tilespmem:s24], [sflag:$0x3], $0x280, s29, s22, $0x38;
	[tilespmem:$0x1E580] =	vst v63  }
0x1e7: {  	_ =	swait.ge [sflag:s12], $0x280  }
0x1e8: {  	s26 =	sadd.s32 $0x1, s26;
	s31 =	rddreg [dreg:$0x13]  }
0x1e9: {  	p0 =	sne.s32 s26, s31  }
.Ltmp19:
0x1ea: {  	_ = 	snop;
	(pc) =	sbr.rel @p0 .LBB2_1-.Ltmp19, $3  }
0x1eb: {  	_ =	sdelay $0x1  }
0x1ec: {  	[sflag:s12] =	ssyncset.done $0x0  }
0x1ed: {  	[sflag:s12] =	ssyncadd.s32 $0xFFFFFD80  }
0x1ee: {  	_ =	sfence.sel $0x180000  }
0x1ef: {  	[bflag:$0x0] =	sbarrier.arrive $0xFFFF  }
0x1f0: {  	_ =	strace $0x9000004A  }
0x1f1: {  	s0 =	stileid.u32;
	[bflag:$0x2] =	sbarrier.arrive $0xFFFF  }
0x1f2: {  	p0 =	sne.s32 s0, $0x0;
	s0 =	rddreg [dreg:$0x3]  }
0x1f3: {  	s0 =	sadd.s32 @!p0 $0x100000, s0  }
0x1f4: {  	[sflag:s0] =	ssyncadd.tile.s32 @!p0 $0x1;
	_ =	shalt  }
.Lfunc_end2:
_tile_overlayer_lowered:
.L_overlay_start_2:
0x1f5: {  	(tag) =	ssettag $0x2  }
0x1f6: {  	s0 =	rddreg [dreg:$0x0];
	s2 =	stileid.u32  }
0x1f7: {  	s1 =	rddreg [dreg:$0x1];
	p0 =	sne.s32 s2, $0x0  }
0x1f8: {  	s3 =	rddreg [dreg:$0x2];
	[bflag:$0x3] =	sbarrier.arrive $0xFFFF;
	s2 =	simm.s32 @!p0 $0x1C03  }
0x1f9: {  	[timem:s3], [sflag:s2] =	dma.local @!p0 [hbm:s0], s1  }
0x1fa: {  	s0 =	simm.s32 @!p0 $0x3  }
0x1fb: {  	_ =	swait.ge @!p0 [sflag:s0], s1  }
0x1fc: {  	s1 =	ssub.s32 @!p0 $0x0, s1;
	[sflag:s0] =	ssyncset.done @!p0 $0x0  }
0x1fd: {  	[sflag:s0] =	ssyncadd.s32 @!p0 s1  }
0x1fe: {  	[bflag:$0x3] =	sbarrier.arrive $0xFFFF  }
0x1ff: {  	_ =	shalt  }

</sc_bundles>
